<compile_context>
chip_gen: v7x
topology: tpu7x:2x2x1
jax: 0.10.2.dev20260603
libtpu: 0.0.44.dev20260713+nightly
codegen_flags: <defaults>
</compile_context>

<pallas_src>
import dataclasses
import functools

import jax
import jax.numpy as jnp
from jax import lax
from jax.experimental import pallas as pl
from jax.experimental.pallas import tpu as pltpu
from jax.experimental.pallas import tpu_sc as plsc

V = 1000
NE = 128
NTOK = 32 * 2048
NWORK = 32
TPW = NTOK // NWORK
WIN = 32
NWIN = TPW // WIN
L = 16

ROWBLK = 40


VP = 1024


def _table_body(emb_ref, w_ref, b_ref, fused_ref):
    logits = jnp.dot(emb_ref[...], w_ref[...],
                     preferred_element_type=jnp.float32) + b_ref[...]
    m = jnp.max(logits, axis=1, keepdims=True)
    lse = m + jnp.log(jnp.sum(jnp.exp(logits - m), axis=1, keepdims=True))
    pad = jnp.zeros((ROWBLK, VP - V - 1), jnp.float32)
    fused_ref[...] = jnp.concatenate([logits, lse, pad], axis=1)


def _make_table(emb_table, W, b):
    return pl.pallas_call(
        _table_body,
        grid=(V // ROWBLK,),
        in_specs=[
            pl.BlockSpec((ROWBLK, NE), lambda i: (i, 0)),
            pl.BlockSpec((NE, V), lambda i: (0, 0)),
            pl.BlockSpec((1, V), lambda i: (0, 0)),
        ],
        out_specs=[
            pl.BlockSpec((ROWBLK, VP), lambda i: (i, 0)),
        ],
        out_shape=[
            jax.ShapeDtypeStruct((V, VP), jnp.float32),
        ],
    )(emb_table, W, b.reshape(1, V))[0]


def _sc_gather(fused, idx, tgt):
    mesh = plsc.VectorSubcoreMesh(core_axis_name="c", subcore_axis_name="s")
    cp = pltpu.CompilerParams(needs_layout_passes=False,
                              use_tc_tiling_on_sc=True)

    @functools.partial(
        pl.kernel,
        compiler_params=cp,
        out_type=(
            jax.ShapeDtypeStruct((NTOK, V), jnp.float32),
            jax.ShapeDtypeStruct((NWORK, L), jnp.float32),
        ),
        mesh=mesh,
        scratch_types=[
            pltpu.VMEM((TPW,), jnp.int32),
            pltpu.VMEM((TPW,), jnp.int32),
            pltpu.VMEM((WIN, VP), jnp.float32),
            pltpu.VMEM((WIN, VP), jnp.float32),
            pltpu.VMEM((WIN, V - 128 * (V // 128)), jnp.float32),
            pltpu.VMEM((WIN, V - 128 * (V // 128)), jnp.float32),
            pltpu.VMEM((L,), jnp.float32),
            pltpu.SemaphoreType.DMA,
            pltpu.SemaphoreType.DMA,
            pltpu.SemaphoreType.DMA,
            pltpu.SemaphoreType.DMA,
        ],
    )
    def k(fused_hbm, idx_hbm, tgt_hbm, out_hbm, part_hbm,
          idx_v, tgt_v, rows0, rows1, esrc0, esrc1, acc_v,
          g0, g1, o0, o1):
        wid = lax.axis_index("s") * 2 + lax.axis_index("c")
        base = wid * TPW
        pltpu.sync_copy(idx_hbm.at[pl.ds(base, TPW)], idx_v)
        pltpu.sync_copy(tgt_hbm.at[pl.ds(base, TPW)], tgt_v)
        acc_v[...] = jnp.zeros((L,), jnp.float32)

        def gcopy(w, buf, sem):
            return pltpu.make_async_copy(
                fused_hbm.at[idx_v.at[pl.ds(w * WIN, WIN)]], buf, sem)

        EB = 128 * (V // 128)
        EW = V - EB

        def main_copy(w, buf, sem):
            orow = pl.ds(base + w * WIN, WIN)
            return pltpu.make_async_copy(buf.at[:, pl.ds(0, EB)],
                                         out_hbm.at[orow, pl.ds(0, EB)], sem)

        def edge_copy(w, ebuf, sem):
            orow = pl.ds(base + w * WIN, WIN)
            return pltpu.make_async_copy(ebuf,
                                         out_hbm.at[orow, pl.ds(EB, EW)], sem)

        def process(w, buf, ebuf, sem):
            main_copy(w, buf, sem).start()
            lse_col = jnp.full((L,), V, jnp.int32)
            for g in range(WIN // L):
                tg = tgt_v[pl.ds(w * WIN + g * L, L)]
                rowi = lax.iota(jnp.int32, L) + (g * L)
                lsev = plsc.load_gather(buf, [rowi, lse_col])
                logit_t = plsc.load_gather(buf, [rowi, tg])
                acc_v[...] = acc_v[...] + (lsev - logit_t)

            for r in range(WIN):
                for j in range(-(-EW // L)):
                    off = min(L * j, EW - L)
                    ebuf[r, pl.ds(off, L)] = buf[r, pl.ds(EB + off, L)]
            edge_copy(w, ebuf, sem).start()

        def owait(w, buf, ebuf, sem):
            main_copy(w, buf, sem).wait()
            edge_copy(w, ebuf, sem).wait()

        gcopy(0, rows0, g0).start()
        gcopy(1, rows1, g1).start()

        @pl.loop(0, NWIN, step=2)
        def _(w):
            gcopy(w, rows0, g0).wait()
            process(w, rows0, esrc0, o0)

            gcopy(w + 1, rows1, g1).wait()
            process(w + 1, rows1, esrc1, o1)

            @pl.when(w + 2 < NWIN)
            def _():
                owait(w, rows0, esrc0, o0)
                gcopy(w + 2, rows0, g0).start()
                owait(w + 1, rows1, esrc1, o1)
                gcopy(w + 3, rows1, g1).start()

        owait(NWIN - 2, rows0, esrc0, o0)
        owait(NWIN - 1, rows1, esrc1, o1)
        pltpu.sync_copy(acc_v, part_hbm.at[wid])

    return k(fused, idx, tgt)


def _loss_body(part_ref, out_ref):
    out_ref[...] = jnp.sum(part_ref[...], keepdims=True).reshape(1, 1) * (
        1.0 / NTOK)


def _reduce_loss(parts):
    return pl.pallas_call(
        _loss_body,
        out_shape=jax.ShapeDtypeStruct((1, 1), jnp.float32),
    )(parts)


def kernel(inputs, targets, emb_table, W, b):
    idx = inputs.reshape(-1).astype(jnp.int32)
    tgt = targets.reshape(-1).astype(jnp.int32)
    fused = _make_table(emb_table, W, b)
    logits, parts = _sc_gather(fused, idx, tgt)
    loss = _reduce_loss(parts)[0, 0]
    return (logits, loss)

# --- scband reference (transcript-rebuilt; emitter-appended) ---
"""Pipeline reference for scband-language-model-32134945308738 (READ-ONLY COPY).

The authoritative reference and input builder live on the scoring server;
editing this copy changes nothing except your own understanding.
"""

import jax, jax.numpy as jnp
import numpy as np

VOCAB = 1000
N_EMBD = 128
B = 32
T = 2048

def setup_inputs(seed: int = 0) -> dict:
    key = jax.random.key(seed)
    k1, k2, k3, k4 = jax.random.split(key, 4)
    inputs = jax.random.randint(k1, (B, T), 0, VOCAB, dtype=jnp.int64) if jax.config.jax_enable_x64 else jax.random.randint(k1, (B, T), 0, VOCAB, dtype=jnp.int32)
    targets = jax.random.randint(k2, (B, T), 0, VOCAB, dtype=inputs.dtype)
    emb_table = jax.random.normal(k3, (VOCAB, N_EMBD), dtype=jnp.float32) * 0.02
    W = jax.random.normal(k4, (N_EMBD, VOCAB), dtype=jnp.float32) * 0.02
    b = jnp.zeros((VOCAB,), dtype=jnp.float32)
    return {"inputs": inputs, "targets": targets, "emb_table": emb_table, "W": W, "b": b}

def reference(inputs, targets, emb_table, W, b):
    # token embedding lookup (gather)
    embeded_tokens = jnp.take(emb_table, inputs, axis=0)  # [B, T, n_embd]
    # lm_head linear projection
    logits = embeded_tokens @ W + b  # [B, T, vocab]
    bsz, t, c = logits.shape
    logits = logits.reshape(bsz * t, c)
    tflat = targets.reshape(bsz * t)
    # cross entropy (mean reduction), faithful to F.cross_entropy
    logp = jax.nn.log_softmax(logits, axis=-1)
    nll = -jnp.take_along_axis(logp, tflat[:, None], axis=1)[:, 0]
    loss = jnp.mean(nll)
    return (logits, loss)

if __name__ == "__main__":
    import jax
    _d = setup_inputs()
    print(jax.jit(kernel)(*tuple(_d.values())))

</pallas_src>

<mosaic_0001>
#map = affine_map<(d0, d1) -> (0, 0)>
#map1 = affine_map<(d0, d1) -> (0)>
module attributes {stable_mosaic.version = 14 : i64} {
  func.func @k(%arg0: i32, %arg1: i32, %arg2: memref<1000x1024xf32, #tpu.memory_space<hbm>>, %arg3: memref<65536xi32, #tpu.memory_space<hbm>>, %arg4: memref<65536xi32, #tpu.memory_space<hbm>>, %arg5: memref<65536x1000xf32, #tpu.memory_space<hbm>>, %arg6: memref<32x16xf32, #tpu.memory_space<hbm>>, %arg7: memref<2048xi32, #tpu.memory_space<vmem>>, %arg8: memref<2048xi32, #tpu.memory_space<vmem>>, %arg9: memref<32x1024xf32, #tpu.memory_space<vmem>>, %arg10: memref<32x1024xf32, #tpu.memory_space<vmem>>, %arg11: memref<32x104xf32, #tpu.memory_space<vmem>>, %arg12: memref<32x104xf32, #tpu.memory_space<vmem>>, %arg13: memref<16xf32, #tpu.memory_space<vmem>>, %arg14: memref<!tpu.dma_semaphore, #tpu.memory_space<semaphore_mem>>, %arg15: memref<!tpu.dma_semaphore, #tpu.memory_space<semaphore_mem>>, %arg16: memref<!tpu.dma_semaphore, #tpu.memory_space<semaphore_mem>>, %arg17: memref<!tpu.dma_semaphore, #tpu.memory_space<semaphore_mem>>) attributes {dimension_semantics = [#tpu.dimension_semantics<core_parallel>, #tpu.dimension_semantics<subcore_parallel>], iteration_bounds = array<i64: 2, 16>, scalar_prefetch = 0 : i64, scratch_operands = 11 : i64, tpu.core_type = #tpu.core_type<sc_vector_subcore>, window_params = [{transform_indices = #map}, {transform_indices = #map1}, {transform_indices = #map1}, {transform_indices = #map}, {transform_indices = #map}]} {
    %mul3A = arith.constant 2 : i32
    %mul3A_0 = arith.muli %arg1, %mul3A : i32
    %add3A = arith.addi %mul3A_0, %arg0 : i32
    %mul3A_1 = arith.constant 2048 : i32
    %mul3A_2 = arith.muli %add3A, %mul3A_1 : i32
    "tpu.region"() ({
      %run_scoped3A = tpu.sem_alloc : memref<!tpu.dma_semaphore, #tpu.memory_space<semaphore_mem>>
      %dma_start3A_53 = tpu.memref_slice %arg3[%mul3A_2] : memref<65536xi32, #tpu.memory_space<hbm>> -> memref<2048xi32, #tpu.memory_space<hbm>>
      %dma_start3A_54 = tpu.memref_slice %arg3[%mul3A_2] : memref<65536xi32, #tpu.memory_space<hbm>> -> memref<2048xi32, #tpu.memory_space<hbm>>
      tpu.enqueue_dma source(%dma_start3A_54 : memref<2048xi32, #tpu.memory_space<hbm>>) target(%arg7 : memref<2048xi32, #tpu.memory_space<vmem>>) target_semaphore(%run_scoped3A : memref<!tpu.dma_semaphore, #tpu.memory_space<semaphore_mem>>)
      %dma_wait3A_55 = tpu.memref_slice %arg3[%mul3A_2] : memref<65536xi32, #tpu.memory_space<hbm>> -> memref<2048xi32, #tpu.memory_space<hbm>>
      %dma_wait3A_56 = tpu.memref_slice %arg3[%mul3A_2] : memref<65536xi32, #tpu.memory_space<hbm>> -> memref<2048xi32, #tpu.memory_space<hbm>>
      tpu.wait_dma2 semaphore(%run_scoped3A : memref<!tpu.dma_semaphore, #tpu.memory_space<semaphore_mem>>) src(%dma_wait3A_56 : memref<2048xi32, #tpu.memory_space<hbm>>) dst(%arg7 : memref<2048xi32, #tpu.memory_space<vmem>>)
      tpu.yield
    }) : () -> ()
    "tpu.region"() ({
      %run_scoped3A = tpu.sem_alloc : memref<!tpu.dma_semaphore, #tpu.memory_space<semaphore_mem>>
      %dma_start3A_53 = tpu.memref_slice %arg4[%mul3A_2] : memref<65536xi32, #tpu.memory_space<hbm>> -> memref<2048xi32, #tpu.memory_space<hbm>>
      %dma_start3A_54 = tpu.memref_slice %arg4[%mul3A_2] : memref<65536xi32, #tpu.memory_space<hbm>> -> memref<2048xi32, #tpu.memory_space<hbm>>
      tpu.enqueue_dma source(%dma_start3A_54 : memref<2048xi32, #tpu.memory_space<hbm>>) target(%arg8 : memref<2048xi32, #tpu.memory_space<vmem>>) target_semaphore(%run_scoped3A : memref<!tpu.dma_semaphore, #tpu.memory_space<semaphore_mem>>)
      %dma_wait3A_55 = tpu.memref_slice %arg4[%mul3A_2] : memref<65536xi32, #tpu.memory_space<hbm>> -> memref<2048xi32, #tpu.memory_space<hbm>>
      %dma_wait3A_56 = tpu.memref_slice %arg4[%mul3A_2] : memref<65536xi32, #tpu.memory_space<hbm>> -> memref<2048xi32, #tpu.memory_space<hbm>>
      tpu.wait_dma2 semaphore(%run_scoped3A : memref<!tpu.dma_semaphore, #tpu.memory_space<semaphore_mem>>) src(%dma_wait3A_56 : memref<2048xi32, #tpu.memory_space<hbm>>) dst(%arg8 : memref<2048xi32, #tpu.memory_space<vmem>>)
      tpu.yield
    }) : () -> ()
    %broadcast_in_dim3A = arith.constant 0.000000e+00 : f32
    %broadcast_in_dim3A_3 = vector.broadcast %broadcast_in_dim3A : f32 to vector<16xf32>
    %swap3A = arith.constant 0 : index
    %swap3A_4 = tpu.vector_load %arg13[%swap3A] {strides = array<i32>} : memref<16xf32, #tpu.memory_space<vmem>>, vector<16xf32>,
    tpu.vector_store %arg13[%swap3A], %broadcast_in_dim3A_3 {strides = array<i32>} : memref<16xf32, #tpu.memory_space<vmem>>, vector<16xf32>,
    %dma_start3A = arith.constant 0 : i32
    %dma_start3A_5 = tpu.memref_slice %arg7[%dma_start3A] : memref<2048xi32, #tpu.memory_space<vmem>> -> memref<32xi32, #tpu.memory_space<vmem>>
    %dma_start3A_6 = arith.constant 0 : i32
    %dma_start3A_7 = arith.constant 0 : i32
    %dma_start3A_8 = tpu.memref_slice %arg2[%dma_start3A_6, %dma_start3A_7] : memref<1000x1024xf32, #tpu.memory_space<hbm>> -> memref<1000x1024xf32, #tpu.memory_space<hbm>>
    tpu.enqueue_indirect_dma source(%dma_start3A_8 : memref<1000x1024xf32, #tpu.memory_space<hbm>>) target(%arg9 : memref<32x1024xf32, #tpu.memory_space<vmem>>) offsets(%dma_start3A_5 : memref<32xi32, #tpu.memory_space<vmem>>) semaphore(%arg14 : memref<!tpu.dma_semaphore, #tpu.memory_space<semaphore_mem>>)
    %dma_start3A_9 = arith.constant 32 : i32
    %dma_start3A_10 = tpu.memref_slice %arg7[%dma_start3A_9] : memref<2048xi32, #tpu.memory_space<vmem>> -> memref<32xi32, #tpu.memory_space<vmem>>
    %dma_start3A_11 = arith.constant 0 : i32
    %dma_start3A_12 = arith.constant 0 : i32
    %dma_start3A_13 = tpu.memref_slice %arg2[%dma_start3A_11, %dma_start3A_12] : memref<1000x1024xf32, #tpu.memory_space<hbm>> -> memref<1000x1024xf32, #tpu.memory_space<hbm>>
    tpu.enqueue_indirect_dma source(%dma_start3A_13 : memref<1000x1024xf32, #tpu.memory_space<hbm>>) target(%arg10 : memref<32x1024xf32, #tpu.memory_space<vmem>>) offsets(%dma_start3A_10 : memref<32xi32, #tpu.memory_space<vmem>>) semaphore(%arg15 : memref<!tpu.dma_semaphore, #tpu.memory_space<semaphore_mem>>)
    %scan3A = arith.constant 0 : i32
    %scan3A_14 = arith.constant 32 : i32
    %scan3A_15 = arith.addi %scan3A, %scan3A_14 : i32
    %scan3A_16 = arith.constant 1 : i32
    scf.for %scan3A_53 = %scan3A to %scan3A_15 step %scan3A_16  : i32 {
      %mul3A_54 = arith.constant 2 : i32
      %mul3A_55 = arith.muli %scan3A_53, %mul3A_54 : i32
      %add3A_56 = arith.constant 0 : i32
      %add3A_57 = arith.addi %add3A_56, %mul3A_55 : i32
      %mul3A_58 = arith.constant 32 : i32
      %mul3A_59 = arith.muli %add3A_57, %mul3A_58 : i32
      %dma_wait3A_60 = tpu.memref_slice %arg7[%mul3A_59] : memref<2048xi32, #tpu.memory_space<vmem>> -> memref<32xi32, #tpu.memory_space<vmem>>
      %dma_wait3A_61 = arith.constant 0 : i32
      %dma_wait3A_62 = arith.constant 0 : i32
      %dma_wait3A_63 = tpu.memref_slice %arg2[%dma_wait3A_61, %dma_wait3A_62] : memref<1000x1024xf32, #tpu.memory_space<hbm>> -> memref<1000x1024xf32, #tpu.memory_space<hbm>>
      tpu.wait_indirect_dma semaphore(%arg14 : memref<!tpu.dma_semaphore, #tpu.memory_space<semaphore_mem>>) src(%dma_wait3A_63 : memref<1000x1024xf32, #tpu.memory_space<hbm>>) dst(%arg9 : memref<32x1024xf32, #tpu.memory_space<vmem>>)
      %mul3A_64 = arith.constant 32 : i32
      %mul3A_65 = arith.muli %add3A_57, %mul3A_64 : i32
      %add3A_66 = arith.addi %mul3A_2, %mul3A_65 : i32
      %dma_start3A_67 = arith.constant 0 : i32
      %dma_start3A_68 = arith.constant 0 : i32
      %dma_start3A_69 = tpu.memref_slice %arg9[%dma_start3A_67, %dma_start3A_68] : memref<32x1024xf32, #tpu.memory_space<vmem>> -> memref<32x896xf32, #tpu.memory_space<vmem>>
      %dma_start3A_70 = arith.constant 0 : i32
      %dma_start3A_71 = tpu.memref_slice %arg5[%add3A_66, %dma_start3A_70] : memref<65536x1000xf32, #tpu.memory_space<hbm>> -> memref<32x896xf32, #tpu.memory_space<hbm>>
      %dma_start3A_72 = arith.constant 0 : i32
      %dma_start3A_73 = tpu.memref_slice %arg5[%add3A_66, %dma_start3A_72] : memref<65536x1000xf32, #tpu.memory_space<hbm>> -> memref<32x896xf32, #tpu.memory_space<hbm>>
      %dma_start3A_74 = arith.constant 0 : i32
      %dma_start3A_75 = arith.constant 0 : i32
      %dma_start3A_76 = tpu.memref_slice %arg9[%dma_start3A_74, %dma_start3A_75] : memref<32x1024xf32, #tpu.memory_space<vmem>> -> memref<32x896xf32, #tpu.memory_space<vmem>>
      tpu.enqueue_dma source(%dma_start3A_76 : memref<32x896xf32, #tpu.memory_space<vmem>>) target(%dma_start3A_73 : memref<32x896xf32, #tpu.memory_space<hbm>>) target_semaphore(%arg16 : memref<!tpu.dma_semaphore, #tpu.memory_space<semaphore_mem>>)
      %broadcast_in_dim3A_77 = arith.constant 1000 : i32
      %broadcast_in_dim3A_78 = vector.broadcast %broadcast_in_dim3A_77 : i32 to vector<16xi32>
      %mul3A_79 = arith.constant 32 : i32
      %mul3A_80 = arith.muli %add3A_57, %mul3A_79 : i32
      %add3A_81 = arith.constant 0 : i32
      %add3A_82 = arith.addi %mul3A_80, %add3A_81 : i32
      %get3A = arith.index_cast %add3A_82 : i32 to index
      %get3A_83 = tpu.vector_load %arg8[%get3A] {strides = array<i32>} : memref<2048xi32, #tpu.memory_space<vmem>>, vector<16xi32>,
      %iota3A = tpu.iota {dimensions = array<i32: 0>} : vector<16xi32>
      %add3A_84 = arith.constant 0 : i32
      %add3A_85 = vector.broadcast %add3A_84 : i32 to vector<16xi32>
      %add3A_86 = arith.addi %iota3A, %add3A_85 : vector<16xi32>
      %gather3A = tpu.vector_load_idx %arg9[%add3A_86, %broadcast_in_dim3A_78] : memref<32x1024xf32, #tpu.memory_space<vmem>>[vector<16xi32>, vector<16xi32>], vector<16xf32>,
      %gather3A_87 = tpu.vector_load_idx %arg9[%add3A_86, %get3A_83] : memref<32x1024xf32, #tpu.memory_space<vmem>>[vector<16xi32>, vector<16xi32>], vector<16xf32>,
      %get3A_88 = arith.constant 0 : index
      %get3A_89 = tpu.vector_load %arg13[%get3A_88] {strides = array<i32>} : memref<16xf32, #tpu.memory_space<vmem>>, vector<16xf32>,
      %sub3A = arith.subf %gather3A, %gather3A_87 : vector<16xf32>
      %add3A_90 = arith.addf %get3A_89, %sub3A : vector<16xf32>
      %swap3A_91 = arith.constant 0 : index
      %swap3A_92 = tpu.vector_load %arg13[%swap3A_91] {strides = array<i32>} : memref<16xf32, #tpu.memory_space<vmem>>, vector<16xf32>,
      tpu.vector_store %arg13[%swap3A_91], %add3A_90 {strides = array<i32>} : memref<16xf32, #tpu.memory_space<vmem>>, vector<16xf32>,
      %mul3A_93 = arith.constant 32 : i32
      %mul3A_94 = arith.muli %add3A_57, %mul3A_93 : i32
      %add3A_95 = arith.constant 16 : i32
      %add3A_96 = arith.addi %mul3A_94, %add3A_95 : i32
      %get3A_97 = arith.index_cast %add3A_96 : i32 to index
      %get3A_98 = tpu.vector_load %arg8[%get3A_97] {strides = array<i32>} : memref<2048xi32, #tpu.memory_space<vmem>>, vector<16xi32>,
      %iota3A_99 = tpu.iota {dimensions = array<i32: 0>} : vector<16xi32>
      %add3A_100 = arith.constant 16 : i32
      %add3A_101 = vector.broadcast %add3A_100 : i32 to vector<16xi32>
      %add3A_102 = arith.addi %iota3A_99, %add3A_101 : vector<16xi32>
      %gather3A_103 = tpu.vector_load_idx %arg9[%add3A_102, %broadcast_in_dim3A_78] : memref<32x1024xf32, #tpu.memory_space<vmem>>[vector<16xi32>, vector<16xi32>], vector<16xf32>,
      %gather3A_104 = tpu.vector_load_idx %arg9[%add3A_102, %get3A_98] : memref<32x1024xf32, #tpu.memory_space<vmem>>[vector<16xi32>, vector<16xi32>], vector<16xf32>,
      %get3A_105 = arith.constant 0 : index
      %get3A_106 = tpu.vector_load %arg13[%get3A_105] {strides = array<i32>} : memref<16xf32, #tpu.memory_space<vmem>>, vector<16xf32>,
      %sub3A_107 = arith.subf %gather3A_103, %gather3A_104 : vector<16xf32>
      %add3A_108 = arith.addf %get3A_106, %sub3A_107 : vector<16xf32>
      %swap3A_109 = arith.constant 0 : index
      %swap3A_110 = tpu.vector_load %arg13[%swap3A_109] {strides = array<i32>} : memref<16xf32, #tpu.memory_space<vmem>>, vector<16xf32>,
      tpu.vector_store %arg13[%swap3A_109], %add3A_108 {strides = array<i32>} : memref<16xf32, #tpu.memory_space<vmem>>, vector<16xf32>,
      %get3A_111 = arith.constant 0 : i32
      %get3A_112 = arith.index_cast %get3A_111 : i32 to index
      %get3A_113 = arith.constant 896 : index
      %get3A_114 = tpu.vector_load %arg9[%get3A_112, %get3A_113] {strides = array<i32>} : memref<32x1024xf32, #tpu.memory_space<vmem>>, vector<16xf32>,
      %swap3A_115 = arith.constant 0 : i32
      %swap3A_116 = arith.index_cast %swap3A_115 : i32 to index
      %swap3A_117 = arith.constant 0 : index
      %swap3A_118 = tpu.vector_load %arg11[%swap3A_116, %swap3A_117] {strides = array<i32>} : memref<32x104xf32, #tpu.memory_space<vmem>>, vector<16xf32>,
      tpu.vector_store %arg11[%swap3A_116, %swap3A_117], %get3A_114 {strides = array<i32>} : memref<32x104xf32, #tpu.memory_space<vmem>>, vector<16xf32>,
      %get3A_119 = arith.constant 0 : i32
      %get3A_120 = arith.index_cast %get3A_119 : i32 to index
      %get3A_121 = arith.constant 912 : index
      %get3A_122 = tpu.vector_load %arg9[%get3A_120, %get3A_121] {strides = array<i32>} : memref<32x1024xf32, #tpu.memory_space<vmem>>, vector<16xf32>,
      %swap3A_123 = arith.constant 0 : i32
      %swap3A_124 = arith.index_cast %swap3A_123 : i32 to index
      %swap3A_125 = arith.constant 16 : index
      %swap3A_126 = tpu.vector_load %arg11[%swap3A_124, %swap3A_125] {strides = array<i32>} : memref<32x104xf32, #tpu.memory_space<vmem>>, vector<16xf32>,
      tpu.vector_store %arg11[%swap3A_124, %swap3A_125], %get3A_122 {strides = array<i32>} : memref<32x104xf32, #tpu.memory_space<vmem>>, vector<16xf32>,
      %get3A_127 = arith.constant 0 : i32
      %get3A_128 = arith.index_cast %get3A_127 : i32 to index
      %get3A_129 = arith.constant 928 : index
      %get3A_130 = tpu.vector_load %arg9[%get3A_128, %get3A_129] {strides = array<i32>} : memref<32x1024xf32, #tpu.memory_space<vmem>>, vector<16xf32>,
      %swap3A_131 = arith.constant 0 : i32
      %swap3A_132 = arith.index_cast %swap3A_131 : i32 to index
      %swap3A_133 = arith.constant 32 : index
      %swap3A_134 = tpu.vector_load %arg11[%swap3A_132, %swap3A_133] {strides = array<i32>} : memref<32x104xf32, #tpu.memory_space<vmem>>, vector<16xf32>,
      tpu.vector_store %arg11[%swap3A_132, %swap3A_133], %get3A_130 {strides = array<i32>} : memref<32x104xf32, #tpu.memory_space<vmem>>, vector<16xf32>,
      %get3A_135 = arith.constant 0 : i32
      %get3A_136 = arith.index_cast %get3A_135 : i32 to index
      %get3A_137 = arith.constant 944 : index
      %get3A_138 = tpu.vector_load %arg9[%get3A_136, %get3A_137] {strides = array<i32>} : memref<32x1024xf32, #tpu.memory_space<vmem>>, vector<16xf32>,
      %swap3A_139 = arith.constant 0 : i32
      %swap3A_140 = arith.index_cast %swap3A_139 : i32 to index
      %swap3A_141 = arith.constant 48 : index
      %swap3A_142 = tpu.vector_load %arg11[%swap3A_140, %swap3A_141] {strides = array<i32>} : memref<32x104xf32, #tpu.memory_space<vmem>>, vector<16xf32>,
      tpu.vector_store %arg11[%swap3A_140, %swap3A_141], %get3A_138 {strides = array<i32>} : memref<32x104xf32, #tpu.memory_space<vmem>>, vector<16xf32>,
      %get3A_143 = arith.constant 0 : i32
      %get3A_144 = arith.index_cast %get3A_143 : i32 to index
      %get3A_145 = arith.constant 960 : index
      %get3A_146 = tpu.vector_load %arg9[%get3A_144, %get3A_145] {strides = array<i32>} : memref<32x1024xf32, #tpu.memory_space<vmem>>, vector<16xf32>,
      %swap3A_147 = arith.constant 0 : i32
      %swap3A_148 = arith.index_cast %swap3A_147 : i32 to index
      %swap3A_149 = arith.constant 64 : index
      %swap3A_150 = tpu.vector_load %arg11[%swap3A_148, %swap3A_149] {strides = array<i32>} : memref<32x104xf32, #tpu.memory_space<vmem>>, vector<16xf32>,
      tpu.vector_store %arg11[%swap3A_148, %swap3A_149], %get3A_146 {strides = array<i32>} : memref<32x104xf32, #tpu.memory_space<vmem>>, vector<16xf32>,
      %get3A_151 = arith.constant 0 : i32
      %get3A_152 = arith.index_cast %get3A_151 : i32 to index
      %get3A_153 = arith.constant 976 : index
      %get3A_154 = tpu.vector_load %arg9[%get3A_152, %get3A_153] {strides = array<i32>} : memref<32x1024xf32, #tpu.memory_space<vmem>>, vector<16xf32>,
      %swap3A_155 = arith.constant 0 : i32
      %swap3A_156 = arith.index_cast %swap3A_155 : i32 to index
      %swap3A_157 = arith.constant 80 : index
      %swap3A_158 = tpu.vector_load %arg11[%swap3A_156, %swap3A_157] {strides = array<i32>} : memref<32x104xf32, #tpu.memory_space<vmem>>, vector<16xf32>,
      tpu.vector_store %arg11[%swap3A_156, %swap3A_157], %get3A_154 {strides = array<i32>} : memref<32x104xf32, #tpu.memory_space<vmem>>, vector<16xf32>,
      %get3A_159 = arith.constant 0 : i32
      %get3A_160 = arith.index_cast %get3A_159 : i32 to index
      %get3A_161 = arith.constant 984 : index
      %get3A_162 = tpu.vector_load %arg9[%get3A_160, %get3A_161] {strides = array<i32>} : memref<32x1024xf32, #tpu.memory_space<vmem>>, vector<16xf32>,
      %swap3A_163 = arith.constant 0 : i32
      %swap3A_164 = arith.index_cast %swap3A_163 : i32 to index
      %swap3A_165 = arith.constant 88 : index
      %swap3A_166 = tpu.vector_load %arg11[%swap3A_164, %swap3A_165] {strides = array<i32>} : memref<32x104xf32, #tpu.memory_space<vmem>>, vector<16xf32>,
      tpu.vector_store %arg11[%swap3A_164, %swap3A_165], %get3A_162 {strides = array<i32>} : memref<32x104xf32, #tpu.memory_space<vmem>>, vector<16xf32>,
      %get3A_167 = arith.constant 1 : i32
      %get3A_168 = arith.index_cast %get3A_167 : i32 to index
      %get3A_169 = arith.constant 896 : index
      %get3A_170 = tpu.vector_load %arg9[%get3A_168, %get3A_169] {strides = array<i32>} : memref<32x1024xf32, #tpu.memory_space<vmem>>, vector<16xf32>,
      %swap3A_171 = arith.constant 1 : i32
      %swap3A_172 = arith.index_cast %swap3A_171 : i32 to index
      %swap3A_173 = arith.constant 0 : index
      %swap3A_174 = tpu.vector_load %arg11[%swap3A_172, %swap3A_173] {strides = array<i32>} : memref<32x104xf32, #tpu.memory_space<vmem>>, vector<16xf32>,
      tpu.vector_store %arg11[%swap3A_172, %swap3A_173], %get3A_170 {strides = array<i32>} : memref<32x104xf32, #tpu.memory_space<vmem>>, vector<16xf32>,
      %get3A_175 = arith.constant 1 : i32
      %get3A_176 = arith.index_cast %get3A_175 : i32 to index
      %get3A_177 = arith.constant 912 : index
      %get3A_178 = tpu.vector_load %arg9[%get3A_176, %get3A_177] {strides = array<i32>} : memref<32x1024xf32, #tpu.memory_space<vmem>>, vector<16xf32>,
      %swap3A_179 = arith.constant 1 : i32
      %swap3A_180 = arith.index_cast %swap3A_179 : i32 to index
      %swap3A_181 = arith.constant 16 : index
      %swap3A_182 = tpu.vector_load %arg11[%swap3A_180, %swap3A_181] {strides = array<i32>} : memref<32x104xf32, #tpu.memory_space<vmem>>, vector<16xf32>,
      tpu.vector_store %arg11[%swap3A_180, %swap3A_181], %get3A_178 {strides = array<i32>} : memref<32x104xf32, #tpu.memory_space<vmem>>, vector<16xf32>,
      %get3A_183 = arith.constant 1 : i32
      %get3A_184 = arith.index_cast %get3A_183 : i32 to index
      %get3A_185 = arith.constant 928 : index
      %get3A_186 = tpu.vector_load %arg9[%get3A_184, %get3A_185] {strides = array<i32>} : memref<32x1024xf32, #tpu.memory_space<vmem>>, vector<16xf32>,
      %swap3A_187 = arith.constant 1 : i32
      %swap3A_188 = arith.index_cast %swap3A_187 : i32 to index
      %swap3A_189 = arith.constant 32 : index
      %swap3A_190 = tpu.vector_load %arg11[%swap3A_188, %swap3A_189] {strides = array<i32>} : memref<32x104xf32, #tpu.memory_space<vmem>>, vector<16xf32>,
      tpu.vector_store %arg11[%swap3A_188, %swap3A_189], %get3A_186 {strides = array<i32>} : memref<32x104xf32, #tpu.memory_space<vmem>>, vector<16xf32>,
      %get3A_191 = arith.constant 1 : i32
      %get3A_192 = arith.index_cast %get3A_191 : i32 to index
      %get3A_193 = arith.constant 944 : index
      %get3A_194 = tpu.vector_load %arg9[%get3A_192, %get3A_193] {strides = array<i32>} : memref<32x1024xf32, #tpu.memory_space<vmem>>, vector<16xf32>,
      %swap3A_195 = arith.constant 1 : i32
      %swap3A_196 = arith.index_cast %swap3A_195 : i32 to index
      %swap3A_197 = arith.constant 48 : index
      %swap3A_198 = tpu.vector_load %arg11[%swap3A_196, %swap3A_197] {strides = array<i32>} : memref<32x104xf32, #tpu.memory_space<vmem>>, vector<16xf32>,
      tpu.vector_store %arg11[%swap3A_196, %swap3A_197], %get3A_194 {strides = array<i32>} : memref<32x104xf32, #tpu.memory_space<vmem>>, vector<16xf32>,
      %get3A_199 = arith.constant 1 : i32
      %get3A_200 = arith.index_cast %get3A_199 : i32 to index
      %get3A_201 = arith.constant 960 : index
      %get3A_202 = tpu.vector_load %arg9[%get3A_200, %get3A_201] {strides = array<i32>} : memref<32x1024xf32, #tpu.memory_space<vmem>>, vector<16xf32>,
      %swap3A_203 = arith.constant 1 : i32
      %swap3A_204 = arith.index_cast %swap3A_203 : i32 to index
      %swap3A_205 = arith.constant 64 : index
      %swap3A_206 = tpu.vector_load %arg11[%swap3A_204, %swap3A_205] {strides = array<i32>} : memref<32x104xf32, #tpu.memory_space<vmem>>, vector<16xf32>,
      tpu.vector_store %arg11[%swap3A_204, %swap3A_205], %get3A_202 {strides = array<i32>} : memref<32x104xf32, #tpu.memory_space<vmem>>, vector<16xf32>,
      %get3A_207 = arith.constant 1 : i32
      %get3A_208 = arith.index_cast %get3A_207 : i32 to index
      %get3A_209 = arith.constant 976 : index
      %get3A_210 = tpu.vector_load %arg9[%get3A_208, %get3A_209] {strides = array<i32>} : memref<32x1024xf32, #tpu.memory_space<vmem>>, vector<16xf32>,
      %swap3A_211 = arith.constant 1 : i32
      %swap3A_212 = arith.index_cast %swap3A_211 : i32 to index
      %swap3A_213 = arith.constant 80 : index
      %swap3A_214 = tpu.vector_load %arg11[%swap3A_212, %swap3A_213] {strides = array<i32>} : memref<32x104xf32, #tpu.memory_space<vmem>>, vector<16xf32>,
      tpu.vector_store %arg11[%swap3A_212, %swap3A_213], %get3A_210 {strides = array<i32>} : memref<32x104xf32, #tpu.memory_space<vmem>>, vector<16xf32>,
      %get3A_215 = arith.constant 1 : i32
      %get3A_216 = arith.index_cast %get3A_215 : i32 to index
      %get3A_217 = arith.constant 984 : index
      %get3A_218 = tpu.vector_load %arg9[%get3A_216, %get3A_217] {strides = array<i32>} : memref<32x1024xf32, #tpu.memory_space<vmem>>, vector<16xf32>,
      %swap3A_219 = arith.constant 1 : i32
      %swap3A_220 = arith.index_cast %swap3A_219 : i32 to index
      %swap3A_221 = arith.constant 88 : index
      %swap3A_222 = tpu.vector_load %arg11[%swap3A_220, %swap3A_221] {strides = array<i32>} : memref<32x104xf32, #tpu.memory_space<vmem>>, vector<16xf32>,
      tpu.vector_store %arg11[%swap3A_220, %swap3A_221], %get3A_218 {strides = array<i32>} : memref<32x104xf32, #tpu.memory_space<vmem>>, vector<16xf32>,
      %get3A_223 = arith.constant 2 : i32
      %get3A_224 = arith.index_cast %get3A_223 : i32 to index
      %get3A_225 = arith.constant 896 : index
      %get3A_226 = tpu.vector_load %arg9[%get3A_224, %get3A_225] {strides = array<i32>} : memref<32x1024xf32, #tpu.memory_space<vmem>>, vector<16xf32>,
      %swap3A_227 = arith.constant 2 : i32
      %swap3A_228 = arith.index_cast %swap3A_227 : i32 to index
      %swap3A_229 = arith.constant 0 : index
      %swap3A_230 = tpu.vector_load %arg11[%swap3A_228, %swap3A_229] {strides = array<i32>} : memref<32x104xf32, #tpu.memory_space<vmem>>, vector<16xf32>,
      tpu.vector_store %arg11[%swap3A_228, %swap3A_229], %get3A_226 {strides = array<i32>} : memref<32x104xf32, #tpu.memory_space<vmem>>, vector<16xf32>,
      %get3A_231 = arith.constant 2 : i32
      %get3A_232 = arith.index_cast %get3A_231 : i32 to index
      %get3A_233 = arith.constant 912 : index
      %get3A_234 = tpu.vector_load %arg9[%get3A_232, %get3A_233] {strides = array<i32>} : memref<32x1024xf32, #tpu.memory_space<vmem>>, vector<16xf32>,
      %swap3A_235 = arith.constant 2 : i32
      %swap3A_236 = arith.index_cast %swap3A_235 : i32 to index
      %swap3A_237 = arith.constant 16 : index
      %swap3A_238 = tpu.vector_load %arg11[%swap3A_236, %swap3A_237] {strides = array<i32>} : memref<32x104xf32, #tpu.memory_space<vmem>>, vector<16xf32>,
      tpu.vector_store %arg11[%swap3A_236, %swap3A_237], %get3A_234 {strides = array<i32>} : memref<32x104xf32, #tpu.memory_space<vmem>>, vector<16xf32>,
      %get3A_239 = arith.constant 2 : i32
      %get3A_240 = arith.index_cast %get3A_239 : i32 to index
      %get3A_241 = arith.constant 928 : index
      %get3A_242 = tpu.vector_load %arg9[%get3A_240, %get3A_241] {strides = array<i32>} : memref<32x1024xf32, #tpu.memory_space<vmem>>, vector<16xf32>,
      %swap3A_243 = arith.constant 2 : i32
      %swap3A_244 = arith.index_cast %swap3A_243 : i32 to index
      %swap3A_245 = arith.constant 32 : index
      %swap3A_246 = tpu.vector_load %arg11[%swap3A_244, %swap3A_245] {strides = array<i32>} : memref<32x104xf32, #tpu.memory_space<vmem>>, vector<16xf32>,
      tpu.vector_store %arg11[%swap3A_244, %swap3A_245], %get3A_242 {strides = array<i32>} : memref<32x104xf32, #tpu.memory_space<vmem>>, vector<16xf32>,
      %get3A_247 = arith.constant 2 : i32
      %get3A_248 = arith.index_cast %get3A_247 : i32 to index
      %get3A_249 = arith.constant 944 : index
      %get3A_250 = tpu.vector_load %arg9[%get3A_248, %get3A_249] {strides = array<i32>} : memref<32x1024xf32, #tpu.memory_space<vmem>>, vector<16xf32>,
      %swap3A_251 = arith.constant 2 : i32
      %swap3A_252 = arith.index_cast %swap3A_251 : i32 to index
      %swap3A_253 = arith.constant 48 : index
      %swap3A_254 = tpu.vector_load %arg11[%swap3A_252, %swap3A_253] {strides = array<i32>} : memref<32x104xf32, #tpu.memory_space<vmem>>, vector<16xf32>,
      tpu.vector_store %arg11[%swap3A_252, %swap3A_253], %get3A_250 {strides = array<i32>} : memref<32x104xf32, #tpu.memory_space<vmem>>, vector<16xf32>,
      %get3A_255 = arith.constant 2 : i32
      %get3A_256 = arith.index_cast %get3A_255 : i32 to index
      %get3A_257 = arith.constant 960 : index
      %get3A_258 = tpu.vector_load %arg9[%get3A_256, %get3A_257] {strides = array<i32>} : memref<32x1024xf32, #tpu.memory_space<vmem>>, vector<16xf32>,
      %swap3A_259 = arith.constant 2 : i32
      %swap3A_260 = arith.index_cast %swap3A_259 : i32 to index
      %swap3A_261 = arith.constant 64 : index
      %swap3A_262 = tpu.vector_load %arg11[%swap3A_260, %swap3A_261] {strides = array<i32>} : memref<32x104xf32, #tpu.memory_space<vmem>>, vector<16xf32>,
      tpu.vector_store %arg11[%swap3A_260, %swap3A_261], %get3A_258 {strides = array<i32>} : memref<32x104xf32, #tpu.memory_space<vmem>>, vector<16xf32>,
      %get3A_263 = arith.constant 2 : i32
      %get3A_264 = arith.index_cast %get3A_263 : i32 to index
      %get3A_265 = arith.constant 976 : index
      %get3A_266 = tpu.vector_load %arg9[%get3A_264, %get3A_265] {strides = array<i32>} : memref<32x1024xf32, #tpu.memory_space<vmem>>, vector<16xf32>,
      %swap3A_267 = arith.constant 2 : i32
      %swap3A_268 = arith.index_cast %swap3A_267 : i32 to index
      %swap3A_269 = arith.constant 80 : index
      %swap3A_270 = tpu.vector_load %arg11[%swap3A_268, %swap3A_269] {strides = array<i32>} : memref<32x104xf32, #tpu.memory_space<vmem>>, vector<16xf32>,
      tpu.vector_store %arg11[%swap3A_268, %swap3A_269], %get3A_266 {strides = array<i32>} : memref<32x104xf32, #tpu.memory_space<vmem>>, vector<16xf32>,
      %get3A_271 = arith.constant 2 : i32
      %get3A_272 = arith.index_cast %get3A_271 : i32 to index
      %get3A_273 = arith.constant 984 : index
      %get3A_274 = tpu.vector_load %arg9[%get3A_272, %get3A_273] {strides = array<i32>} : memref<32x1024xf32, #tpu.memory_space<vmem>>, vector<16xf32>,
      %swap3A_275 = arith.constant 2 : i32
      %swap3A_276 = arith.index_cast %swap3A_275 : i32 to index
      %swap3A_277 = arith.constant 88 : index
      %swap3A_278 = tpu.vector_load %arg11[%swap3A_276, %swap3A_277] {strides = array<i32>} : memref<32x104xf32, #tpu.memory_space<vmem>>, vector<16xf32>,
      tpu.vector_store %arg11[%swap3A_276, %swap3A_277], %get3A_274 {strides = array<i32>} : memref<32x104xf32, #tpu.memory_space<vmem>>, vector<16xf32>,
      %get3A_279 = arith.constant 3 : i32
      %get3A_280 = arith.index_cast %get3A_279 : i32 to index
      %get3A_281 = arith.constant 896 : index
      %get3A_282 = tpu.vector_load %arg9[%get3A_280, %get3A_281] {strides = array<i32>} : memref<32x1024xf32, #tpu.memory_space<vmem>>, vector<16xf32>,
      %swap3A_283 = arith.constant 3 : i32
      %swap3A_284 = arith.index_cast %swap3A_283 : i32 to index
      %swap3A_285 = arith.constant 0 : index
      %swap3A_286 = tpu.vector_load %arg11[%swap3A_284, %swap3A_285] {strides = array<i32>} : memref<32x104xf32, #tpu.memory_space<vmem>>, vector<16xf32>,
      tpu.vector_store %arg11[%swap3A_284, %swap3A_285], %get3A_282 {strides = array<i32>} : memref<32x104xf32, #tpu.memory_space<vmem>>, vector<16xf32>,
      %get3A_287 = arith.constant 3 : i32
      %get3A_288 = arith.index_cast %get3A_287 : i32 to index
      %get3A_289 = arith.constant 912 : index
      %get3A_290 = tpu.vector_load %arg9[%get3A_288, %get3A_289] {strides = array<i32>} : memref<32x1024xf32, #tpu.memory_space<vmem>>, vector<16xf32>,
      %swap3A_291 = arith.constant 3 : i32
      %swap3A_292 = arith.index_cast %swap3A_291 : i32 to index
      %swap3A_293 = arith.constant 16 : index
      %swap3A_294 = tpu.vector_load %arg11[%swap3A_292, %swap3A_293] {strides = array<i32>} : memref<32x104xf32, #tpu.memory_space<vmem>>, vector<16xf32>,
      tpu.vector_store %arg11[%swap3A_292, %swap3A_293], %get3A_290 {strides = array<i32>} : memref<32x104xf32, #tpu.memory_space<vmem>>, vector<16xf32>,
      %get3A_295 = arith.constant 3 : i32
      %get3A_296 = arith.index_cast %get3A_295 : i32 to index
      %get3A_297 = arith.constant 928 : index
      %get3A_298 = tpu.vector_load %arg9[%get3A_296, %get3A_297] {strides = array<i32>} : memref<32x1024xf32, #tpu.memory_space<vmem>>, vector<16xf32>,
      %swap3A_299 = arith.constant 3 : i32
      %swap3A_300 = arith.index_cast %swap3A_299 : i32 to index
      %swap3A_301 = arith.constant 32 : index
      %swap3A_302 = tpu.vector_load %arg11[%swap3A_300, %swap3A_301] {strides = array<i32>} : memref<32x104xf32, #tpu.memory_space<vmem>>, vector<16xf32>,
      tpu.vector_store %arg11[%swap3A_300, %swap3A_301], %get3A_298 {strides = array<i32>} : memref<32x104xf32, #tpu.memory_space<vmem>>, vector<16xf32>,
      %get3A_303 = arith.constant 3 : i32
      %get3A_304 = arith.index_cast %get3A_303 : i32 to index
      %get3A_305 = arith.constant 944 : index
      %get3A_306 = tpu.vector_load %arg9[%get3A_304, %get3A_305] {strides = array<i32>} : memref<32x1024xf32, #tpu.memory_space<vmem>>, vector<16xf32>,
      %swap3A_307 = arith.constant 3 : i32
      %swap3A_308 = arith.index_cast %swap3A_307 : i32 to index
      %swap3A_309 = arith.constant 48 : index
      %swap3A_310 = tpu.vector_load %arg11[%swap3A_308, %swap3A_309] {strides = array<i32>} : memref<32x104xf32, #tpu.memory_space<vmem>>, vector<16xf32>,
      tpu.vector_store %arg11[%swap3A_308, %swap3A_309], %get3A_306 {strides = array<i32>} : memref<32x104xf32, #tpu.memory_space<vmem>>, vector<16xf32>,
      %get3A_311 = arith.constant 3 : i32
      %get3A_312 = arith.index_cast %get3A_311 : i32 to index
      %get3A_313 = arith.constant 960 : index
      %get3A_314 = tpu.vector_load %arg9[%get3A_312, %get3A_313] {strides = array<i32>} : memref<32x1024xf32, #tpu.memory_space<vmem>>, vector<16xf32>,
      %swap3A_315 = arith.constant 3 : i32
      %swap3A_316 = arith.index_cast %swap3A_315 : i32 to index
      %swap3A_317 = arith.constant 64 : index
      %swap3A_318 = tpu.vector_load %arg11[%swap3A_316, %swap3A_317] {strides = array<i32>} : memref<32x104xf32, #tpu.memory_space<vmem>>, vector<16xf32>,
      tpu.vector_store %arg11[%swap3A_316, %swap3A_317], %get3A_314 {strides = array<i32>} : memref<32x104xf32, #tpu.memory_space<vmem>>, vector<16xf32>,
      %get3A_319 = arith.constant 3 : i32
      %get3A_320 = arith.index_cast %get3A_319 : i32 to index
      %get3A_321 = arith.constant 976 : index
      %get3A_322 = tpu.vector_load %arg9[%get3A_320, %get3A_321] {strides = array<i32>} : memref<32x1024xf32, #tpu.memory_space<vmem>>, vector<16xf32>,
      %swap3A_323 = arith.constant 3 : i32
      %swap3A_324 = arith.index_cast %swap3A_323 : i32 to index
      %swap3A_325 = arith.constant 80 : index
      %swap3A_326 = tpu.vector_load %arg11[%swap3A_324, %swap3A_325] {strides = array<i32>} : memref<32x104xf32, #tpu.memory_space<vmem>>, vector<16xf32>,
      tpu.vector_store %arg11[%swap3A_324, %swap3A_325], %get3A_322 {strides = array<i32>} : memref<32x104xf32, #tpu.memory_space<vmem>>, vector<16xf32>,
      %get3A_327 = arith.constant 3 : i32
      %get3A_328 = arith.index_cast %get3A_327 : i32 to index
      %get3A_329 = arith.constant 984 : index
      %get3A_330 = tpu.vector_load %arg9[%get3A_328, %get3A_329] {strides = array<i32>} : memref<32x1024xf32, #tpu.memory_space<vmem>>, vector<16xf32>,
      %swap3A_331 = arith.constant 3 : i32
      %swap3A_332 = arith.index_cast %swap3A_331 : i32 to index
      %swap3A_333 = arith.constant 88 : index
      %swap3A_334 = tpu.vector_load %arg11[%swap3A_332, %swap3A_333] {strides = array<i32>} : memref<32x104xf32, #tpu.memory_space<vmem>>, vector<16xf32>,
      tpu.vector_store %arg11[%swap3A_332, %swap3A_333], %get3A_330 {strides = array<i32>} : memref<32x104xf32, #tpu.memory_space<vmem>>, vector<16xf32>,
      %get3A_335 = arith.constant 4 : i32
      %get3A_336 = arith.index_cast %get3A_335 : i32 to index
      %get3A_337 = arith.constant 896 : index
      %get3A_338 = tpu.vector_load %arg9[%get3A_336, %get3A_337] {strides = array<i32>} : memref<32x1024xf32, #tpu.memory_space<vmem>>, vector<16xf32>,
      %swap3A_339 = arith.constant 4 : i32
      %swap3A_340 = arith.index_cast %swap3A_339 : i32 to index
      %swap3A_341 = arith.constant 0 : index
      %swap3A_342 = tpu.vector_load %arg11[%swap3A_340, %swap3A_341] {strides = array<i32>} : memref<32x104xf32, #tpu.memory_space<vmem>>, vector<16xf32>,
      tpu.vector_store %arg11[%swap3A_340, %swap3A_341], %get3A_338 {strides = array<i32>} : memref<32x104xf32, #tpu.memory_space<vmem>>, vector<16xf32>,
      %get3A_343 = arith.constant 4 : i32
      %get3A_344 = arith.index_cast %get3A_343 : i32 to index
      %get3A_345 = arith.constant 912 : index
      %get3A_346 = tpu.vector_load %arg9[%get3A_344, %get3A_345] {strides = array<i32>} : memref<32x1024xf32, #tpu.memory_space<vmem>>, vector<16xf32>,
      %swap3A_347 = arith.constant 4 : i32
      %swap3A_348 = arith.index_cast %swap3A_347 : i32 to index
      %swap3A_349 = arith.constant 16 : index
      %swap3A_350 = tpu.vector_load %arg11[%swap3A_348, %swap3A_349] {strides = array<i32>} : memref<32x104xf32, #tpu.memory_space<vmem>>, vector<16xf32>,
      tpu.vector_store %arg11[%swap3A_348, %swap3A_349], %get3A_346 {strides = array<i32>} : memref<32x104xf32, #tpu.memory_space<vmem>>, vector<16xf32>,
      %get3A_351 = arith.constant 4 : i32
      %get3A_352 = arith.index_cast %get3A_351 : i32 to index
      %get3A_353 = arith.constant 928 : index
      %get3A_354 = tpu.vector_load %arg9[%get3A_352, %get3A_353] {strides = array<i32>} : memref<32x1024xf32, #tpu.memory_space<vmem>>, vector<16xf32>,
      %swap3A_355 = arith.constant 4 : i32
      %swap3A_356 = arith.index_cast %swap3A_355 : i32 to index
      %swap3A_357 = arith.constant 32 : index
      %swap3A_358 = tpu.vector_load %arg11[%swap3A_356, %swap3A_357] {strides = array<i32>} : memref<32x104xf32, #tpu.memory_space<vmem>>, vector<16xf32>,
      tpu.vector_store %arg11[%swap3A_356, %swap3A_357], %get3A_354 {strides = array<i32>} : memref<32x104xf32, #tpu.memory_space<vmem>>, vector<16xf32>,
      %get3A_359 = arith.constant 4 : i32
      %get3A_360 = arith.index_cast %get3A_359 : i32 to index
      %get3A_361 = arith.constant 944 : index
      %get3A_362 = tpu.vector_load %arg9[%get3A_360, %get3A_361] {strides = array<i32>} : memref<32x1024xf32, #tpu.memory_space<vmem>>, vector<16xf32>,
      %swap3A_363 = arith.constant 4 : i32
      %swap3A_364 = arith.index_cast %swap3A_363 : i32 to index
      %swap3A_365 = arith.constant 48 : index
      %swap3A_366 = tpu.vector_load %arg11[%swap3A_364, %swap3A_365] {strides = array<i32>} : memref<32x104xf32, #tpu.memory_space<vmem>>, vector<16xf32>,
      tpu.vector_store %arg11[%swap3A_364, %swap3A_365], %get3A_362 {strides = array<i32>} : memref<32x104xf32, #tpu.memory_space<vmem>>, vector<16xf32>,
      %get3A_367 = arith.constant 4 : i32
      %get3A_368 = arith.index_cast %get3A_367 : i32 to index
      %get3A_369 = arith.constant 960 : index
      %get3A_370 = tpu.vector_load %arg9[%get3A_368, %get3A_369] {strides = array<i32>} : memref<32x1024xf32, #tpu.memory_space<vmem>>, vector<16xf32>,
      %swap3A_371 = arith.constant 4 : i32
      %swap3A_372 = arith.index_cast %swap3A_371 : i32 to index
      %swap3A_373 = arith.constant 64 : index
      %swap3A_374 = tpu.vector_load %arg11[%swap3A_372, %swap3A_373] {strides = array<i32>} : memref<32x104xf32, #tpu.memory_space<vmem>>, vector<16xf32>,
      tpu.vector_store %arg11[%swap3A_372, %swap3A_373], %get3A_370 {strides = array<i32>} : memref<32x104xf32, #tpu.memory_space<vmem>>, vector<16xf32>,
      %get3A_375 = arith.constant 4 : i32
      %get3A_376 = arith.index_cast %get3A_375 : i32 to index
      %get3A_377 = arith.constant 976 : index
      %get3A_378 = tpu.vector_load %arg9[%get3A_376, %get3A_377] {strides = array<i32>} : memref<32x1024xf32, #tpu.memory_space<vmem>>, vector<16xf32>,
      %swap3A_379 = arith.constant 4 : i32
      %swap3A_380 = arith.index_cast %swap3A_379 : i32 to index
      %swap3A_381 = arith.constant 80 : index
      %swap3A_382 = tpu.vector_load %arg11[%swap3A_380, %swap3A_381] {strides = array<i32>} : memref<32x104xf32, #tpu.memory_space<vmem>>, vector<16xf32>,
      tpu.vector_store %arg11[%swap3A_380, %swap3A_381], %get3A_378 {strides = array<i32>} : memref<32x104xf32, #tpu.memory_space<vmem>>, vector<16xf32>,
      %get3A_383 = arith.constant 4 : i32
      %get3A_384 = arith.index_cast %get3A_383 : i32 to index
      %get3A_385 = arith.constant 984 : index
      %get3A_386 = tpu.vector_load %arg9[%get3A_384, %get3A_385] {strides = array<i32>} : memref<32x1024xf32, #tpu.memory_space<vmem>>, vector<16xf32>,
      %swap3A_387 = arith.constant 4 : i32
      %swap3A_388 = arith.index_cast %swap3A_387 : i32 to index
      %swap3A_389 = arith.constant 88 : index
      %swap3A_390 = tpu.vector_load %arg11[%swap3A_388, %swap3A_389] {strides = array<i32>} : memref<32x104xf32, #tpu.memory_space<vmem>>, vector<16xf32>,
      tpu.vector_store %arg11[%swap3A_388, %swap3A_389], %get3A_386 {strides = array<i32>} : memref<32x104xf32, #tpu.memory_space<vmem>>, vector<16xf32>,
      %get3A_391 = arith.constant 5 : i32
      %get3A_392 = arith.index_cast %get3A_391 : i32 to index
      %get3A_393 = arith.constant 896 : index
      %get3A_394 = tpu.vector_load %arg9[%get3A_392, %get3A_393] {strides = array<i32>} : memref<32x1024xf32, #tpu.memory_space<vmem>>, vector<16xf32>,
      %swap3A_395 = arith.constant 5 : i32
      %swap3A_396 = arith.index_cast %swap3A_395 : i32 to index
      %swap3A_397 = arith.constant 0 : index
      %swap3A_398 = tpu.vector_load %arg11[%swap3A_396, %swap3A_397] {strides = array<i32>} : memref<32x104xf32, #tpu.memory_space<vmem>>, vector<16xf32>,
      tpu.vector_store %arg11[%swap3A_396, %swap3A_397], %get3A_394 {strides = array<i32>} : memref<32x104xf32, #tpu.memory_space<vmem>>, vector<16xf32>,
      %get3A_399 = arith.constant 5 : i32
      %get3A_400 = arith.index_cast %get3A_399 : i32 to index
      %get3A_401 = arith.constant 912 : index
      %get3A_402 = tpu.vector_load %arg9[%get3A_400, %get3A_401] {strides = array<i32>} : memref<32x1024xf32, #tpu.memory_space<vmem>>, vector<16xf32>,
      %swap3A_403 = arith.constant 5 : i32
      %swap3A_404 = arith.index_cast %swap3A_403 : i32 to index
      %swap3A_405 = arith.constant 16 : index
      %swap3A_406 = tpu.vector_load %arg11[%swap3A_404, %swap3A_405] {strides = array<i32>} : memref<32x104xf32, #tpu.memory_space<vmem>>, vector<16xf32>,
      tpu.vector_store %arg11[%swap3A_404, %swap3A_405], %get3A_402 {strides = array<i32>} : memref<32x104xf32, #tpu.memory_space<vmem>>, vector<16xf32>,
      %get3A_407 = arith.constant 5 : i32
      %get3A_408 = arith.index_cast %get3A_407 : i32 to index
      %get3A_409 = arith.constant 928 : index
      %get3A_410 = tpu.vector_load %arg9[%get3A_408, %get3A_409] {strides = array<i32>} : memref<32x1024xf32, #tpu.memory_space<vmem>>, vector<16xf32>,
      %swap3A_411 = arith.constant 5 : i32
      %swap3A_412 = arith.index_cast %swap3A_411 : i32 to index
      %swap3A_413 = arith.constant 32 : index
      %swap3A_414 = tpu.vector_load %arg11[%swap3A_412, %swap3A_413] {strides = array<i32>} : memref<32x104xf32, #tpu.memory_space<vmem>>, vector<16xf32>,
      tpu.vector_store %arg11[%swap3A_412, %swap3A_413], %get3A_410 {strides = array<i32>} : memref<32x104xf32, #tpu.memory_space<vmem>>, vector<16xf32>,
      %get3A_415 = arith.constant 5 : i32
      %get3A_416 = arith.index_cast %get3A_415 : i32 to index
      %get3A_417 = arith.constant 944 : index
      %get3A_418 = tpu.vector_load %arg9[%get3A_416, %get3A_417] {strides = array<i32>} : memref<32x1024xf32, #tpu.memory_space<vmem>>, vector<16xf32>,
      %swap3A_419 = arith.constant 5 : i32
      %swap3A_420 = arith.index_cast %swap3A_419 : i32 to index
      %swap3A_421 = arith.constant 48 : index
      %swap3A_422 = tpu.vector_load %arg11[%swap3A_420, %swap3A_421] {strides = array<i32>} : memref<32x104xf32, #tpu.memory_space<vmem>>, vector<16xf32>,
      tpu.vector_store %arg11[%swap3A_420, %swap3A_421], %get3A_418 {strides = array<i32>} : memref<32x104xf32, #tpu.memory_space<vmem>>, vector<16xf32>,
      %get3A_423 = arith.constant 5 : i32
      %get3A_424 = arith.index_cast %get3A_423 : i32 to index
      %get3A_425 = arith.constant 960 : index
      %get3A_426 = tpu.vector_load %arg9[%get3A_424, %get3A_425] {strides = array<i32>} : memref<32x1024xf32, #tpu.memory_space<vmem>>, vector<16xf32>,
      %swap3A_427 = arith.constant 5 : i32
      %swap3A_428 = arith.index_cast %swap3A_427 : i32 to index
      %swap3A_429 = arith.constant 64 : index
      %swap3A_430 = tpu.vector_load %arg11[%swap3A_428, %swap3A_429] {strides = array<i32>} : memref<32x104xf32, #tpu.memory_space<vmem>>, vector<16xf32>,
      tpu.vector_store %arg11[%swap3A_428, %swap3A_429], %get3A_426 {strides = array<i32>} : memref<32x104xf32, #tpu.memory_space<vmem>>, vector<16xf32>,
      %get3A_431 = arith.constant 5 : i32
      %get3A_432 = arith.index_cast %get3A_431 : i32 to index
      %get3A_433 = arith.constant 976 : index
      %get3A_434 = tpu.vector_load %arg9[%get3A_432, %get3A_433] {strides = array<i32>} : memref<32x1024xf32, #tpu.memory_space<vmem>>, vector<16xf32>,
      %swap3A_435 = arith.constant 5 : i32
      %swap3A_436 = arith.index_cast %swap3A_435 : i32 to index
      %swap3A_437 = arith.constant 80 : index
      %swap3A_438 = tpu.vector_load %arg11[%swap3A_436, %swap3A_437] {strides = array<i32>} : memref<32x104xf32, #tpu.memory_space<vmem>>, vector<16xf32>,
      tpu.vector_store %arg11[%swap3A_436, %swap3A_437], %get3A_434 {strides = array<i32>} : memref<32x104xf32, #tpu.memory_space<vmem>>, vector<16xf32>,
      %get3A_439 = arith.constant 5 : i32
      %get3A_440 = arith.index_cast %get3A_439 : i32 to index
      %get3A_441 = arith.constant 984 : index
      %get3A_442 = tpu.vector_load %arg9[%get3A_440, %get3A_441] {strides = array<i32>} : memref<32x1024xf32, #tpu.memory_space<vmem>>, vector<16xf32>,
      %swap3A_443 = arith.constant 5 : i32
      %swap3A_444 = arith.index_cast %swap3A_443 : i32 to index
      %swap3A_445 = arith.constant 88 : index
      %swap3A_446 = tpu.vector_load %arg11[%swap3A_444, %swap3A_445] {strides = array<i32>} : memref<32x104xf32, #tpu.memory_space<vmem>>, vector<16xf32>,
      tpu.vector_store %arg11[%swap3A_444, %swap3A_445], %get3A_442 {strides = array<i32>} : memref<32x104xf32, #tpu.memory_space<vmem>>, vector<16xf32>,
      %get3A_447 = arith.constant 6 : i32
      %get3A_448 = arith.index_cast %get3A_447 : i32 to index
      %get3A_449 = arith.constant 896 : index
      %get3A_450 = tpu.vector_load %arg9[%get3A_448, %get3A_449] {strides = array<i32>} : memref<32x1024xf32, #tpu.memory_space<vmem>>, vector<16xf32>,
      %swap3A_451 = arith.constant 6 : i32
      %swap3A_452 = arith.index_cast %swap3A_451 : i32 to index
      %swap3A_453 = arith.constant 0 : index
      %swap3A_454 = tpu.vector_load %arg11[%swap3A_452, %swap3A_453] {strides = array<i32>} : memref<32x104xf32, #tpu.memory_space<vmem>>, vector<16xf32>,
      tpu.vector_store %arg11[%swap3A_452, %swap3A_453], %get3A_450 {strides = array<i32>} : memref<32x104xf32, #tpu.memory_space<vmem>>, vector<16xf32>,
      %get3A_455 = arith.constant 6 : i32
      %get3A_456 = arith.index_cast %get3A_455 : i32 to index
      %get3A_457 = arith.constant 912 : index
      %get3A_458 = tpu.vector_load %arg9[%get3A_456, %get3A_457] {strides = array<i32>} : memref<32x1024xf32, #tpu.memory_space<vmem>>, vector<16xf32>,
      %swap3A_459 = arith.constant 6 : i32
      %swap3A_460 = arith.index_cast %swap3A_459 : i32 to index
      %swap3A_461 = arith.constant 16 : index
      %swap3A_462 = tpu.vector_load %arg11[%swap3A_460, %swap3A_461] {strides = array<i32>} : memref<32x104xf32, #tpu.memory_space<vmem>>, vector<16xf32>,
      tpu.vector_store %arg11[%swap3A_460, %swap3A_461], %get3A_458 {strides = array<i32>} : memref<32x104xf32, #tpu.memory_space<vmem>>, vector<16xf32>,
      %get3A_463 = arith.constant 6 : i32
      %get3A_464 = arith.index_cast %get3A_463 : i32 to index
      %get3A_465 = arith.constant 928 : index
      %get3A_466 = tpu.vector_load %arg9[%get3A_464, %get3A_465] {strides = array<i32>} : memref<32x1024xf32, #tpu.memory_space<vmem>>, vector<16xf32>,
      %swap3A_467 = arith.constant 6 : i32
      %swap3A_468 = arith.index_cast %swap3A_467 : i32 to index
      %swap3A_469 = arith.constant 32 : index
      %swap3A_470 = tpu.vector_load %arg11[%swap3A_468, %swap3A_469] {strides = array<i32>} : memref<32x104xf32, #tpu.memory_space<vmem>>, vector<16xf32>,
      tpu.vector_store %arg11[%swap3A_468, %swap3A_469], %get3A_466 {strides = array<i32>} : memref<32x104xf32, #tpu.memory_space<vmem>>, vector<16xf32>,
      %get3A_471 = arith.constant 6 : i32
      %get3A_472 = arith.index_cast %get3A_471 : i32 to index
      %get3A_473 = arith.constant 944 : index
      %get3A_474 = tpu.vector_load %arg9[%get3A_472, %get3A_473] {strides = array<i32>} : memref<32x1024xf32, #tpu.memory_space<vmem>>, vector<16xf32>,
      %swap3A_475 = arith.constant 6 : i32
      %swap3A_476 = arith.index_cast %swap3A_475 : i32 to index
      %swap3A_477 = arith.constant 48 : index
      %swap3A_478 = tpu.vector_load %arg11[%swap3A_476, %swap3A_477] {strides = array<i32>} : memref<32x104xf32, #tpu.memory_space<vmem>>, vector<16xf32>,
      tpu.vector_store %arg11[%swap3A_476, %swap3A_477], %get3A_474 {strides = array<i32>} : memref<32x104xf32, #tpu.memory_space<vmem>>, vector<16xf32>,
      %get3A_479 = arith.constant 6 : i32
      %get3A_480 = arith.index_cast %get3A_479 : i32 to index
      %get3A_481 = arith.constant 960 : index
      %get3A_482 = tpu.vector_load %arg9[%get3A_480, %get3A_481] {strides = array<i32>} : memref<32x1024xf32, #tpu.memory_space<vmem>>, vector<16xf32>,
      %swap3A_483 = arith.constant 6 : i32
      %swap3A_484 = arith.index_cast %swap3A_483 : i32 to index
      %swap3A_485 = arith.constant 64 : index
      %swap3A_486 = tpu.vector_load %arg11[%swap3A_484, %swap3A_485] {strides = array<i32>} : memref<32x104xf32, #tpu.memory_space<vmem>>, vector<16xf32>,
      tpu.vector_store %arg11[%swap3A_484, %swap3A_485], %get3A_482 {strides = array<i32>} : memref<32x104xf32, #tpu.memory_space<vmem>>, vector<16xf32>,
      %get3A_487 = arith.constant 6 : i32
      %get3A_488 = arith.index_cast %get3A_487 : i32 to index
      %get3A_489 = arith.constant 976 : index
      %get3A_490 = tpu.vector_load %arg9[%get3A_488, %get3A_489] {strides = array<i32>} : memref<32x1024xf32, #tpu.memory_space<vmem>>, vector<16xf32>,
      %swap3A_491 = arith.constant 6 : i32
      %swap3A_492 = arith.index_cast %swap3A_491 : i32 to index
      %swap3A_493 = arith.constant 80 : index
      %swap3A_494 = tpu.vector_load %arg11[%swap3A_492, %swap3A_493] {strides = array<i32>} : memref<32x104xf32, #tpu.memory_space<vmem>>, vector<16xf32>,
      tpu.vector_store %arg11[%swap3A_492, %swap3A_493], %get3A_490 {strides = array<i32>} : memref<32x104xf32, #tpu.memory_space<vmem>>, vector<16xf32>,
      %get3A_495 = arith.constant 6 : i32
      %get3A_496 = arith.index_cast %get3A_495 : i32 to index
      %get3A_497 = arith.constant 984 : index
      %get3A_498 = tpu.vector_load %arg9[%get3A_496, %get3A_497] {strides = array<i32>} : memref<32x1024xf32, #tpu.memory_space<vmem>>, vector<16xf32>,
      %swap3A_499 = arith.constant 6 : i32
      %swap3A_500 = arith.index_cast %swap3A_499 : i32 to index
      %swap3A_501 = arith.constant 88 : index
      %swap3A_502 = tpu.vector_load %arg11[%swap3A_500, %swap3A_501] {strides = array<i32>} : memref<32x104xf32, #tpu.memory_space<vmem>>, vector<16xf32>,
      tpu.vector_store %arg11[%swap3A_500, %swap3A_501], %get3A_498 {strides = array<i32>} : memref<32x104xf32, #tpu.memory_space<vmem>>, vector<16xf32>,
      %get3A_503 = arith.constant 7 : i32
      %get3A_504 = arith.index_cast %get3A_503 : i32 to index
      %get3A_505 = arith.constant 896 : index
      %get3A_506 = tpu.vector_load %arg9[%get3A_504, %get3A_505] {strides = array<i32>} : memref<32x1024xf32, #tpu.memory_space<vmem>>, vector<16xf32>,
      %swap3A_507 = arith.constant 7 : i32
      %swap3A_508 = arith.index_cast %swap3A_507 : i32 to index
      %swap3A_509 = arith.constant 0 : index
      %swap3A_510 = tpu.vector_load %arg11[%swap3A_508, %swap3A_509] {strides = array<i32>} : memref<32x104xf32, #tpu.memory_space<vmem>>, vector<16xf32>,
      tpu.vector_store %arg11[%swap3A_508, %swap3A_509], %get3A_506 {strides = array<i32>} : memref<32x104xf32, #tpu.memory_space<vmem>>, vector<16xf32>,
      %get3A_511 = arith.constant 7 : i32
      %get3A_512 = arith.index_cast %get3A_511 : i32 to index
      %get3A_513 = arith.constant 912 : index
      %get3A_514 = tpu.vector_load %arg9[%get3A_512, %get3A_513] {strides = array<i32>} : memref<32x1024xf32, #tpu.memory_space<vmem>>, vector<16xf32>,
      %swap3A_515 = arith.constant 7 : i32
      %swap3A_516 = arith.index_cast %swap3A_515 : i32 to index
      %swap3A_517 = arith.constant 16 : index
      %swap3A_518 = tpu.vector_load %arg11[%swap3A_516, %swap3A_517] {strides = array<i32>} : memref<32x104xf32, #tpu.memory_space<vmem>>, vector<16xf32>,
      tpu.vector_store %arg11[%swap3A_516, %swap3A_517], %get3A_514 {strides = array<i32>} : memref<32x104xf32, #tpu.memory_space<vmem>>, vector<16xf32>,
      %get3A_519 = arith.constant 7 : i32
      %get3A_520 = arith.index_cast %get3A_519 : i32 to index
      %get3A_521 = arith.constant 928 : index
      %get3A_522 = tpu.vector_load %arg9[%get3A_520, %get3A_521] {strides = array<i32>} : memref<32x1024xf32, #tpu.memory_space<vmem>>, vector<16xf32>,
      %swap3A_523 = arith.constant 7 : i32
      %swap3A_524 = arith.index_cast %swap3A_523 : i32 to index
      %swap3A_525 = arith.constant 32 : index
      %swap3A_526 = tpu.vector_load %arg11[%swap3A_524, %swap3A_525] {strides = array<i32>} : memref<32x104xf32, #tpu.memory_space<vmem>>, vector<16xf32>,
      tpu.vector_store %arg11[%swap3A_524, %swap3A_525], %get3A_522 {strides = array<i32>} : memref<32x104xf32, #tpu.memory_space<vmem>>, vector<16xf32>,
      %get3A_527 = arith.constant 7 : i32
      %get3A_528 = arith.index_cast %get3A_527 : i32 to index
      %get3A_529 = arith.constant 944 : index
      %get3A_530 = tpu.vector_load %arg9[%get3A_528, %get3A_529] {strides = array<i32>} : memref<32x1024xf32, #tpu.memory_space<vmem>>, vector<16xf32>,
      %swap3A_531 = arith.constant 7 : i32
      %swap3A_532 = arith.index_cast %swap3A_531 : i32 to index
      %swap3A_533 = arith.constant 48 : index
      %swap3A_534 = tpu.vector_load %arg11[%swap3A_532, %swap3A_533] {strides = array<i32>} : memref<32x104xf32, #tpu.memory_space<vmem>>, vector<16xf32>,
      tpu.vector_store %arg11[%swap3A_532, %swap3A_533], %get3A_530 {strides = array<i32>} : memref<32x104xf32, #tpu.memory_space<vmem>>, vector<16xf32>,
      %get3A_535 = arith.constant 7 : i32
      %get3A_536 = arith.index_cast %get3A_535 : i32 to index
      %get3A_537 = arith.constant 960 : index
      %get3A_538 = tpu.vector_load %arg9[%get3A_536, %get3A_537] {strides = array<i32>} : memref<32x1024xf32, #tpu.memory_space<vmem>>, vector<16xf32>,
      %swap3A_539 = arith.constant 7 : i32
      %swap3A_540 = arith.index_cast %swap3A_539 : i32 to index
      %swap3A_541 = arith.constant 64 : index
      %swap3A_542 = tpu.vector_load %arg11[%swap3A_540, %swap3A_541] {strides = array<i32>} : memref<32x104xf32, #tpu.memory_space<vmem>>, vector<16xf32>,
      tpu.vector_store %arg11[%swap3A_540, %swap3A_541], %get3A_538 {strides = array<i32>} : memref<32x104xf32, #tpu.memory_space<vmem>>, vector<16xf32>,
      %get3A_543 = arith.constant 7 : i32
      %get3A_544 = arith.index_cast %get3A_543 : i32 to index
      %get3A_545 = arith.constant 976 : index
      %get3A_546 = tpu.vector_load %arg9[%get3A_544, %get3A_545] {strides = array<i32>} : memref<32x1024xf32, #tpu.memory_space<vmem>>, vector<16xf32>,
      %swap3A_547 = arith.constant 7 : i32
      %swap3A_548 = arith.index_cast %swap3A_547 : i32 to index
      %swap3A_549 = arith.constant 80 : index
      %swap3A_550 = tpu.vector_load %arg11[%swap3A_548, %swap3A_549] {strides = array<i32>} : memref<32x104xf32, #tpu.memory_space<vmem>>, vector<16xf32>,
      tpu.vector_store %arg11[%swap3A_548, %swap3A_549], %get3A_546 {strides = array<i32>} : memref<32x104xf32, #tpu.memory_space<vmem>>, vector<16xf32>,
      %get3A_551 = arith.constant 7 : i32
      %get3A_552 = arith.index_cast %get3A_551 : i32 to index
      %get3A_553 = arith.constant 984 : index
      %get3A_554 = tpu.vector_load %arg9[%get3A_552, %get3A_553] {strides = array<i32>} : memref<32x1024xf32, #tpu.memory_space<vmem>>, vector<16xf32>,
      %swap3A_555 = arith.constant 7 : i32
      %swap3A_556 = arith.index_cast %swap3A_555 : i32 to index
      %swap3A_557 = arith.constant 88 : index
      %swap3A_558 = tpu.vector_load %arg11[%swap3A_556, %swap3A_557] {strides = array<i32>} : memref<32x104xf32, #tpu.memory_space<vmem>>, vector<16xf32>,
      tpu.vector_store %arg11[%swap3A_556, %swap3A_557], %get3A_554 {strides = array<i32>} : memref<32x104xf32, #tpu.memory_space<vmem>>, vector<16xf32>,
      %get3A_559 = arith.constant 8 : i32
      %get3A_560 = arith.index_cast %get3A_559 : i32 to index
      %get3A_561 = arith.constant 896 : index
      %get3A_562 = tpu.vector_load %arg9[%get3A_560, %get3A_561] {strides = array<i32>} : memref<32x1024xf32, #tpu.memory_space<vmem>>, vector<16xf32>,
      %swap3A_563 = arith.constant 8 : i32
      %swap3A_564 = arith.index_cast %swap3A_563 : i32 to index
      %swap3A_565 = arith.constant 0 : index
      %swap3A_566 = tpu.vector_load %arg11[%swap3A_564, %swap3A_565] {strides = array<i32>} : memref<32x104xf32, #tpu.memory_space<vmem>>, vector<16xf32>,
      tpu.vector_store %arg11[%swap3A_564, %swap3A_565], %get3A_562 {strides = array<i32>} : memref<32x104xf32, #tpu.memory_space<vmem>>, vector<16xf32>,
      %get3A_567 = arith.constant 8 : i32
      %get3A_568 = arith.index_cast %get3A_567 : i32 to index
      %get3A_569 = arith.constant 912 : index
      %get3A_570 = tpu.vector_load %arg9[%get3A_568, %get3A_569] {strides = array<i32>} : memref<32x1024xf32, #tpu.memory_space<vmem>>, vector<16xf32>,
      %swap3A_571 = arith.constant 8 : i32
      %swap3A_572 = arith.index_cast %swap3A_571 : i32 to index
      %swap3A_573 = arith.constant 16 : index
      %swap3A_574 = tpu.vector_load %arg11[%swap3A_572, %swap3A_573] {strides = array<i32>} : memref<32x104xf32, #tpu.memory_space<vmem>>, vector<16xf32>,
      tpu.vector_store %arg11[%swap3A_572, %swap3A_573], %get3A_570 {strides = array<i32>} : memref<32x104xf32, #tpu.memory_space<vmem>>, vector<16xf32>,
      %get3A_575 = arith.constant 8 : i32
      %get3A_576 = arith.index_cast %get3A_575 : i32 to index
      %get3A_577 = arith.constant 928 : index
      %get3A_578 = tpu.vector_load %arg9[%get3A_576, %get3A_577] {strides = array<i32>} : memref<32x1024xf32, #tpu.memory_space<vmem>>, vector<16xf32>,
      %swap3A_579 = arith.constant 8 : i32
      %swap3A_580 = arith.index_cast %swap3A_579 : i32 to index
      %swap3A_581 = arith.constant 32 : index
      %swap3A_582 = tpu.vector_load %arg11[%swap3A_580, %swap3A_581] {strides = array<i32>} : memref<32x104xf32, #tpu.memory_space<vmem>>, vector<16xf32>,
      tpu.vector_store %arg11[%swap3A_580, %swap3A_581], %get3A_578 {strides = array<i32>} : memref<32x104xf32, #tpu.memory_space<vmem>>, vector<16xf32>,
      %get3A_583 = arith.constant 8 : i32
      %get3A_584 = arith.index_cast %get3A_583 : i32 to index
      %get3A_585 = arith.constant 944 : index
      %get3A_586 = tpu.vector_load %arg9[%get3A_584, %get3A_585] {strides = array<i32>} : memref<32x1024xf32, #tpu.memory_space<vmem>>, vector<16xf32>,
      %swap3A_587 = arith.constant 8 : i32
      %swap3A_588 = arith.index_cast %swap3A_587 : i32 to index
      %swap3A_589 = arith.constant 48 : index
      %swap3A_590 = tpu.vector_load %arg11[%swap3A_588, %swap3A_589] {strides = array<i32>} : memref<32x104xf32, #tpu.memory_space<vmem>>, vector<16xf32>,
      tpu.vector_store %arg11[%swap3A_588, %swap3A_589], %get3A_586 {strides = array<i32>} : memref<32x104xf32, #tpu.memory_space<vmem>>, vector<16xf32>,
      %get3A_591 = arith.constant 8 : i32
      %get3A_592 = arith.index_cast %get3A_591 : i32 to index
      %get3A_593 = arith.constant 960 : index
      %get3A_594 = tpu.vector_load %arg9[%get3A_592, %get3A_593] {strides = array<i32>} : memref<32x1024xf32, #tpu.memory_space<vmem>>, vector<16xf32>,
      %swap3A_595 = arith.constant 8 : i32
      %swap3A_596 = arith.index_cast %swap3A_595 : i32 to index
      %swap3A_597 = arith.constant 64 : index
      %swap3A_598 = tpu.vector_load %arg11[%swap3A_596, %swap3A_597] {strides = array<i32>} : memref<32x104xf32, #tpu.memory_space<vmem>>, vector<16xf32>,
      tpu.vector_store %arg11[%swap3A_596, %swap3A_597], %get3A_594 {strides = array<i32>} : memref<32x104xf32, #tpu.memory_space<vmem>>, vector<16xf32>,
      %get3A_599 = arith.constant 8 : i32
      %get3A_600 = arith.index_cast %get3A_599 : i32 to index
      %get3A_601 = arith.constant 976 : index
      %get3A_602 = tpu.vector_load %arg9[%get3A_600, %get3A_601] {strides = array<i32>} : memref<32x1024xf32, #tpu.memory_space<vmem>>, vector<16xf32>,
      %swap3A_603 = arith.constant 8 : i32
      %swap3A_604 = arith.index_cast %swap3A_603 : i32 to index
      %swap3A_605 = arith.constant 80 : index
      %swap3A_606 = tpu.vector_load %arg11[%swap3A_604, %swap3A_605] {strides = array<i32>} : memref<32x104xf32, #tpu.memory_space<vmem>>, vector<16xf32>,
      tpu.vector_store %arg11[%swap3A_604, %swap3A_605], %get3A_602 {strides = array<i32>} : memref<32x104xf32, #tpu.memory_space<vmem>>, vector<16xf32>,
      %get3A_607 = arith.constant 8 : i32
      %get3A_608 = arith.index_cast %get3A_607 : i32 to index
      %get3A_609 = arith.constant 984 : index
      %get3A_610 = tpu.vector_load %arg9[%get3A_608, %get3A_609] {strides = array<i32>} : memref<32x1024xf32, #tpu.memory_space<vmem>>, vector<16xf32>,
      %swap3A_611 = arith.constant 8 : i32
      %swap3A_612 = arith.index_cast %swap3A_611 : i32 to index
      %swap3A_613 = arith.constant 88 : index
      %swap3A_614 = tpu.vector_load %arg11[%swap3A_612, %swap3A_613] {strides = array<i32>} : memref<32x104xf32, #tpu.memory_space<vmem>>, vector<16xf32>,
      tpu.vector_store %arg11[%swap3A_612, %swap3A_613], %get3A_610 {strides = array<i32>} : memref<32x104xf32, #tpu.memory_space<vmem>>, vector<16xf32>,
      %get3A_615 = arith.constant 9 : i32
      %get3A_616 = arith.index_cast %get3A_615 : i32 to index
      %get3A_617 = arith.constant 896 : index
      %get3A_618 = tpu.vector_load %arg9[%get3A_616, %get3A_617] {strides = array<i32>} : memref<32x1024xf32, #tpu.memory_space<vmem>>, vector<16xf32>,
      %swap3A_619 = arith.constant 9 : i32
      %swap3A_620 = arith.index_cast %swap3A_619 : i32 to index
      %swap3A_621 = arith.constant 0 : index
      %swap3A_622 = tpu.vector_load %arg11[%swap3A_620, %swap3A_621] {strides = array<i32>} : memref<32x104xf32, #tpu.memory_space<vmem>>, vector<16xf32>,
      tpu.vector_store %arg11[%swap3A_620, %swap3A_621], %get3A_618 {strides = array<i32>} : memref<32x104xf32, #tpu.memory_space<vmem>>, vector<16xf32>,
      %get3A_623 = arith.constant 9 : i32
      %get3A_624 = arith.index_cast %get3A_623 : i32 to index
      %get3A_625 = arith.constant 912 : index
      %get3A_626 = tpu.vector_load %arg9[%get3A_624, %get3A_625] {strides = array<i32>} : memref<32x1024xf32, #tpu.memory_space<vmem>>, vector<16xf32>,
      %swap3A_627 = arith.constant 9 : i32
      %swap3A_628 = arith.index_cast %swap3A_627 : i32 to index
      %swap3A_629 = arith.constant 16 : index
      %swap3A_630 = tpu.vector_load %arg11[%swap3A_628, %swap3A_629] {strides = array<i32>} : memref<32x104xf32, #tpu.memory_space<vmem>>, vector<16xf32>,
      tpu.vector_store %arg11[%swap3A_628, %swap3A_629], %get3A_626 {strides = array<i32>} : memref<32x104xf32, #tpu.memory_space<vmem>>, vector<16xf32>,
      %get3A_631 = arith.constant 9 : i32
      %get3A_632 = arith.index_cast %get3A_631 : i32 to index
      %get3A_633 = arith.constant 928 : index
      %get3A_634 = tpu.vector_load %arg9[%get3A_632, %get3A_633] {strides = array<i32>} : memref<32x1024xf32, #tpu.memory_space<vmem>>, vector<16xf32>,
      %swap3A_635 = arith.constant 9 : i32
      %swap3A_636 = arith.index_cast %swap3A_635 : i32 to index
      %swap3A_637 = arith.constant 32 : index
      %swap3A_638 = tpu.vector_load %arg11[%swap3A_636, %swap3A_637] {strides = array<i32>} : memref<32x104xf32, #tpu.memory_space<vmem>>, vector<16xf32>,
      tpu.vector_store %arg11[%swap3A_636, %swap3A_637], %get3A_634 {strides = array<i32>} : memref<32x104xf32, #tpu.memory_space<vmem>>, vector<16xf32>,
      %get3A_639 = arith.constant 9 : i32
      %get3A_640 = arith.index_cast %get3A_639 : i32 to index
      %get3A_641 = arith.constant 944 : index
      %get3A_642 = tpu.vector_load %arg9[%get3A_640, %get3A_641] {strides = array<i32>} : memref<32x1024xf32, #tpu.memory_space<vmem>>, vector<16xf32>,
      %swap3A_643 = arith.constant 9 : i32
      %swap3A_644 = arith.index_cast %swap3A_643 : i32 to index
      %swap3A_645 = arith.constant 48 : index
      %swap3A_646 = tpu.vector_load %arg11[%swap3A_644, %swap3A_645] {strides = array<i32>} : memref<32x104xf32, #tpu.memory_space<vmem>>, vector<16xf32>,
      tpu.vector_store %arg11[%swap3A_644, %swap3A_645], %get3A_642 {strides = array<i32>} : memref<32x104xf32, #tpu.memory_space<vmem>>, vector<16xf32>,
      %get3A_647 = arith.constant 9 : i32
      %get3A_648 = arith.index_cast %get3A_647 : i32 to index
      %get3A_649 = arith.constant 960 : index
      %get3A_650 = tpu.vector_load %arg9[%get3A_648, %get3A_649] {strides = array<i32>} : memref<32x1024xf32, #tpu.memory_space<vmem>>, vector<16xf32>,
      %swap3A_651 = arith.constant 9 : i32
      %swap3A_652 = arith.index_cast %swap3A_651 : i32 to index
      %swap3A_653 = arith.constant 64 : index
      %swap3A_654 = tpu.vector_load %arg11[%swap3A_652, %swap3A_653] {strides = array<i32>} : memref<32x104xf32, #tpu.memory_space<vmem>>, vector<16xf32>,
      tpu.vector_store %arg11[%swap3A_652, %swap3A_653], %get3A_650 {strides = array<i32>} : memref<32x104xf32, #tpu.memory_space<vmem>>, vector<16xf32>,
      %get3A_655 = arith.constant 9 : i32
      %get3A_656 = arith.index_cast %get3A_655 : i32 to index
      %get3A_657 = arith.constant 976 : index
      %get3A_658 = tpu.vector_load %arg9[%get3A_656, %get3A_657] {strides = array<i32>} : memref<32x1024xf32, #tpu.memory_space<vmem>>, vector<16xf32>,
      %swap3A_659 = arith.constant 9 : i32
      %swap3A_660 = arith.index_cast %swap3A_659 : i32 to index
      %swap3A_661 = arith.constant 80 : index
      %swap3A_662 = tpu.vector_load %arg11[%swap3A_660, %swap3A_661] {strides = array<i32>} : memref<32x104xf32, #tpu.memory_space<vmem>>, vector<16xf32>,
      tpu.vector_store %arg11[%swap3A_660, %swap3A_661], %get3A_658 {strides = array<i32>} : memref<32x104xf32, #tpu.memory_space<vmem>>, vector<16xf32>,
      %get3A_663 = arith.constant 9 : i32
      %get3A_664 = arith.index_cast %get3A_663 : i32 to index
      %get3A_665 = arith.constant 984 : index
      %get3A_666 = tpu.vector_load %arg9[%get3A_664, %get3A_665] {strides = array<i32>} : memref<32x1024xf32, #tpu.memory_space<vmem>>, vector<16xf32>,
      %swap3A_667 = arith.constant 9 : i32
      %swap3A_668 = arith.index_cast %swap3A_667 : i32 to index
      %swap3A_669 = arith.constant 88 : index
      %swap3A_670 = tpu.vector_load %arg11[%swap3A_668, %swap3A_669] {strides = array<i32>} : memref<32x104xf32, #tpu.memory_space<vmem>>, vector<16xf32>,
      tpu.vector_store %arg11[%swap3A_668, %swap3A_669], %get3A_666 {strides = array<i32>} : memref<32x104xf32, #tpu.memory_space<vmem>>, vector<16xf32>,
      %get3A_671 = arith.constant 10 : i32
      %get3A_672 = arith.index_cast %get3A_671 : i32 to index
      %get3A_673 = arith.constant 896 : index
      %get3A_674 = tpu.vector_load %arg9[%get3A_672, %get3A_673] {strides = array<i32>} : memref<32x1024xf32, #tpu.memory_space<vmem>>, vector<16xf32>,
      %swap3A_675 = arith.constant 10 : i32
      %swap3A_676 = arith.index_cast %swap3A_675 : i32 to index
      %swap3A_677 = arith.constant 0 : index
      %swap3A_678 = tpu.vector_load %arg11[%swap3A_676, %swap3A_677] {strides = array<i32>} : memref<32x104xf32, #tpu.memory_space<vmem>>, vector<16xf32>,
      tpu.vector_store %arg11[%swap3A_676, %swap3A_677], %get3A_674 {strides = array<i32>} : memref<32x104xf32, #tpu.memory_space<vmem>>, vector<16xf32>,
      %get3A_679 = arith.constant 10 : i32
      %get3A_680 = arith.index_cast %get3A_679 : i32 to index
      %get3A_681 = arith.constant 912 : index
      %get3A_682 = tpu.vector_load %arg9[%get3A_680, %get3A_681] {strides = array<i32>} : memref<32x1024xf32, #tpu.memory_space<vmem>>, vector<16xf32>,
      %swap3A_683 = arith.constant 10 : i32
      %swap3A_684 = arith.index_cast %swap3A_683 : i32 to index
      %swap3A_685 = arith.constant 16 : index
      %swap3A_686 = tpu.vector_load %arg11[%swap3A_684, %swap3A_685] {strides = array<i32>} : memref<32x104xf32, #tpu.memory_space<vmem>>, vector<16xf32>,
      tpu.vector_store %arg11[%swap3A_684, %swap3A_685], %get3A_682 {strides = array<i32>} : memref<32x104xf32, #tpu.memory_space<vmem>>, vector<16xf32>,
      %get3A_687 = arith.constant 10 : i32
      %get3A_688 = arith.index_cast %get3A_687 : i32 to index
      %get3A_689 = arith.constant 928 : index
      %get3A_690 = tpu.vector_load %arg9[%get3A_688, %get3A_689] {strides = array<i32>} : memref<32x1024xf32, #tpu.memory_space<vmem>>, vector<16xf32>,
      %swap3A_691 = arith.constant 10 : i32
      %swap3A_692 = arith.index_cast %swap3A_691 : i32 to index
      %swap3A_693 = arith.constant 32 : index
      %swap3A_694 = tpu.vector_load %arg11[%swap3A_692, %swap3A_693] {strides = array<i32>} : memref<32x104xf32, #tpu.memory_space<vmem>>, vector<16xf32>,
      tpu.vector_store %arg11[%swap3A_692, %swap3A_693], %get3A_690 {strides = array<i32>} : memref<32x104xf32, #tpu.memory_space<vmem>>, vector<16xf32>,
      %get3A_695 = arith.constant 10 : i32
      %get3A_696 = arith.index_cast %get3A_695 : i32 to index
      %get3A_697 = arith.constant 944 : index
      %get3A_698 = tpu.vector_load %arg9[%get3A_696, %get3A_697] {strides = array<i32>} : memref<32x1024xf32, #tpu.memory_space<vmem>>, vector<16xf32>,
      %swap3A_699 = arith.constant 10 : i32
      %swap3A_700 = arith.index_cast %swap3A_699 : i32 to index
      %swap3A_701 = arith.constant 48 : index
      %swap3A_702 = tpu.vector_load %arg11[%swap3A_700, %swap3A_701] {strides = array<i32>} : memref<32x104xf32, #tpu.memory_space<vmem>>, vector<16xf32>,
      tpu.vector_store %arg11[%swap3A_700, %swap3A_701], %get3A_698 {strides = array<i32>} : memref<32x104xf32, #tpu.memory_space<vmem>>, vector<16xf32>,
      %get3A_703 = arith.constant 10 : i32
      %get3A_704 = arith.index_cast %get3A_703 : i32 to index
      %get3A_705 = arith.constant 960 : index
      %get3A_706 = tpu.vector_load %arg9[%get3A_704, %get3A_705] {strides = array<i32>} : memref<32x1024xf32, #tpu.memory_space<vmem>>, vector<16xf32>,
      %swap3A_707 = arith.constant 10 : i32
      %swap3A_708 = arith.index_cast %swap3A_707 : i32 to index
      %swap3A_709 = arith.constant 64 : index
      %swap3A_710 = tpu.vector_load %arg11[%swap3A_708, %swap3A_709] {strides = array<i32>} : memref<32x104xf32, #tpu.memory_space<vmem>>, vector<16xf32>,
      tpu.vector_store %arg11[%swap3A_708, %swap3A_709], %get3A_706 {strides = array<i32>} : memref<32x104xf32, #tpu.memory_space<vmem>>, vector<16xf32>,
      %get3A_711 = arith.constant 10 : i32
      %get3A_712 = arith.index_cast %get3A_711 : i32 to index
      %get3A_713 = arith.constant 976 : index
      %get3A_714 = tpu.vector_load %arg9[%get3A_712, %get3A_713] {strides = array<i32>} : memref<32x1024xf32, #tpu.memory_space<vmem>>, vector<16xf32>,
      %swap3A_715 = arith.constant 10 : i32
      %swap3A_716 = arith.index_cast %swap3A_715 : i32 to index
      %swap3A_717 = arith.constant 80 : index
      %swap3A_718 = tpu.vector_load %arg11[%swap3A_716, %swap3A_717] {strides = array<i32>} : memref<32x104xf32, #tpu.memory_space<vmem>>, vector<16xf32>,
      tpu.vector_store %arg11[%swap3A_716, %swap3A_717], %get3A_714 {strides = array<i32>} : memref<32x104xf32, #tpu.memory_space<vmem>>, vector<16xf32>,
      %get3A_719 = arith.constant 10 : i32
      %get3A_720 = arith.index_cast %get3A_719 : i32 to index
      %get3A_721 = arith.constant 984 : index
      %get3A_722 = tpu.vector_load %arg9[%get3A_720, %get3A_721] {strides = array<i32>} : memref<32x1024xf32, #tpu.memory_space<vmem>>, vector<16xf32>,
      %swap3A_723 = arith.constant 10 : i32
      %swap3A_724 = arith.index_cast %swap3A_723 : i32 to index
      %swap3A_725 = arith.constant 88 : index
      %swap3A_726 = tpu.vector_load %arg11[%swap3A_724, %swap3A_725] {strides = array<i32>} : memref<32x104xf32, #tpu.memory_space<vmem>>, vector<16xf32>,
      tpu.vector_store %arg11[%swap3A_724, %swap3A_725], %get3A_722 {strides = array<i32>} : memref<32x104xf32, #tpu.memory_space<vmem>>, vector<16xf32>,
      %get3A_727 = arith.constant 11 : i32
      %get3A_728 = arith.index_cast %get3A_727 : i32 to index
      %get3A_729 = arith.constant 896 : index
      %get3A_730 = tpu.vector_load %arg9[%get3A_728, %get3A_729] {strides = array<i32>} : memref<32x1024xf32, #tpu.memory_space<vmem>>, vector<16xf32>,
      %swap3A_731 = arith.constant 11 : i32
      %swap3A_732 = arith.index_cast %swap3A_731 : i32 to index
      %swap3A_733 = arith.constant 0 : index
      %swap3A_734 = tpu.vector_load %arg11[%swap3A_732, %swap3A_733] {strides = array<i32>} : memref<32x104xf32, #tpu.memory_space<vmem>>, vector<16xf32>,
      tpu.vector_store %arg11[%swap3A_732, %swap3A_733], %get3A_730 {strides = array<i32>} : memref<32x104xf32, #tpu.memory_space<vmem>>, vector<16xf32>,
      %get3A_735 = arith.constant 11 : i32
      %get3A_736 = arith.index_cast %get3A_735 : i32 to index
      %get3A_737 = arith.constant 912 : index
      %get3A_738 = tpu.vector_load %arg9[%get3A_736, %get3A_737] {strides = array<i32>} : memref<32x1024xf32, #tpu.memory_space<vmem>>, vector<16xf32>,
      %swap3A_739 = arith.constant 11 : i32
      %swap3A_740 = arith.index_cast %swap3A_739 : i32 to index
      %swap3A_741 = arith.constant 16 : index
      %swap3A_742 = tpu.vector_load %arg11[%swap3A_740, %swap3A_741] {strides = array<i32>} : memref<32x104xf32, #tpu.memory_space<vmem>>, vector<16xf32>,
      tpu.vector_store %arg11[%swap3A_740, %swap3A_741], %get3A_738 {strides = array<i32>} : memref<32x104xf32, #tpu.memory_space<vmem>>, vector<16xf32>,
      %get3A_743 = arith.constant 11 : i32
      %get3A_744 = arith.index_cast %get3A_743 : i32 to index
      %get3A_745 = arith.constant 928 : index
      %get3A_746 = tpu.vector_load %arg9[%get3A_744, %get3A_745] {strides = array<i32>} : memref<32x1024xf32, #tpu.memory_space<vmem>>, vector<16xf32>,
      %swap3A_747 = arith.constant 11 : i32
      %swap3A_748 = arith.index_cast %swap3A_747 : i32 to index
      %swap3A_749 = arith.constant 32 : index
      %swap3A_750 = tpu.vector_load %arg11[%swap3A_748, %swap3A_749] {strides = array<i32>} : memref<32x104xf32, #tpu.memory_space<vmem>>, vector<16xf32>,
      tpu.vector_store %arg11[%swap3A_748, %swap3A_749], %get3A_746 {strides = array<i32>} : memref<32x104xf32, #tpu.memory_space<vmem>>, vector<16xf32>,
      %get3A_751 = arith.constant 11 : i32
      %get3A_752 = arith.index_cast %get3A_751 : i32 to index
      %get3A_753 = arith.constant 944 : index
      %get3A_754 = tpu.vector_load %arg9[%get3A_752, %get3A_753] {strides = array<i32>} : memref<32x1024xf32, #tpu.memory_space<vmem>>, vector<16xf32>,
      %swap3A_755 = arith.constant 11 : i32
      %swap3A_756 = arith.index_cast %swap3A_755 : i32 to index
      %swap3A_757 = arith.constant 48 : index
      %swap3A_758 = tpu.vector_load %arg11[%swap3A_756, %swap3A_757] {strides = array<i32>} : memref<32x104xf32, #tpu.memory_space<vmem>>, vector<16xf32>,
      tpu.vector_store %arg11[%swap3A_756, %swap3A_757], %get3A_754 {strides = array<i32>} : memref<32x104xf32, #tpu.memory_space<vmem>>, vector<16xf32>,
      %get3A_759 = arith.constant 11 : i32
      %get3A_760 = arith.index_cast %get3A_759 : i32 to index
      %get3A_761 = arith.constant 960 : index
      %get3A_762 = tpu.vector_load %arg9[%get3A_760, %get3A_761] {strides = array<i32>} : memref<32x1024xf32, #tpu.memory_space<vmem>>, vector<16xf32>,
      %swap3A_763 = arith.constant 11 : i32
      %swap3A_764 = arith.index_cast %swap3A_763 : i32 to index
      %swap3A_765 = arith.constant 64 : index
      %swap3A_766 = tpu.vector_load %arg11[%swap3A_764, %swap3A_765] {strides = array<i32>} : memref<32x104xf32, #tpu.memory_space<vmem>>, vector<16xf32>,
      tpu.vector_store %arg11[%swap3A_764, %swap3A_765], %get3A_762 {strides = array<i32>} : memref<32x104xf32, #tpu.memory_space<vmem>>, vector<16xf32>,
      %get3A_767 = arith.constant 11 : i32
      %get3A_768 = arith.index_cast %get3A_767 : i32 to index
      %get3A_769 = arith.constant 976 : index
      %get3A_770 = tpu.vector_load %arg9[%get3A_768, %get3A_769] {strides = array<i32>} : memref<32x1024xf32, #tpu.memory_space<vmem>>, vector<16xf32>,
      %swap3A_771 = arith.constant 11 : i32
      %swap3A_772 = arith.index_cast %swap3A_771 : i32 to index
      %swap3A_773 = arith.constant 80 : index
      %swap3A_774 = tpu.vector_load %arg11[%swap3A_772, %swap3A_773] {strides = array<i32>} : memref<32x104xf32, #tpu.memory_space<vmem>>, vector<16xf32>,
      tpu.vector_store %arg11[%swap3A_772, %swap3A_773], %get3A_770 {strides = array<i32>} : memref<32x104xf32, #tpu.memory_space<vmem>>, vector<16xf32>,
      %get3A_775 = arith.constant 11 : i32
      %get3A_776 = arith.index_cast %get3A_775 : i32 to index
      %get3A_777 = arith.constant 984 : index
      %get3A_778 = tpu.vector_load %arg9[%get3A_776, %get3A_777] {strides = array<i32>} : memref<32x1024xf32, #tpu.memory_space<vmem>>, vector<16xf32>,
      %swap3A_779 = arith.constant 11 : i32
      %swap3A_780 = arith.index_cast %swap3A_779 : i32 to index
      %swap3A_781 = arith.constant 88 : index
      %swap3A_782 = tpu.vector_load %arg11[%swap3A_780, %swap3A_781] {strides = array<i32>} : memref<32x104xf32, #tpu.memory_space<vmem>>, vector<16xf32>,
      tpu.vector_store %arg11[%swap3A_780, %swap3A_781], %get3A_778 {strides = array<i32>} : memref<32x104xf32, #tpu.memory_space<vmem>>, vector<16xf32>,
      %get3A_783 = arith.constant 12 : i32
      %get3A_784 = arith.index_cast %get3A_783 : i32 to index
      %get3A_785 = arith.constant 896 : index
      %get3A_786 = tpu.vector_load %arg9[%get3A_784, %get3A_785] {strides = array<i32>} : memref<32x1024xf32, #tpu.memory_space<vmem>>, vector<16xf32>,
      %swap3A_787 = arith.constant 12 : i32
      %swap3A_788 = arith.index_cast %swap3A_787 : i32 to index
      %swap3A_789 = arith.constant 0 : index
      %swap3A_790 = tpu.vector_load %arg11[%swap3A_788, %swap3A_789] {strides = array<i32>} : memref<32x104xf32, #tpu.memory_space<vmem>>, vector<16xf32>,
      tpu.vector_store %arg11[%swap3A_788, %swap3A_789], %get3A_786 {strides = array<i32>} : memref<32x104xf32, #tpu.memory_space<vmem>>, vector<16xf32>,
      %get3A_791 = arith.constant 12 : i32
      %get3A_792 = arith.index_cast %get3A_791 : i32 to index
      %get3A_793 = arith.constant 912 : index
      %get3A_794 = tpu.vector_load %arg9[%get3A_792, %get3A_793] {strides = array<i32>} : memref<32x1024xf32, #tpu.memory_space<vmem>>, vector<16xf32>,
      %swap3A_795 = arith.constant 12 : i32
      %swap3A_796 = arith.index_cast %swap3A_795 : i32 to index
      %swap3A_797 = arith.constant 16 : index
      %swap3A_798 = tpu.vector_load %arg11[%swap3A_796, %swap3A_797] {strides = array<i32>} : memref<32x104xf32, #tpu.memory_space<vmem>>, vector<16xf32>,
      tpu.vector_store %arg11[%swap3A_796, %swap3A_797], %get3A_794 {strides = array<i32>} : memref<32x104xf32, #tpu.memory_space<vmem>>, vector<16xf32>,
      %get3A_799 = arith.constant 12 : i32
      %get3A_800 = arith.index_cast %get3A_799 : i32 to index
      %get3A_801 = arith.constant 928 : index
      %get3A_802 = tpu.vector_load %arg9[%get3A_800, %get3A_801] {strides = array<i32>} : memref<32x1024xf32, #tpu.memory_space<vmem>>, vector<16xf32>,
      %swap3A_803 = arith.constant 12 : i32
      %swap3A_804 = arith.index_cast %swap3A_803 : i32 to index
      %swap3A_805 = arith.constant 32 : index
      %swap3A_806 = tpu.vector_load %arg11[%swap3A_804, %swap3A_805] {strides = array<i32>} : memref<32x104xf32, #tpu.memory_space<vmem>>, vector<16xf32>,
      tpu.vector_store %arg11[%swap3A_804, %swap3A_805], %get3A_802 {strides = array<i32>} : memref<32x104xf32, #tpu.memory_space<vmem>>, vector<16xf32>,
      %get3A_807 = arith.constant 12 : i32
      %get3A_808 = arith.index_cast %get3A_807 : i32 to index
      %get3A_809 = arith.constant 944 : index
      %get3A_810 = tpu.vector_load %arg9[%get3A_808, %get3A_809] {strides = array<i32>} : memref<32x1024xf32, #tpu.memory_space<vmem>>, vector<16xf32>,
      %swap3A_811 = arith.constant 12 : i32
      %swap3A_812 = arith.index_cast %swap3A_811 : i32 to index
      %swap3A_813 = arith.constant 48 : index
      %swap3A_814 = tpu.vector_load %arg11[%swap3A_812, %swap3A_813] {strides = array<i32>} : memref<32x104xf32, #tpu.memory_space<vmem>>, vector<16xf32>,
      tpu.vector_store %arg11[%swap3A_812, %swap3A_813], %get3A_810 {strides = array<i32>} : memref<32x104xf32, #tpu.memory_space<vmem>>, vector<16xf32>,
      %get3A_815 = arith.constant 12 : i32
      %get3A_816 = arith.index_cast %get3A_815 : i32 to index
      %get3A_817 = arith.constant 960 : index
      %get3A_818 = tpu.vector_load %arg9[%get3A_816, %get3A_817] {strides = array<i32>} : memref<32x1024xf32, #tpu.memory_space<vmem>>, vector<16xf32>,
      %swap3A_819 = arith.constant 12 : i32
      %swap3A_820 = arith.index_cast %swap3A_819 : i32 to index
      %swap3A_821 = arith.constant 64 : index
      %swap3A_822 = tpu.vector_load %arg11[%swap3A_820, %swap3A_821] {strides = array<i32>} : memref<32x104xf32, #tpu.memory_space<vmem>>, vector<16xf32>,
      tpu.vector_store %arg11[%swap3A_820, %swap3A_821], %get3A_818 {strides = array<i32>} : memref<32x104xf32, #tpu.memory_space<vmem>>, vector<16xf32>,
      %get3A_823 = arith.constant 12 : i32
      %get3A_824 = arith.index_cast %get3A_823 : i32 to index
      %get3A_825 = arith.constant 976 : index
      %get3A_826 = tpu.vector_load %arg9[%get3A_824, %get3A_825] {strides = array<i32>} : memref<32x1024xf32, #tpu.memory_space<vmem>>, vector<16xf32>,
      %swap3A_827 = arith.constant 12 : i32
      %swap3A_828 = arith.index_cast %swap3A_827 : i32 to index
      %swap3A_829 = arith.constant 80 : index
      %swap3A_830 = tpu.vector_load %arg11[%swap3A_828, %swap3A_829] {strides = array<i32>} : memref<32x104xf32, #tpu.memory_space<vmem>>, vector<16xf32>,
      tpu.vector_store %arg11[%swap3A_828, %swap3A_829], %get3A_826 {strides = array<i32>} : memref<32x104xf32, #tpu.memory_space<vmem>>, vector<16xf32>,
      %get3A_831 = arith.constant 12 : i32
      %get3A_832 = arith.index_cast %get3A_831 : i32 to index
      %get3A_833 = arith.constant 984 : index
      %get3A_834 = tpu.vector_load %arg9[%get3A_832, %get3A_833] {strides = array<i32>} : memref<32x1024xf32, #tpu.memory_space<vmem>>, vector<16xf32>,
      %swap3A_835 = arith.constant 12 : i32
      %swap3A_836 = arith.index_cast %swap3A_835 : i32 to index
      %swap3A_837 = arith.constant 88 : index
      %swap3A_838 = tpu.vector_load %arg11[%swap3A_836, %swap3A_837] {strides = array<i32>} : memref<32x104xf32, #tpu.memory_space<vmem>>, vector<16xf32>,
      tpu.vector_store %arg11[%swap3A_836, %swap3A_837], %get3A_834 {strides = array<i32>} : memref<32x104xf32, #tpu.memory_space<vmem>>, vector<16xf32>,
      %get3A_839 = arith.constant 13 : i32
      %get3A_840 = arith.index_cast %get3A_839 : i32 to index
      %get3A_841 = arith.constant 896 : index
      %get3A_842 = tpu.vector_load %arg9[%get3A_840, %get3A_841] {strides = array<i32>} : memref<32x1024xf32, #tpu.memory_space<vmem>>, vector<16xf32>,
      %swap3A_843 = arith.constant 13 : i32
      %swap3A_844 = arith.index_cast %swap3A_843 : i32 to index
      %swap3A_845 = arith.constant 0 : index
      %swap3A_846 = tpu.vector_load %arg11[%swap3A_844, %swap3A_845] {strides = array<i32>} : memref<32x104xf32, #tpu.memory_space<vmem>>, vector<16xf32>,
      tpu.vector_store %arg11[%swap3A_844, %swap3A_845], %get3A_842 {strides = array<i32>} : memref<32x104xf32, #tpu.memory_space<vmem>>, vector<16xf32>,
      %get3A_847 = arith.constant 13 : i32
      %get3A_848 = arith.index_cast %get3A_847 : i32 to index
      %get3A_849 = arith.constant 912 : index
      %get3A_850 = tpu.vector_load %arg9[%get3A_848, %get3A_849] {strides = array<i32>} : memref<32x1024xf32, #tpu.memory_space<vmem>>, vector<16xf32>,
      %swap3A_851 = arith.constant 13 : i32
      %swap3A_852 = arith.index_cast %swap3A_851 : i32 to index
      %swap3A_853 = arith.constant 16 : index
      %swap3A_854 = tpu.vector_load %arg11[%swap3A_852, %swap3A_853] {strides = array<i32>} : memref<32x104xf32, #tpu.memory_space<vmem>>, vector<16xf32>,
      tpu.vector_store %arg11[%swap3A_852, %swap3A_853], %get3A_850 {strides = array<i32>} : memref<32x104xf32, #tpu.memory_space<vmem>>, vector<16xf32>,
      %get3A_855 = arith.constant 13 : i32
      %get3A_856 = arith.index_cast %get3A_855 : i32 to index
      %get3A_857 = arith.constant 928 : index
      %get3A_858 = tpu.vector_load %arg9[%get3A_856, %get3A_857] {strides = array<i32>} : memref<32x1024xf32, #tpu.memory_space<vmem>>, vector<16xf32>,
      %swap3A_859 = arith.constant 13 : i32
      %swap3A_860 = arith.index_cast %swap3A_859 : i32 to index
      %swap3A_861 = arith.constant 32 : index
      %swap3A_862 = tpu.vector_load %arg11[%swap3A_860, %swap3A_861] {strides = array<i32>} : memref<32x104xf32, #tpu.memory_space<vmem>>, vector<16xf32>,
      tpu.vector_store %arg11[%swap3A_860, %swap3A_861], %get3A_858 {strides = array<i32>} : memref<32x104xf32, #tpu.memory_space<vmem>>, vector<16xf32>,
      %get3A_863 = arith.constant 13 : i32
      %get3A_864 = arith.index_cast %get3A_863 : i32 to index
      %get3A_865 = arith.constant 944 : index
      %get3A_866 = tpu.vector_load %arg9[%get3A_864, %get3A_865] {strides = array<i32>} : memref<32x1024xf32, #tpu.memory_space<vmem>>, vector<16xf32>,
      %swap3A_867 = arith.constant 13 : i32
      %swap3A_868 = arith.index_cast %swap3A_867 : i32 to index
      %swap3A_869 = arith.constant 48 : index
      %swap3A_870 = tpu.vector_load %arg11[%swap3A_868, %swap3A_869] {strides = array<i32>} : memref<32x104xf32, #tpu.memory_space<vmem>>, vector<16xf32>,
      tpu.vector_store %arg11[%swap3A_868, %swap3A_869], %get3A_866 {strides = array<i32>} : memref<32x104xf32, #tpu.memory_space<vmem>>, vector<16xf32>,
      %get3A_871 = arith.constant 13 : i32
      %get3A_872 = arith.index_cast %get3A_871 : i32 to index
      %get3A_873 = arith.constant 960 : index
      %get3A_874 = tpu.vector_load %arg9[%get3A_872, %get3A_873] {strides = array<i32>} : memref<32x1024xf32, #tpu.memory_space<vmem>>, vector<16xf32>,
      %swap3A_875 = arith.constant 13 : i32
      %swap3A_876 = arith.index_cast %swap3A_875 : i32 to index
      %swap3A_877 = arith.constant 64 : index
      %swap3A_878 = tpu.vector_load %arg11[%swap3A_876, %swap3A_877] {strides = array<i32>} : memref<32x104xf32, #tpu.memory_space<vmem>>, vector<16xf32>,
      tpu.vector_store %arg11[%swap3A_876, %swap3A_877], %get3A_874 {strides = array<i32>} : memref<32x104xf32, #tpu.memory_space<vmem>>, vector<16xf32>,
      %get3A_879 = arith.constant 13 : i32
      %get3A_880 = arith.index_cast %get3A_879 : i32 to index
      %get3A_881 = arith.constant 976 : index
      %get3A_882 = tpu.vector_load %arg9[%get3A_880, %get3A_881] {strides = array<i32>} : memref<32x1024xf32, #tpu.memory_space<vmem>>, vector<16xf32>,
      %swap3A_883 = arith.constant 13 : i32
      %swap3A_884 = arith.index_cast %swap3A_883 : i32 to index
      %swap3A_885 = arith.constant 80 : index
      %swap3A_886 = tpu.vector_load %arg11[%swap3A_884, %swap3A_885] {strides = array<i32>} : memref<32x104xf32, #tpu.memory_space<vmem>>, vector<16xf32>,
      tpu.vector_store %arg11[%swap3A_884, %swap3A_885], %get3A_882 {strides = array<i32>} : memref<32x104xf32, #tpu.memory_space<vmem>>, vector<16xf32>,
      %get3A_887 = arith.constant 13 : i32
      %get3A_888 = arith.index_cast %get3A_887 : i32 to index
      %get3A_889 = arith.constant 984 : index
      %get3A_890 = tpu.vector_load %arg9[%get3A_888, %get3A_889] {strides = array<i32>} : memref<32x1024xf32, #tpu.memory_space<vmem>>, vector<16xf32>,
      %swap3A_891 = arith.constant 13 : i32
      %swap3A_892 = arith.index_cast %swap3A_891 : i32 to index
      %swap3A_893 = arith.constant 88 : index
      %swap3A_894 = tpu.vector_load %arg11[%swap3A_892, %swap3A_893] {strides = array<i32>} : memref<32x104xf32, #tpu.memory_space<vmem>>, vector<16xf32>,
      tpu.vector_store %arg11[%swap3A_892, %swap3A_893], %get3A_890 {strides = array<i32>} : memref<32x104xf32, #tpu.memory_space<vmem>>, vector<16xf32>,
      %get3A_895 = arith.constant 14 : i32
      %get3A_896 = arith.index_cast %get3A_895 : i32 to index
      %get3A_897 = arith.constant 896 : index
      %get3A_898 = tpu.vector_load %arg9[%get3A_896, %get3A_897] {strides = array<i32>} : memref<32x1024xf32, #tpu.memory_space<vmem>>, vector<16xf32>,
      %swap3A_899 = arith.constant 14 : i32
      %swap3A_900 = arith.index_cast %swap3A_899 : i32 to index
      %swap3A_901 = arith.constant 0 : index
      %swap3A_902 = tpu.vector_load %arg11[%swap3A_900, %swap3A_901] {strides = array<i32>} : memref<32x104xf32, #tpu.memory_space<vmem>>, vector<16xf32>,
      tpu.vector_store %arg11[%swap3A_900, %swap3A_901], %get3A_898 {strides = array<i32>} : memref<32x104xf32, #tpu.memory_space<vmem>>, vector<16xf32>,
      %get3A_903 = arith.constant 14 : i32
      %get3A_904 = arith.index_cast %get3A_903 : i32 to index
      %get3A_905 = arith.constant 912 : index
      %get3A_906 = tpu.vector_load %arg9[%get3A_904, %get3A_905] {strides = array<i32>} : memref<32x1024xf32, #tpu.memory_space<vmem>>, vector<16xf32>,
      %swap3A_907 = arith.constant 14 : i32
      %swap3A_908 = arith.index_cast %swap3A_907 : i32 to index
      %swap3A_909 = arith.constant 16 : index
      %swap3A_910 = tpu.vector_load %arg11[%swap3A_908, %swap3A_909] {strides = array<i32>} : memref<32x104xf32, #tpu.memory_space<vmem>>, vector<16xf32>,
      tpu.vector_store %arg11[%swap3A_908, %swap3A_909], %get3A_906 {strides = array<i32>} : memref<32x104xf32, #tpu.memory_space<vmem>>, vector<16xf32>,
      %get3A_911 = arith.constant 14 : i32
      %get3A_912 = arith.index_cast %get3A_911 : i32 to index
      %get3A_913 = arith.constant 928 : index
      %get3A_914 = tpu.vector_load %arg9[%get3A_912, %get3A_913] {strides = array<i32>} : memref<32x1024xf32, #tpu.memory_space<vmem>>, vector<16xf32>,
      %swap3A_915 = arith.constant 14 : i32
      %swap3A_916 = arith.index_cast %swap3A_915 : i32 to index
      %swap3A_917 = arith.constant 32 : index
      %swap3A_918 = tpu.vector_load %arg11[%swap3A_916, %swap3A_917] {strides = array<i32>} : memref<32x104xf32, #tpu.memory_space<vmem>>, vector<16xf32>,
      tpu.vector_store %arg11[%swap3A_916, %swap3A_917], %get3A_914 {strides = array<i32>} : memref<32x104xf32, #tpu.memory_space<vmem>>, vector<16xf32>,
      %get3A_919 = arith.constant 14 : i32
      %get3A_920 = arith.index_cast %get3A_919 : i32 to index
      %get3A_921 = arith.constant 944 : index
      %get3A_922 = tpu.vector_load %arg9[%get3A_920, %get3A_921] {strides = array<i32>} : memref<32x1024xf32, #tpu.memory_space<vmem>>, vector<16xf32>,
      %swap3A_923 = arith.constant 14 : i32
      %swap3A_924 = arith.index_cast %swap3A_923 : i32 to index
      %swap3A_925 = arith.constant 48 : index
      %swap3A_926 = tpu.vector_load %arg11[%swap3A_924, %swap3A_925] {strides = array<i32>} : memref<32x104xf32, #tpu.memory_space<vmem>>, vector<16xf32>,
      tpu.vector_store %arg11[%swap3A_924, %swap3A_925], %get3A_922 {strides = array<i32>} : memref<32x104xf32, #tpu.memory_space<vmem>>, vector<16xf32>,
      %get3A_927 = arith.constant 14 : i32
      %get3A_928 = arith.index_cast %get3A_927 : i32 to index
      %get3A_929 = arith.constant 960 : index
      %get3A_930 = tpu.vector_load %arg9[%get3A_928, %get3A_929] {strides = array<i32>} : memref<32x1024xf32, #tpu.memory_space<vmem>>, vector<16xf32>,
      %swap3A_931 = arith.constant 14 : i32
      %swap3A_932 = arith.index_cast %swap3A_931 : i32 to index
      %swap3A_933 = arith.constant 64 : index
      %swap3A_934 = tpu.vector_load %arg11[%swap3A_932, %swap3A_933] {strides = array<i32>} : memref<32x104xf32, #tpu.memory_space<vmem>>, vector<16xf32>,
      tpu.vector_store %arg11[%swap3A_932, %swap3A_933], %get3A_930 {strides = array<i32>} : memref<32x104xf32, #tpu.memory_space<vmem>>, vector<16xf32>,
      %get3A_935 = arith.constant 14 : i32
      %get3A_936 = arith.index_cast %get3A_935 : i32 to index
      %get3A_937 = arith.constant 976 : index
      %get3A_938 = tpu.vector_load %arg9[%get3A_936, %get3A_937] {strides = array<i32>} : memref<32x1024xf32, #tpu.memory_space<vmem>>, vector<16xf32>,
      %swap3A_939 = arith.constant 14 : i32
      %swap3A_940 = arith.index_cast %swap3A_939 : i32 to index
      %swap3A_941 = arith.constant 80 : index
      %swap3A_942 = tpu.vector_load %arg11[%swap3A_940, %swap3A_941] {strides = array<i32>} : memref<32x104xf32, #tpu.memory_space<vmem>>, vector<16xf32>,
      tpu.vector_store %arg11[%swap3A_940, %swap3A_941], %get3A_938 {strides = array<i32>} : memref<32x104xf32, #tpu.memory_space<vmem>>, vector<16xf32>,
      %get3A_943 = arith.constant 14 : i32
      %get3A_944 = arith.index_cast %get3A_943 : i32 to index
      %get3A_945 = arith.constant 984 : index
      %get3A_946 = tpu.vector_load %arg9[%get3A_944, %get3A_945] {strides = array<i32>} : memref<32x1024xf32, #tpu.memory_space<vmem>>, vector<16xf32>,
      %swap3A_947 = arith.constant 14 : i32
      %swap3A_948 = arith.index_cast %swap3A_947 : i32 to index
      %swap3A_949 = arith.constant 88 : index
      %swap3A_950 = tpu.vector_load %arg11[%swap3A_948, %swap3A_949] {strides = array<i32>} : memref<32x104xf32, #tpu.memory_space<vmem>>, vector<16xf32>,
      tpu.vector_store %arg11[%swap3A_948, %swap3A_949], %get3A_946 {strides = array<i32>} : memref<32x104xf32, #tpu.memory_space<vmem>>, vector<16xf32>,
      %get3A_951 = arith.constant 15 : i32
      %get3A_952 = arith.index_cast %get3A_951 : i32 to index
      %get3A_953 = arith.constant 896 : index
      %get3A_954 = tpu.vector_load %arg9[%get3A_952, %get3A_953] {strides = array<i32>} : memref<32x1024xf32, #tpu.memory_space<vmem>>, vector<16xf32>,
      %swap3A_955 = arith.constant 15 : i32
      %swap3A_956 = arith.index_cast %swap3A_955 : i32 to index
      %swap3A_957 = arith.constant 0 : index
      %swap3A_958 = tpu.vector_load %arg11[%swap3A_956, %swap3A_957] {strides = array<i32>} : memref<32x104xf32, #tpu.memory_space<vmem>>, vector<16xf32>,
      tpu.vector_store %arg11[%swap3A_956, %swap3A_957], %get3A_954 {strides = array<i32>} : memref<32x104xf32, #tpu.memory_space<vmem>>, vector<16xf32>,
      %get3A_959 = arith.constant 15 : i32
      %get3A_960 = arith.index_cast %get3A_959 : i32 to index
      %get3A_961 = arith.constant 912 : index
      %get3A_962 = tpu.vector_load %arg9[%get3A_960, %get3A_961] {strides = array<i32>} : memref<32x1024xf32, #tpu.memory_space<vmem>>, vector<16xf32>,
      %swap3A_963 = arith.constant 15 : i32
      %swap3A_964 = arith.index_cast %swap3A_963 : i32 to index
      %swap3A_965 = arith.constant 16 : index
      %swap3A_966 = tpu.vector_load %arg11[%swap3A_964, %swap3A_965] {strides = array<i32>} : memref<32x104xf32, #tpu.memory_space<vmem>>, vector<16xf32>,
      tpu.vector_store %arg11[%swap3A_964, %swap3A_965], %get3A_962 {strides = array<i32>} : memref<32x104xf32, #tpu.memory_space<vmem>>, vector<16xf32>,
      %get3A_967 = arith.constant 15 : i32
      %get3A_968 = arith.index_cast %get3A_967 : i32 to index
      %get3A_969 = arith.constant 928 : index
      %get3A_970 = tpu.vector_load %arg9[%get3A_968, %get3A_969] {strides = array<i32>} : memref<32x1024xf32, #tpu.memory_space<vmem>>, vector<16xf32>,
      %swap3A_971 = arith.constant 15 : i32
      %swap3A_972 = arith.index_cast %swap3A_971 : i32 to index
      %swap3A_973 = arith.constant 32 : index
      %swap3A_974 = tpu.vector_load %arg11[%swap3A_972, %swap3A_973] {strides = array<i32>} : memref<32x104xf32, #tpu.memory_space<vmem>>, vector<16xf32>,
      tpu.vector_store %arg11[%swap3A_972, %swap3A_973], %get3A_970 {strides = array<i32>} : memref<32x104xf32, #tpu.memory_space<vmem>>, vector<16xf32>,
      %get3A_975 = arith.constant 15 : i32
      %get3A_976 = arith.index_cast %get3A_975 : i32 to index
      %get3A_977 = arith.constant 944 : index
      %get3A_978 = tpu.vector_load %arg9[%get3A_976, %get3A_977] {strides = array<i32>} : memref<32x1024xf32, #tpu.memory_space<vmem>>, vector<16xf32>,
      %swap3A_979 = arith.constant 15 : i32
      %swap3A_980 = arith.index_cast %swap3A_979 : i32 to index
      %swap3A_981 = arith.constant 48 : index
      %swap3A_982 = tpu.vector_load %arg11[%swap3A_980, %swap3A_981] {strides = array<i32>} : memref<32x104xf32, #tpu.memory_space<vmem>>, vector<16xf32>,
      tpu.vector_store %arg11[%swap3A_980, %swap3A_981], %get3A_978 {strides = array<i32>} : memref<32x104xf32, #tpu.memory_space<vmem>>, vector<16xf32>,
      %get3A_983 = arith.constant 15 : i32
      %get3A_984 = arith.index_cast %get3A_983 : i32 to index
      %get3A_985 = arith.constant 960 : index
      %get3A_986 = tpu.vector_load %arg9[%get3A_984, %get3A_985] {strides = array<i32>} : memref<32x1024xf32, #tpu.memory_space<vmem>>, vector<16xf32>,
      %swap3A_987 = arith.constant 15 : i32
      %swap3A_988 = arith.index_cast %swap3A_987 : i32 to index
      %swap3A_989 = arith.constant 64 : index
      %swap3A_990 = tpu.vector_load %arg11[%swap3A_988, %swap3A_989] {strides = array<i32>} : memref<32x104xf32, #tpu.memory_space<vmem>>, vector<16xf32>,
      tpu.vector_store %arg11[%swap3A_988, %swap3A_989], %get3A_986 {strides = array<i32>} : memref<32x104xf32, #tpu.memory_space<vmem>>, vector<16xf32>,
      %get3A_991 = arith.constant 15 : i32
      %get3A_992 = arith.index_cast %get3A_991 : i32 to index
      %get3A_993 = arith.constant 976 : index
      %get3A_994 = tpu.vector_load %arg9[%get3A_992, %get3A_993] {strides = array<i32>} : memref<32x1024xf32, #tpu.memory_space<vmem>>, vector<16xf32>,
      %swap3A_995 = arith.constant 15 : i32
      %swap3A_996 = arith.index_cast %swap3A_995 : i32 to index
      %swap3A_997 = arith.constant 80 : index
      %swap3A_998 = tpu.vector_load %arg11[%swap3A_996, %swap3A_997] {strides = array<i32>} : memref<32x104xf32, #tpu.memory_space<vmem>>, vector<16xf32>,
      tpu.vector_store %arg11[%swap3A_996, %swap3A_997], %get3A_994 {strides = array<i32>} : memref<32x104xf32, #tpu.memory_space<vmem>>, vector<16xf32>,
      %get3A_999 = arith.constant 15 : i32
      %get3A_1000 = arith.index_cast %get3A_999 : i32 to index
      %get3A_1001 = arith.constant 984 : index
      %get3A_1002 = tpu.vector_load %arg9[%get3A_1000, %get3A_1001] {strides = array<i32>} : memref<32x1024xf32, #tpu.memory_space<vmem>>, vector<16xf32>,
      %swap3A_1003 = arith.constant 15 : i32
      %swap3A_1004 = arith.index_cast %swap3A_1003 : i32 to index
      %swap3A_1005 = arith.constant 88 : index
      %swap3A_1006 = tpu.vector_load %arg11[%swap3A_1004, %swap3A_1005] {strides = array<i32>} : memref<32x104xf32, #tpu.memory_space<vmem>>, vector<16xf32>,
      tpu.vector_store %arg11[%swap3A_1004, %swap3A_1005], %get3A_1002 {strides = array<i32>} : memref<32x104xf32, #tpu.memory_space<vmem>>, vector<16xf32>,
      %get3A_1007 = arith.constant 16 : i32
      %get3A_1008 = arith.index_cast %get3A_1007 : i32 to index
      %get3A_1009 = arith.constant 896 : index
      %get3A_1010 = tpu.vector_load %arg9[%get3A_1008, %get3A_1009] {strides = array<i32>} : memref<32x1024xf32, #tpu.memory_space<vmem>>, vector<16xf32>,
      %swap3A_1011 = arith.constant 16 : i32
      %swap3A_1012 = arith.index_cast %swap3A_1011 : i32 to index
      %swap3A_1013 = arith.constant 0 : index
      %swap3A_1014 = tpu.vector_load %arg11[%swap3A_1012, %swap3A_1013] {strides = array<i32>} : memref<32x104xf32, #tpu.memory_space<vmem>>, vector<16xf32>,
      tpu.vector_store %arg11[%swap3A_1012, %swap3A_1013], %get3A_1010 {strides = array<i32>} : memref<32x104xf32, #tpu.memory_space<vmem>>, vector<16xf32>,
      %get3A_1015 = arith.constant 16 : i32
      %get3A_1016 = arith.index_cast %get3A_1015 : i32 to index
      %get3A_1017 = arith.constant 912 : index
      %get3A_1018 = tpu.vector_load %arg9[%get3A_1016, %get3A_1017] {strides = array<i32>} : memref<32x1024xf32, #tpu.memory_space<vmem>>, vector<16xf32>,
      %swap3A_1019 = arith.constant 16 : i32
      %swap3A_1020 = arith.index_cast %swap3A_1019 : i32 to index
      %swap3A_1021 = arith.constant 16 : index
      %swap3A_1022 = tpu.vector_load %arg11[%swap3A_1020, %swap3A_1021] {strides = array<i32>} : memref<32x104xf32, #tpu.memory_space<vmem>>, vector<16xf32>,
      tpu.vector_store %arg11[%swap3A_1020, %swap3A_1021], %get3A_1018 {strides = array<i32>} : memref<32x104xf32, #tpu.memory_space<vmem>>, vector<16xf32>,
      %get3A_1023 = arith.constant 16 : i32
      %get3A_1024 = arith.index_cast %get3A_1023 : i32 to index
      %get3A_1025 = arith.constant 928 : index
      %get3A_1026 = tpu.vector_load %arg9[%get3A_1024, %get3A_1025] {strides = array<i32>} : memref<32x1024xf32, #tpu.memory_space<vmem>>, vector<16xf32>,
      %swap3A_1027 = arith.constant 16 : i32
      %swap3A_1028 = arith.index_cast %swap3A_1027 : i32 to index
      %swap3A_1029 = arith.constant 32 : index
      %swap3A_1030 = tpu.vector_load %arg11[%swap3A_1028, %swap3A_1029] {strides = array<i32>} : memref<32x104xf32, #tpu.memory_space<vmem>>, vector<16xf32>,
      tpu.vector_store %arg11[%swap3A_1028, %swap3A_1029], %get3A_1026 {strides = array<i32>} : memref<32x104xf32, #tpu.memory_space<vmem>>, vector<16xf32>,
      %get3A_1031 = arith.constant 16 : i32
      %get3A_1032 = arith.index_cast %get3A_1031 : i32 to index
      %get3A_1033 = arith.constant 944 : index
      %get3A_1034 = tpu.vector_load %arg9[%get3A_1032, %get3A_1033] {strides = array<i32>} : memref<32x1024xf32, #tpu.memory_space<vmem>>, vector<16xf32>,
      %swap3A_1035 = arith.constant 16 : i32
      %swap3A_1036 = arith.index_cast %swap3A_1035 : i32 to index
      %swap3A_1037 = arith.constant 48 : index
      %swap3A_1038 = tpu.vector_load %arg11[%swap3A_1036, %swap3A_1037] {strides = array<i32>} : memref<32x104xf32, #tpu.memory_space<vmem>>, vector<16xf32>,
      tpu.vector_store %arg11[%swap3A_1036, %swap3A_1037], %get3A_1034 {strides = array<i32>} : memref<32x104xf32, #tpu.memory_space<vmem>>, vector<16xf32>,
      %get3A_1039 = arith.constant 16 : i32
      %get3A_1040 = arith.index_cast %get3A_1039 : i32 to index
      %get3A_1041 = arith.constant 960 : index
      %get3A_1042 = tpu.vector_load %arg9[%get3A_1040, %get3A_1041] {strides = array<i32>} : memref<32x1024xf32, #tpu.memory_space<vmem>>, vector<16xf32>,
      %swap3A_1043 = arith.constant 16 : i32
      %swap3A_1044 = arith.index_cast %swap3A_1043 : i32 to index
      %swap3A_1045 = arith.constant 64 : index
      %swap3A_1046 = tpu.vector_load %arg11[%swap3A_1044, %swap3A_1045] {strides = array<i32>} : memref<32x104xf32, #tpu.memory_space<vmem>>, vector<16xf32>,
      tpu.vector_store %arg11[%swap3A_1044, %swap3A_1045], %get3A_1042 {strides = array<i32>} : memref<32x104xf32, #tpu.memory_space<vmem>>, vector<16xf32>,
      %get3A_1047 = arith.constant 16 : i32
      %get3A_1048 = arith.index_cast %get3A_1047 : i32 to index
      %get3A_1049 = arith.constant 976 : index
      %get3A_1050 = tpu.vector_load %arg9[%get3A_1048, %get3A_1049] {strides = array<i32>} : memref<32x1024xf32, #tpu.memory_space<vmem>>, vector<16xf32>,
      %swap3A_1051 = arith.constant 16 : i32
      %swap3A_1052 = arith.index_cast %swap3A_1051 : i32 to index
      %swap3A_1053 = arith.constant 80 : index
      %swap3A_1054 = tpu.vector_load %arg11[%swap3A_1052, %swap3A_1053] {strides = array<i32>} : memref<32x104xf32, #tpu.memory_space<vmem>>, vector<16xf32>,
      tpu.vector_store %arg11[%swap3A_1052, %swap3A_1053], %get3A_1050 {strides = array<i32>} : memref<32x104xf32, #tpu.memory_space<vmem>>, vector<16xf32>,
      %get3A_1055 = arith.constant 16 : i32
      %get3A_1056 = arith.index_cast %get3A_1055 : i32 to index
      %get3A_1057 = arith.constant 984 : index
      %get3A_1058 = tpu.vector_load %arg9[%get3A_1056, %get3A_1057] {strides = array<i32>} : memref<32x1024xf32, #tpu.memory_space<vmem>>, vector<16xf32>,
      %swap3A_1059 = arith.constant 16 : i32
      %swap3A_1060 = arith.index_cast %swap3A_1059 : i32 to index
      %swap3A_1061 = arith.constant 88 : index
      %swap3A_1062 = tpu.vector_load %arg11[%swap3A_1060, %swap3A_1061] {strides = array<i32>} : memref<32x104xf32, #tpu.memory_space<vmem>>, vector<16xf32>,
      tpu.vector_store %arg11[%swap3A_1060, %swap3A_1061], %get3A_1058 {strides = array<i32>} : memref<32x104xf32, #tpu.memory_space<vmem>>, vector<16xf32>,
      %get3A_1063 = arith.constant 17 : i32
      %get3A_1064 = arith.index_cast %get3A_1063 : i32 to index
      %get3A_1065 = arith.constant 896 : index
      %get3A_1066 = tpu.vector_load %arg9[%get3A_1064, %get3A_1065] {strides = array<i32>} : memref<32x1024xf32, #tpu.memory_space<vmem>>, vector<16xf32>,
      %swap3A_1067 = arith.constant 17 : i32
      %swap3A_1068 = arith.index_cast %swap3A_1067 : i32 to index
      %swap3A_1069 = arith.constant 0 : index
      %swap3A_1070 = tpu.vector_load %arg11[%swap3A_1068, %swap3A_1069] {strides = array<i32>} : memref<32x104xf32, #tpu.memory_space<vmem>>, vector<16xf32>,
      tpu.vector_store %arg11[%swap3A_1068, %swap3A_1069], %get3A_1066 {strides = array<i32>} : memref<32x104xf32, #tpu.memory_space<vmem>>, vector<16xf32>,
      %get3A_1071 = arith.constant 17 : i32
      %get3A_1072 = arith.index_cast %get3A_1071 : i32 to index
      %get3A_1073 = arith.constant 912 : index
      %get3A_1074 = tpu.vector_load %arg9[%get3A_1072, %get3A_1073] {strides = array<i32>} : memref<32x1024xf32, #tpu.memory_space<vmem>>, vector<16xf32>,
      %swap3A_1075 = arith.constant 17 : i32
      %swap3A_1076 = arith.index_cast %swap3A_1075 : i32 to index
      %swap3A_1077 = arith.constant 16 : index
      %swap3A_1078 = tpu.vector_load %arg11[%swap3A_1076, %swap3A_1077] {strides = array<i32>} : memref<32x104xf32, #tpu.memory_space<vmem>>, vector<16xf32>,
      tpu.vector_store %arg11[%swap3A_1076, %swap3A_1077], %get3A_1074 {strides = array<i32>} : memref<32x104xf32, #tpu.memory_space<vmem>>, vector<16xf32>,
      %get3A_1079 = arith.constant 17 : i32
      %get3A_1080 = arith.index_cast %get3A_1079 : i32 to index
      %get3A_1081 = arith.constant 928 : index
      %get3A_1082 = tpu.vector_load %arg9[%get3A_1080, %get3A_1081] {strides = array<i32>} : memref<32x1024xf32, #tpu.memory_space<vmem>>, vector<16xf32>,
      %swap3A_1083 = arith.constant 17 : i32
      %swap3A_1084 = arith.index_cast %swap3A_1083 : i32 to index
      %swap3A_1085 = arith.constant 32 : index
      %swap3A_1086 = tpu.vector_load %arg11[%swap3A_1084, %swap3A_1085] {strides = array<i32>} : memref<32x104xf32, #tpu.memory_space<vmem>>, vector<16xf32>,
      tpu.vector_store %arg11[%swap3A_1084, %swap3A_1085], %get3A_1082 {strides = array<i32>} : memref<32x104xf32, #tpu.memory_space<vmem>>, vector<16xf32>,
      %get3A_1087 = arith.constant 17 : i32
      %get3A_1088 = arith.index_cast %get3A_1087 : i32 to index
      %get3A_1089 = arith.constant 944 : index
      %get3A_1090 = tpu.vector_load %arg9[%get3A_1088, %get3A_1089] {strides = array<i32>} : memref<32x1024xf32, #tpu.memory_space<vmem>>, vector<16xf32>,
      %swap3A_1091 = arith.constant 17 : i32
      %swap3A_1092 = arith.index_cast %swap3A_1091 : i32 to index
      %swap3A_1093 = arith.constant 48 : index
      %swap3A_1094 = tpu.vector_load %arg11[%swap3A_1092, %swap3A_1093] {strides = array<i32>} : memref<32x104xf32, #tpu.memory_space<vmem>>, vector<16xf32>,
      tpu.vector_store %arg11[%swap3A_1092, %swap3A_1093], %get3A_1090 {strides = array<i32>} : memref<32x104xf32, #tpu.memory_space<vmem>>, vector<16xf32>,
      %get3A_1095 = arith.constant 17 : i32
      %get3A_1096 = arith.index_cast %get3A_1095 : i32 to index
      %get3A_1097 = arith.constant 960 : index
      %get3A_1098 = tpu.vector_load %arg9[%get3A_1096, %get3A_1097] {strides = array<i32>} : memref<32x1024xf32, #tpu.memory_space<vmem>>, vector<16xf32>,
      %swap3A_1099 = arith.constant 17 : i32
      %swap3A_1100 = arith.index_cast %swap3A_1099 : i32 to index
      %swap3A_1101 = arith.constant 64 : index
      %swap3A_1102 = tpu.vector_load %arg11[%swap3A_1100, %swap3A_1101] {strides = array<i32>} : memref<32x104xf32, #tpu.memory_space<vmem>>, vector<16xf32>,
      tpu.vector_store %arg11[%swap3A_1100, %swap3A_1101], %get3A_1098 {strides = array<i32>} : memref<32x104xf32, #tpu.memory_space<vmem>>, vector<16xf32>,
      %get3A_1103 = arith.constant 17 : i32
      %get3A_1104 = arith.index_cast %get3A_1103 : i32 to index
      %get3A_1105 = arith.constant 976 : index
      %get3A_1106 = tpu.vector_load %arg9[%get3A_1104, %get3A_1105] {strides = array<i32>} : memref<32x1024xf32, #tpu.memory_space<vmem>>, vector<16xf32>,
      %swap3A_1107 = arith.constant 17 : i32
      %swap3A_1108 = arith.index_cast %swap3A_1107 : i32 to index
      %swap3A_1109 = arith.constant 80 : index
      %swap3A_1110 = tpu.vector_load %arg11[%swap3A_1108, %swap3A_1109] {strides = array<i32>} : memref<32x104xf32, #tpu.memory_space<vmem>>, vector<16xf32>,
      tpu.vector_store %arg11[%swap3A_1108, %swap3A_1109], %get3A_1106 {strides = array<i32>} : memref<32x104xf32, #tpu.memory_space<vmem>>, vector<16xf32>,
      %get3A_1111 = arith.constant 17 : i32
      %get3A_1112 = arith.index_cast %get3A_1111 : i32 to index
      %get3A_1113 = arith.constant 984 : index
      %get3A_1114 = tpu.vector_load %arg9[%get3A_1112, %get3A_1113] {strides = array<i32>} : memref<32x1024xf32, #tpu.memory_space<vmem>>, vector<16xf32>,
      %swap3A_1115 = arith.constant 17 : i32
      %swap3A_1116 = arith.index_cast %swap3A_1115 : i32 to index
      %swap3A_1117 = arith.constant 88 : index
      %swap3A_1118 = tpu.vector_load %arg11[%swap3A_1116, %swap3A_1117] {strides = array<i32>} : memref<32x104xf32, #tpu.memory_space<vmem>>, vector<16xf32>,
      tpu.vector_store %arg11[%swap3A_1116, %swap3A_1117], %get3A_1114 {strides = array<i32>} : memref<32x104xf32, #tpu.memory_space<vmem>>, vector<16xf32>,
      %get3A_1119 = arith.constant 18 : i32
      %get3A_1120 = arith.index_cast %get3A_1119 : i32 to index
      %get3A_1121 = arith.constant 896 : index
      %get3A_1122 = tpu.vector_load %arg9[%get3A_1120, %get3A_1121] {strides = array<i32>} : memref<32x1024xf32, #tpu.memory_space<vmem>>, vector<16xf32>,
      %swap3A_1123 = arith.constant 18 : i32
      %swap3A_1124 = arith.index_cast %swap3A_1123 : i32 to index
      %swap3A_1125 = arith.constant 0 : index
      %swap3A_1126 = tpu.vector_load %arg11[%swap3A_1124, %swap3A_1125] {strides = array<i32>} : memref<32x104xf32, #tpu.memory_space<vmem>>, vector<16xf32>,
      tpu.vector_store %arg11[%swap3A_1124, %swap3A_1125], %get3A_1122 {strides = array<i32>} : memref<32x104xf32, #tpu.memory_space<vmem>>, vector<16xf32>,
      %get3A_1127 = arith.constant 18 : i32
      %get3A_1128 = arith.index_cast %get3A_1127 : i32 to index
      %get3A_1129 = arith.constant 912 : index
      %get3A_1130 = tpu.vector_load %arg9[%get3A_1128, %get3A_1129] {strides = array<i32>} : memref<32x1024xf32, #tpu.memory_space<vmem>>, vector<16xf32>,
      %swap3A_1131 = arith.constant 18 : i32
      %swap3A_1132 = arith.index_cast %swap3A_1131 : i32 to index
      %swap3A_1133 = arith.constant 16 : index
      %swap3A_1134 = tpu.vector_load %arg11[%swap3A_1132, %swap3A_1133] {strides = array<i32>} : memref<32x104xf32, #tpu.memory_space<vmem>>, vector<16xf32>,
      tpu.vector_store %arg11[%swap3A_1132, %swap3A_1133], %get3A_1130 {strides = array<i32>} : memref<32x104xf32, #tpu.memory_space<vmem>>, vector<16xf32>,
      %get3A_1135 = arith.constant 18 : i32
      %get3A_1136 = arith.index_cast %get3A_1135 : i32 to index
      %get3A_1137 = arith.constant 928 : index
      %get3A_1138 = tpu.vector_load %arg9[%get3A_1136, %get3A_1137] {strides = array<i32>} : memref<32x1024xf32, #tpu.memory_space<vmem>>, vector<16xf32>,
      %swap3A_1139 = arith.constant 18 : i32
      %swap3A_1140 = arith.index_cast %swap3A_1139 : i32 to index
      %swap3A_1141 = arith.constant 32 : index
      %swap3A_1142 = tpu.vector_load %arg11[%swap3A_1140, %swap3A_1141] {strides = array<i32>} : memref<32x104xf32, #tpu.memory_space<vmem>>, vector<16xf32>,
      tpu.vector_store %arg11[%swap3A_1140, %swap3A_1141], %get3A_1138 {strides = array<i32>} : memref<32x104xf32, #tpu.memory_space<vmem>>, vector<16xf32>,
      %get3A_1143 = arith.constant 18 : i32
      %get3A_1144 = arith.index_cast %get3A_1143 : i32 to index
      %get3A_1145 = arith.constant 944 : index
      %get3A_1146 = tpu.vector_load %arg9[%get3A_1144, %get3A_1145] {strides = array<i32>} : memref<32x1024xf32, #tpu.memory_space<vmem>>, vector<16xf32>,
      %swap3A_1147 = arith.constant 18 : i32
      %swap3A_1148 = arith.index_cast %swap3A_1147 : i32 to index
      %swap3A_1149 = arith.constant 48 : index
      %swap3A_1150 = tpu.vector_load %arg11[%swap3A_1148, %swap3A_1149] {strides = array<i32>} : memref<32x104xf32, #tpu.memory_space<vmem>>, vector<16xf32>,
      tpu.vector_store %arg11[%swap3A_1148, %swap3A_1149], %get3A_1146 {strides = array<i32>} : memref<32x104xf32, #tpu.memory_space<vmem>>, vector<16xf32>,
      %get3A_1151 = arith.constant 18 : i32
      %get3A_1152 = arith.index_cast %get3A_1151 : i32 to index
      %get3A_1153 = arith.constant 960 : index
      %get3A_1154 = tpu.vector_load %arg9[%get3A_1152, %get3A_1153] {strides = array<i32>} : memref<32x1024xf32, #tpu.memory_space<vmem>>, vector<16xf32>,
      %swap3A_1155 = arith.constant 18 : i32
      %swap3A_1156 = arith.index_cast %swap3A_1155 : i32 to index
      %swap3A_1157 = arith.constant 64 : index
      %swap3A_1158 = tpu.vector_load %arg11[%swap3A_1156, %swap3A_1157] {strides = array<i32>} : memref<32x104xf32, #tpu.memory_space<vmem>>, vector<16xf32>,
      tpu.vector_store %arg11[%swap3A_1156, %swap3A_1157], %get3A_1154 {strides = array<i32>} : memref<32x104xf32, #tpu.memory_space<vmem>>, vector<16xf32>,
      %get3A_1159 = arith.constant 18 : i32
      %get3A_1160 = arith.index_cast %get3A_1159 : i32 to index
      %get3A_1161 = arith.constant 976 : index
      %get3A_1162 = tpu.vector_load %arg9[%get3A_1160, %get3A_1161] {strides = array<i32>} : memref<32x1024xf32, #tpu.memory_space<vmem>>, vector<16xf32>,
      %swap3A_1163 = arith.constant 18 : i32
      %swap3A_1164 = arith.index_cast %swap3A_1163 : i32 to index
      %swap3A_1165 = arith.constant 80 : index
      %swap3A_1166 = tpu.vector_load %arg11[%swap3A_1164, %swap3A_1165] {strides = array<i32>} : memref<32x104xf32, #tpu.memory_space<vmem>>, vector<16xf32>,
      tpu.vector_store %arg11[%swap3A_1164, %swap3A_1165], %get3A_1162 {strides = array<i32>} : memref<32x104xf32, #tpu.memory_space<vmem>>, vector<16xf32>,
      %get3A_1167 = arith.constant 18 : i32
      %get3A_1168 = arith.index_cast %get3A_1167 : i32 to index
      %get3A_1169 = arith.constant 984 : index
      %get3A_1170 = tpu.vector_load %arg9[%get3A_1168, %get3A_1169] {strides = array<i32>} : memref<32x1024xf32, #tpu.memory_space<vmem>>, vector<16xf32>,
      %swap3A_1171 = arith.constant 18 : i32
      %swap3A_1172 = arith.index_cast %swap3A_1171 : i32 to index
      %swap3A_1173 = arith.constant 88 : index
      %swap3A_1174 = tpu.vector_load %arg11[%swap3A_1172, %swap3A_1173] {strides = array<i32>} : memref<32x104xf32, #tpu.memory_space<vmem>>, vector<16xf32>,
      tpu.vector_store %arg11[%swap3A_1172, %swap3A_1173], %get3A_1170 {strides = array<i32>} : memref<32x104xf32, #tpu.memory_space<vmem>>, vector<16xf32>,
      %get3A_1175 = arith.constant 19 : i32
      %get3A_1176 = arith.index_cast %get3A_1175 : i32 to index
      %get3A_1177 = arith.constant 896 : index
      %get3A_1178 = tpu.vector_load %arg9[%get3A_1176, %get3A_1177] {strides = array<i32>} : memref<32x1024xf32, #tpu.memory_space<vmem>>, vector<16xf32>,
      %swap3A_1179 = arith.constant 19 : i32
      %swap3A_1180 = arith.index_cast %swap3A_1179 : i32 to index
      %swap3A_1181 = arith.constant 0 : index
      %swap3A_1182 = tpu.vector_load %arg11[%swap3A_1180, %swap3A_1181] {strides = array<i32>} : memref<32x104xf32, #tpu.memory_space<vmem>>, vector<16xf32>,
      tpu.vector_store %arg11[%swap3A_1180, %swap3A_1181], %get3A_1178 {strides = array<i32>} : memref<32x104xf32, #tpu.memory_space<vmem>>, vector<16xf32>,
      %get3A_1183 = arith.constant 19 : i32
      %get3A_1184 = arith.index_cast %get3A_1183 : i32 to index
      %get3A_1185 = arith.constant 912 : index
      %get3A_1186 = tpu.vector_load %arg9[%get3A_1184, %get3A_1185] {strides = array<i32>} : memref<32x1024xf32, #tpu.memory_space<vmem>>, vector<16xf32>,
      %swap3A_1187 = arith.constant 19 : i32
      %swap3A_1188 = arith.index_cast %swap3A_1187 : i32 to index
      %swap3A_1189 = arith.constant 16 : index
      %swap3A_1190 = tpu.vector_load %arg11[%swap3A_1188, %swap3A_1189] {strides = array<i32>} : memref<32x104xf32, #tpu.memory_space<vmem>>, vector<16xf32>,
      tpu.vector_store %arg11[%swap3A_1188, %swap3A_1189], %get3A_1186 {strides = array<i32>} : memref<32x104xf32, #tpu.memory_space<vmem>>, vector<16xf32>,
      %get3A_1191 = arith.constant 19 : i32
      %get3A_1192 = arith.index_cast %get3A_1191 : i32 to index
      %get3A_1193 = arith.constant 928 : index
      %get3A_1194 = tpu.vector_load %arg9[%get3A_1192, %get3A_1193] {strides = array<i32>} : memref<32x1024xf32, #tpu.memory_space<vmem>>, vector<16xf32>,
      %swap3A_1195 = arith.constant 19 : i32
      %swap3A_1196 = arith.index_cast %swap3A_1195 : i32 to index
      %swap3A_1197 = arith.constant 32 : index
      %swap3A_1198 = tpu.vector_load %arg11[%swap3A_1196, %swap3A_1197] {strides = array<i32>} : memref<32x104xf32, #tpu.memory_space<vmem>>, vector<16xf32>,
      tpu.vector_store %arg11[%swap3A_1196, %swap3A_1197], %get3A_1194 {strides = array<i32>} : memref<32x104xf32, #tpu.memory_space<vmem>>, vector<16xf32>,
      %get3A_1199 = arith.constant 19 : i32
      %get3A_1200 = arith.index_cast %get3A_1199 : i32 to index
      %get3A_1201 = arith.constant 944 : index
      %get3A_1202 = tpu.vector_load %arg9[%get3A_1200, %get3A_1201] {strides = array<i32>} : memref<32x1024xf32, #tpu.memory_space<vmem>>, vector<16xf32>,
      %swap3A_1203 = arith.constant 19 : i32
      %swap3A_1204 = arith.index_cast %swap3A_1203 : i32 to index
      %swap3A_1205 = arith.constant 48 : index
      %swap3A_1206 = tpu.vector_load %arg11[%swap3A_1204, %swap3A_1205] {strides = array<i32>} : memref<32x104xf32, #tpu.memory_space<vmem>>, vector<16xf32>,
      tpu.vector_store %arg11[%swap3A_1204, %swap3A_1205], %get3A_1202 {strides = array<i32>} : memref<32x104xf32, #tpu.memory_space<vmem>>, vector<16xf32>,
      %get3A_1207 = arith.constant 19 : i32
      %get3A_1208 = arith.index_cast %get3A_1207 : i32 to index
      %get3A_1209 = arith.constant 960 : index
      %get3A_1210 = tpu.vector_load %arg9[%get3A_1208, %get3A_1209] {strides = array<i32>} : memref<32x1024xf32, #tpu.memory_space<vmem>>, vector<16xf32>,
      %swap3A_1211 = arith.constant 19 : i32
      %swap3A_1212 = arith.index_cast %swap3A_1211 : i32 to index
      %swap3A_1213 = arith.constant 64 : index
      %swap3A_1214 = tpu.vector_load %arg11[%swap3A_1212, %swap3A_1213] {strides = array<i32>} : memref<32x104xf32, #tpu.memory_space<vmem>>, vector<16xf32>,
      tpu.vector_store %arg11[%swap3A_1212, %swap3A_1213], %get3A_1210 {strides = array<i32>} : memref<32x104xf32, #tpu.memory_space<vmem>>, vector<16xf32>,
      %get3A_1215 = arith.constant 19 : i32
      %get3A_1216 = arith.index_cast %get3A_1215 : i32 to index
      %get3A_1217 = arith.constant 976 : index
      %get3A_1218 = tpu.vector_load %arg9[%get3A_1216, %get3A_1217] {strides = array<i32>} : memref<32x1024xf32, #tpu.memory_space<vmem>>, vector<16xf32>,
      %swap3A_1219 = arith.constant 19 : i32
      %swap3A_1220 = arith.index_cast %swap3A_1219 : i32 to index
      %swap3A_1221 = arith.constant 80 : index
      %swap3A_1222 = tpu.vector_load %arg11[%swap3A_1220, %swap3A_1221] {strides = array<i32>} : memref<32x104xf32, #tpu.memory_space<vmem>>, vector<16xf32>,
      tpu.vector_store %arg11[%swap3A_1220, %swap3A_1221], %get3A_1218 {strides = array<i32>} : memref<32x104xf32, #tpu.memory_space<vmem>>, vector<16xf32>,
      %get3A_1223 = arith.constant 19 : i32
      %get3A_1224 = arith.index_cast %get3A_1223 : i32 to index
      %get3A_1225 = arith.constant 984 : index
      %get3A_1226 = tpu.vector_load %arg9[%get3A_1224, %get3A_1225] {strides = array<i32>} : memref<32x1024xf32, #tpu.memory_space<vmem>>, vector<16xf32>,
      %swap3A_1227 = arith.constant 19 : i32
      %swap3A_1228 = arith.index_cast %swap3A_1227 : i32 to index
      %swap3A_1229 = arith.constant 88 : index
      %swap3A_1230 = tpu.vector_load %arg11[%swap3A_1228, %swap3A_1229] {strides = array<i32>} : memref<32x104xf32, #tpu.memory_space<vmem>>, vector<16xf32>,
      tpu.vector_store %arg11[%swap3A_1228, %swap3A_1229], %get3A_1226 {strides = array<i32>} : memref<32x104xf32, #tpu.memory_space<vmem>>, vector<16xf32>,
      %get3A_1231 = arith.constant 20 : i32
      %get3A_1232 = arith.index_cast %get3A_1231 : i32 to index
      %get3A_1233 = arith.constant 896 : index
      %get3A_1234 = tpu.vector_load %arg9[%get3A_1232, %get3A_1233] {strides = array<i32>} : memref<32x1024xf32, #tpu.memory_space<vmem>>, vector<16xf32>,
      %swap3A_1235 = arith.constant 20 : i32
      %swap3A_1236 = arith.index_cast %swap3A_1235 : i32 to index
      %swap3A_1237 = arith.constant 0 : index
      %swap3A_1238 = tpu.vector_load %arg11[%swap3A_1236, %swap3A_1237] {strides = array<i32>} : memref<32x104xf32, #tpu.memory_space<vmem>>, vector<16xf32>,
      tpu.vector_store %arg11[%swap3A_1236, %swap3A_1237], %get3A_1234 {strides = array<i32>} : memref<32x104xf32, #tpu.memory_space<vmem>>, vector<16xf32>,
      %get3A_1239 = arith.constant 20 : i32
      %get3A_1240 = arith.index_cast %get3A_1239 : i32 to index
      %get3A_1241 = arith.constant 912 : index
      %get3A_1242 = tpu.vector_load %arg9[%get3A_1240, %get3A_1241] {strides = array<i32>} : memref<32x1024xf32, #tpu.memory_space<vmem>>, vector<16xf32>,
      %swap3A_1243 = arith.constant 20 : i32
      %swap3A_1244 = arith.index_cast %swap3A_1243 : i32 to index
      %swap3A_1245 = arith.constant 16 : index
      %swap3A_1246 = tpu.vector_load %arg11[%swap3A_1244, %swap3A_1245] {strides = array<i32>} : memref<32x104xf32, #tpu.memory_space<vmem>>, vector<16xf32>,
      tpu.vector_store %arg11[%swap3A_1244, %swap3A_1245], %get3A_1242 {strides = array<i32>} : memref<32x104xf32, #tpu.memory_space<vmem>>, vector<16xf32>,
      %get3A_1247 = arith.constant 20 : i32
      %get3A_1248 = arith.index_cast %get3A_1247 : i32 to index
      %get3A_1249 = arith.constant 928 : index
      %get3A_1250 = tpu.vector_load %arg9[%get3A_1248, %get3A_1249] {strides = array<i32>} : memref<32x1024xf32, #tpu.memory_space<vmem>>, vector<16xf32>,
      %swap3A_1251 = arith.constant 20 : i32
      %swap3A_1252 = arith.index_cast %swap3A_1251 : i32 to index
      %swap3A_1253 = arith.constant 32 : index
      %swap3A_1254 = tpu.vector_load %arg11[%swap3A_1252, %swap3A_1253] {strides = array<i32>} : memref<32x104xf32, #tpu.memory_space<vmem>>, vector<16xf32>,
      tpu.vector_store %arg11[%swap3A_1252, %swap3A_1253], %get3A_1250 {strides = array<i32>} : memref<32x104xf32, #tpu.memory_space<vmem>>, vector<16xf32>,
      %get3A_1255 = arith.constant 20 : i32
      %get3A_1256 = arith.index_cast %get3A_1255 : i32 to index
      %get3A_1257 = arith.constant 944 : index
      %get3A_1258 = tpu.vector_load %arg9[%get3A_1256, %get3A_1257] {strides = array<i32>} : memref<32x1024xf32, #tpu.memory_space<vmem>>, vector<16xf32>,
      %swap3A_1259 = arith.constant 20 : i32
      %swap3A_1260 = arith.index_cast %swap3A_1259 : i32 to index
      %swap3A_1261 = arith.constant 48 : index
      %swap3A_1262 = tpu.vector_load %arg11[%swap3A_1260, %swap3A_1261] {strides = array<i32>} : memref<32x104xf32, #tpu.memory_space<vmem>>, vector<16xf32>,
      tpu.vector_store %arg11[%swap3A_1260, %swap3A_1261], %get3A_1258 {strides = array<i32>} : memref<32x104xf32, #tpu.memory_space<vmem>>, vector<16xf32>,
      %get3A_1263 = arith.constant 20 : i32
      %get3A_1264 = arith.index_cast %get3A_1263 : i32 to index
      %get3A_1265 = arith.constant 960 : index
      %get3A_1266 = tpu.vector_load %arg9[%get3A_1264, %get3A_1265] {strides = array<i32>} : memref<32x1024xf32, #tpu.memory_space<vmem>>, vector<16xf32>,
      %swap3A_1267 = arith.constant 20 : i32
      %swap3A_1268 = arith.index_cast %swap3A_1267 : i32 to index
      %swap3A_1269 = arith.constant 64 : index
      %swap3A_1270 = tpu.vector_load %arg11[%swap3A_1268, %swap3A_1269] {strides = array<i32>} : memref<32x104xf32, #tpu.memory_space<vmem>>, vector<16xf32>,
      tpu.vector_store %arg11[%swap3A_1268, %swap3A_1269], %get3A_1266 {strides = array<i32>} : memref<32x104xf32, #tpu.memory_space<vmem>>, vector<16xf32>,
      %get3A_1271 = arith.constant 20 : i32
      %get3A_1272 = arith.index_cast %get3A_1271 : i32 to index
      %get3A_1273 = arith.constant 976 : index
      %get3A_1274 = tpu.vector_load %arg9[%get3A_1272, %get3A_1273] {strides = array<i32>} : memref<32x1024xf32, #tpu.memory_space<vmem>>, vector<16xf32>,
      %swap3A_1275 = arith.constant 20 : i32
      %swap3A_1276 = arith.index_cast %swap3A_1275 : i32 to index
      %swap3A_1277 = arith.constant 80 : index
      %swap3A_1278 = tpu.vector_load %arg11[%swap3A_1276, %swap3A_1277] {strides = array<i32>} : memref<32x104xf32, #tpu.memory_space<vmem>>, vector<16xf32>,
      tpu.vector_store %arg11[%swap3A_1276, %swap3A_1277], %get3A_1274 {strides = array<i32>} : memref<32x104xf32, #tpu.memory_space<vmem>>, vector<16xf32>,
      %get3A_1279 = arith.constant 20 : i32
      %get3A_1280 = arith.index_cast %get3A_1279 : i32 to index
      %get3A_1281 = arith.constant 984 : index
      %get3A_1282 = tpu.vector_load %arg9[%get3A_1280, %get3A_1281] {strides = array<i32>} : memref<32x1024xf32, #tpu.memory_space<vmem>>, vector<16xf32>,
      %swap3A_1283 = arith.constant 20 : i32
      %swap3A_1284 = arith.index_cast %swap3A_1283 : i32 to index
      %swap3A_1285 = arith.constant 88 : index
      %swap3A_1286 = tpu.vector_load %arg11[%swap3A_1284, %swap3A_1285] {strides = array<i32>} : memref<32x104xf32, #tpu.memory_space<vmem>>, vector<16xf32>,
      tpu.vector_store %arg11[%swap3A_1284, %swap3A_1285], %get3A_1282 {strides = array<i32>} : memref<32x104xf32, #tpu.memory_space<vmem>>, vector<16xf32>,
      %get3A_1287 = arith.constant 21 : i32
      %get3A_1288 = arith.index_cast %get3A_1287 : i32 to index
      %get3A_1289 = arith.constant 896 : index
      %get3A_1290 = tpu.vector_load %arg9[%get3A_1288, %get3A_1289] {strides = array<i32>} : memref<32x1024xf32, #tpu.memory_space<vmem>>, vector<16xf32>,
      %swap3A_1291 = arith.constant 21 : i32
      %swap3A_1292 = arith.index_cast %swap3A_1291 : i32 to index
      %swap3A_1293 = arith.constant 0 : index
      %swap3A_1294 = tpu.vector_load %arg11[%swap3A_1292, %swap3A_1293] {strides = array<i32>} : memref<32x104xf32, #tpu.memory_space<vmem>>, vector<16xf32>,
      tpu.vector_store %arg11[%swap3A_1292, %swap3A_1293], %get3A_1290 {strides = array<i32>} : memref<32x104xf32, #tpu.memory_space<vmem>>, vector<16xf32>,
      %get3A_1295 = arith.constant 21 : i32
      %get3A_1296 = arith.index_cast %get3A_1295 : i32 to index
      %get3A_1297 = arith.constant 912 : index
      %get3A_1298 = tpu.vector_load %arg9[%get3A_1296, %get3A_1297] {strides = array<i32>} : memref<32x1024xf32, #tpu.memory_space<vmem>>, vector<16xf32>,
      %swap3A_1299 = arith.constant 21 : i32
      %swap3A_1300 = arith.index_cast %swap3A_1299 : i32 to index
      %swap3A_1301 = arith.constant 16 : index
      %swap3A_1302 = tpu.vector_load %arg11[%swap3A_1300, %swap3A_1301] {strides = array<i32>} : memref<32x104xf32, #tpu.memory_space<vmem>>, vector<16xf32>,
      tpu.vector_store %arg11[%swap3A_1300, %swap3A_1301], %get3A_1298 {strides = array<i32>} : memref<32x104xf32, #tpu.memory_space<vmem>>, vector<16xf32>,
      %get3A_1303 = arith.constant 21 : i32
      %get3A_1304 = arith.index_cast %get3A_1303 : i32 to index
      %get3A_1305 = arith.constant 928 : index
      %get3A_1306 = tpu.vector_load %arg9[%get3A_1304, %get3A_1305] {strides = array<i32>} : memref<32x1024xf32, #tpu.memory_space<vmem>>, vector<16xf32>,
      %swap3A_1307 = arith.constant 21 : i32
      %swap3A_1308 = arith.index_cast %swap3A_1307 : i32 to index
      %swap3A_1309 = arith.constant 32 : index
      %swap3A_1310 = tpu.vector_load %arg11[%swap3A_1308, %swap3A_1309] {strides = array<i32>} : memref<32x104xf32, #tpu.memory_space<vmem>>, vector<16xf32>,
      tpu.vector_store %arg11[%swap3A_1308, %swap3A_1309], %get3A_1306 {strides = array<i32>} : memref<32x104xf32, #tpu.memory_space<vmem>>, vector<16xf32>,
      %get3A_1311 = arith.constant 21 : i32
      %get3A_1312 = arith.index_cast %get3A_1311 : i32 to index
      %get3A_1313 = arith.constant 944 : index
      %get3A_1314 = tpu.vector_load %arg9[%get3A_1312, %get3A_1313] {strides = array<i32>} : memref<32x1024xf32, #tpu.memory_space<vmem>>, vector<16xf32>,
      %swap3A_1315 = arith.constant 21 : i32
      %swap3A_1316 = arith.index_cast %swap3A_1315 : i32 to index
      %swap3A_1317 = arith.constant 48 : index
      %swap3A_1318 = tpu.vector_load %arg11[%swap3A_1316, %swap3A_1317] {strides = array<i32>} : memref<32x104xf32, #tpu.memory_space<vmem>>, vector<16xf32>,
      tpu.vector_store %arg11[%swap3A_1316, %swap3A_1317], %get3A_1314 {strides = array<i32>} : memref<32x104xf32, #tpu.memory_space<vmem>>, vector<16xf32>,
      %get3A_1319 = arith.constant 21 : i32
      %get3A_1320 = arith.index_cast %get3A_1319 : i32 to index
      %get3A_1321 = arith.constant 960 : index
      %get3A_1322 = tpu.vector_load %arg9[%get3A_1320, %get3A_1321] {strides = array<i32>} : memref<32x1024xf32, #tpu.memory_space<vmem>>, vector<16xf32>,
      %swap3A_1323 = arith.constant 21 : i32
      %swap3A_1324 = arith.index_cast %swap3A_1323 : i32 to index
      %swap3A_1325 = arith.constant 64 : index
      %swap3A_1326 = tpu.vector_load %arg11[%swap3A_1324, %swap3A_1325] {strides = array<i32>} : memref<32x104xf32, #tpu.memory_space<vmem>>, vector<16xf32>,
      tpu.vector_store %arg11[%swap3A_1324, %swap3A_1325], %get3A_1322 {strides = array<i32>} : memref<32x104xf32, #tpu.memory_space<vmem>>, vector<16xf32>,
      %get3A_1327 = arith.constant 21 : i32
      %get3A_1328 = arith.index_cast %get3A_1327 : i32 to index
      %get3A_1329 = arith.constant 976 : index
      %get3A_1330 = tpu.vector_load %arg9[%get3A_1328, %get3A_1329] {strides = array<i32>} : memref<32x1024xf32, #tpu.memory_space<vmem>>, vector<16xf32>,
      %swap3A_1331 = arith.constant 21 : i32
      %swap3A_1332 = arith.index_cast %swap3A_1331 : i32 to index
      %swap3A_1333 = arith.constant 80 : index
      %swap3A_1334 = tpu.vector_load %arg11[%swap3A_1332, %swap3A_1333] {strides = array<i32>} : memref<32x104xf32, #tpu.memory_space<vmem>>, vector<16xf32>,
      tpu.vector_store %arg11[%swap3A_1332, %swap3A_1333], %get3A_1330 {strides = array<i32>} : memref<32x104xf32, #tpu.memory_space<vmem>>, vector<16xf32>,
      %get3A_1335 = arith.constant 21 : i32
      %get3A_1336 = arith.index_cast %get3A_1335 : i32 to index
      %get3A_1337 = arith.constant 984 : index
      %get3A_1338 = tpu.vector_load %arg9[%get3A_1336, %get3A_1337] {strides = array<i32>} : memref<32x1024xf32, #tpu.memory_space<vmem>>, vector<16xf32>,
      %swap3A_1339 = arith.constant 21 : i32
      %swap3A_1340 = arith.index_cast %swap3A_1339 : i32 to index
      %swap3A_1341 = arith.constant 88 : index
      %swap3A_1342 = tpu.vector_load %arg11[%swap3A_1340, %swap3A_1341] {strides = array<i32>} : memref<32x104xf32, #tpu.memory_space<vmem>>, vector<16xf32>,
      tpu.vector_store %arg11[%swap3A_1340, %swap3A_1341], %get3A_1338 {strides = array<i32>} : memref<32x104xf32, #tpu.memory_space<vmem>>, vector<16xf32>,
      %get3A_1343 = arith.constant 22 : i32
      %get3A_1344 = arith.index_cast %get3A_1343 : i32 to index
      %get3A_1345 = arith.constant 896 : index
      %get3A_1346 = tpu.vector_load %arg9[%get3A_1344, %get3A_1345] {strides = array<i32>} : memref<32x1024xf32, #tpu.memory_space<vmem>>, vector<16xf32>,
      %swap3A_1347 = arith.constant 22 : i32
      %swap3A_1348 = arith.index_cast %swap3A_1347 : i32 to index
      %swap3A_1349 = arith.constant 0 : index
      %swap3A_1350 = tpu.vector_load %arg11[%swap3A_1348, %swap3A_1349] {strides = array<i32>} : memref<32x104xf32, #tpu.memory_space<vmem>>, vector<16xf32>,
      tpu.vector_store %arg11[%swap3A_1348, %swap3A_1349], %get3A_1346 {strides = array<i32>} : memref<32x104xf32, #tpu.memory_space<vmem>>, vector<16xf32>,
      %get3A_1351 = arith.constant 22 : i32
      %get3A_1352 = arith.index_cast %get3A_1351 : i32 to index
      %get3A_1353 = arith.constant 912 : index
      %get3A_1354 = tpu.vector_load %arg9[%get3A_1352, %get3A_1353] {strides = array<i32>} : memref<32x1024xf32, #tpu.memory_space<vmem>>, vector<16xf32>,
      %swap3A_1355 = arith.constant 22 : i32
      %swap3A_1356 = arith.index_cast %swap3A_1355 : i32 to index
      %swap3A_1357 = arith.constant 16 : index
      %swap3A_1358 = tpu.vector_load %arg11[%swap3A_1356, %swap3A_1357] {strides = array<i32>} : memref<32x104xf32, #tpu.memory_space<vmem>>, vector<16xf32>,
      tpu.vector_store %arg11[%swap3A_1356, %swap3A_1357], %get3A_1354 {strides = array<i32>} : memref<32x104xf32, #tpu.memory_space<vmem>>, vector<16xf32>,
      %get3A_1359 = arith.constant 22 : i32
      %get3A_1360 = arith.index_cast %get3A_1359 : i32 to index
      %get3A_1361 = arith.constant 928 : index
      %get3A_1362 = tpu.vector_load %arg9[%get3A_1360, %get3A_1361] {strides = array<i32>} : memref<32x1024xf32, #tpu.memory_space<vmem>>, vector<16xf32>,
      %swap3A_1363 = arith.constant 22 : i32
      %swap3A_1364 = arith.index_cast %swap3A_1363 : i32 to index
      %swap3A_1365 = arith.constant 32 : index
      %swap3A_1366 = tpu.vector_load %arg11[%swap3A_1364, %swap3A_1365] {strides = array<i32>} : memref<32x104xf32, #tpu.memory_space<vmem>>, vector<16xf32>,
      tpu.vector_store %arg11[%swap3A_1364, %swap3A_1365], %get3A_1362 {strides = array<i32>} : memref<32x104xf32, #tpu.memory_space<vmem>>, vector<16xf32>,
      %get3A_1367 = arith.constant 22 : i32
      %get3A_1368 = arith.index_cast %get3A_1367 : i32 to index
      %get3A_1369 = arith.constant 944 : index
      %get3A_1370 = tpu.vector_load %arg9[%get3A_1368, %get3A_1369] {strides = array<i32>} : memref<32x1024xf32, #tpu.memory_space<vmem>>, vector<16xf32>,
      %swap3A_1371 = arith.constant 22 : i32
      %swap3A_1372 = arith.index_cast %swap3A_1371 : i32 to index
      %swap3A_1373 = arith.constant 48 : index
      %swap3A_1374 = tpu.vector_load %arg11[%swap3A_1372, %swap3A_1373] {strides = array<i32>} : memref<32x104xf32, #tpu.memory_space<vmem>>, vector<16xf32>,
      tpu.vector_store %arg11[%swap3A_1372, %swap3A_1373], %get3A_1370 {strides = array<i32>} : memref<32x104xf32, #tpu.memory_space<vmem>>, vector<16xf32>,
      %get3A_1375 = arith.constant 22 : i32
      %get3A_1376 = arith.index_cast %get3A_1375 : i32 to index
      %get3A_1377 = arith.constant 960 : index
      %get3A_1378 = tpu.vector_load %arg9[%get3A_1376, %get3A_1377] {strides = array<i32>} : memref<32x1024xf32, #tpu.memory_space<vmem>>, vector<16xf32>,
      %swap3A_1379 = arith.constant 22 : i32
      %swap3A_1380 = arith.index_cast %swap3A_1379 : i32 to index
      %swap3A_1381 = arith.constant 64 : index
      %swap3A_1382 = tpu.vector_load %arg11[%swap3A_1380, %swap3A_1381] {strides = array<i32>} : memref<32x104xf32, #tpu.memory_space<vmem>>, vector<16xf32>,
      tpu.vector_store %arg11[%swap3A_1380, %swap3A_1381], %get3A_1378 {strides = array<i32>} : memref<32x104xf32, #tpu.memory_space<vmem>>, vector<16xf32>,
      %get3A_1383 = arith.constant 22 : i32
      %get3A_1384 = arith.index_cast %get3A_1383 : i32 to index
      %get3A_1385 = arith.constant 976 : index
      %get3A_1386 = tpu.vector_load %arg9[%get3A_1384, %get3A_1385] {strides = array<i32>} : memref<32x1024xf32, #tpu.memory_space<vmem>>, vector<16xf32>,
      %swap3A_1387 = arith.constant 22 : i32
      %swap3A_1388 = arith.index_cast %swap3A_1387 : i32 to index
      %swap3A_1389 = arith.constant 80 : index
      %swap3A_1390 = tpu.vector_load %arg11[%swap3A_1388, %swap3A_1389] {strides = array<i32>} : memref<32x104xf32, #tpu.memory_space<vmem>>, vector<16xf32>,
      tpu.vector_store %arg11[%swap3A_1388, %swap3A_1389], %get3A_1386 {strides = array<i32>} : memref<32x104xf32, #tpu.memory_space<vmem>>, vector<16xf32>,
      %get3A_1391 = arith.constant 22 : i32
      %get3A_1392 = arith.index_cast %get3A_1391 : i32 to index
      %get3A_1393 = arith.constant 984 : index
      %get3A_1394 = tpu.vector_load %arg9[%get3A_1392, %get3A_1393] {strides = array<i32>} : memref<32x1024xf32, #tpu.memory_space<vmem>>, vector<16xf32>,
      %swap3A_1395 = arith.constant 22 : i32
      %swap3A_1396 = arith.index_cast %swap3A_1395 : i32 to index
      %swap3A_1397 = arith.constant 88 : index
      %swap3A_1398 = tpu.vector_load %arg11[%swap3A_1396, %swap3A_1397] {strides = array<i32>} : memref<32x104xf32, #tpu.memory_space<vmem>>, vector<16xf32>,
      tpu.vector_store %arg11[%swap3A_1396, %swap3A_1397], %get3A_1394 {strides = array<i32>} : memref<32x104xf32, #tpu.memory_space<vmem>>, vector<16xf32>,
      %get3A_1399 = arith.constant 23 : i32
      %get3A_1400 = arith.index_cast %get3A_1399 : i32 to index
      %get3A_1401 = arith.constant 896 : index
      %get3A_1402 = tpu.vector_load %arg9[%get3A_1400, %get3A_1401] {strides = array<i32>} : memref<32x1024xf32, #tpu.memory_space<vmem>>, vector<16xf32>,
      %swap3A_1403 = arith.constant 23 : i32
      %swap3A_1404 = arith.index_cast %swap3A_1403 : i32 to index
      %swap3A_1405 = arith.constant 0 : index
      %swap3A_1406 = tpu.vector_load %arg11[%swap3A_1404, %swap3A_1405] {strides = array<i32>} : memref<32x104xf32, #tpu.memory_space<vmem>>, vector<16xf32>,
      tpu.vector_store %arg11[%swap3A_1404, %swap3A_1405], %get3A_1402 {strides = array<i32>} : memref<32x104xf32, #tpu.memory_space<vmem>>, vector<16xf32>,
      %get3A_1407 = arith.constant 23 : i32
      %get3A_1408 = arith.index_cast %get3A_1407 : i32 to index
      %get3A_1409 = arith.constant 912 : index
      %get3A_1410 = tpu.vector_load %arg9[%get3A_1408, %get3A_1409] {strides = array<i32>} : memref<32x1024xf32, #tpu.memory_space<vmem>>, vector<16xf32>,
      %swap3A_1411 = arith.constant 23 : i32
      %swap3A_1412 = arith.index_cast %swap3A_1411 : i32 to index
      %swap3A_1413 = arith.constant 16 : index
      %swap3A_1414 = tpu.vector_load %arg11[%swap3A_1412, %swap3A_1413] {strides = array<i32>} : memref<32x104xf32, #tpu.memory_space<vmem>>, vector<16xf32>,
      tpu.vector_store %arg11[%swap3A_1412, %swap3A_1413], %get3A_1410 {strides = array<i32>} : memref<32x104xf32, #tpu.memory_space<vmem>>, vector<16xf32>,
      %get3A_1415 = arith.constant 23 : i32
      %get3A_1416 = arith.index_cast %get3A_1415 : i32 to index
      %get3A_1417 = arith.constant 928 : index
      %get3A_1418 = tpu.vector_load %arg9[%get3A_1416, %get3A_1417] {strides = array<i32>} : memref<32x1024xf32, #tpu.memory_space<vmem>>, vector<16xf32>,
      %swap3A_1419 = arith.constant 23 : i32
      %swap3A_1420 = arith.index_cast %swap3A_1419 : i32 to index
      %swap3A_1421 = arith.constant 32 : index
      %swap3A_1422 = tpu.vector_load %arg11[%swap3A_1420, %swap3A_1421] {strides = array<i32>} : memref<32x104xf32, #tpu.memory_space<vmem>>, vector<16xf32>,
      tpu.vector_store %arg11[%swap3A_1420, %swap3A_1421], %get3A_1418 {strides = array<i32>} : memref<32x104xf32, #tpu.memory_space<vmem>>, vector<16xf32>,
      %get3A_1423 = arith.constant 23 : i32
      %get3A_1424 = arith.index_cast %get3A_1423 : i32 to index
      %get3A_1425 = arith.constant 944 : index
      %get3A_1426 = tpu.vector_load %arg9[%get3A_1424, %get3A_1425] {strides = array<i32>} : memref<32x1024xf32, #tpu.memory_space<vmem>>, vector<16xf32>,
      %swap3A_1427 = arith.constant 23 : i32
      %swap3A_1428 = arith.index_cast %swap3A_1427 : i32 to index
      %swap3A_1429 = arith.constant 48 : index
      %swap3A_1430 = tpu.vector_load %arg11[%swap3A_1428, %swap3A_1429] {strides = array<i32>} : memref<32x104xf32, #tpu.memory_space<vmem>>, vector<16xf32>,
      tpu.vector_store %arg11[%swap3A_1428, %swap3A_1429], %get3A_1426 {strides = array<i32>} : memref<32x104xf32, #tpu.memory_space<vmem>>, vector<16xf32>,
      %get3A_1431 = arith.constant 23 : i32
      %get3A_1432 = arith.index_cast %get3A_1431 : i32 to index
      %get3A_1433 = arith.constant 960 : index
      %get3A_1434 = tpu.vector_load %arg9[%get3A_1432, %get3A_1433] {strides = array<i32>} : memref<32x1024xf32, #tpu.memory_space<vmem>>, vector<16xf32>,
      %swap3A_1435 = arith.constant 23 : i32
      %swap3A_1436 = arith.index_cast %swap3A_1435 : i32 to index
      %swap3A_1437 = arith.constant 64 : index
      %swap3A_1438 = tpu.vector_load %arg11[%swap3A_1436, %swap3A_1437] {strides = array<i32>} : memref<32x104xf32, #tpu.memory_space<vmem>>, vector<16xf32>,
      tpu.vector_store %arg11[%swap3A_1436, %swap3A_1437], %get3A_1434 {strides = array<i32>} : memref<32x104xf32, #tpu.memory_space<vmem>>, vector<16xf32>,
      %get3A_1439 = arith.constant 23 : i32
      %get3A_1440 = arith.index_cast %get3A_1439 : i32 to index
      %get3A_1441 = arith.constant 976 : index
      %get3A_1442 = tpu.vector_load %arg9[%get3A_1440, %get3A_1441] {strides = array<i32>} : memref<32x1024xf32, #tpu.memory_space<vmem>>, vector<16xf32>,
      %swap3A_1443 = arith.constant 23 : i32
      %swap3A_1444 = arith.index_cast %swap3A_1443 : i32 to index
      %swap3A_1445 = arith.constant 80 : index
      %swap3A_1446 = tpu.vector_load %arg11[%swap3A_1444, %swap3A_1445] {strides = array<i32>} : memref<32x104xf32, #tpu.memory_space<vmem>>, vector<16xf32>,
      tpu.vector_store %arg11[%swap3A_1444, %swap3A_1445], %get3A_1442 {strides = array<i32>} : memref<32x104xf32, #tpu.memory_space<vmem>>, vector<16xf32>,
      %get3A_1447 = arith.constant 23 : i32
      %get3A_1448 = arith.index_cast %get3A_1447 : i32 to index
      %get3A_1449 = arith.constant 984 : index
      %get3A_1450 = tpu.vector_load %arg9[%get3A_1448, %get3A_1449] {strides = array<i32>} : memref<32x1024xf32, #tpu.memory_space<vmem>>, vector<16xf32>,
      %swap3A_1451 = arith.constant 23 : i32
      %swap3A_1452 = arith.index_cast %swap3A_1451 : i32 to index
      %swap3A_1453 = arith.constant 88 : index
      %swap3A_1454 = tpu.vector_load %arg11[%swap3A_1452, %swap3A_1453] {strides = array<i32>} : memref<32x104xf32, #tpu.memory_space<vmem>>, vector<16xf32>,
      tpu.vector_store %arg11[%swap3A_1452, %swap3A_1453], %get3A_1450 {strides = array<i32>} : memref<32x104xf32, #tpu.memory_space<vmem>>, vector<16xf32>,
      %get3A_1455 = arith.constant 24 : i32
      %get3A_1456 = arith.index_cast %get3A_1455 : i32 to index
      %get3A_1457 = arith.constant 896 : index
      %get3A_1458 = tpu.vector_load %arg9[%get3A_1456, %get3A_1457] {strides = array<i32>} : memref<32x1024xf32, #tpu.memory_space<vmem>>, vector<16xf32>,
      %swap3A_1459 = arith.constant 24 : i32
      %swap3A_1460 = arith.index_cast %swap3A_1459 : i32 to index
      %swap3A_1461 = arith.constant 0 : index
      %swap3A_1462 = tpu.vector_load %arg11[%swap3A_1460, %swap3A_1461] {strides = array<i32>} : memref<32x104xf32, #tpu.memory_space<vmem>>, vector<16xf32>,
      tpu.vector_store %arg11[%swap3A_1460, %swap3A_1461], %get3A_1458 {strides = array<i32>} : memref<32x104xf32, #tpu.memory_space<vmem>>, vector<16xf32>,
      %get3A_1463 = arith.constant 24 : i32
      %get3A_1464 = arith.index_cast %get3A_1463 : i32 to index
      %get3A_1465 = arith.constant 912 : index
      %get3A_1466 = tpu.vector_load %arg9[%get3A_1464, %get3A_1465] {strides = array<i32>} : memref<32x1024xf32, #tpu.memory_space<vmem>>, vector<16xf32>,
      %swap3A_1467 = arith.constant 24 : i32
      %swap3A_1468 = arith.index_cast %swap3A_1467 : i32 to index
      %swap3A_1469 = arith.constant 16 : index
      %swap3A_1470 = tpu.vector_load %arg11[%swap3A_1468, %swap3A_1469] {strides = array<i32>} : memref<32x104xf32, #tpu.memory_space<vmem>>, vector<16xf32>,
      tpu.vector_store %arg11[%swap3A_1468, %swap3A_1469], %get3A_1466 {strides = array<i32>} : memref<32x104xf32, #tpu.memory_space<vmem>>, vector<16xf32>,
      %get3A_1471 = arith.constant 24 : i32
      %get3A_1472 = arith.index_cast %get3A_1471 : i32 to index
      %get3A_1473 = arith.constant 928 : index
      %get3A_1474 = tpu.vector_load %arg9[%get3A_1472, %get3A_1473] {strides = array<i32>} : memref<32x1024xf32, #tpu.memory_space<vmem>>, vector<16xf32>,
      %swap3A_1475 = arith.constant 24 : i32
      %swap3A_1476 = arith.index_cast %swap3A_1475 : i32 to index
      %swap3A_1477 = arith.constant 32 : index
      %swap3A_1478 = tpu.vector_load %arg11[%swap3A_1476, %swap3A_1477] {strides = array<i32>} : memref<32x104xf32, #tpu.memory_space<vmem>>, vector<16xf32>,
      tpu.vector_store %arg11[%swap3A_1476, %swap3A_1477], %get3A_1474 {strides = array<i32>} : memref<32x104xf32, #tpu.memory_space<vmem>>, vector<16xf32>,
      %get3A_1479 = arith.constant 24 : i32
      %get3A_1480 = arith.index_cast %get3A_1479 : i32 to index
      %get3A_1481 = arith.constant 944 : index
      %get3A_1482 = tpu.vector_load %arg9[%get3A_1480, %get3A_1481] {strides = array<i32>} : memref<32x1024xf32, #tpu.memory_space<vmem>>, vector<16xf32>,
      %swap3A_1483 = arith.constant 24 : i32
      %swap3A_1484 = arith.index_cast %swap3A_1483 : i32 to index
      %swap3A_1485 = arith.constant 48 : index
      %swap3A_1486 = tpu.vector_load %arg11[%swap3A_1484, %swap3A_1485] {strides = array<i32>} : memref<32x104xf32, #tpu.memory_space<vmem>>, vector<16xf32>,
      tpu.vector_store %arg11[%swap3A_1484, %swap3A_1485], %get3A_1482 {strides = array<i32>} : memref<32x104xf32, #tpu.memory_space<vmem>>, vector<16xf32>,
      %get3A_1487 = arith.constant 24 : i32
      %get3A_1488 = arith.index_cast %get3A_1487 : i32 to index
      %get3A_1489 = arith.constant 960 : index
      %get3A_1490 = tpu.vector_load %arg9[%get3A_1488, %get3A_1489] {strides = array<i32>} : memref<32x1024xf32, #tpu.memory_space<vmem>>, vector<16xf32>,
      %swap3A_1491 = arith.constant 24 : i32
      %swap3A_1492 = arith.index_cast %swap3A_1491 : i32 to index
      %swap3A_1493 = arith.constant 64 : index
      %swap3A_1494 = tpu.vector_load %arg11[%swap3A_1492, %swap3A_1493] {strides = array<i32>} : memref<32x104xf32, #tpu.memory_space<vmem>>, vector<16xf32>,
      tpu.vector_store %arg11[%swap3A_1492, %swap3A_1493], %get3A_1490 {strides = array<i32>} : memref<32x104xf32, #tpu.memory_space<vmem>>, vector<16xf32>,
      %get3A_1495 = arith.constant 24 : i32
      %get3A_1496 = arith.index_cast %get3A_1495 : i32 to index
      %get3A_1497 = arith.constant 976 : index
      %get3A_1498 = tpu.vector_load %arg9[%get3A_1496, %get3A_1497] {strides = array<i32>} : memref<32x1024xf32, #tpu.memory_space<vmem>>, vector<16xf32>,
      %swap3A_1499 = arith.constant 24 : i32
      %swap3A_1500 = arith.index_cast %swap3A_1499 : i32 to index
      %swap3A_1501 = arith.constant 80 : index
      %swap3A_1502 = tpu.vector_load %arg11[%swap3A_1500, %swap3A_1501] {strides = array<i32>} : memref<32x104xf32, #tpu.memory_space<vmem>>, vector<16xf32>,
      tpu.vector_store %arg11[%swap3A_1500, %swap3A_1501], %get3A_1498 {strides = array<i32>} : memref<32x104xf32, #tpu.memory_space<vmem>>, vector<16xf32>,
      %get3A_1503 = arith.constant 24 : i32
      %get3A_1504 = arith.index_cast %get3A_1503 : i32 to index
      %get3A_1505 = arith.constant 984 : index
      %get3A_1506 = tpu.vector_load %arg9[%get3A_1504, %get3A_1505] {strides = array<i32>} : memref<32x1024xf32, #tpu.memory_space<vmem>>, vector<16xf32>,
      %swap3A_1507 = arith.constant 24 : i32
      %swap3A_1508 = arith.index_cast %swap3A_1507 : i32 to index
      %swap3A_1509 = arith.constant 88 : index
      %swap3A_1510 = tpu.vector_load %arg11[%swap3A_1508, %swap3A_1509] {strides = array<i32>} : memref<32x104xf32, #tpu.memory_space<vmem>>, vector<16xf32>,
      tpu.vector_store %arg11[%swap3A_1508, %swap3A_1509], %get3A_1506 {strides = array<i32>} : memref<32x104xf32, #tpu.memory_space<vmem>>, vector<16xf32>,
      %get3A_1511 = arith.constant 25 : i32
      %get3A_1512 = arith.index_cast %get3A_1511 : i32 to index
      %get3A_1513 = arith.constant 896 : index
      %get3A_1514 = tpu.vector_load %arg9[%get3A_1512, %get3A_1513] {strides = array<i32>} : memref<32x1024xf32, #tpu.memory_space<vmem>>, vector<16xf32>,
      %swap3A_1515 = arith.constant 25 : i32
      %swap3A_1516 = arith.index_cast %swap3A_1515 : i32 to index
      %swap3A_1517 = arith.constant 0 : index
      %swap3A_1518 = tpu.vector_load %arg11[%swap3A_1516, %swap3A_1517] {strides = array<i32>} : memref<32x104xf32, #tpu.memory_space<vmem>>, vector<16xf32>,
      tpu.vector_store %arg11[%swap3A_1516, %swap3A_1517], %get3A_1514 {strides = array<i32>} : memref<32x104xf32, #tpu.memory_space<vmem>>, vector<16xf32>,
      %get3A_1519 = arith.constant 25 : i32
      %get3A_1520 = arith.index_cast %get3A_1519 : i32 to index
      %get3A_1521 = arith.constant 912 : index
      %get3A_1522 = tpu.vector_load %arg9[%get3A_1520, %get3A_1521] {strides = array<i32>} : memref<32x1024xf32, #tpu.memory_space<vmem>>, vector<16xf32>,
      %swap3A_1523 = arith.constant 25 : i32
      %swap3A_1524 = arith.index_cast %swap3A_1523 : i32 to index
      %swap3A_1525 = arith.constant 16 : index
      %swap3A_1526 = tpu.vector_load %arg11[%swap3A_1524, %swap3A_1525] {strides = array<i32>} : memref<32x104xf32, #tpu.memory_space<vmem>>, vector<16xf32>,
      tpu.vector_store %arg11[%swap3A_1524, %swap3A_1525], %get3A_1522 {strides = array<i32>} : memref<32x104xf32, #tpu.memory_space<vmem>>, vector<16xf32>,
      %get3A_1527 = arith.constant 25 : i32
      %get3A_1528 = arith.index_cast %get3A_1527 : i32 to index
      %get3A_1529 = arith.constant 928 : index
      %get3A_1530 = tpu.vector_load %arg9[%get3A_1528, %get3A_1529] {strides = array<i32>} : memref<32x1024xf32, #tpu.memory_space<vmem>>, vector<16xf32>,
      %swap3A_1531 = arith.constant 25 : i32
      %swap3A_1532 = arith.index_cast %swap3A_1531 : i32 to index
      %swap3A_1533 = arith.constant 32 : index
      %swap3A_1534 = tpu.vector_load %arg11[%swap3A_1532, %swap3A_1533] {strides = array<i32>} : memref<32x104xf32, #tpu.memory_space<vmem>>, vector<16xf32>,
      tpu.vector_store %arg11[%swap3A_1532, %swap3A_1533], %get3A_1530 {strides = array<i32>} : memref<32x104xf32, #tpu.memory_space<vmem>>, vector<16xf32>,
      %get3A_1535 = arith.constant 25 : i32
      %get3A_1536 = arith.index_cast %get3A_1535 : i32 to index
      %get3A_1537 = arith.constant 944 : index
      %get3A_1538 = tpu.vector_load %arg9[%get3A_1536, %get3A_1537] {strides = array<i32>} : memref<32x1024xf32, #tpu.memory_space<vmem>>, vector<16xf32>,
      %swap3A_1539 = arith.constant 25 : i32
      %swap3A_1540 = arith.index_cast %swap3A_1539 : i32 to index
      %swap3A_1541 = arith.constant 48 : index
      %swap3A_1542 = tpu.vector_load %arg11[%swap3A_1540, %swap3A_1541] {strides = array<i32>} : memref<32x104xf32, #tpu.memory_space<vmem>>, vector<16xf32>,
      tpu.vector_store %arg11[%swap3A_1540, %swap3A_1541], %get3A_1538 {strides = array<i32>} : memref<32x104xf32, #tpu.memory_space<vmem>>, vector<16xf32>,
      %get3A_1543 = arith.constant 25 : i32
      %get3A_1544 = arith.index_cast %get3A_1543 : i32 to index
      %get3A_1545 = arith.constant 960 : index
      %get3A_1546 = tpu.vector_load %arg9[%get3A_1544, %get3A_1545] {strides = array<i32>} : memref<32x1024xf32, #tpu.memory_space<vmem>>, vector<16xf32>,
      %swap3A_1547 = arith.constant 25 : i32
      %swap3A_1548 = arith.index_cast %swap3A_1547 : i32 to index
      %swap3A_1549 = arith.constant 64 : index
      %swap3A_1550 = tpu.vector_load %arg11[%swap3A_1548, %swap3A_1549] {strides = array<i32>} : memref<32x104xf32, #tpu.memory_space<vmem>>, vector<16xf32>,
      tpu.vector_store %arg11[%swap3A_1548, %swap3A_1549], %get3A_1546 {strides = array<i32>} : memref<32x104xf32, #tpu.memory_space<vmem>>, vector<16xf32>,
      %get3A_1551 = arith.constant 25 : i32
      %get3A_1552 = arith.index_cast %get3A_1551 : i32 to index
      %get3A_1553 = arith.constant 976 : index
      %get3A_1554 = tpu.vector_load %arg9[%get3A_1552, %get3A_1553] {strides = array<i32>} : memref<32x1024xf32, #tpu.memory_space<vmem>>, vector<16xf32>,
      %swap3A_1555 = arith.constant 25 : i32
      %swap3A_1556 = arith.index_cast %swap3A_1555 : i32 to index
      %swap3A_1557 = arith.constant 80 : index
      %swap3A_1558 = tpu.vector_load %arg11[%swap3A_1556, %swap3A_1557] {strides = array<i32>} : memref<32x104xf32, #tpu.memory_space<vmem>>, vector<16xf32>,
      tpu.vector_store %arg11[%swap3A_1556, %swap3A_1557], %get3A_1554 {strides = array<i32>} : memref<32x104xf32, #tpu.memory_space<vmem>>, vector<16xf32>,
      %get3A_1559 = arith.constant 25 : i32
      %get3A_1560 = arith.index_cast %get3A_1559 : i32 to index
      %get3A_1561 = arith.constant 984 : index
      %get3A_1562 = tpu.vector_load %arg9[%get3A_1560, %get3A_1561] {strides = array<i32>} : memref<32x1024xf32, #tpu.memory_space<vmem>>, vector<16xf32>,
      %swap3A_1563 = arith.constant 25 : i32
      %swap3A_1564 = arith.index_cast %swap3A_1563 : i32 to index
      %swap3A_1565 = arith.constant 88 : index
      %swap3A_1566 = tpu.vector_load %arg11[%swap3A_1564, %swap3A_1565] {strides = array<i32>} : memref<32x104xf32, #tpu.memory_space<vmem>>, vector<16xf32>,
      tpu.vector_store %arg11[%swap3A_1564, %swap3A_1565], %get3A_1562 {strides = array<i32>} : memref<32x104xf32, #tpu.memory_space<vmem>>, vector<16xf32>,
      %get3A_1567 = arith.constant 26 : i32
      %get3A_1568 = arith.index_cast %get3A_1567 : i32 to index
      %get3A_1569 = arith.constant 896 : index
      %get3A_1570 = tpu.vector_load %arg9[%get3A_1568, %get3A_1569] {strides = array<i32>} : memref<32x1024xf32, #tpu.memory_space<vmem>>, vector<16xf32>,
      %swap3A_1571 = arith.constant 26 : i32
      %swap3A_1572 = arith.index_cast %swap3A_1571 : i32 to index
      %swap3A_1573 = arith.constant 0 : index
      %swap3A_1574 = tpu.vector_load %arg11[%swap3A_1572, %swap3A_1573] {strides = array<i32>} : memref<32x104xf32, #tpu.memory_space<vmem>>, vector<16xf32>,
      tpu.vector_store %arg11[%swap3A_1572, %swap3A_1573], %get3A_1570 {strides = array<i32>} : memref<32x104xf32, #tpu.memory_space<vmem>>, vector<16xf32>,
      %get3A_1575 = arith.constant 26 : i32
      %get3A_1576 = arith.index_cast %get3A_1575 : i32 to index
      %get3A_1577 = arith.constant 912 : index
      %get3A_1578 = tpu.vector_load %arg9[%get3A_1576, %get3A_1577] {strides = array<i32>} : memref<32x1024xf32, #tpu.memory_space<vmem>>, vector<16xf32>,
      %swap3A_1579 = arith.constant 26 : i32
      %swap3A_1580 = arith.index_cast %swap3A_1579 : i32 to index
      %swap3A_1581 = arith.constant 16 : index
      %swap3A_1582 = tpu.vector_load %arg11[%swap3A_1580, %swap3A_1581] {strides = array<i32>} : memref<32x104xf32, #tpu.memory_space<vmem>>, vector<16xf32>,
      tpu.vector_store %arg11[%swap3A_1580, %swap3A_1581], %get3A_1578 {strides = array<i32>} : memref<32x104xf32, #tpu.memory_space<vmem>>, vector<16xf32>,
      %get3A_1583 = arith.constant 26 : i32
      %get3A_1584 = arith.index_cast %get3A_1583 : i32 to index
      %get3A_1585 = arith.constant 928 : index
      %get3A_1586 = tpu.vector_load %arg9[%get3A_1584, %get3A_1585] {strides = array<i32>} : memref<32x1024xf32, #tpu.memory_space<vmem>>, vector<16xf32>,
      %swap3A_1587 = arith.constant 26 : i32
      %swap3A_1588 = arith.index_cast %swap3A_1587 : i32 to index
      %swap3A_1589 = arith.constant 32 : index
      %swap3A_1590 = tpu.vector_load %arg11[%swap3A_1588, %swap3A_1589] {strides = array<i32>} : memref<32x104xf32, #tpu.memory_space<vmem>>, vector<16xf32>,
      tpu.vector_store %arg11[%swap3A_1588, %swap3A_1589], %get3A_1586 {strides = array<i32>} : memref<32x104xf32, #tpu.memory_space<vmem>>, vector<16xf32>,
      %get3A_1591 = arith.constant 26 : i32
      %get3A_1592 = arith.index_cast %get3A_1591 : i32 to index
      %get3A_1593 = arith.constant 944 : index
      %get3A_1594 = tpu.vector_load %arg9[%get3A_1592, %get3A_1593] {strides = array<i32>} : memref<32x1024xf32, #tpu.memory_space<vmem>>, vector<16xf32>,
      %swap3A_1595 = arith.constant 26 : i32
      %swap3A_1596 = arith.index_cast %swap3A_1595 : i32 to index
      %swap3A_1597 = arith.constant 48 : index
      %swap3A_1598 = tpu.vector_load %arg11[%swap3A_1596, %swap3A_1597] {strides = array<i32>} : memref<32x104xf32, #tpu.memory_space<vmem>>, vector<16xf32>,
      tpu.vector_store %arg11[%swap3A_1596, %swap3A_1597], %get3A_1594 {strides = array<i32>} : memref<32x104xf32, #tpu.memory_space<vmem>>, vector<16xf32>,
      %get3A_1599 = arith.constant 26 : i32
      %get3A_1600 = arith.index_cast %get3A_1599 : i32 to index
      %get3A_1601 = arith.constant 960 : index
      %get3A_1602 = tpu.vector_load %arg9[%get3A_1600, %get3A_1601] {strides = array<i32>} : memref<32x1024xf32, #tpu.memory_space<vmem>>, vector<16xf32>,
      %swap3A_1603 = arith.constant 26 : i32
      %swap3A_1604 = arith.index_cast %swap3A_1603 : i32 to index
      %swap3A_1605 = arith.constant 64 : index
      %swap3A_1606 = tpu.vector_load %arg11[%swap3A_1604, %swap3A_1605] {strides = array<i32>} : memref<32x104xf32, #tpu.memory_space<vmem>>, vector<16xf32>,
      tpu.vector_store %arg11[%swap3A_1604, %swap3A_1605], %get3A_1602 {strides = array<i32>} : memref<32x104xf32, #tpu.memory_space<vmem>>, vector<16xf32>,
      %get3A_1607 = arith.constant 26 : i32
      %get3A_1608 = arith.index_cast %get3A_1607 : i32 to index
      %get3A_1609 = arith.constant 976 : index
      %get3A_1610 = tpu.vector_load %arg9[%get3A_1608, %get3A_1609] {strides = array<i32>} : memref<32x1024xf32, #tpu.memory_space<vmem>>, vector<16xf32>,
      %swap3A_1611 = arith.constant 26 : i32
      %swap3A_1612 = arith.index_cast %swap3A_1611 : i32 to index
      %swap3A_1613 = arith.constant 80 : index
      %swap3A_1614 = tpu.vector_load %arg11[%swap3A_1612, %swap3A_1613] {strides = array<i32>} : memref<32x104xf32, #tpu.memory_space<vmem>>, vector<16xf32>,
      tpu.vector_store %arg11[%swap3A_1612, %swap3A_1613], %get3A_1610 {strides = array<i32>} : memref<32x104xf32, #tpu.memory_space<vmem>>, vector<16xf32>,
      %get3A_1615 = arith.constant 26 : i32
      %get3A_1616 = arith.index_cast %get3A_1615 : i32 to index
      %get3A_1617 = arith.constant 984 : index
      %get3A_1618 = tpu.vector_load %arg9[%get3A_1616, %get3A_1617] {strides = array<i32>} : memref<32x1024xf32, #tpu.memory_space<vmem>>, vector<16xf32>,
      %swap3A_1619 = arith.constant 26 : i32
      %swap3A_1620 = arith.index_cast %swap3A_1619 : i32 to index
      %swap3A_1621 = arith.constant 88 : index
      %swap3A_1622 = tpu.vector_load %arg11[%swap3A_1620, %swap3A_1621] {strides = array<i32>} : memref<32x104xf32, #tpu.memory_space<vmem>>, vector<16xf32>,
      tpu.vector_store %arg11[%swap3A_1620, %swap3A_1621], %get3A_1618 {strides = array<i32>} : memref<32x104xf32, #tpu.memory_space<vmem>>, vector<16xf32>,
      %get3A_1623 = arith.constant 27 : i32
      %get3A_1624 = arith.index_cast %get3A_1623 : i32 to index
      %get3A_1625 = arith.constant 896 : index
      %get3A_1626 = tpu.vector_load %arg9[%get3A_1624, %get3A_1625] {strides = array<i32>} : memref<32x1024xf32, #tpu.memory_space<vmem>>, vector<16xf32>,
      %swap3A_1627 = arith.constant 27 : i32
      %swap3A_1628 = arith.index_cast %swap3A_1627 : i32 to index
      %swap3A_1629 = arith.constant 0 : index
      %swap3A_1630 = tpu.vector_load %arg11[%swap3A_1628, %swap3A_1629] {strides = array<i32>} : memref<32x104xf32, #tpu.memory_space<vmem>>, vector<16xf32>,
      tpu.vector_store %arg11[%swap3A_1628, %swap3A_1629], %get3A_1626 {strides = array<i32>} : memref<32x104xf32, #tpu.memory_space<vmem>>, vector<16xf32>,
      %get3A_1631 = arith.constant 27 : i32
      %get3A_1632 = arith.index_cast %get3A_1631 : i32 to index
      %get3A_1633 = arith.constant 912 : index
      %get3A_1634 = tpu.vector_load %arg9[%get3A_1632, %get3A_1633] {strides = array<i32>} : memref<32x1024xf32, #tpu.memory_space<vmem>>, vector<16xf32>,
      %swap3A_1635 = arith.constant 27 : i32
      %swap3A_1636 = arith.index_cast %swap3A_1635 : i32 to index
      %swap3A_1637 = arith.constant 16 : index
      %swap3A_1638 = tpu.vector_load %arg11[%swap3A_1636, %swap3A_1637] {strides = array<i32>} : memref<32x104xf32, #tpu.memory_space<vmem>>, vector<16xf32>,
      tpu.vector_store %arg11[%swap3A_1636, %swap3A_1637], %get3A_1634 {strides = array<i32>} : memref<32x104xf32, #tpu.memory_space<vmem>>, vector<16xf32>,
      %get3A_1639 = arith.constant 27 : i32
      %get3A_1640 = arith.index_cast %get3A_1639 : i32 to index
      %get3A_1641 = arith.constant 928 : index
      %get3A_1642 = tpu.vector_load %arg9[%get3A_1640, %get3A_1641] {strides = array<i32>} : memref<32x1024xf32, #tpu.memory_space<vmem>>, vector<16xf32>,
      %swap3A_1643 = arith.constant 27 : i32
      %swap3A_1644 = arith.index_cast %swap3A_1643 : i32 to index
      %swap3A_1645 = arith.constant 32 : index
      %swap3A_1646 = tpu.vector_load %arg11[%swap3A_1644, %swap3A_1645] {strides = array<i32>} : memref<32x104xf32, #tpu.memory_space<vmem>>, vector<16xf32>,
      tpu.vector_store %arg11[%swap3A_1644, %swap3A_1645], %get3A_1642 {strides = array<i32>} : memref<32x104xf32, #tpu.memory_space<vmem>>, vector<16xf32>,
      %get3A_1647 = arith.constant 27 : i32
      %get3A_1648 = arith.index_cast %get3A_1647 : i32 to index
      %get3A_1649 = arith.constant 944 : index
      %get3A_1650 = tpu.vector_load %arg9[%get3A_1648, %get3A_1649] {strides = array<i32>} : memref<32x1024xf32, #tpu.memory_space<vmem>>, vector<16xf32>,
      %swap3A_1651 = arith.constant 27 : i32
      %swap3A_1652 = arith.index_cast %swap3A_1651 : i32 to index
      %swap3A_1653 = arith.constant 48 : index
      %swap3A_1654 = tpu.vector_load %arg11[%swap3A_1652, %swap3A_1653] {strides = array<i32>} : memref<32x104xf32, #tpu.memory_space<vmem>>, vector<16xf32>,
      tpu.vector_store %arg11[%swap3A_1652, %swap3A_1653], %get3A_1650 {strides = array<i32>} : memref<32x104xf32, #tpu.memory_space<vmem>>, vector<16xf32>,
      %get3A_1655 = arith.constant 27 : i32
      %get3A_1656 = arith.index_cast %get3A_1655 : i32 to index
      %get3A_1657 = arith.constant 960 : index
      %get3A_1658 = tpu.vector_load %arg9[%get3A_1656, %get3A_1657] {strides = array<i32>} : memref<32x1024xf32, #tpu.memory_space<vmem>>, vector<16xf32>,
      %swap3A_1659 = arith.constant 27 : i32
      %swap3A_1660 = arith.index_cast %swap3A_1659 : i32 to index
      %swap3A_1661 = arith.constant 64 : index
      %swap3A_1662 = tpu.vector_load %arg11[%swap3A_1660, %swap3A_1661] {strides = array<i32>} : memref<32x104xf32, #tpu.memory_space<vmem>>, vector<16xf32>,
      tpu.vector_store %arg11[%swap3A_1660, %swap3A_1661], %get3A_1658 {strides = array<i32>} : memref<32x104xf32, #tpu.memory_space<vmem>>, vector<16xf32>,
      %get3A_1663 = arith.constant 27 : i32
      %get3A_1664 = arith.index_cast %get3A_1663 : i32 to index
      %get3A_1665 = arith.constant 976 : index
      %get3A_1666 = tpu.vector_load %arg9[%get3A_1664, %get3A_1665] {strides = array<i32>} : memref<32x1024xf32, #tpu.memory_space<vmem>>, vector<16xf32>,
      %swap3A_1667 = arith.constant 27 : i32
      %swap3A_1668 = arith.index_cast %swap3A_1667 : i32 to index
      %swap3A_1669 = arith.constant 80 : index
      %swap3A_1670 = tpu.vector_load %arg11[%swap3A_1668, %swap3A_1669] {strides = array<i32>} : memref<32x104xf32, #tpu.memory_space<vmem>>, vector<16xf32>,
      tpu.vector_store %arg11[%swap3A_1668, %swap3A_1669], %get3A_1666 {strides = array<i32>} : memref<32x104xf32, #tpu.memory_space<vmem>>, vector<16xf32>,
      %get3A_1671 = arith.constant 27 : i32
      %get3A_1672 = arith.index_cast %get3A_1671 : i32 to index
      %get3A_1673 = arith.constant 984 : index
      %get3A_1674 = tpu.vector_load %arg9[%get3A_1672, %get3A_1673] {strides = array<i32>} : memref<32x1024xf32, #tpu.memory_space<vmem>>, vector<16xf32>,
      %swap3A_1675 = arith.constant 27 : i32
      %swap3A_1676 = arith.index_cast %swap3A_1675 : i32 to index
      %swap3A_1677 = arith.constant 88 : index
      %swap3A_1678 = tpu.vector_load %arg11[%swap3A_1676, %swap3A_1677] {strides = array<i32>} : memref<32x104xf32, #tpu.memory_space<vmem>>, vector<16xf32>,
      tpu.vector_store %arg11[%swap3A_1676, %swap3A_1677], %get3A_1674 {strides = array<i32>} : memref<32x104xf32, #tpu.memory_space<vmem>>, vector<16xf32>,
      %get3A_1679 = arith.constant 28 : i32
      %get3A_1680 = arith.index_cast %get3A_1679 : i32 to index
      %get3A_1681 = arith.constant 896 : index
      %get3A_1682 = tpu.vector_load %arg9[%get3A_1680, %get3A_1681] {strides = array<i32>} : memref<32x1024xf32, #tpu.memory_space<vmem>>, vector<16xf32>,
      %swap3A_1683 = arith.constant 28 : i32
      %swap3A_1684 = arith.index_cast %swap3A_1683 : i32 to index
      %swap3A_1685 = arith.constant 0 : index
      %swap3A_1686 = tpu.vector_load %arg11[%swap3A_1684, %swap3A_1685] {strides = array<i32>} : memref<32x104xf32, #tpu.memory_space<vmem>>, vector<16xf32>,
      tpu.vector_store %arg11[%swap3A_1684, %swap3A_1685], %get3A_1682 {strides = array<i32>} : memref<32x104xf32, #tpu.memory_space<vmem>>, vector<16xf32>,
      %get3A_1687 = arith.constant 28 : i32
      %get3A_1688 = arith.index_cast %get3A_1687 : i32 to index
      %get3A_1689 = arith.constant 912 : index
      %get3A_1690 = tpu.vector_load %arg9[%get3A_1688, %get3A_1689] {strides = array<i32>} : memref<32x1024xf32, #tpu.memory_space<vmem>>, vector<16xf32>,
      %swap3A_1691 = arith.constant 28 : i32
      %swap3A_1692 = arith.index_cast %swap3A_1691 : i32 to index
      %swap3A_1693 = arith.constant 16 : index
      %swap3A_1694 = tpu.vector_load %arg11[%swap3A_1692, %swap3A_1693] {strides = array<i32>} : memref<32x104xf32, #tpu.memory_space<vmem>>, vector<16xf32>,
      tpu.vector_store %arg11[%swap3A_1692, %swap3A_1693], %get3A_1690 {strides = array<i32>} : memref<32x104xf32, #tpu.memory_space<vmem>>, vector<16xf32>,
      %get3A_1695 = arith.constant 28 : i32
      %get3A_1696 = arith.index_cast %get3A_1695 : i32 to index
      %get3A_1697 = arith.constant 928 : index
      %get3A_1698 = tpu.vector_load %arg9[%get3A_1696, %get3A_1697] {strides = array<i32>} : memref<32x1024xf32, #tpu.memory_space<vmem>>, vector<16xf32>,
      %swap3A_1699 = arith.constant 28 : i32
      %swap3A_1700 = arith.index_cast %swap3A_1699 : i32 to index
      %swap3A_1701 = arith.constant 32 : index
      %swap3A_1702 = tpu.vector_load %arg11[%swap3A_1700, %swap3A_1701] {strides = array<i32>} : memref<32x104xf32, #tpu.memory_space<vmem>>, vector<16xf32>,
      tpu.vector_store %arg11[%swap3A_1700, %swap3A_1701], %get3A_1698 {strides = array<i32>} : memref<32x104xf32, #tpu.memory_space<vmem>>, vector<16xf32>,
      %get3A_1703 = arith.constant 28 : i32
      %get3A_1704 = arith.index_cast %get3A_1703 : i32 to index
      %get3A_1705 = arith.constant 944 : index
      %get3A_1706 = tpu.vector_load %arg9[%get3A_1704, %get3A_1705] {strides = array<i32>} : memref<32x1024xf32, #tpu.memory_space<vmem>>, vector<16xf32>,
      %swap3A_1707 = arith.constant 28 : i32
      %swap3A_1708 = arith.index_cast %swap3A_1707 : i32 to index
      %swap3A_1709 = arith.constant 48 : index
      %swap3A_1710 = tpu.vector_load %arg11[%swap3A_1708, %swap3A_1709] {strides = array<i32>} : memref<32x104xf32, #tpu.memory_space<vmem>>, vector<16xf32>,
      tpu.vector_store %arg11[%swap3A_1708, %swap3A_1709], %get3A_1706 {strides = array<i32>} : memref<32x104xf32, #tpu.memory_space<vmem>>, vector<16xf32>,
      %get3A_1711 = arith.constant 28 : i32
      %get3A_1712 = arith.index_cast %get3A_1711 : i32 to index
      %get3A_1713 = arith.constant 960 : index
      %get3A_1714 = tpu.vector_load %arg9[%get3A_1712, %get3A_1713] {strides = array<i32>} : memref<32x1024xf32, #tpu.memory_space<vmem>>, vector<16xf32>,
      %swap3A_1715 = arith.constant 28 : i32
      %swap3A_1716 = arith.index_cast %swap3A_1715 : i32 to index
      %swap3A_1717 = arith.constant 64 : index
      %swap3A_1718 = tpu.vector_load %arg11[%swap3A_1716, %swap3A_1717] {strides = array<i32>} : memref<32x104xf32, #tpu.memory_space<vmem>>, vector<16xf32>,
      tpu.vector_store %arg11[%swap3A_1716, %swap3A_1717], %get3A_1714 {strides = array<i32>} : memref<32x104xf32, #tpu.memory_space<vmem>>, vector<16xf32>,
      %get3A_1719 = arith.constant 28 : i32
      %get3A_1720 = arith.index_cast %get3A_1719 : i32 to index
      %get3A_1721 = arith.constant 976 : index
      %get3A_1722 = tpu.vector_load %arg9[%get3A_1720, %get3A_1721] {strides = array<i32>} : memref<32x1024xf32, #tpu.memory_space<vmem>>, vector<16xf32>,
      %swap3A_1723 = arith.constant 28 : i32
      %swap3A_1724 = arith.index_cast %swap3A_1723 : i32 to index
      %swap3A_1725 = arith.constant 80 : index
      %swap3A_1726 = tpu.vector_load %arg11[%swap3A_1724, %swap3A_1725] {strides = array<i32>} : memref<32x104xf32, #tpu.memory_space<vmem>>, vector<16xf32>,
      tpu.vector_store %arg11[%swap3A_1724, %swap3A_1725], %get3A_1722 {strides = array<i32>} : memref<32x104xf32, #tpu.memory_space<vmem>>, vector<16xf32>,
      %get3A_1727 = arith.constant 28 : i32
      %get3A_1728 = arith.index_cast %get3A_1727 : i32 to index
      %get3A_1729 = arith.constant 984 : index
      %get3A_1730 = tpu.vector_load %arg9[%get3A_1728, %get3A_1729] {strides = array<i32>} : memref<32x1024xf32, #tpu.memory_space<vmem>>, vector<16xf32>,
      %swap3A_1731 = arith.constant 28 : i32
      %swap3A_1732 = arith.index_cast %swap3A_1731 : i32 to index
      %swap3A_1733 = arith.constant 88 : index
      %swap3A_1734 = tpu.vector_load %arg11[%swap3A_1732, %swap3A_1733] {strides = array<i32>} : memref<32x104xf32, #tpu.memory_space<vmem>>, vector<16xf32>,
      tpu.vector_store %arg11[%swap3A_1732, %swap3A_1733], %get3A_1730 {strides = array<i32>} : memref<32x104xf32, #tpu.memory_space<vmem>>, vector<16xf32>,
      %get3A_1735 = arith.constant 29 : i32
      %get3A_1736 = arith.index_cast %get3A_1735 : i32 to index
      %get3A_1737 = arith.constant 896 : index
      %get3A_1738 = tpu.vector_load %arg9[%get3A_1736, %get3A_1737] {strides = array<i32>} : memref<32x1024xf32, #tpu.memory_space<vmem>>, vector<16xf32>,
      %swap3A_1739 = arith.constant 29 : i32
      %swap3A_1740 = arith.index_cast %swap3A_1739 : i32 to index
      %swap3A_1741 = arith.constant 0 : index
      %swap3A_1742 = tpu.vector_load %arg11[%swap3A_1740, %swap3A_1741] {strides = array<i32>} : memref<32x104xf32, #tpu.memory_space<vmem>>, vector<16xf32>,
      tpu.vector_store %arg11[%swap3A_1740, %swap3A_1741], %get3A_1738 {strides = array<i32>} : memref<32x104xf32, #tpu.memory_space<vmem>>, vector<16xf32>,
      %get3A_1743 = arith.constant 29 : i32
      %get3A_1744 = arith.index_cast %get3A_1743 : i32 to index
      %get3A_1745 = arith.constant 912 : index
      %get3A_1746 = tpu.vector_load %arg9[%get3A_1744, %get3A_1745] {strides = array<i32>} : memref<32x1024xf32, #tpu.memory_space<vmem>>, vector<16xf32>,
      %swap3A_1747 = arith.constant 29 : i32
      %swap3A_1748 = arith.index_cast %swap3A_1747 : i32 to index
      %swap3A_1749 = arith.constant 16 : index
      %swap3A_1750 = tpu.vector_load %arg11[%swap3A_1748, %swap3A_1749] {strides = array<i32>} : memref<32x104xf32, #tpu.memory_space<vmem>>, vector<16xf32>,
      tpu.vector_store %arg11[%swap3A_1748, %swap3A_1749], %get3A_1746 {strides = array<i32>} : memref<32x104xf32, #tpu.memory_space<vmem>>, vector<16xf32>,
      %get3A_1751 = arith.constant 29 : i32
      %get3A_1752 = arith.index_cast %get3A_1751 : i32 to index
      %get3A_1753 = arith.constant 928 : index
      %get3A_1754 = tpu.vector_load %arg9[%get3A_1752, %get3A_1753] {strides = array<i32>} : memref<32x1024xf32, #tpu.memory_space<vmem>>, vector<16xf32>,
      %swap3A_1755 = arith.constant 29 : i32
      %swap3A_1756 = arith.index_cast %swap3A_1755 : i32 to index
      %swap3A_1757 = arith.constant 32 : index
      %swap3A_1758 = tpu.vector_load %arg11[%swap3A_1756, %swap3A_1757] {strides = array<i32>} : memref<32x104xf32, #tpu.memory_space<vmem>>, vector<16xf32>,
      tpu.vector_store %arg11[%swap3A_1756, %swap3A_1757], %get3A_1754 {strides = array<i32>} : memref<32x104xf32, #tpu.memory_space<vmem>>, vector<16xf32>,
      %get3A_1759 = arith.constant 29 : i32
      %get3A_1760 = arith.index_cast %get3A_1759 : i32 to index
      %get3A_1761 = arith.constant 944 : index
      %get3A_1762 = tpu.vector_load %arg9[%get3A_1760, %get3A_1761] {strides = array<i32>} : memref<32x1024xf32, #tpu.memory_space<vmem>>, vector<16xf32>,
      %swap3A_1763 = arith.constant 29 : i32
      %swap3A_1764 = arith.index_cast %swap3A_1763 : i32 to index
      %swap3A_1765 = arith.constant 48 : index
      %swap3A_1766 = tpu.vector_load %arg11[%swap3A_1764, %swap3A_1765] {strides = array<i32>} : memref<32x104xf32, #tpu.memory_space<vmem>>, vector<16xf32>,
      tpu.vector_store %arg11[%swap3A_1764, %swap3A_1765], %get3A_1762 {strides = array<i32>} : memref<32x104xf32, #tpu.memory_space<vmem>>, vector<16xf32>,
      %get3A_1767 = arith.constant 29 : i32
      %get3A_1768 = arith.index_cast %get3A_1767 : i32 to index
      %get3A_1769 = arith.constant 960 : index
      %get3A_1770 = tpu.vector_load %arg9[%get3A_1768, %get3A_1769] {strides = array<i32>} : memref<32x1024xf32, #tpu.memory_space<vmem>>, vector<16xf32>,
      %swap3A_1771 = arith.constant 29 : i32
      %swap3A_1772 = arith.index_cast %swap3A_1771 : i32 to index
      %swap3A_1773 = arith.constant 64 : index
      %swap3A_1774 = tpu.vector_load %arg11[%swap3A_1772, %swap3A_1773] {strides = array<i32>} : memref<32x104xf32, #tpu.memory_space<vmem>>, vector<16xf32>,
      tpu.vector_store %arg11[%swap3A_1772, %swap3A_1773], %get3A_1770 {strides = array<i32>} : memref<32x104xf32, #tpu.memory_space<vmem>>, vector<16xf32>,
      %get3A_1775 = arith.constant 29 : i32
      %get3A_1776 = arith.index_cast %get3A_1775 : i32 to index
      %get3A_1777 = arith.constant 976 : index
      %get3A_1778 = tpu.vector_load %arg9[%get3A_1776, %get3A_1777] {strides = array<i32>} : memref<32x1024xf32, #tpu.memory_space<vmem>>, vector<16xf32>,
      %swap3A_1779 = arith.constant 29 : i32
      %swap3A_1780 = arith.index_cast %swap3A_1779 : i32 to index
      %swap3A_1781 = arith.constant 80 : index
      %swap3A_1782 = tpu.vector_load %arg11[%swap3A_1780, %swap3A_1781] {strides = array<i32>} : memref<32x104xf32, #tpu.memory_space<vmem>>, vector<16xf32>,
      tpu.vector_store %arg11[%swap3A_1780, %swap3A_1781], %get3A_1778 {strides = array<i32>} : memref<32x104xf32, #tpu.memory_space<vmem>>, vector<16xf32>,
      %get3A_1783 = arith.constant 29 : i32
      %get3A_1784 = arith.index_cast %get3A_1783 : i32 to index
      %get3A_1785 = arith.constant 984 : index
      %get3A_1786 = tpu.vector_load %arg9[%get3A_1784, %get3A_1785] {strides = array<i32>} : memref<32x1024xf32, #tpu.memory_space<vmem>>, vector<16xf32>,
      %swap3A_1787 = arith.constant 29 : i32
      %swap3A_1788 = arith.index_cast %swap3A_1787 : i32 to index
      %swap3A_1789 = arith.constant 88 : index
      %swap3A_1790 = tpu.vector_load %arg11[%swap3A_1788, %swap3A_1789] {strides = array<i32>} : memref<32x104xf32, #tpu.memory_space<vmem>>, vector<16xf32>,
      tpu.vector_store %arg11[%swap3A_1788, %swap3A_1789], %get3A_1786 {strides = array<i32>} : memref<32x104xf32, #tpu.memory_space<vmem>>, vector<16xf32>,
      %get3A_1791 = arith.constant 30 : i32
      %get3A_1792 = arith.index_cast %get3A_1791 : i32 to index
      %get3A_1793 = arith.constant 896 : index
      %get3A_1794 = tpu.vector_load %arg9[%get3A_1792, %get3A_1793] {strides = array<i32>} : memref<32x1024xf32, #tpu.memory_space<vmem>>, vector<16xf32>,
      %swap3A_1795 = arith.constant 30 : i32
      %swap3A_1796 = arith.index_cast %swap3A_1795 : i32 to index
      %swap3A_1797 = arith.constant 0 : index
      %swap3A_1798 = tpu.vector_load %arg11[%swap3A_1796, %swap3A_1797] {strides = array<i32>} : memref<32x104xf32, #tpu.memory_space<vmem>>, vector<16xf32>,
      tpu.vector_store %arg11[%swap3A_1796, %swap3A_1797], %get3A_1794 {strides = array<i32>} : memref<32x104xf32, #tpu.memory_space<vmem>>, vector<16xf32>,
      %get3A_1799 = arith.constant 30 : i32
      %get3A_1800 = arith.index_cast %get3A_1799 : i32 to index
      %get3A_1801 = arith.constant 912 : index
      %get3A_1802 = tpu.vector_load %arg9[%get3A_1800, %get3A_1801] {strides = array<i32>} : memref<32x1024xf32, #tpu.memory_space<vmem>>, vector<16xf32>,
      %swap3A_1803 = arith.constant 30 : i32
      %swap3A_1804 = arith.index_cast %swap3A_1803 : i32 to index
      %swap3A_1805 = arith.constant 16 : index
      %swap3A_1806 = tpu.vector_load %arg11[%swap3A_1804, %swap3A_1805] {strides = array<i32>} : memref<32x104xf32, #tpu.memory_space<vmem>>, vector<16xf32>,
      tpu.vector_store %arg11[%swap3A_1804, %swap3A_1805], %get3A_1802 {strides = array<i32>} : memref<32x104xf32, #tpu.memory_space<vmem>>, vector<16xf32>,
      %get3A_1807 = arith.constant 30 : i32
      %get3A_1808 = arith.index_cast %get3A_1807 : i32 to index
      %get3A_1809 = arith.constant 928 : index
      %get3A_1810 = tpu.vector_load %arg9[%get3A_1808, %get3A_1809] {strides = array<i32>} : memref<32x1024xf32, #tpu.memory_space<vmem>>, vector<16xf32>,
      %swap3A_1811 = arith.constant 30 : i32
      %swap3A_1812 = arith.index_cast %swap3A_1811 : i32 to index
      %swap3A_1813 = arith.constant 32 : index
      %swap3A_1814 = tpu.vector_load %arg11[%swap3A_1812, %swap3A_1813] {strides = array<i32>} : memref<32x104xf32, #tpu.memory_space<vmem>>, vector<16xf32>,
      tpu.vector_store %arg11[%swap3A_1812, %swap3A_1813], %get3A_1810 {strides = array<i32>} : memref<32x104xf32, #tpu.memory_space<vmem>>, vector<16xf32>,
      %get3A_1815 = arith.constant 30 : i32
      %get3A_1816 = arith.index_cast %get3A_1815 : i32 to index
      %get3A_1817 = arith.constant 944 : index
      %get3A_1818 = tpu.vector_load %arg9[%get3A_1816, %get3A_1817] {strides = array<i32>} : memref<32x1024xf32, #tpu.memory_space<vmem>>, vector<16xf32>,
      %swap3A_1819 = arith.constant 30 : i32
      %swap3A_1820 = arith.index_cast %swap3A_1819 : i32 to index
      %swap3A_1821 = arith.constant 48 : index
      %swap3A_1822 = tpu.vector_load %arg11[%swap3A_1820, %swap3A_1821] {strides = array<i32>} : memref<32x104xf32, #tpu.memory_space<vmem>>, vector<16xf32>,
      tpu.vector_store %arg11[%swap3A_1820, %swap3A_1821], %get3A_1818 {strides = array<i32>} : memref<32x104xf32, #tpu.memory_space<vmem>>, vector<16xf32>,
      %get3A_1823 = arith.constant 30 : i32
      %get3A_1824 = arith.index_cast %get3A_1823 : i32 to index
      %get3A_1825 = arith.constant 960 : index
      %get3A_1826 = tpu.vector_load %arg9[%get3A_1824, %get3A_1825] {strides = array<i32>} : memref<32x1024xf32, #tpu.memory_space<vmem>>, vector<16xf32>,
      %swap3A_1827 = arith.constant 30 : i32
      %swap3A_1828 = arith.index_cast %swap3A_1827 : i32 to index
      %swap3A_1829 = arith.constant 64 : index
      %swap3A_1830 = tpu.vector_load %arg11[%swap3A_1828, %swap3A_1829] {strides = array<i32>} : memref<32x104xf32, #tpu.memory_space<vmem>>, vector<16xf32>,
      tpu.vector_store %arg11[%swap3A_1828, %swap3A_1829], %get3A_1826 {strides = array<i32>} : memref<32x104xf32, #tpu.memory_space<vmem>>, vector<16xf32>,
      %get3A_1831 = arith.constant 30 : i32
      %get3A_1832 = arith.index_cast %get3A_1831 : i32 to index
      %get3A_1833 = arith.constant 976 : index
      %get3A_1834 = tpu.vector_load %arg9[%get3A_1832, %get3A_1833] {strides = array<i32>} : memref<32x1024xf32, #tpu.memory_space<vmem>>, vector<16xf32>,
      %swap3A_1835 = arith.constant 30 : i32
      %swap3A_1836 = arith.index_cast %swap3A_1835 : i32 to index
      %swap3A_1837 = arith.constant 80 : index
      %swap3A_1838 = tpu.vector_load %arg11[%swap3A_1836, %swap3A_1837] {strides = array<i32>} : memref<32x104xf32, #tpu.memory_space<vmem>>, vector<16xf32>,
      tpu.vector_store %arg11[%swap3A_1836, %swap3A_1837], %get3A_1834 {strides = array<i32>} : memref<32x104xf32, #tpu.memory_space<vmem>>, vector<16xf32>,
      %get3A_1839 = arith.constant 30 : i32
      %get3A_1840 = arith.index_cast %get3A_1839 : i32 to index
      %get3A_1841 = arith.constant 984 : index
      %get3A_1842 = tpu.vector_load %arg9[%get3A_1840, %get3A_1841] {strides = array<i32>} : memref<32x1024xf32, #tpu.memory_space<vmem>>, vector<16xf32>,
      %swap3A_1843 = arith.constant 30 : i32
      %swap3A_1844 = arith.index_cast %swap3A_1843 : i32 to index
      %swap3A_1845 = arith.constant 88 : index
      %swap3A_1846 = tpu.vector_load %arg11[%swap3A_1844, %swap3A_1845] {strides = array<i32>} : memref<32x104xf32, #tpu.memory_space<vmem>>, vector<16xf32>,
      tpu.vector_store %arg11[%swap3A_1844, %swap3A_1845], %get3A_1842 {strides = array<i32>} : memref<32x104xf32, #tpu.memory_space<vmem>>, vector<16xf32>,
      %get3A_1847 = arith.constant 31 : i32
      %get3A_1848 = arith.index_cast %get3A_1847 : i32 to index
      %get3A_1849 = arith.constant 896 : index
      %get3A_1850 = tpu.vector_load %arg9[%get3A_1848, %get3A_1849] {strides = array<i32>} : memref<32x1024xf32, #tpu.memory_space<vmem>>, vector<16xf32>,
      %swap3A_1851 = arith.constant 31 : i32
      %swap3A_1852 = arith.index_cast %swap3A_1851 : i32 to index
      %swap3A_1853 = arith.constant 0 : index
      %swap3A_1854 = tpu.vector_load %arg11[%swap3A_1852, %swap3A_1853] {strides = array<i32>} : memref<32x104xf32, #tpu.memory_space<vmem>>, vector<16xf32>,
      tpu.vector_store %arg11[%swap3A_1852, %swap3A_1853], %get3A_1850 {strides = array<i32>} : memref<32x104xf32, #tpu.memory_space<vmem>>, vector<16xf32>,
      %get3A_1855 = arith.constant 31 : i32
      %get3A_1856 = arith.index_cast %get3A_1855 : i32 to index
      %get3A_1857 = arith.constant 912 : index
      %get3A_1858 = tpu.vector_load %arg9[%get3A_1856, %get3A_1857] {strides = array<i32>} : memref<32x1024xf32, #tpu.memory_space<vmem>>, vector<16xf32>,
      %swap3A_1859 = arith.constant 31 : i32
      %swap3A_1860 = arith.index_cast %swap3A_1859 : i32 to index
      %swap3A_1861 = arith.constant 16 : index
      %swap3A_1862 = tpu.vector_load %arg11[%swap3A_1860, %swap3A_1861] {strides = array<i32>} : memref<32x104xf32, #tpu.memory_space<vmem>>, vector<16xf32>,
      tpu.vector_store %arg11[%swap3A_1860, %swap3A_1861], %get3A_1858 {strides = array<i32>} : memref<32x104xf32, #tpu.memory_space<vmem>>, vector<16xf32>,
      %get3A_1863 = arith.constant 31 : i32
      %get3A_1864 = arith.index_cast %get3A_1863 : i32 to index
      %get3A_1865 = arith.constant 928 : index
      %get3A_1866 = tpu.vector_load %arg9[%get3A_1864, %get3A_1865] {strides = array<i32>} : memref<32x1024xf32, #tpu.memory_space<vmem>>, vector<16xf32>,
      %swap3A_1867 = arith.constant 31 : i32
      %swap3A_1868 = arith.index_cast %swap3A_1867 : i32 to index
      %swap3A_1869 = arith.constant 32 : index
      %swap3A_1870 = tpu.vector_load %arg11[%swap3A_1868, %swap3A_1869] {strides = array<i32>} : memref<32x104xf32, #tpu.memory_space<vmem>>, vector<16xf32>,
      tpu.vector_store %arg11[%swap3A_1868, %swap3A_1869], %get3A_1866 {strides = array<i32>} : memref<32x104xf32, #tpu.memory_space<vmem>>, vector<16xf32>,
      %get3A_1871 = arith.constant 31 : i32
      %get3A_1872 = arith.index_cast %get3A_1871 : i32 to index
      %get3A_1873 = arith.constant 944 : index
      %get3A_1874 = tpu.vector_load %arg9[%get3A_1872, %get3A_1873] {strides = array<i32>} : memref<32x1024xf32, #tpu.memory_space<vmem>>, vector<16xf32>,
      %swap3A_1875 = arith.constant 31 : i32
      %swap3A_1876 = arith.index_cast %swap3A_1875 : i32 to index
      %swap3A_1877 = arith.constant 48 : index
      %swap3A_1878 = tpu.vector_load %arg11[%swap3A_1876, %swap3A_1877] {strides = array<i32>} : memref<32x104xf32, #tpu.memory_space<vmem>>, vector<16xf32>,
      tpu.vector_store %arg11[%swap3A_1876, %swap3A_1877], %get3A_1874 {strides = array<i32>} : memref<32x104xf32, #tpu.memory_space<vmem>>, vector<16xf32>,
      %get3A_1879 = arith.constant 31 : i32
      %get3A_1880 = arith.index_cast %get3A_1879 : i32 to index
      %get3A_1881 = arith.constant 960 : index
      %get3A_1882 = tpu.vector_load %arg9[%get3A_1880, %get3A_1881] {strides = array<i32>} : memref<32x1024xf32, #tpu.memory_space<vmem>>, vector<16xf32>,
      %swap3A_1883 = arith.constant 31 : i32
      %swap3A_1884 = arith.index_cast %swap3A_1883 : i32 to index
      %swap3A_1885 = arith.constant 64 : index
      %swap3A_1886 = tpu.vector_load %arg11[%swap3A_1884, %swap3A_1885] {strides = array<i32>} : memref<32x104xf32, #tpu.memory_space<vmem>>, vector<16xf32>,
      tpu.vector_store %arg11[%swap3A_1884, %swap3A_1885], %get3A_1882 {strides = array<i32>} : memref<32x104xf32, #tpu.memory_space<vmem>>, vector<16xf32>,
      %get3A_1887 = arith.constant 31 : i32
      %get3A_1888 = arith.index_cast %get3A_1887 : i32 to index
      %get3A_1889 = arith.constant 976 : index
      %get3A_1890 = tpu.vector_load %arg9[%get3A_1888, %get3A_1889] {strides = array<i32>} : memref<32x1024xf32, #tpu.memory_space<vmem>>, vector<16xf32>,
      %swap3A_1891 = arith.constant 31 : i32
      %swap3A_1892 = arith.index_cast %swap3A_1891 : i32 to index
      %swap3A_1893 = arith.constant 80 : index
      %swap3A_1894 = tpu.vector_load %arg11[%swap3A_1892, %swap3A_1893] {strides = array<i32>} : memref<32x104xf32, #tpu.memory_space<vmem>>, vector<16xf32>,
      tpu.vector_store %arg11[%swap3A_1892, %swap3A_1893], %get3A_1890 {strides = array<i32>} : memref<32x104xf32, #tpu.memory_space<vmem>>, vector<16xf32>,
      %get3A_1895 = arith.constant 31 : i32
      %get3A_1896 = arith.index_cast %get3A_1895 : i32 to index
      %get3A_1897 = arith.constant 984 : index
      %get3A_1898 = tpu.vector_load %arg9[%get3A_1896, %get3A_1897] {strides = array<i32>} : memref<32x1024xf32, #tpu.memory_space<vmem>>, vector<16xf32>,
      %swap3A_1899 = arith.constant 31 : i32
      %swap3A_1900 = arith.index_cast %swap3A_1899 : i32 to index
      %swap3A_1901 = arith.constant 88 : index
      %swap3A_1902 = tpu.vector_load %arg11[%swap3A_1900, %swap3A_1901] {strides = array<i32>} : memref<32x104xf32, #tpu.memory_space<vmem>>, vector<16xf32>,
      tpu.vector_store %arg11[%swap3A_1900, %swap3A_1901], %get3A_1898 {strides = array<i32>} : memref<32x104xf32, #tpu.memory_space<vmem>>, vector<16xf32>,
      %mul3A_1903 = arith.constant 32 : i32
      %mul3A_1904 = arith.muli %add3A_57, %mul3A_1903 : i32
      %add3A_1905 = arith.addi %mul3A_2, %mul3A_1904 : i32
      %dma_start3A_1906 = arith.constant 896 : i32
      %dma_start3A_1907 = tpu.memref_slice %arg5[%add3A_1905, %dma_start3A_1906] : memref<65536x1000xf32, #tpu.memory_space<hbm>> -> memref<32x104xf32, #tpu.memory_space<hbm>>
      %dma_start3A_1908 = arith.constant 896 : i32
      %dma_start3A_1909 = tpu.memref_slice %arg5[%add3A_1905, %dma_start3A_1908] : memref<65536x1000xf32, #tpu.memory_space<hbm>> -> memref<32x104xf32, #tpu.memory_space<hbm>>
      tpu.enqueue_dma source(%arg11 : memref<32x104xf32, #tpu.memory_space<vmem>>) target(%dma_start3A_1909 : memref<32x104xf32, #tpu.memory_space<hbm>>) target_semaphore(%arg16 : memref<!tpu.dma_semaphore, #tpu.memory_space<semaphore_mem>>)
      %add3A_1910 = arith.constant 1 : i32
      %add3A_1911 = arith.addi %add3A_57, %add3A_1910 : i32
      %mul3A_1912 = arith.constant 32 : i32
      %mul3A_1913 = arith.muli %add3A_1911, %mul3A_1912 : i32
      %dma_wait3A_1914 = tpu.memref_slice %arg7[%mul3A_1913] : memref<2048xi32, #tpu.memory_space<vmem>> -> memref<32xi32, #tpu.memory_space<vmem>>
      %dma_wait3A_1915 = arith.constant 0 : i32
      %dma_wait3A_1916 = arith.constant 0 : i32
      %dma_wait3A_1917 = tpu.memref_slice %arg2[%dma_wait3A_1915, %dma_wait3A_1916] : memref<1000x1024xf32, #tpu.memory_space<hbm>> -> memref<1000x1024xf32, #tpu.memory_space<hbm>>
      tpu.wait_indirect_dma semaphore(%arg15 : memref<!tpu.dma_semaphore, #tpu.memory_space<semaphore_mem>>) src(%dma_wait3A_1917 : memref<1000x1024xf32, #tpu.memory_space<hbm>>) dst(%arg10 : memref<32x1024xf32, #tpu.memory_space<vmem>>)
      %add3A_1918 = arith.constant 1 : i32
      %add3A_1919 = arith.addi %add3A_57, %add3A_1918 : i32
      %mul3A_1920 = arith.constant 32 : i32
      %mul3A_1921 = arith.muli %add3A_1919, %mul3A_1920 : i32
      %add3A_1922 = arith.addi %mul3A_2, %mul3A_1921 : i32
      %dma_start3A_1923 = arith.constant 0 : i32
      %dma_start3A_1924 = arith.constant 0 : i32
      %dma_start3A_1925 = tpu.memref_slice %arg10[%dma_start3A_1923, %dma_start3A_1924] : memref<32x1024xf32, #tpu.memory_space<vmem>> -> memref<32x896xf32, #tpu.memory_space<vmem>>
      %dma_start3A_1926 = arith.constant 0 : i32
      %dma_start3A_1927 = tpu.memref_slice %arg5[%add3A_1922, %dma_start3A_1926] : memref<65536x1000xf32, #tpu.memory_space<hbm>> -> memref<32x896xf32, #tpu.memory_space<hbm>>
      %dma_start3A_1928 = arith.constant 0 : i32
      %dma_start3A_1929 = tpu.memref_slice %arg5[%add3A_1922, %dma_start3A_1928] : memref<65536x1000xf32, #tpu.memory_space<hbm>> -> memref<32x896xf32, #tpu.memory_space<hbm>>
      %dma_start3A_1930 = arith.constant 0 : i32
      %dma_start3A_1931 = arith.constant 0 : i32
      %dma_start3A_1932 = tpu.memref_slice %arg10[%dma_start3A_1930, %dma_start3A_1931] : memref<32x1024xf32, #tpu.memory_space<vmem>> -> memref<32x896xf32, #tpu.memory_space<vmem>>
      tpu.enqueue_dma source(%dma_start3A_1932 : memref<32x896xf32, #tpu.memory_space<vmem>>) target(%dma_start3A_1929 : memref<32x896xf32, #tpu.memory_space<hbm>>) target_semaphore(%arg17 : memref<!tpu.dma_semaphore, #tpu.memory_space<semaphore_mem>>)
      %broadcast_in_dim3A_1933 = arith.constant 1000 : i32
      %broadcast_in_dim3A_1934 = vector.broadcast %broadcast_in_dim3A_1933 : i32 to vector<16xi32>
      %mul3A_1935 = arith.constant 32 : i32
      %mul3A_1936 = arith.muli %add3A_1919, %mul3A_1935 : i32
      %add3A_1937 = arith.constant 0 : i32
      %add3A_1938 = arith.addi %mul3A_1936, %add3A_1937 : i32
      %get3A_1939 = arith.index_cast %add3A_1938 : i32 to index
      %get3A_1940 = tpu.vector_load %arg8[%get3A_1939] {strides = array<i32>} : memref<2048xi32, #tpu.memory_space<vmem>>, vector<16xi32>,
      %iota3A_1941 = tpu.iota {dimensions = array<i32: 0>} : vector<16xi32>
      %add3A_1942 = arith.constant 0 : i32
      %add3A_1943 = vector.broadcast %add3A_1942 : i32 to vector<16xi32>
      %add3A_1944 = arith.addi %iota3A_1941, %add3A_1943 : vector<16xi32>
      %gather3A_1945 = tpu.vector_load_idx %arg10[%add3A_1944, %broadcast_in_dim3A_1934] : memref<32x1024xf32, #tpu.memory_space<vmem>>[vector<16xi32>, vector<16xi32>], vector<16xf32>,
      %gather3A_1946 = tpu.vector_load_idx %arg10[%add3A_1944, %get3A_1940] : memref<32x1024xf32, #tpu.memory_space<vmem>>[vector<16xi32>, vector<16xi32>], vector<16xf32>,
      %get3A_1947 = arith.constant 0 : index
      %get3A_1948 = tpu.vector_load %arg13[%get3A_1947] {strides = array<i32>} : memref<16xf32, #tpu.memory_space<vmem>>, vector<16xf32>,
      %sub3A_1949 = arith.subf %gather3A_1945, %gather3A_1946 : vector<16xf32>
      %add3A_1950 = arith.addf %get3A_1948, %sub3A_1949 : vector<16xf32>
      %swap3A_1951 = arith.constant 0 : index
      %swap3A_1952 = tpu.vector_load %arg13[%swap3A_1951] {strides = array<i32>} : memref<16xf32, #tpu.memory_space<vmem>>, vector<16xf32>,
      tpu.vector_store %arg13[%swap3A_1951], %add3A_1950 {strides = array<i32>} : memref<16xf32, #tpu.memory_space<vmem>>, vector<16xf32>,
      %mul3A_1953 = arith.constant 32 : i32
      %mul3A_1954 = arith.muli %add3A_1919, %mul3A_1953 : i32
      %add3A_1955 = arith.constant 16 : i32
      %add3A_1956 = arith.addi %mul3A_1954, %add3A_1955 : i32
      %get3A_1957 = arith.index_cast %add3A_1956 : i32 to index
      %get3A_1958 = tpu.vector_load %arg8[%get3A_1957] {strides = array<i32>} : memref<2048xi32, #tpu.memory_space<vmem>>, vector<16xi32>,
      %iota3A_1959 = tpu.iota {dimensions = array<i32: 0>} : vector<16xi32>
      %add3A_1960 = arith.constant 16 : i32
      %add3A_1961 = vector.broadcast %add3A_1960 : i32 to vector<16xi32>
      %add3A_1962 = arith.addi %iota3A_1959, %add3A_1961 : vector<16xi32>
      %gather3A_1963 = tpu.vector_load_idx %arg10[%add3A_1962, %broadcast_in_dim3A_1934] : memref<32x1024xf32, #tpu.memory_space<vmem>>[vector<16xi32>, vector<16xi32>], vector<16xf32>,
      %gather3A_1964 = tpu.vector_load_idx %arg10[%add3A_1962, %get3A_1958] : memref<32x1024xf32, #tpu.memory_space<vmem>>[vector<16xi32>, vector<16xi32>], vector<16xf32>,
      %get3A_1965 = arith.constant 0 : index
      %get3A_1966 = tpu.vector_load %arg13[%get3A_1965] {strides = array<i32>} : memref<16xf32, #tpu.memory_space<vmem>>, vector<16xf32>,
      %sub3A_1967 = arith.subf %gather3A_1963, %gather3A_1964 : vector<16xf32>
      %add3A_1968 = arith.addf %get3A_1966, %sub3A_1967 : vector<16xf32>
      %swap3A_1969 = arith.constant 0 : index
      %swap3A_1970 = tpu.vector_load %arg13[%swap3A_1969] {strides = array<i32>} : memref<16xf32, #tpu.memory_space<vmem>>, vector<16xf32>,
      tpu.vector_store %arg13[%swap3A_1969], %add3A_1968 {strides = array<i32>} : memref<16xf32, #tpu.memory_space<vmem>>, vector<16xf32>,
      %get3A_1971 = arith.constant 0 : i32
      %get3A_1972 = arith.index_cast %get3A_1971 : i32 to index
      %get3A_1973 = arith.constant 896 : index
      %get3A_1974 = tpu.vector_load %arg10[%get3A_1972, %get3A_1973] {strides = array<i32>} : memref<32x1024xf32, #tpu.memory_space<vmem>>, vector<16xf32>,
      %swap3A_1975 = arith.constant 0 : i32
      %swap3A_1976 = arith.index_cast %swap3A_1975 : i32 to index
      %swap3A_1977 = arith.constant 0 : index
      %swap3A_1978 = tpu.vector_load %arg12[%swap3A_1976, %swap3A_1977] {strides = array<i32>} : memref<32x104xf32, #tpu.memory_space<vmem>>, vector<16xf32>,
      tpu.vector_store %arg12[%swap3A_1976, %swap3A_1977], %get3A_1974 {strides = array<i32>} : memref<32x104xf32, #tpu.memory_space<vmem>>, vector<16xf32>,
      %get3A_1979 = arith.constant 0 : i32
      %get3A_1980 = arith.index_cast %get3A_1979 : i32 to index
      %get3A_1981 = arith.constant 912 : index
      %get3A_1982 = tpu.vector_load %arg10[%get3A_1980, %get3A_1981] {strides = array<i32>} : memref<32x1024xf32, #tpu.memory_space<vmem>>, vector<16xf32>,
      %swap3A_1983 = arith.constant 0 : i32
      %swap3A_1984 = arith.index_cast %swap3A_1983 : i32 to index
      %swap3A_1985 = arith.constant 16 : index
      %swap3A_1986 = tpu.vector_load %arg12[%swap3A_1984, %swap3A_1985] {strides = array<i32>} : memref<32x104xf32, #tpu.memory_space<vmem>>, vector<16xf32>,
      tpu.vector_store %arg12[%swap3A_1984, %swap3A_1985], %get3A_1982 {strides = array<i32>} : memref<32x104xf32, #tpu.memory_space<vmem>>, vector<16xf32>,
      %get3A_1987 = arith.constant 0 : i32
      %get3A_1988 = arith.index_cast %get3A_1987 : i32 to index
      %get3A_1989 = arith.constant 928 : index
      %get3A_1990 = tpu.vector_load %arg10[%get3A_1988, %get3A_1989] {strides = array<i32>} : memref<32x1024xf32, #tpu.memory_space<vmem>>, vector<16xf32>,
      %swap3A_1991 = arith.constant 0 : i32
      %swap3A_1992 = arith.index_cast %swap3A_1991 : i32 to index
      %swap3A_1993 = arith.constant 32 : index
      %swap3A_1994 = tpu.vector_load %arg12[%swap3A_1992, %swap3A_1993] {strides = array<i32>} : memref<32x104xf32, #tpu.memory_space<vmem>>, vector<16xf32>,
      tpu.vector_store %arg12[%swap3A_1992, %swap3A_1993], %get3A_1990 {strides = array<i32>} : memref<32x104xf32, #tpu.memory_space<vmem>>, vector<16xf32>,
      %get3A_1995 = arith.constant 0 : i32
      %get3A_1996 = arith.index_cast %get3A_1995 : i32 to index
      %get3A_1997 = arith.constant 944 : index
      %get3A_1998 = tpu.vector_load %arg10[%get3A_1996, %get3A_1997] {strides = array<i32>} : memref<32x1024xf32, #tpu.memory_space<vmem>>, vector<16xf32>,
      %swap3A_1999 = arith.constant 0 : i32
      %swap3A_2000 = arith.index_cast %swap3A_1999 : i32 to index
      %swap3A_2001 = arith.constant 48 : index
      %swap3A_2002 = tpu.vector_load %arg12[%swap3A_2000, %swap3A_2001] {strides = array<i32>} : memref<32x104xf32, #tpu.memory_space<vmem>>, vector<16xf32>,
      tpu.vector_store %arg12[%swap3A_2000, %swap3A_2001], %get3A_1998 {strides = array<i32>} : memref<32x104xf32, #tpu.memory_space<vmem>>, vector<16xf32>,
      %get3A_2003 = arith.constant 0 : i32
      %get3A_2004 = arith.index_cast %get3A_2003 : i32 to index
      %get3A_2005 = arith.constant 960 : index
      %get3A_2006 = tpu.vector_load %arg10[%get3A_2004, %get3A_2005] {strides = array<i32>} : memref<32x1024xf32, #tpu.memory_space<vmem>>, vector<16xf32>,
      %swap3A_2007 = arith.constant 0 : i32
      %swap3A_2008 = arith.index_cast %swap3A_2007 : i32 to index
      %swap3A_2009 = arith.constant 64 : index
      %swap3A_2010 = tpu.vector_load %arg12[%swap3A_2008, %swap3A_2009] {strides = array<i32>} : memref<32x104xf32, #tpu.memory_space<vmem>>, vector<16xf32>,
      tpu.vector_store %arg12[%swap3A_2008, %swap3A_2009], %get3A_2006 {strides = array<i32>} : memref<32x104xf32, #tpu.memory_space<vmem>>, vector<16xf32>,
      %get3A_2011 = arith.constant 0 : i32
      %get3A_2012 = arith.index_cast %get3A_2011 : i32 to index
      %get3A_2013 = arith.constant 976 : index
      %get3A_2014 = tpu.vector_load %arg10[%get3A_2012, %get3A_2013] {strides = array<i32>} : memref<32x1024xf32, #tpu.memory_space<vmem>>, vector<16xf32>,
      %swap3A_2015 = arith.constant 0 : i32
      %swap3A_2016 = arith.index_cast %swap3A_2015 : i32 to index
      %swap3A_2017 = arith.constant 80 : index
      %swap3A_2018 = tpu.vector_load %arg12[%swap3A_2016, %swap3A_2017] {strides = array<i32>} : memref<32x104xf32, #tpu.memory_space<vmem>>, vector<16xf32>,
      tpu.vector_store %arg12[%swap3A_2016, %swap3A_2017], %get3A_2014 {strides = array<i32>} : memref<32x104xf32, #tpu.memory_space<vmem>>, vector<16xf32>,
      %get3A_2019 = arith.constant 0 : i32
      %get3A_2020 = arith.index_cast %get3A_2019 : i32 to index
      %get3A_2021 = arith.constant 984 : index
      %get3A_2022 = tpu.vector_load %arg10[%get3A_2020, %get3A_2021] {strides = array<i32>} : memref<32x1024xf32, #tpu.memory_space<vmem>>, vector<16xf32>,
      %swap3A_2023 = arith.constant 0 : i32
      %swap3A_2024 = arith.index_cast %swap3A_2023 : i32 to index
      %swap3A_2025 = arith.constant 88 : index
      %swap3A_2026 = tpu.vector_load %arg12[%swap3A_2024, %swap3A_2025] {strides = array<i32>} : memref<32x104xf32, #tpu.memory_space<vmem>>, vector<16xf32>,
      tpu.vector_store %arg12[%swap3A_2024, %swap3A_2025], %get3A_2022 {strides = array<i32>} : memref<32x104xf32, #tpu.memory_space<vmem>>, vector<16xf32>,
      %get3A_2027 = arith.constant 1 : i32
      %get3A_2028 = arith.index_cast %get3A_2027 : i32 to index
      %get3A_2029 = arith.constant 896 : index
      %get3A_2030 = tpu.vector_load %arg10[%get3A_2028, %get3A_2029] {strides = array<i32>} : memref<32x1024xf32, #tpu.memory_space<vmem>>, vector<16xf32>,
      %swap3A_2031 = arith.constant 1 : i32
      %swap3A_2032 = arith.index_cast %swap3A_2031 : i32 to index
      %swap3A_2033 = arith.constant 0 : index
      %swap3A_2034 = tpu.vector_load %arg12[%swap3A_2032, %swap3A_2033] {strides = array<i32>} : memref<32x104xf32, #tpu.memory_space<vmem>>, vector<16xf32>,
      tpu.vector_store %arg12[%swap3A_2032, %swap3A_2033], %get3A_2030 {strides = array<i32>} : memref<32x104xf32, #tpu.memory_space<vmem>>, vector<16xf32>,
      %get3A_2035 = arith.constant 1 : i32
      %get3A_2036 = arith.index_cast %get3A_2035 : i32 to index
      %get3A_2037 = arith.constant 912 : index
      %get3A_2038 = tpu.vector_load %arg10[%get3A_2036, %get3A_2037] {strides = array<i32>} : memref<32x1024xf32, #tpu.memory_space<vmem>>, vector<16xf32>,
      %swap3A_2039 = arith.constant 1 : i32
      %swap3A_2040 = arith.index_cast %swap3A_2039 : i32 to index
      %swap3A_2041 = arith.constant 16 : index
      %swap3A_2042 = tpu.vector_load %arg12[%swap3A_2040, %swap3A_2041] {strides = array<i32>} : memref<32x104xf32, #tpu.memory_space<vmem>>, vector<16xf32>,
      tpu.vector_store %arg12[%swap3A_2040, %swap3A_2041], %get3A_2038 {strides = array<i32>} : memref<32x104xf32, #tpu.memory_space<vmem>>, vector<16xf32>,
      %get3A_2043 = arith.constant 1 : i32
      %get3A_2044 = arith.index_cast %get3A_2043 : i32 to index
      %get3A_2045 = arith.constant 928 : index
      %get3A_2046 = tpu.vector_load %arg10[%get3A_2044, %get3A_2045] {strides = array<i32>} : memref<32x1024xf32, #tpu.memory_space<vmem>>, vector<16xf32>,
      %swap3A_2047 = arith.constant 1 : i32
      %swap3A_2048 = arith.index_cast %swap3A_2047 : i32 to index
      %swap3A_2049 = arith.constant 32 : index
      %swap3A_2050 = tpu.vector_load %arg12[%swap3A_2048, %swap3A_2049] {strides = array<i32>} : memref<32x104xf32, #tpu.memory_space<vmem>>, vector<16xf32>,
      tpu.vector_store %arg12[%swap3A_2048, %swap3A_2049], %get3A_2046 {strides = array<i32>} : memref<32x104xf32, #tpu.memory_space<vmem>>, vector<16xf32>,
      %get3A_2051 = arith.constant 1 : i32
      %get3A_2052 = arith.index_cast %get3A_2051 : i32 to index
      %get3A_2053 = arith.constant 944 : index
      %get3A_2054 = tpu.vector_load %arg10[%get3A_2052, %get3A_2053] {strides = array<i32>} : memref<32x1024xf32, #tpu.memory_space<vmem>>, vector<16xf32>,
      %swap3A_2055 = arith.constant 1 : i32
      %swap3A_2056 = arith.index_cast %swap3A_2055 : i32 to index
      %swap3A_2057 = arith.constant 48 : index
      %swap3A_2058 = tpu.vector_load %arg12[%swap3A_2056, %swap3A_2057] {strides = array<i32>} : memref<32x104xf32, #tpu.memory_space<vmem>>, vector<16xf32>,
      tpu.vector_store %arg12[%swap3A_2056, %swap3A_2057], %get3A_2054 {strides = array<i32>} : memref<32x104xf32, #tpu.memory_space<vmem>>, vector<16xf32>,
      %get3A_2059 = arith.constant 1 : i32
      %get3A_2060 = arith.index_cast %get3A_2059 : i32 to index
      %get3A_2061 = arith.constant 960 : index
      %get3A_2062 = tpu.vector_load %arg10[%get3A_2060, %get3A_2061] {strides = array<i32>} : memref<32x1024xf32, #tpu.memory_space<vmem>>, vector<16xf32>,
      %swap3A_2063 = arith.constant 1 : i32
      %swap3A_2064 = arith.index_cast %swap3A_2063 : i32 to index
      %swap3A_2065 = arith.constant 64 : index
      %swap3A_2066 = tpu.vector_load %arg12[%swap3A_2064, %swap3A_2065] {strides = array<i32>} : memref<32x104xf32, #tpu.memory_space<vmem>>, vector<16xf32>,
      tpu.vector_store %arg12[%swap3A_2064, %swap3A_2065], %get3A_2062 {strides = array<i32>} : memref<32x104xf32, #tpu.memory_space<vmem>>, vector<16xf32>,
      %get3A_2067 = arith.constant 1 : i32
      %get3A_2068 = arith.index_cast %get3A_2067 : i32 to index
      %get3A_2069 = arith.constant 976 : index
      %get3A_2070 = tpu.vector_load %arg10[%get3A_2068, %get3A_2069] {strides = array<i32>} : memref<32x1024xf32, #tpu.memory_space<vmem>>, vector<16xf32>,
      %swap3A_2071 = arith.constant 1 : i32
      %swap3A_2072 = arith.index_cast %swap3A_2071 : i32 to index
      %swap3A_2073 = arith.constant 80 : index
      %swap3A_2074 = tpu.vector_load %arg12[%swap3A_2072, %swap3A_2073] {strides = array<i32>} : memref<32x104xf32, #tpu.memory_space<vmem>>, vector<16xf32>,
      tpu.vector_store %arg12[%swap3A_2072, %swap3A_2073], %get3A_2070 {strides = array<i32>} : memref<32x104xf32, #tpu.memory_space<vmem>>, vector<16xf32>,
      %get3A_2075 = arith.constant 1 : i32
      %get3A_2076 = arith.index_cast %get3A_2075 : i32 to index
      %get3A_2077 = arith.constant 984 : index
      %get3A_2078 = tpu.vector_load %arg10[%get3A_2076, %get3A_2077] {strides = array<i32>} : memref<32x1024xf32, #tpu.memory_space<vmem>>, vector<16xf32>,
      %swap3A_2079 = arith.constant 1 : i32
      %swap3A_2080 = arith.index_cast %swap3A_2079 : i32 to index
      %swap3A_2081 = arith.constant 88 : index
      %swap3A_2082 = tpu.vector_load %arg12[%swap3A_2080, %swap3A_2081] {strides = array<i32>} : memref<32x104xf32, #tpu.memory_space<vmem>>, vector<16xf32>,
      tpu.vector_store %arg12[%swap3A_2080, %swap3A_2081], %get3A_2078 {strides = array<i32>} : memref<32x104xf32, #tpu.memory_space<vmem>>, vector<16xf32>,
      %get3A_2083 = arith.constant 2 : i32
      %get3A_2084 = arith.index_cast %get3A_2083 : i32 to index
      %get3A_2085 = arith.constant 896 : index
      %get3A_2086 = tpu.vector_load %arg10[%get3A_2084, %get3A_2085] {strides = array<i32>} : memref<32x1024xf32, #tpu.memory_space<vmem>>, vector<16xf32>,
      %swap3A_2087 = arith.constant 2 : i32
      %swap3A_2088 = arith.index_cast %swap3A_2087 : i32 to index
      %swap3A_2089 = arith.constant 0 : index
      %swap3A_2090 = tpu.vector_load %arg12[%swap3A_2088, %swap3A_2089] {strides = array<i32>} : memref<32x104xf32, #tpu.memory_space<vmem>>, vector<16xf32>,
      tpu.vector_store %arg12[%swap3A_2088, %swap3A_2089], %get3A_2086 {strides = array<i32>} : memref<32x104xf32, #tpu.memory_space<vmem>>, vector<16xf32>,
      %get3A_2091 = arith.constant 2 : i32
      %get3A_2092 = arith.index_cast %get3A_2091 : i32 to index
      %get3A_2093 = arith.constant 912 : index
      %get3A_2094 = tpu.vector_load %arg10[%get3A_2092, %get3A_2093] {strides = array<i32>} : memref<32x1024xf32, #tpu.memory_space<vmem>>, vector<16xf32>,
      %swap3A_2095 = arith.constant 2 : i32
      %swap3A_2096 = arith.index_cast %swap3A_2095 : i32 to index
      %swap3A_2097 = arith.constant 16 : index
      %swap3A_2098 = tpu.vector_load %arg12[%swap3A_2096, %swap3A_2097] {strides = array<i32>} : memref<32x104xf32, #tpu.memory_space<vmem>>, vector<16xf32>,
      tpu.vector_store %arg12[%swap3A_2096, %swap3A_2097], %get3A_2094 {strides = array<i32>} : memref<32x104xf32, #tpu.memory_space<vmem>>, vector<16xf32>,
      %get3A_2099 = arith.constant 2 : i32
      %get3A_2100 = arith.index_cast %get3A_2099 : i32 to index
      %get3A_2101 = arith.constant 928 : index
      %get3A_2102 = tpu.vector_load %arg10[%get3A_2100, %get3A_2101] {strides = array<i32>} : memref<32x1024xf32, #tpu.memory_space<vmem>>, vector<16xf32>,
      %swap3A_2103 = arith.constant 2 : i32
      %swap3A_2104 = arith.index_cast %swap3A_2103 : i32 to index
      %swap3A_2105 = arith.constant 32 : index
      %swap3A_2106 = tpu.vector_load %arg12[%swap3A_2104, %swap3A_2105] {strides = array<i32>} : memref<32x104xf32, #tpu.memory_space<vmem>>, vector<16xf32>,
      tpu.vector_store %arg12[%swap3A_2104, %swap3A_2105], %get3A_2102 {strides = array<i32>} : memref<32x104xf32, #tpu.memory_space<vmem>>, vector<16xf32>,
      %get3A_2107 = arith.constant 2 : i32
      %get3A_2108 = arith.index_cast %get3A_2107 : i32 to index
      %get3A_2109 = arith.constant 944 : index
      %get3A_2110 = tpu.vector_load %arg10[%get3A_2108, %get3A_2109] {strides = array<i32>} : memref<32x1024xf32, #tpu.memory_space<vmem>>, vector<16xf32>,
      %swap3A_2111 = arith.constant 2 : i32
      %swap3A_2112 = arith.index_cast %swap3A_2111 : i32 to index
      %swap3A_2113 = arith.constant 48 : index
      %swap3A_2114 = tpu.vector_load %arg12[%swap3A_2112, %swap3A_2113] {strides = array<i32>} : memref<32x104xf32, #tpu.memory_space<vmem>>, vector<16xf32>,
      tpu.vector_store %arg12[%swap3A_2112, %swap3A_2113], %get3A_2110 {strides = array<i32>} : memref<32x104xf32, #tpu.memory_space<vmem>>, vector<16xf32>,
      %get3A_2115 = arith.constant 2 : i32
      %get3A_2116 = arith.index_cast %get3A_2115 : i32 to index
      %get3A_2117 = arith.constant 960 : index
      %get3A_2118 = tpu.vector_load %arg10[%get3A_2116, %get3A_2117] {strides = array<i32>} : memref<32x1024xf32, #tpu.memory_space<vmem>>, vector<16xf32>,
      %swap3A_2119 = arith.constant 2 : i32
      %swap3A_2120 = arith.index_cast %swap3A_2119 : i32 to index
      %swap3A_2121 = arith.constant 64 : index
      %swap3A_2122 = tpu.vector_load %arg12[%swap3A_2120, %swap3A_2121] {strides = array<i32>} : memref<32x104xf32, #tpu.memory_space<vmem>>, vector<16xf32>,
      tpu.vector_store %arg12[%swap3A_2120, %swap3A_2121], %get3A_2118 {strides = array<i32>} : memref<32x104xf32, #tpu.memory_space<vmem>>, vector<16xf32>,
      %get3A_2123 = arith.constant 2 : i32
      %get3A_2124 = arith.index_cast %get3A_2123 : i32 to index
      %get3A_2125 = arith.constant 976 : index
      %get3A_2126 = tpu.vector_load %arg10[%get3A_2124, %get3A_2125] {strides = array<i32>} : memref<32x1024xf32, #tpu.memory_space<vmem>>, vector<16xf32>,
      %swap3A_2127 = arith.constant 2 : i32
      %swap3A_2128 = arith.index_cast %swap3A_2127 : i32 to index
      %swap3A_2129 = arith.constant 80 : index
      %swap3A_2130 = tpu.vector_load %arg12[%swap3A_2128, %swap3A_2129] {strides = array<i32>} : memref<32x104xf32, #tpu.memory_space<vmem>>, vector<16xf32>,
      tpu.vector_store %arg12[%swap3A_2128, %swap3A_2129], %get3A_2126 {strides = array<i32>} : memref<32x104xf32, #tpu.memory_space<vmem>>, vector<16xf32>,
      %get3A_2131 = arith.constant 2 : i32
      %get3A_2132 = arith.index_cast %get3A_2131 : i32 to index
      %get3A_2133 = arith.constant 984 : index
      %get3A_2134 = tpu.vector_load %arg10[%get3A_2132, %get3A_2133] {strides = array<i32>} : memref<32x1024xf32, #tpu.memory_space<vmem>>, vector<16xf32>,
      %swap3A_2135 = arith.constant 2 : i32
      %swap3A_2136 = arith.index_cast %swap3A_2135 : i32 to index
      %swap3A_2137 = arith.constant 88 : index
      %swap3A_2138 = tpu.vector_load %arg12[%swap3A_2136, %swap3A_2137] {strides = array<i32>} : memref<32x104xf32, #tpu.memory_space<vmem>>, vector<16xf32>,
      tpu.vector_store %arg12[%swap3A_2136, %swap3A_2137], %get3A_2134 {strides = array<i32>} : memref<32x104xf32, #tpu.memory_space<vmem>>, vector<16xf32>,
      %get3A_2139 = arith.constant 3 : i32
      %get3A_2140 = arith.index_cast %get3A_2139 : i32 to index
      %get3A_2141 = arith.constant 896 : index
      %get3A_2142 = tpu.vector_load %arg10[%get3A_2140, %get3A_2141] {strides = array<i32>} : memref<32x1024xf32, #tpu.memory_space<vmem>>, vector<16xf32>,
      %swap3A_2143 = arith.constant 3 : i32
      %swap3A_2144 = arith.index_cast %swap3A_2143 : i32 to index
      %swap3A_2145 = arith.constant 0 : index
      %swap3A_2146 = tpu.vector_load %arg12[%swap3A_2144, %swap3A_2145] {strides = array<i32>} : memref<32x104xf32, #tpu.memory_space<vmem>>, vector<16xf32>,
      tpu.vector_store %arg12[%swap3A_2144, %swap3A_2145], %get3A_2142 {strides = array<i32>} : memref<32x104xf32, #tpu.memory_space<vmem>>, vector<16xf32>,
      %get3A_2147 = arith.constant 3 : i32
      %get3A_2148 = arith.index_cast %get3A_2147 : i32 to index
      %get3A_2149 = arith.constant 912 : index
      %get3A_2150 = tpu.vector_load %arg10[%get3A_2148, %get3A_2149] {strides = array<i32>} : memref<32x1024xf32, #tpu.memory_space<vmem>>, vector<16xf32>,
      %swap3A_2151 = arith.constant 3 : i32
      %swap3A_2152 = arith.index_cast %swap3A_2151 : i32 to index
      %swap3A_2153 = arith.constant 16 : index
      %swap3A_2154 = tpu.vector_load %arg12[%swap3A_2152, %swap3A_2153] {strides = array<i32>} : memref<32x104xf32, #tpu.memory_space<vmem>>, vector<16xf32>,
      tpu.vector_store %arg12[%swap3A_2152, %swap3A_2153], %get3A_2150 {strides = array<i32>} : memref<32x104xf32, #tpu.memory_space<vmem>>, vector<16xf32>,
      %get3A_2155 = arith.constant 3 : i32
      %get3A_2156 = arith.index_cast %get3A_2155 : i32 to index
      %get3A_2157 = arith.constant 928 : index
      %get3A_2158 = tpu.vector_load %arg10[%get3A_2156, %get3A_2157] {strides = array<i32>} : memref<32x1024xf32, #tpu.memory_space<vmem>>, vector<16xf32>,
      %swap3A_2159 = arith.constant 3 : i32
      %swap3A_2160 = arith.index_cast %swap3A_2159 : i32 to index
      %swap3A_2161 = arith.constant 32 : index
      %swap3A_2162 = tpu.vector_load %arg12[%swap3A_2160, %swap3A_2161] {strides = array<i32>} : memref<32x104xf32, #tpu.memory_space<vmem>>, vector<16xf32>,
      tpu.vector_store %arg12[%swap3A_2160, %swap3A_2161], %get3A_2158 {strides = array<i32>} : memref<32x104xf32, #tpu.memory_space<vmem>>, vector<16xf32>,
      %get3A_2163 = arith.constant 3 : i32
      %get3A_2164 = arith.index_cast %get3A_2163 : i32 to index
      %get3A_2165 = arith.constant 944 : index
      %get3A_2166 = tpu.vector_load %arg10[%get3A_2164, %get3A_2165] {strides = array<i32>} : memref<32x1024xf32, #tpu.memory_space<vmem>>, vector<16xf32>,
      %swap3A_2167 = arith.constant 3 : i32
      %swap3A_2168 = arith.index_cast %swap3A_2167 : i32 to index
      %swap3A_2169 = arith.constant 48 : index
      %swap3A_2170 = tpu.vector_load %arg12[%swap3A_2168, %swap3A_2169] {strides = array<i32>} : memref<32x104xf32, #tpu.memory_space<vmem>>, vector<16xf32>,
      tpu.vector_store %arg12[%swap3A_2168, %swap3A_2169], %get3A_2166 {strides = array<i32>} : memref<32x104xf32, #tpu.memory_space<vmem>>, vector<16xf32>,
      %get3A_2171 = arith.constant 3 : i32
      %get3A_2172 = arith.index_cast %get3A_2171 : i32 to index
      %get3A_2173 = arith.constant 960 : index
      %get3A_2174 = tpu.vector_load %arg10[%get3A_2172, %get3A_2173] {strides = array<i32>} : memref<32x1024xf32, #tpu.memory_space<vmem>>, vector<16xf32>,
      %swap3A_2175 = arith.constant 3 : i32
      %swap3A_2176 = arith.index_cast %swap3A_2175 : i32 to index
      %swap3A_2177 = arith.constant 64 : index
      %swap3A_2178 = tpu.vector_load %arg12[%swap3A_2176, %swap3A_2177] {strides = array<i32>} : memref<32x104xf32, #tpu.memory_space<vmem>>, vector<16xf32>,
      tpu.vector_store %arg12[%swap3A_2176, %swap3A_2177], %get3A_2174 {strides = array<i32>} : memref<32x104xf32, #tpu.memory_space<vmem>>, vector<16xf32>,
      %get3A_2179 = arith.constant 3 : i32
      %get3A_2180 = arith.index_cast %get3A_2179 : i32 to index
      %get3A_2181 = arith.constant 976 : index
      %get3A_2182 = tpu.vector_load %arg10[%get3A_2180, %get3A_2181] {strides = array<i32>} : memref<32x1024xf32, #tpu.memory_space<vmem>>, vector<16xf32>,
      %swap3A_2183 = arith.constant 3 : i32
      %swap3A_2184 = arith.index_cast %swap3A_2183 : i32 to index
      %swap3A_2185 = arith.constant 80 : index
      %swap3A_2186 = tpu.vector_load %arg12[%swap3A_2184, %swap3A_2185] {strides = array<i32>} : memref<32x104xf32, #tpu.memory_space<vmem>>, vector<16xf32>,
      tpu.vector_store %arg12[%swap3A_2184, %swap3A_2185], %get3A_2182 {strides = array<i32>} : memref<32x104xf32, #tpu.memory_space<vmem>>, vector<16xf32>,
      %get3A_2187 = arith.constant 3 : i32
      %get3A_2188 = arith.index_cast %get3A_2187 : i32 to index
      %get3A_2189 = arith.constant 984 : index
      %get3A_2190 = tpu.vector_load %arg10[%get3A_2188, %get3A_2189] {strides = array<i32>} : memref<32x1024xf32, #tpu.memory_space<vmem>>, vector<16xf32>,
      %swap3A_2191 = arith.constant 3 : i32
      %swap3A_2192 = arith.index_cast %swap3A_2191 : i32 to index
      %swap3A_2193 = arith.constant 88 : index
      %swap3A_2194 = tpu.vector_load %arg12[%swap3A_2192, %swap3A_2193] {strides = array<i32>} : memref<32x104xf32, #tpu.memory_space<vmem>>, vector<16xf32>,
      tpu.vector_store %arg12[%swap3A_2192, %swap3A_2193], %get3A_2190 {strides = array<i32>} : memref<32x104xf32, #tpu.memory_space<vmem>>, vector<16xf32>,
      %get3A_2195 = arith.constant 4 : i32
      %get3A_2196 = arith.index_cast %get3A_2195 : i32 to index
      %get3A_2197 = arith.constant 896 : index
      %get3A_2198 = tpu.vector_load %arg10[%get3A_2196, %get3A_2197] {strides = array<i32>} : memref<32x1024xf32, #tpu.memory_space<vmem>>, vector<16xf32>,
      %swap3A_2199 = arith.constant 4 : i32
      %swap3A_2200 = arith.index_cast %swap3A_2199 : i32 to index
      %swap3A_2201 = arith.constant 0 : index
      %swap3A_2202 = tpu.vector_load %arg12[%swap3A_2200, %swap3A_2201] {strides = array<i32>} : memref<32x104xf32, #tpu.memory_space<vmem>>, vector<16xf32>,
      tpu.vector_store %arg12[%swap3A_2200, %swap3A_2201], %get3A_2198 {strides = array<i32>} : memref<32x104xf32, #tpu.memory_space<vmem>>, vector<16xf32>,
      %get3A_2203 = arith.constant 4 : i32
      %get3A_2204 = arith.index_cast %get3A_2203 : i32 to index
      %get3A_2205 = arith.constant 912 : index
      %get3A_2206 = tpu.vector_load %arg10[%get3A_2204, %get3A_2205] {strides = array<i32>} : memref<32x1024xf32, #tpu.memory_space<vmem>>, vector<16xf32>,
      %swap3A_2207 = arith.constant 4 : i32
      %swap3A_2208 = arith.index_cast %swap3A_2207 : i32 to index
      %swap3A_2209 = arith.constant 16 : index
      %swap3A_2210 = tpu.vector_load %arg12[%swap3A_2208, %swap3A_2209] {strides = array<i32>} : memref<32x104xf32, #tpu.memory_space<vmem>>, vector<16xf32>,
      tpu.vector_store %arg12[%swap3A_2208, %swap3A_2209], %get3A_2206 {strides = array<i32>} : memref<32x104xf32, #tpu.memory_space<vmem>>, vector<16xf32>,
      %get3A_2211 = arith.constant 4 : i32
      %get3A_2212 = arith.index_cast %get3A_2211 : i32 to index
      %get3A_2213 = arith.constant 928 : index
      %get3A_2214 = tpu.vector_load %arg10[%get3A_2212, %get3A_2213] {strides = array<i32>} : memref<32x1024xf32, #tpu.memory_space<vmem>>, vector<16xf32>,
      %swap3A_2215 = arith.constant 4 : i32
      %swap3A_2216 = arith.index_cast %swap3A_2215 : i32 to index
      %swap3A_2217 = arith.constant 32 : index
      %swap3A_2218 = tpu.vector_load %arg12[%swap3A_2216, %swap3A_2217] {strides = array<i32>} : memref<32x104xf32, #tpu.memory_space<vmem>>, vector<16xf32>,
      tpu.vector_store %arg12[%swap3A_2216, %swap3A_2217], %get3A_2214 {strides = array<i32>} : memref<32x104xf32, #tpu.memory_space<vmem>>, vector<16xf32>,
      %get3A_2219 = arith.constant 4 : i32
      %get3A_2220 = arith.index_cast %get3A_2219 : i32 to index
      %get3A_2221 = arith.constant 944 : index
      %get3A_2222 = tpu.vector_load %arg10[%get3A_2220, %get3A_2221] {strides = array<i32>} : memref<32x1024xf32, #tpu.memory_space<vmem>>, vector<16xf32>,
      %swap3A_2223 = arith.constant 4 : i32
      %swap3A_2224 = arith.index_cast %swap3A_2223 : i32 to index
      %swap3A_2225 = arith.constant 48 : index
      %swap3A_2226 = tpu.vector_load %arg12[%swap3A_2224, %swap3A_2225] {strides = array<i32>} : memref<32x104xf32, #tpu.memory_space<vmem>>, vector<16xf32>,
      tpu.vector_store %arg12[%swap3A_2224, %swap3A_2225], %get3A_2222 {strides = array<i32>} : memref<32x104xf32, #tpu.memory_space<vmem>>, vector<16xf32>,
      %get3A_2227 = arith.constant 4 : i32
      %get3A_2228 = arith.index_cast %get3A_2227 : i32 to index
      %get3A_2229 = arith.constant 960 : index
      %get3A_2230 = tpu.vector_load %arg10[%get3A_2228, %get3A_2229] {strides = array<i32>} : memref<32x1024xf32, #tpu.memory_space<vmem>>, vector<16xf32>,
      %swap3A_2231 = arith.constant 4 : i32
      %swap3A_2232 = arith.index_cast %swap3A_2231 : i32 to index
      %swap3A_2233 = arith.constant 64 : index
      %swap3A_2234 = tpu.vector_load %arg12[%swap3A_2232, %swap3A_2233] {strides = array<i32>} : memref<32x104xf32, #tpu.memory_space<vmem>>, vector<16xf32>,
      tpu.vector_store %arg12[%swap3A_2232, %swap3A_2233], %get3A_2230 {strides = array<i32>} : memref<32x104xf32, #tpu.memory_space<vmem>>, vector<16xf32>,
      %get3A_2235 = arith.constant 4 : i32
      %get3A_2236 = arith.index_cast %get3A_2235 : i32 to index
      %get3A_2237 = arith.constant 976 : index
      %get3A_2238 = tpu.vector_load %arg10[%get3A_2236, %get3A_2237] {strides = array<i32>} : memref<32x1024xf32, #tpu.memory_space<vmem>>, vector<16xf32>,
      %swap3A_2239 = arith.constant 4 : i32
      %swap3A_2240 = arith.index_cast %swap3A_2239 : i32 to index
      %swap3A_2241 = arith.constant 80 : index
      %swap3A_2242 = tpu.vector_load %arg12[%swap3A_2240, %swap3A_2241] {strides = array<i32>} : memref<32x104xf32, #tpu.memory_space<vmem>>, vector<16xf32>,
      tpu.vector_store %arg12[%swap3A_2240, %swap3A_2241], %get3A_2238 {strides = array<i32>} : memref<32x104xf32, #tpu.memory_space<vmem>>, vector<16xf32>,
      %get3A_2243 = arith.constant 4 : i32
      %get3A_2244 = arith.index_cast %get3A_2243 : i32 to index
      %get3A_2245 = arith.constant 984 : index
      %get3A_2246 = tpu.vector_load %arg10[%get3A_2244, %get3A_2245] {strides = array<i32>} : memref<32x1024xf32, #tpu.memory_space<vmem>>, vector<16xf32>,
      %swap3A_2247 = arith.constant 4 : i32
      %swap3A_2248 = arith.index_cast %swap3A_2247 : i32 to index
      %swap3A_2249 = arith.constant 88 : index
      %swap3A_2250 = tpu.vector_load %arg12[%swap3A_2248, %swap3A_2249] {strides = array<i32>} : memref<32x104xf32, #tpu.memory_space<vmem>>, vector<16xf32>,
      tpu.vector_store %arg12[%swap3A_2248, %swap3A_2249], %get3A_2246 {strides = array<i32>} : memref<32x104xf32, #tpu.memory_space<vmem>>, vector<16xf32>,
      %get3A_2251 = arith.constant 5 : i32
      %get3A_2252 = arith.index_cast %get3A_2251 : i32 to index
      %get3A_2253 = arith.constant 896 : index
      %get3A_2254 = tpu.vector_load %arg10[%get3A_2252, %get3A_2253] {strides = array<i32>} : memref<32x1024xf32, #tpu.memory_space<vmem>>, vector<16xf32>,
      %swap3A_2255 = arith.constant 5 : i32
      %swap3A_2256 = arith.index_cast %swap3A_2255 : i32 to index
      %swap3A_2257 = arith.constant 0 : index
      %swap3A_2258 = tpu.vector_load %arg12[%swap3A_2256, %swap3A_2257] {strides = array<i32>} : memref<32x104xf32, #tpu.memory_space<vmem>>, vector<16xf32>,
      tpu.vector_store %arg12[%swap3A_2256, %swap3A_2257], %get3A_2254 {strides = array<i32>} : memref<32x104xf32, #tpu.memory_space<vmem>>, vector<16xf32>,
      %get3A_2259 = arith.constant 5 : i32
      %get3A_2260 = arith.index_cast %get3A_2259 : i32 to index
      %get3A_2261 = arith.constant 912 : index
      %get3A_2262 = tpu.vector_load %arg10[%get3A_2260, %get3A_2261] {strides = array<i32>} : memref<32x1024xf32, #tpu.memory_space<vmem>>, vector<16xf32>,
      %swap3A_2263 = arith.constant 5 : i32
      %swap3A_2264 = arith.index_cast %swap3A_2263 : i32 to index
      %swap3A_2265 = arith.constant 16 : index
      %swap3A_2266 = tpu.vector_load %arg12[%swap3A_2264, %swap3A_2265] {strides = array<i32>} : memref<32x104xf32, #tpu.memory_space<vmem>>, vector<16xf32>,
      tpu.vector_store %arg12[%swap3A_2264, %swap3A_2265], %get3A_2262 {strides = array<i32>} : memref<32x104xf32, #tpu.memory_space<vmem>>, vector<16xf32>,
      %get3A_2267 = arith.constant 5 : i32
      %get3A_2268 = arith.index_cast %get3A_2267 : i32 to index
      %get3A_2269 = arith.constant 928 : index
      %get3A_2270 = tpu.vector_load %arg10[%get3A_2268, %get3A_2269] {strides = array<i32>} : memref<32x1024xf32, #tpu.memory_space<vmem>>, vector<16xf32>,
      %swap3A_2271 = arith.constant 5 : i32
      %swap3A_2272 = arith.index_cast %swap3A_2271 : i32 to index
      %swap3A_2273 = arith.constant 32 : index
      %swap3A_2274 = tpu.vector_load %arg12[%swap3A_2272, %swap3A_2273] {strides = array<i32>} : memref<32x104xf32, #tpu.memory_space<vmem>>, vector<16xf32>,
      tpu.vector_store %arg12[%swap3A_2272, %swap3A_2273], %get3A_2270 {strides = array<i32>} : memref<32x104xf32, #tpu.memory_space<vmem>>, vector<16xf32>,
      %get3A_2275 = arith.constant 5 : i32
      %get3A_2276 = arith.index_cast %get3A_2275 : i32 to index
      %get3A_2277 = arith.constant 944 : index
      %get3A_2278 = tpu.vector_load %arg10[%get3A_2276, %get3A_2277] {strides = array<i32>} : memref<32x1024xf32, #tpu.memory_space<vmem>>, vector<16xf32>,
      %swap3A_2279 = arith.constant 5 : i32
      %swap3A_2280 = arith.index_cast %swap3A_2279 : i32 to index
      %swap3A_2281 = arith.constant 48 : index
      %swap3A_2282 = tpu.vector_load %arg12[%swap3A_2280, %swap3A_2281] {strides = array<i32>} : memref<32x104xf32, #tpu.memory_space<vmem>>, vector<16xf32>,
      tpu.vector_store %arg12[%swap3A_2280, %swap3A_2281], %get3A_2278 {strides = array<i32>} : memref<32x104xf32, #tpu.memory_space<vmem>>, vector<16xf32>,
      %get3A_2283 = arith.constant 5 : i32
      %get3A_2284 = arith.index_cast %get3A_2283 : i32 to index
      %get3A_2285 = arith.constant 960 : index
      %get3A_2286 = tpu.vector_load %arg10[%get3A_2284, %get3A_2285] {strides = array<i32>} : memref<32x1024xf32, #tpu.memory_space<vmem>>, vector<16xf32>,
      %swap3A_2287 = arith.constant 5 : i32
      %swap3A_2288 = arith.index_cast %swap3A_2287 : i32 to index
      %swap3A_2289 = arith.constant 64 : index
      %swap3A_2290 = tpu.vector_load %arg12[%swap3A_2288, %swap3A_2289] {strides = array<i32>} : memref<32x104xf32, #tpu.memory_space<vmem>>, vector<16xf32>,
      tpu.vector_store %arg12[%swap3A_2288, %swap3A_2289], %get3A_2286 {strides = array<i32>} : memref<32x104xf32, #tpu.memory_space<vmem>>, vector<16xf32>,
      %get3A_2291 = arith.constant 5 : i32
      %get3A_2292 = arith.index_cast %get3A_2291 : i32 to index
      %get3A_2293 = arith.constant 976 : index
      %get3A_2294 = tpu.vector_load %arg10[%get3A_2292, %get3A_2293] {strides = array<i32>} : memref<32x1024xf32, #tpu.memory_space<vmem>>, vector<16xf32>,
      %swap3A_2295 = arith.constant 5 : i32
      %swap3A_2296 = arith.index_cast %swap3A_2295 : i32 to index
      %swap3A_2297 = arith.constant 80 : index
      %swap3A_2298 = tpu.vector_load %arg12[%swap3A_2296, %swap3A_2297] {strides = array<i32>} : memref<32x104xf32, #tpu.memory_space<vmem>>, vector<16xf32>,
      tpu.vector_store %arg12[%swap3A_2296, %swap3A_2297], %get3A_2294 {strides = array<i32>} : memref<32x104xf32, #tpu.memory_space<vmem>>, vector<16xf32>,
      %get3A_2299 = arith.constant 5 : i32
      %get3A_2300 = arith.index_cast %get3A_2299 : i32 to index
      %get3A_2301 = arith.constant 984 : index
      %get3A_2302 = tpu.vector_load %arg10[%get3A_2300, %get3A_2301] {strides = array<i32>} : memref<32x1024xf32, #tpu.memory_space<vmem>>, vector<16xf32>,
      %swap3A_2303 = arith.constant 5 : i32
      %swap3A_2304 = arith.index_cast %swap3A_2303 : i32 to index
      %swap3A_2305 = arith.constant 88 : index
      %swap3A_2306 = tpu.vector_load %arg12[%swap3A_2304, %swap3A_2305] {strides = array<i32>} : memref<32x104xf32, #tpu.memory_space<vmem>>, vector<16xf32>,
      tpu.vector_store %arg12[%swap3A_2304, %swap3A_2305], %get3A_2302 {strides = array<i32>} : memref<32x104xf32, #tpu.memory_space<vmem>>, vector<16xf32>,
      %get3A_2307 = arith.constant 6 : i32
      %get3A_2308 = arith.index_cast %get3A_2307 : i32 to index
      %get3A_2309 = arith.constant 896 : index
      %get3A_2310 = tpu.vector_load %arg10[%get3A_2308, %get3A_2309] {strides = array<i32>} : memref<32x1024xf32, #tpu.memory_space<vmem>>, vector<16xf32>,
      %swap3A_2311 = arith.constant 6 : i32
      %swap3A_2312 = arith.index_cast %swap3A_2311 : i32 to index
      %swap3A_2313 = arith.constant 0 : index
      %swap3A_2314 = tpu.vector_load %arg12[%swap3A_2312, %swap3A_2313] {strides = array<i32>} : memref<32x104xf32, #tpu.memory_space<vmem>>, vector<16xf32>,
      tpu.vector_store %arg12[%swap3A_2312, %swap3A_2313], %get3A_2310 {strides = array<i32>} : memref<32x104xf32, #tpu.memory_space<vmem>>, vector<16xf32>,
      %get3A_2315 = arith.constant 6 : i32
      %get3A_2316 = arith.index_cast %get3A_2315 : i32 to index
      %get3A_2317 = arith.constant 912 : index
      %get3A_2318 = tpu.vector_load %arg10[%get3A_2316, %get3A_2317] {strides = array<i32>} : memref<32x1024xf32, #tpu.memory_space<vmem>>, vector<16xf32>,
      %swap3A_2319 = arith.constant 6 : i32
      %swap3A_2320 = arith.index_cast %swap3A_2319 : i32 to index
      %swap3A_2321 = arith.constant 16 : index
      %swap3A_2322 = tpu.vector_load %arg12[%swap3A_2320, %swap3A_2321] {strides = array<i32>} : memref<32x104xf32, #tpu.memory_space<vmem>>, vector<16xf32>,
      tpu.vector_store %arg12[%swap3A_2320, %swap3A_2321], %get3A_2318 {strides = array<i32>} : memref<32x104xf32, #tpu.memory_space<vmem>>, vector<16xf32>,
      %get3A_2323 = arith.constant 6 : i32
      %get3A_2324 = arith.index_cast %get3A_2323 : i32 to index
      %get3A_2325 = arith.constant 928 : index
      %get3A_2326 = tpu.vector_load %arg10[%get3A_2324, %get3A_2325] {strides = array<i32>} : memref<32x1024xf32, #tpu.memory_space<vmem>>, vector<16xf32>,
      %swap3A_2327 = arith.constant 6 : i32
      %swap3A_2328 = arith.index_cast %swap3A_2327 : i32 to index
      %swap3A_2329 = arith.constant 32 : index
      %swap3A_2330 = tpu.vector_load %arg12[%swap3A_2328, %swap3A_2329] {strides = array<i32>} : memref<32x104xf32, #tpu.memory_space<vmem>>, vector<16xf32>,
      tpu.vector_store %arg12[%swap3A_2328, %swap3A_2329], %get3A_2326 {strides = array<i32>} : memref<32x104xf32, #tpu.memory_space<vmem>>, vector<16xf32>,
      %get3A_2331 = arith.constant 6 : i32
      %get3A_2332 = arith.index_cast %get3A_2331 : i32 to index
      %get3A_2333 = arith.constant 944 : index
      %get3A_2334 = tpu.vector_load %arg10[%get3A_2332, %get3A_2333] {strides = array<i32>} : memref<32x1024xf32, #tpu.memory_space<vmem>>, vector<16xf32>,
      %swap3A_2335 = arith.constant 6 : i32
      %swap3A_2336 = arith.index_cast %swap3A_2335 : i32 to index
      %swap3A_2337 = arith.constant 48 : index
      %swap3A_2338 = tpu.vector_load %arg12[%swap3A_2336, %swap3A_2337] {strides = array<i32>} : memref<32x104xf32, #tpu.memory_space<vmem>>, vector<16xf32>,
      tpu.vector_store %arg12[%swap3A_2336, %swap3A_2337], %get3A_2334 {strides = array<i32>} : memref<32x104xf32, #tpu.memory_space<vmem>>, vector<16xf32>,
      %get3A_2339 = arith.constant 6 : i32
      %get3A_2340 = arith.index_cast %get3A_2339 : i32 to index
      %get3A_2341 = arith.constant 960 : index
      %get3A_2342 = tpu.vector_load %arg10[%get3A_2340, %get3A_2341] {strides = array<i32>} : memref<32x1024xf32, #tpu.memory_space<vmem>>, vector<16xf32>,
      %swap3A_2343 = arith.constant 6 : i32
      %swap3A_2344 = arith.index_cast %swap3A_2343 : i32 to index
      %swap3A_2345 = arith.constant 64 : index
      %swap3A_2346 = tpu.vector_load %arg12[%swap3A_2344, %swap3A_2345] {strides = array<i32>} : memref<32x104xf32, #tpu.memory_space<vmem>>, vector<16xf32>,
      tpu.vector_store %arg12[%swap3A_2344, %swap3A_2345], %get3A_2342 {strides = array<i32>} : memref<32x104xf32, #tpu.memory_space<vmem>>, vector<16xf32>,
      %get3A_2347 = arith.constant 6 : i32
      %get3A_2348 = arith.index_cast %get3A_2347 : i32 to index
      %get3A_2349 = arith.constant 976 : index
      %get3A_2350 = tpu.vector_load %arg10[%get3A_2348, %get3A_2349] {strides = array<i32>} : memref<32x1024xf32, #tpu.memory_space<vmem>>, vector<16xf32>,
      %swap3A_2351 = arith.constant 6 : i32
      %swap3A_2352 = arith.index_cast %swap3A_2351 : i32 to index
      %swap3A_2353 = arith.constant 80 : index
      %swap3A_2354 = tpu.vector_load %arg12[%swap3A_2352, %swap3A_2353] {strides = array<i32>} : memref<32x104xf32, #tpu.memory_space<vmem>>, vector<16xf32>,
      tpu.vector_store %arg12[%swap3A_2352, %swap3A_2353], %get3A_2350 {strides = array<i32>} : memref<32x104xf32, #tpu.memory_space<vmem>>, vector<16xf32>,
      %get3A_2355 = arith.constant 6 : i32
      %get3A_2356 = arith.index_cast %get3A_2355 : i32 to index
      %get3A_2357 = arith.constant 984 : index
      %get3A_2358 = tpu.vector_load %arg10[%get3A_2356, %get3A_2357] {strides = array<i32>} : memref<32x1024xf32, #tpu.memory_space<vmem>>, vector<16xf32>,
      %swap3A_2359 = arith.constant 6 : i32
      %swap3A_2360 = arith.index_cast %swap3A_2359 : i32 to index
      %swap3A_2361 = arith.constant 88 : index
      %swap3A_2362 = tpu.vector_load %arg12[%swap3A_2360, %swap3A_2361] {strides = array<i32>} : memref<32x104xf32, #tpu.memory_space<vmem>>, vector<16xf32>,
      tpu.vector_store %arg12[%swap3A_2360, %swap3A_2361], %get3A_2358 {strides = array<i32>} : memref<32x104xf32, #tpu.memory_space<vmem>>, vector<16xf32>,
      %get3A_2363 = arith.constant 7 : i32
      %get3A_2364 = arith.index_cast %get3A_2363 : i32 to index
      %get3A_2365 = arith.constant 896 : index
      %get3A_2366 = tpu.vector_load %arg10[%get3A_2364, %get3A_2365] {strides = array<i32>} : memref<32x1024xf32, #tpu.memory_space<vmem>>, vector<16xf32>,
      %swap3A_2367 = arith.constant 7 : i32
      %swap3A_2368 = arith.index_cast %swap3A_2367 : i32 to index
      %swap3A_2369 = arith.constant 0 : index
      %swap3A_2370 = tpu.vector_load %arg12[%swap3A_2368, %swap3A_2369] {strides = array<i32>} : memref<32x104xf32, #tpu.memory_space<vmem>>, vector<16xf32>,
      tpu.vector_store %arg12[%swap3A_2368, %swap3A_2369], %get3A_2366 {strides = array<i32>} : memref<32x104xf32, #tpu.memory_space<vmem>>, vector<16xf32>,
      %get3A_2371 = arith.constant 7 : i32
      %get3A_2372 = arith.index_cast %get3A_2371 : i32 to index
      %get3A_2373 = arith.constant 912 : index
      %get3A_2374 = tpu.vector_load %arg10[%get3A_2372, %get3A_2373] {strides = array<i32>} : memref<32x1024xf32, #tpu.memory_space<vmem>>, vector<16xf32>,
      %swap3A_2375 = arith.constant 7 : i32
      %swap3A_2376 = arith.index_cast %swap3A_2375 : i32 to index
      %swap3A_2377 = arith.constant 16 : index
      %swap3A_2378 = tpu.vector_load %arg12[%swap3A_2376, %swap3A_2377] {strides = array<i32>} : memref<32x104xf32, #tpu.memory_space<vmem>>, vector<16xf32>,
      tpu.vector_store %arg12[%swap3A_2376, %swap3A_2377], %get3A_2374 {strides = array<i32>} : memref<32x104xf32, #tpu.memory_space<vmem>>, vector<16xf32>,
      %get3A_2379 = arith.constant 7 : i32
      %get3A_2380 = arith.index_cast %get3A_2379 : i32 to index
      %get3A_2381 = arith.constant 928 : index
      %get3A_2382 = tpu.vector_load %arg10[%get3A_2380, %get3A_2381] {strides = array<i32>} : memref<32x1024xf32, #tpu.memory_space<vmem>>, vector<16xf32>,
      %swap3A_2383 = arith.constant 7 : i32
      %swap3A_2384 = arith.index_cast %swap3A_2383 : i32 to index
      %swap3A_2385 = arith.constant 32 : index
      %swap3A_2386 = tpu.vector_load %arg12[%swap3A_2384, %swap3A_2385] {strides = array<i32>} : memref<32x104xf32, #tpu.memory_space<vmem>>, vector<16xf32>,
      tpu.vector_store %arg12[%swap3A_2384, %swap3A_2385], %get3A_2382 {strides = array<i32>} : memref<32x104xf32, #tpu.memory_space<vmem>>, vector<16xf32>,
      %get3A_2387 = arith.constant 7 : i32
      %get3A_2388 = arith.index_cast %get3A_2387 : i32 to index
      %get3A_2389 = arith.constant 944 : index
      %get3A_2390 = tpu.vector_load %arg10[%get3A_2388, %get3A_2389] {strides = array<i32>} : memref<32x1024xf32, #tpu.memory_space<vmem>>, vector<16xf32>,
      %swap3A_2391 = arith.constant 7 : i32
      %swap3A_2392 = arith.index_cast %swap3A_2391 : i32 to index
      %swap3A_2393 = arith.constant 48 : index
      %swap3A_2394 = tpu.vector_load %arg12[%swap3A_2392, %swap3A_2393] {strides = array<i32>} : memref<32x104xf32, #tpu.memory_space<vmem>>, vector<16xf32>,
      tpu.vector_store %arg12[%swap3A_2392, %swap3A_2393], %get3A_2390 {strides = array<i32>} : memref<32x104xf32, #tpu.memory_space<vmem>>, vector<16xf32>,
      %get3A_2395 = arith.constant 7 : i32
      %get3A_2396 = arith.index_cast %get3A_2395 : i32 to index
      %get3A_2397 = arith.constant 960 : index
      %get3A_2398 = tpu.vector_load %arg10[%get3A_2396, %get3A_2397] {strides = array<i32>} : memref<32x1024xf32, #tpu.memory_space<vmem>>, vector<16xf32>,
      %swap3A_2399 = arith.constant 7 : i32
      %swap3A_2400 = arith.index_cast %swap3A_2399 : i32 to index
      %swap3A_2401 = arith.constant 64 : index
      %swap3A_2402 = tpu.vector_load %arg12[%swap3A_2400, %swap3A_2401] {strides = array<i32>} : memref<32x104xf32, #tpu.memory_space<vmem>>, vector<16xf32>,
      tpu.vector_store %arg12[%swap3A_2400, %swap3A_2401], %get3A_2398 {strides = array<i32>} : memref<32x104xf32, #tpu.memory_space<vmem>>, vector<16xf32>,
      %get3A_2403 = arith.constant 7 : i32
      %get3A_2404 = arith.index_cast %get3A_2403 : i32 to index
      %get3A_2405 = arith.constant 976 : index
      %get3A_2406 = tpu.vector_load %arg10[%get3A_2404, %get3A_2405] {strides = array<i32>} : memref<32x1024xf32, #tpu.memory_space<vmem>>, vector<16xf32>,
      %swap3A_2407 = arith.constant 7 : i32
      %swap3A_2408 = arith.index_cast %swap3A_2407 : i32 to index
      %swap3A_2409 = arith.constant 80 : index
      %swap3A_2410 = tpu.vector_load %arg12[%swap3A_2408, %swap3A_2409] {strides = array<i32>} : memref<32x104xf32, #tpu.memory_space<vmem>>, vector<16xf32>,
      tpu.vector_store %arg12[%swap3A_2408, %swap3A_2409], %get3A_2406 {strides = array<i32>} : memref<32x104xf32, #tpu.memory_space<vmem>>, vector<16xf32>,
      %get3A_2411 = arith.constant 7 : i32
      %get3A_2412 = arith.index_cast %get3A_2411 : i32 to index
      %get3A_2413 = arith.constant 984 : index
      %get3A_2414 = tpu.vector_load %arg10[%get3A_2412, %get3A_2413] {strides = array<i32>} : memref<32x1024xf32, #tpu.memory_space<vmem>>, vector<16xf32>,
      %swap3A_2415 = arith.constant 7 : i32
      %swap3A_2416 = arith.index_cast %swap3A_2415 : i32 to index
      %swap3A_2417 = arith.constant 88 : index
      %swap3A_2418 = tpu.vector_load %arg12[%swap3A_2416, %swap3A_2417] {strides = array<i32>} : memref<32x104xf32, #tpu.memory_space<vmem>>, vector<16xf32>,
      tpu.vector_store %arg12[%swap3A_2416, %swap3A_2417], %get3A_2414 {strides = array<i32>} : memref<32x104xf32, #tpu.memory_space<vmem>>, vector<16xf32>,
      %get3A_2419 = arith.constant 8 : i32
      %get3A_2420 = arith.index_cast %get3A_2419 : i32 to index
      %get3A_2421 = arith.constant 896 : index
      %get3A_2422 = tpu.vector_load %arg10[%get3A_2420, %get3A_2421] {strides = array<i32>} : memref<32x1024xf32, #tpu.memory_space<vmem>>, vector<16xf32>,
      %swap3A_2423 = arith.constant 8 : i32
      %swap3A_2424 = arith.index_cast %swap3A_2423 : i32 to index
      %swap3A_2425 = arith.constant 0 : index
      %swap3A_2426 = tpu.vector_load %arg12[%swap3A_2424, %swap3A_2425] {strides = array<i32>} : memref<32x104xf32, #tpu.memory_space<vmem>>, vector<16xf32>,
      tpu.vector_store %arg12[%swap3A_2424, %swap3A_2425], %get3A_2422 {strides = array<i32>} : memref<32x104xf32, #tpu.memory_space<vmem>>, vector<16xf32>,
      %get3A_2427 = arith.constant 8 : i32
      %get3A_2428 = arith.index_cast %get3A_2427 : i32 to index
      %get3A_2429 = arith.constant 912 : index
      %get3A_2430 = tpu.vector_load %arg10[%get3A_2428, %get3A_2429] {strides = array<i32>} : memref<32x1024xf32, #tpu.memory_space<vmem>>, vector<16xf32>,
      %swap3A_2431 = arith.constant 8 : i32
      %swap3A_2432 = arith.index_cast %swap3A_2431 : i32 to index
      %swap3A_2433 = arith.constant 16 : index
      %swap3A_2434 = tpu.vector_load %arg12[%swap3A_2432, %swap3A_2433] {strides = array<i32>} : memref<32x104xf32, #tpu.memory_space<vmem>>, vector<16xf32>,
      tpu.vector_store %arg12[%swap3A_2432, %swap3A_2433], %get3A_2430 {strides = array<i32>} : memref<32x104xf32, #tpu.memory_space<vmem>>, vector<16xf32>,
      %get3A_2435 = arith.constant 8 : i32
      %get3A_2436 = arith.index_cast %get3A_2435 : i32 to index
      %get3A_2437 = arith.constant 928 : index
      %get3A_2438 = tpu.vector_load %arg10[%get3A_2436, %get3A_2437] {strides = array<i32>} : memref<32x1024xf32, #tpu.memory_space<vmem>>, vector<16xf32>,
      %swap3A_2439 = arith.constant 8 : i32
      %swap3A_2440 = arith.index_cast %swap3A_2439 : i32 to index
      %swap3A_2441 = arith.constant 32 : index
      %swap3A_2442 = tpu.vector_load %arg12[%swap3A_2440, %swap3A_2441] {strides = array<i32>} : memref<32x104xf32, #tpu.memory_space<vmem>>, vector<16xf32>,
      tpu.vector_store %arg12[%swap3A_2440, %swap3A_2441], %get3A_2438 {strides = array<i32>} : memref<32x104xf32, #tpu.memory_space<vmem>>, vector<16xf32>,
      %get3A_2443 = arith.constant 8 : i32
      %get3A_2444 = arith.index_cast %get3A_2443 : i32 to index
      %get3A_2445 = arith.constant 944 : index
      %get3A_2446 = tpu.vector_load %arg10[%get3A_2444, %get3A_2445] {strides = array<i32>} : memref<32x1024xf32, #tpu.memory_space<vmem>>, vector<16xf32>,
      %swap3A_2447 = arith.constant 8 : i32
      %swap3A_2448 = arith.index_cast %swap3A_2447 : i32 to index
      %swap3A_2449 = arith.constant 48 : index
      %swap3A_2450 = tpu.vector_load %arg12[%swap3A_2448, %swap3A_2449] {strides = array<i32>} : memref<32x104xf32, #tpu.memory_space<vmem>>, vector<16xf32>,
      tpu.vector_store %arg12[%swap3A_2448, %swap3A_2449], %get3A_2446 {strides = array<i32>} : memref<32x104xf32, #tpu.memory_space<vmem>>, vector<16xf32>,
      %get3A_2451 = arith.constant 8 : i32
      %get3A_2452 = arith.index_cast %get3A_2451 : i32 to index
      %get3A_2453 = arith.constant 960 : index
      %get3A_2454 = tpu.vector_load %arg10[%get3A_2452, %get3A_2453] {strides = array<i32>} : memref<32x1024xf32, #tpu.memory_space<vmem>>, vector<16xf32>,
      %swap3A_2455 = arith.constant 8 : i32
      %swap3A_2456 = arith.index_cast %swap3A_2455 : i32 to index
      %swap3A_2457 = arith.constant 64 : index
      %swap3A_2458 = tpu.vector_load %arg12[%swap3A_2456, %swap3A_2457] {strides = array<i32>} : memref<32x104xf32, #tpu.memory_space<vmem>>, vector<16xf32>,
      tpu.vector_store %arg12[%swap3A_2456, %swap3A_2457], %get3A_2454 {strides = array<i32>} : memref<32x104xf32, #tpu.memory_space<vmem>>, vector<16xf32>,
      %get3A_2459 = arith.constant 8 : i32
      %get3A_2460 = arith.index_cast %get3A_2459 : i32 to index
      %get3A_2461 = arith.constant 976 : index
      %get3A_2462 = tpu.vector_load %arg10[%get3A_2460, %get3A_2461] {strides = array<i32>} : memref<32x1024xf32, #tpu.memory_space<vmem>>, vector<16xf32>,
      %swap3A_2463 = arith.constant 8 : i32
      %swap3A_2464 = arith.index_cast %swap3A_2463 : i32 to index
      %swap3A_2465 = arith.constant 80 : index
      %swap3A_2466 = tpu.vector_load %arg12[%swap3A_2464, %swap3A_2465] {strides = array<i32>} : memref<32x104xf32, #tpu.memory_space<vmem>>, vector<16xf32>,
      tpu.vector_store %arg12[%swap3A_2464, %swap3A_2465], %get3A_2462 {strides = array<i32>} : memref<32x104xf32, #tpu.memory_space<vmem>>, vector<16xf32>,
      %get3A_2467 = arith.constant 8 : i32
      %get3A_2468 = arith.index_cast %get3A_2467 : i32 to index
      %get3A_2469 = arith.constant 984 : index
      %get3A_2470 = tpu.vector_load %arg10[%get3A_2468, %get3A_2469] {strides = array<i32>} : memref<32x1024xf32, #tpu.memory_space<vmem>>, vector<16xf32>,
      %swap3A_2471 = arith.constant 8 : i32
      %swap3A_2472 = arith.index_cast %swap3A_2471 : i32 to index
      %swap3A_2473 = arith.constant 88 : index
      %swap3A_2474 = tpu.vector_load %arg12[%swap3A_2472, %swap3A_2473] {strides = array<i32>} : memref<32x104xf32, #tpu.memory_space<vmem>>, vector<16xf32>,
      tpu.vector_store %arg12[%swap3A_2472, %swap3A_2473], %get3A_2470 {strides = array<i32>} : memref<32x104xf32, #tpu.memory_space<vmem>>, vector<16xf32>,
      %get3A_2475 = arith.constant 9 : i32
      %get3A_2476 = arith.index_cast %get3A_2475 : i32 to index
      %get3A_2477 = arith.constant 896 : index
      %get3A_2478 = tpu.vector_load %arg10[%get3A_2476, %get3A_2477] {strides = array<i32>} : memref<32x1024xf32, #tpu.memory_space<vmem>>, vector<16xf32>,
      %swap3A_2479 = arith.constant 9 : i32
      %swap3A_2480 = arith.index_cast %swap3A_2479 : i32 to index
      %swap3A_2481 = arith.constant 0 : index
      %swap3A_2482 = tpu.vector_load %arg12[%swap3A_2480, %swap3A_2481] {strides = array<i32>} : memref<32x104xf32, #tpu.memory_space<vmem>>, vector<16xf32>,
      tpu.vector_store %arg12[%swap3A_2480, %swap3A_2481], %get3A_2478 {strides = array<i32>} : memref<32x104xf32, #tpu.memory_space<vmem>>, vector<16xf32>,
      %get3A_2483 = arith.constant 9 : i32
      %get3A_2484 = arith.index_cast %get3A_2483 : i32 to index
      %get3A_2485 = arith.constant 912 : index
      %get3A_2486 = tpu.vector_load %arg10[%get3A_2484, %get3A_2485] {strides = array<i32>} : memref<32x1024xf32, #tpu.memory_space<vmem>>, vector<16xf32>,
      %swap3A_2487 = arith.constant 9 : i32
      %swap3A_2488 = arith.index_cast %swap3A_2487 : i32 to index
      %swap3A_2489 = arith.constant 16 : index
      %swap3A_2490 = tpu.vector_load %arg12[%swap3A_2488, %swap3A_2489] {strides = array<i32>} : memref<32x104xf32, #tpu.memory_space<vmem>>, vector<16xf32>,
      tpu.vector_store %arg12[%swap3A_2488, %swap3A_2489], %get3A_2486 {strides = array<i32>} : memref<32x104xf32, #tpu.memory_space<vmem>>, vector<16xf32>,
      %get3A_2491 = arith.constant 9 : i32
      %get3A_2492 = arith.index_cast %get3A_2491 : i32 to index
      %get3A_2493 = arith.constant 928 : index
      %get3A_2494 = tpu.vector_load %arg10[%get3A_2492, %get3A_2493] {strides = array<i32>} : memref<32x1024xf32, #tpu.memory_space<vmem>>, vector<16xf32>,
      %swap3A_2495 = arith.constant 9 : i32
      %swap3A_2496 = arith.index_cast %swap3A_2495 : i32 to index
      %swap3A_2497 = arith.constant 32 : index
      %swap3A_2498 = tpu.vector_load %arg12[%swap3A_2496, %swap3A_2497] {strides = array<i32>} : memref<32x104xf32, #tpu.memory_space<vmem>>, vector<16xf32>,
      tpu.vector_store %arg12[%swap3A_2496, %swap3A_2497], %get3A_2494 {strides = array<i32>} : memref<32x104xf32, #tpu.memory_space<vmem>>, vector<16xf32>,
      %get3A_2499 = arith.constant 9 : i32
      %get3A_2500 = arith.index_cast %get3A_2499 : i32 to index
      %get3A_2501 = arith.constant 944 : index
      %get3A_2502 = tpu.vector_load %arg10[%get3A_2500, %get3A_2501] {strides = array<i32>} : memref<32x1024xf32, #tpu.memory_space<vmem>>, vector<16xf32>,
      %swap3A_2503 = arith.constant 9 : i32
      %swap3A_2504 = arith.index_cast %swap3A_2503 : i32 to index
      %swap3A_2505 = arith.constant 48 : index
      %swap3A_2506 = tpu.vector_load %arg12[%swap3A_2504, %swap3A_2505] {strides = array<i32>} : memref<32x104xf32, #tpu.memory_space<vmem>>, vector<16xf32>,
      tpu.vector_store %arg12[%swap3A_2504, %swap3A_2505], %get3A_2502 {strides = array<i32>} : memref<32x104xf32, #tpu.memory_space<vmem>>, vector<16xf32>,
      %get3A_2507 = arith.constant 9 : i32
      %get3A_2508 = arith.index_cast %get3A_2507 : i32 to index
      %get3A_2509 = arith.constant 960 : index
      %get3A_2510 = tpu.vector_load %arg10[%get3A_2508, %get3A_2509] {strides = array<i32>} : memref<32x1024xf32, #tpu.memory_space<vmem>>, vector<16xf32>,
      %swap3A_2511 = arith.constant 9 : i32
      %swap3A_2512 = arith.index_cast %swap3A_2511 : i32 to index
      %swap3A_2513 = arith.constant 64 : index
      %swap3A_2514 = tpu.vector_load %arg12[%swap3A_2512, %swap3A_2513] {strides = array<i32>} : memref<32x104xf32, #tpu.memory_space<vmem>>, vector<16xf32>,
      tpu.vector_store %arg12[%swap3A_2512, %swap3A_2513], %get3A_2510 {strides = array<i32>} : memref<32x104xf32, #tpu.memory_space<vmem>>, vector<16xf32>,
      %get3A_2515 = arith.constant 9 : i32
      %get3A_2516 = arith.index_cast %get3A_2515 : i32 to index
      %get3A_2517 = arith.constant 976 : index
      %get3A_2518 = tpu.vector_load %arg10[%get3A_2516, %get3A_2517] {strides = array<i32>} : memref<32x1024xf32, #tpu.memory_space<vmem>>, vector<16xf32>,
      %swap3A_2519 = arith.constant 9 : i32
      %swap3A_2520 = arith.index_cast %swap3A_2519 : i32 to index
      %swap3A_2521 = arith.constant 80 : index
      %swap3A_2522 = tpu.vector_load %arg12[%swap3A_2520, %swap3A_2521] {strides = array<i32>} : memref<32x104xf32, #tpu.memory_space<vmem>>, vector<16xf32>,
      tpu.vector_store %arg12[%swap3A_2520, %swap3A_2521], %get3A_2518 {strides = array<i32>} : memref<32x104xf32, #tpu.memory_space<vmem>>, vector<16xf32>,
      %get3A_2523 = arith.constant 9 : i32
      %get3A_2524 = arith.index_cast %get3A_2523 : i32 to index
      %get3A_2525 = arith.constant 984 : index
      %get3A_2526 = tpu.vector_load %arg10[%get3A_2524, %get3A_2525] {strides = array<i32>} : memref<32x1024xf32, #tpu.memory_space<vmem>>, vector<16xf32>,
      %swap3A_2527 = arith.constant 9 : i32
      %swap3A_2528 = arith.index_cast %swap3A_2527 : i32 to index
      %swap3A_2529 = arith.constant 88 : index
      %swap3A_2530 = tpu.vector_load %arg12[%swap3A_2528, %swap3A_2529] {strides = array<i32>} : memref<32x104xf32, #tpu.memory_space<vmem>>, vector<16xf32>,
      tpu.vector_store %arg12[%swap3A_2528, %swap3A_2529], %get3A_2526 {strides = array<i32>} : memref<32x104xf32, #tpu.memory_space<vmem>>, vector<16xf32>,
      %get3A_2531 = arith.constant 10 : i32
      %get3A_2532 = arith.index_cast %get3A_2531 : i32 to index
      %get3A_2533 = arith.constant 896 : index
      %get3A_2534 = tpu.vector_load %arg10[%get3A_2532, %get3A_2533] {strides = array<i32>} : memref<32x1024xf32, #tpu.memory_space<vmem>>, vector<16xf32>,
      %swap3A_2535 = arith.constant 10 : i32
      %swap3A_2536 = arith.index_cast %swap3A_2535 : i32 to index
      %swap3A_2537 = arith.constant 0 : index
      %swap3A_2538 = tpu.vector_load %arg12[%swap3A_2536, %swap3A_2537] {strides = array<i32>} : memref<32x104xf32, #tpu.memory_space<vmem>>, vector<16xf32>,
      tpu.vector_store %arg12[%swap3A_2536, %swap3A_2537], %get3A_2534 {strides = array<i32>} : memref<32x104xf32, #tpu.memory_space<vmem>>, vector<16xf32>,
      %get3A_2539 = arith.constant 10 : i32
      %get3A_2540 = arith.index_cast %get3A_2539 : i32 to index
      %get3A_2541 = arith.constant 912 : index
      %get3A_2542 = tpu.vector_load %arg10[%get3A_2540, %get3A_2541] {strides = array<i32>} : memref<32x1024xf32, #tpu.memory_space<vmem>>, vector<16xf32>,
      %swap3A_2543 = arith.constant 10 : i32
      %swap3A_2544 = arith.index_cast %swap3A_2543 : i32 to index
      %swap3A_2545 = arith.constant 16 : index
      %swap3A_2546 = tpu.vector_load %arg12[%swap3A_2544, %swap3A_2545] {strides = array<i32>} : memref<32x104xf32, #tpu.memory_space<vmem>>, vector<16xf32>,
      tpu.vector_store %arg12[%swap3A_2544, %swap3A_2545], %get3A_2542 {strides = array<i32>} : memref<32x104xf32, #tpu.memory_space<vmem>>, vector<16xf32>,
      %get3A_2547 = arith.constant 10 : i32
      %get3A_2548 = arith.index_cast %get3A_2547 : i32 to index
      %get3A_2549 = arith.constant 928 : index
      %get3A_2550 = tpu.vector_load %arg10[%get3A_2548, %get3A_2549] {strides = array<i32>} : memref<32x1024xf32, #tpu.memory_space<vmem>>, vector<16xf32>,
      %swap3A_2551 = arith.constant 10 : i32
      %swap3A_2552 = arith.index_cast %swap3A_2551 : i32 to index
      %swap3A_2553 = arith.constant 32 : index
      %swap3A_2554 = tpu.vector_load %arg12[%swap3A_2552, %swap3A_2553] {strides = array<i32>} : memref<32x104xf32, #tpu.memory_space<vmem>>, vector<16xf32>,
      tpu.vector_store %arg12[%swap3A_2552, %swap3A_2553], %get3A_2550 {strides = array<i32>} : memref<32x104xf32, #tpu.memory_space<vmem>>, vector<16xf32>,
      %get3A_2555 = arith.constant 10 : i32
      %get3A_2556 = arith.index_cast %get3A_2555 : i32 to index
      %get3A_2557 = arith.constant 944 : index
      %get3A_2558 = tpu.vector_load %arg10[%get3A_2556, %get3A_2557] {strides = array<i32>} : memref<32x1024xf32, #tpu.memory_space<vmem>>, vector<16xf32>,
      %swap3A_2559 = arith.constant 10 : i32
      %swap3A_2560 = arith.index_cast %swap3A_2559 : i32 to index
      %swap3A_2561 = arith.constant 48 : index
      %swap3A_2562 = tpu.vector_load %arg12[%swap3A_2560, %swap3A_2561] {strides = array<i32>} : memref<32x104xf32, #tpu.memory_space<vmem>>, vector<16xf32>,
      tpu.vector_store %arg12[%swap3A_2560, %swap3A_2561], %get3A_2558 {strides = array<i32>} : memref<32x104xf32, #tpu.memory_space<vmem>>, vector<16xf32>,
      %get3A_2563 = arith.constant 10 : i32
      %get3A_2564 = arith.index_cast %get3A_2563 : i32 to index
      %get3A_2565 = arith.constant 960 : index
      %get3A_2566 = tpu.vector_load %arg10[%get3A_2564, %get3A_2565] {strides = array<i32>} : memref<32x1024xf32, #tpu.memory_space<vmem>>, vector<16xf32>,
      %swap3A_2567 = arith.constant 10 : i32
      %swap3A_2568 = arith.index_cast %swap3A_2567 : i32 to index
      %swap3A_2569 = arith.constant 64 : index
      %swap3A_2570 = tpu.vector_load %arg12[%swap3A_2568, %swap3A_2569] {strides = array<i32>} : memref<32x104xf32, #tpu.memory_space<vmem>>, vector<16xf32>,
      tpu.vector_store %arg12[%swap3A_2568, %swap3A_2569], %get3A_2566 {strides = array<i32>} : memref<32x104xf32, #tpu.memory_space<vmem>>, vector<16xf32>,
      %get3A_2571 = arith.constant 10 : i32
      %get3A_2572 = arith.index_cast %get3A_2571 : i32 to index
      %get3A_2573 = arith.constant 976 : index
      %get3A_2574 = tpu.vector_load %arg10[%get3A_2572, %get3A_2573] {strides = array<i32>} : memref<32x1024xf32, #tpu.memory_space<vmem>>, vector<16xf32>,
      %swap3A_2575 = arith.constant 10 : i32
      %swap3A_2576 = arith.index_cast %swap3A_2575 : i32 to index
      %swap3A_2577 = arith.constant 80 : index
      %swap3A_2578 = tpu.vector_load %arg12[%swap3A_2576, %swap3A_2577] {strides = array<i32>} : memref<32x104xf32, #tpu.memory_space<vmem>>, vector<16xf32>,
      tpu.vector_store %arg12[%swap3A_2576, %swap3A_2577], %get3A_2574 {strides = array<i32>} : memref<32x104xf32, #tpu.memory_space<vmem>>, vector<16xf32>,
      %get3A_2579 = arith.constant 10 : i32
      %get3A_2580 = arith.index_cast %get3A_2579 : i32 to index
      %get3A_2581 = arith.constant 984 : index
      %get3A_2582 = tpu.vector_load %arg10[%get3A_2580, %get3A_2581] {strides = array<i32>} : memref<32x1024xf32, #tpu.memory_space<vmem>>, vector<16xf32>,
      %swap3A_2583 = arith.constant 10 : i32
      %swap3A_2584 = arith.index_cast %swap3A_2583 : i32 to index
      %swap3A_2585 = arith.constant 88 : index
      %swap3A_2586 = tpu.vector_load %arg12[%swap3A_2584, %swap3A_2585] {strides = array<i32>} : memref<32x104xf32, #tpu.memory_space<vmem>>, vector<16xf32>,
      tpu.vector_store %arg12[%swap3A_2584, %swap3A_2585], %get3A_2582 {strides = array<i32>} : memref<32x104xf32, #tpu.memory_space<vmem>>, vector<16xf32>,
      %get3A_2587 = arith.constant 11 : i32
      %get3A_2588 = arith.index_cast %get3A_2587 : i32 to index
      %get3A_2589 = arith.constant 896 : index
      %get3A_2590 = tpu.vector_load %arg10[%get3A_2588, %get3A_2589] {strides = array<i32>} : memref<32x1024xf32, #tpu.memory_space<vmem>>, vector<16xf32>,
      %swap3A_2591 = arith.constant 11 : i32
      %swap3A_2592 = arith.index_cast %swap3A_2591 : i32 to index
      %swap3A_2593 = arith.constant 0 : index
      %swap3A_2594 = tpu.vector_load %arg12[%swap3A_2592, %swap3A_2593] {strides = array<i32>} : memref<32x104xf32, #tpu.memory_space<vmem>>, vector<16xf32>,
      tpu.vector_store %arg12[%swap3A_2592, %swap3A_2593], %get3A_2590 {strides = array<i32>} : memref<32x104xf32, #tpu.memory_space<vmem>>, vector<16xf32>,
      %get3A_2595 = arith.constant 11 : i32
      %get3A_2596 = arith.index_cast %get3A_2595 : i32 to index
      %get3A_2597 = arith.constant 912 : index
      %get3A_2598 = tpu.vector_load %arg10[%get3A_2596, %get3A_2597] {strides = array<i32>} : memref<32x1024xf32, #tpu.memory_space<vmem>>, vector<16xf32>,
      %swap3A_2599 = arith.constant 11 : i32
      %swap3A_2600 = arith.index_cast %swap3A_2599 : i32 to index
      %swap3A_2601 = arith.constant 16 : index
      %swap3A_2602 = tpu.vector_load %arg12[%swap3A_2600, %swap3A_2601] {strides = array<i32>} : memref<32x104xf32, #tpu.memory_space<vmem>>, vector<16xf32>,
      tpu.vector_store %arg12[%swap3A_2600, %swap3A_2601], %get3A_2598 {strides = array<i32>} : memref<32x104xf32, #tpu.memory_space<vmem>>, vector<16xf32>,
      %get3A_2603 = arith.constant 11 : i32
      %get3A_2604 = arith.index_cast %get3A_2603 : i32 to index
      %get3A_2605 = arith.constant 928 : index
      %get3A_2606 = tpu.vector_load %arg10[%get3A_2604, %get3A_2605] {strides = array<i32>} : memref<32x1024xf32, #tpu.memory_space<vmem>>, vector<16xf32>,
      %swap3A_2607 = arith.constant 11 : i32
      %swap3A_2608 = arith.index_cast %swap3A_2607 : i32 to index
      %swap3A_2609 = arith.constant 32 : index
      %swap3A_2610 = tpu.vector_load %arg12[%swap3A_2608, %swap3A_2609] {strides = array<i32>} : memref<32x104xf32, #tpu.memory_space<vmem>>, vector<16xf32>,
      tpu.vector_store %arg12[%swap3A_2608, %swap3A_2609], %get3A_2606 {strides = array<i32>} : memref<32x104xf32, #tpu.memory_space<vmem>>, vector<16xf32>,
      %get3A_2611 = arith.constant 11 : i32
      %get3A_2612 = arith.index_cast %get3A_2611 : i32 to index
      %get3A_2613 = arith.constant 944 : index
      %get3A_2614 = tpu.vector_load %arg10[%get3A_2612, %get3A_2613] {strides = array<i32>} : memref<32x1024xf32, #tpu.memory_space<vmem>>, vector<16xf32>,
      %swap3A_2615 = arith.constant 11 : i32
      %swap3A_2616 = arith.index_cast %swap3A_2615 : i32 to index
      %swap3A_2617 = arith.constant 48 : index
      %swap3A_2618 = tpu.vector_load %arg12[%swap3A_2616, %swap3A_2617] {strides = array<i32>} : memref<32x104xf32, #tpu.memory_space<vmem>>, vector<16xf32>,
      tpu.vector_store %arg12[%swap3A_2616, %swap3A_2617], %get3A_2614 {strides = array<i32>} : memref<32x104xf32, #tpu.memory_space<vmem>>, vector<16xf32>,
      %get3A_2619 = arith.constant 11 : i32
      %get3A_2620 = arith.index_cast %get3A_2619 : i32 to index
      %get3A_2621 = arith.constant 960 : index
      %get3A_2622 = tpu.vector_load %arg10[%get3A_2620, %get3A_2621] {strides = array<i32>} : memref<32x1024xf32, #tpu.memory_space<vmem>>, vector<16xf32>,
      %swap3A_2623 = arith.constant 11 : i32
      %swap3A_2624 = arith.index_cast %swap3A_2623 : i32 to index
      %swap3A_2625 = arith.constant 64 : index
      %swap3A_2626 = tpu.vector_load %arg12[%swap3A_2624, %swap3A_2625] {strides = array<i32>} : memref<32x104xf32, #tpu.memory_space<vmem>>, vector<16xf32>,
      tpu.vector_store %arg12[%swap3A_2624, %swap3A_2625], %get3A_2622 {strides = array<i32>} : memref<32x104xf32, #tpu.memory_space<vmem>>, vector<16xf32>,
      %get3A_2627 = arith.constant 11 : i32
      %get3A_2628 = arith.index_cast %get3A_2627 : i32 to index
      %get3A_2629 = arith.constant 976 : index
      %get3A_2630 = tpu.vector_load %arg10[%get3A_2628, %get3A_2629] {strides = array<i32>} : memref<32x1024xf32, #tpu.memory_space<vmem>>, vector<16xf32>,
      %swap3A_2631 = arith.constant 11 : i32
      %swap3A_2632 = arith.index_cast %swap3A_2631 : i32 to index
      %swap3A_2633 = arith.constant 80 : index
      %swap3A_2634 = tpu.vector_load %arg12[%swap3A_2632, %swap3A_2633] {strides = array<i32>} : memref<32x104xf32, #tpu.memory_space<vmem>>, vector<16xf32>,
      tpu.vector_store %arg12[%swap3A_2632, %swap3A_2633], %get3A_2630 {strides = array<i32>} : memref<32x104xf32, #tpu.memory_space<vmem>>, vector<16xf32>,
      %get3A_2635 = arith.constant 11 : i32
      %get3A_2636 = arith.index_cast %get3A_2635 : i32 to index
      %get3A_2637 = arith.constant 984 : index
      %get3A_2638 = tpu.vector_load %arg10[%get3A_2636, %get3A_2637] {strides = array<i32>} : memref<32x1024xf32, #tpu.memory_space<vmem>>, vector<16xf32>,
      %swap3A_2639 = arith.constant 11 : i32
      %swap3A_2640 = arith.index_cast %swap3A_2639 : i32 to index
      %swap3A_2641 = arith.constant 88 : index
      %swap3A_2642 = tpu.vector_load %arg12[%swap3A_2640, %swap3A_2641] {strides = array<i32>} : memref<32x104xf32, #tpu.memory_space<vmem>>, vector<16xf32>,
      tpu.vector_store %arg12[%swap3A_2640, %swap3A_2641], %get3A_2638 {strides = array<i32>} : memref<32x104xf32, #tpu.memory_space<vmem>>, vector<16xf32>,
      %get3A_2643 = arith.constant 12 : i32
      %get3A_2644 = arith.index_cast %get3A_2643 : i32 to index
      %get3A_2645 = arith.constant 896 : index
      %get3A_2646 = tpu.vector_load %arg10[%get3A_2644, %get3A_2645] {strides = array<i32>} : memref<32x1024xf32, #tpu.memory_space<vmem>>, vector<16xf32>,
      %swap3A_2647 = arith.constant 12 : i32
      %swap3A_2648 = arith.index_cast %swap3A_2647 : i32 to index
      %swap3A_2649 = arith.constant 0 : index
      %swap3A_2650 = tpu.vector_load %arg12[%swap3A_2648, %swap3A_2649] {strides = array<i32>} : memref<32x104xf32, #tpu.memory_space<vmem>>, vector<16xf32>,
      tpu.vector_store %arg12[%swap3A_2648, %swap3A_2649], %get3A_2646 {strides = array<i32>} : memref<32x104xf32, #tpu.memory_space<vmem>>, vector<16xf32>,
      %get3A_2651 = arith.constant 12 : i32
      %get3A_2652 = arith.index_cast %get3A_2651 : i32 to index
      %get3A_2653 = arith.constant 912 : index
      %get3A_2654 = tpu.vector_load %arg10[%get3A_2652, %get3A_2653] {strides = array<i32>} : memref<32x1024xf32, #tpu.memory_space<vmem>>, vector<16xf32>,
      %swap3A_2655 = arith.constant 12 : i32
      %swap3A_2656 = arith.index_cast %swap3A_2655 : i32 to index
      %swap3A_2657 = arith.constant 16 : index
      %swap3A_2658 = tpu.vector_load %arg12[%swap3A_2656, %swap3A_2657] {strides = array<i32>} : memref<32x104xf32, #tpu.memory_space<vmem>>, vector<16xf32>,
      tpu.vector_store %arg12[%swap3A_2656, %swap3A_2657], %get3A_2654 {strides = array<i32>} : memref<32x104xf32, #tpu.memory_space<vmem>>, vector<16xf32>,
      %get3A_2659 = arith.constant 12 : i32
      %get3A_2660 = arith.index_cast %get3A_2659 : i32 to index
      %get3A_2661 = arith.constant 928 : index
      %get3A_2662 = tpu.vector_load %arg10[%get3A_2660, %get3A_2661] {strides = array<i32>} : memref<32x1024xf32, #tpu.memory_space<vmem>>, vector<16xf32>,
      %swap3A_2663 = arith.constant 12 : i32
      %swap3A_2664 = arith.index_cast %swap3A_2663 : i32 to index
      %swap3A_2665 = arith.constant 32 : index
      %swap3A_2666 = tpu.vector_load %arg12[%swap3A_2664, %swap3A_2665] {strides = array<i32>} : memref<32x104xf32, #tpu.memory_space<vmem>>, vector<16xf32>,
      tpu.vector_store %arg12[%swap3A_2664, %swap3A_2665], %get3A_2662 {strides = array<i32>} : memref<32x104xf32, #tpu.memory_space<vmem>>, vector<16xf32>,
      %get3A_2667 = arith.constant 12 : i32
      %get3A_2668 = arith.index_cast %get3A_2667 : i32 to index
      %get3A_2669 = arith.constant 944 : index
      %get3A_2670 = tpu.vector_load %arg10[%get3A_2668, %get3A_2669] {strides = array<i32>} : memref<32x1024xf32, #tpu.memory_space<vmem>>, vector<16xf32>,
      %swap3A_2671 = arith.constant 12 : i32
      %swap3A_2672 = arith.index_cast %swap3A_2671 : i32 to index
      %swap3A_2673 = arith.constant 48 : index
      %swap3A_2674 = tpu.vector_load %arg12[%swap3A_2672, %swap3A_2673] {strides = array<i32>} : memref<32x104xf32, #tpu.memory_space<vmem>>, vector<16xf32>,
      tpu.vector_store %arg12[%swap3A_2672, %swap3A_2673], %get3A_2670 {strides = array<i32>} : memref<32x104xf32, #tpu.memory_space<vmem>>, vector<16xf32>,
      %get3A_2675 = arith.constant 12 : i32
      %get3A_2676 = arith.index_cast %get3A_2675 : i32 to index
      %get3A_2677 = arith.constant 960 : index
      %get3A_2678 = tpu.vector_load %arg10[%get3A_2676, %get3A_2677] {strides = array<i32>} : memref<32x1024xf32, #tpu.memory_space<vmem>>, vector<16xf32>,
      %swap3A_2679 = arith.constant 12 : i32
      %swap3A_2680 = arith.index_cast %swap3A_2679 : i32 to index
      %swap3A_2681 = arith.constant 64 : index
      %swap3A_2682 = tpu.vector_load %arg12[%swap3A_2680, %swap3A_2681] {strides = array<i32>} : memref<32x104xf32, #tpu.memory_space<vmem>>, vector<16xf32>,
      tpu.vector_store %arg12[%swap3A_2680, %swap3A_2681], %get3A_2678 {strides = array<i32>} : memref<32x104xf32, #tpu.memory_space<vmem>>, vector<16xf32>,
      %get3A_2683 = arith.constant 12 : i32
      %get3A_2684 = arith.index_cast %get3A_2683 : i32 to index
      %get3A_2685 = arith.constant 976 : index
      %get3A_2686 = tpu.vector_load %arg10[%get3A_2684, %get3A_2685] {strides = array<i32>} : memref<32x1024xf32, #tpu.memory_space<vmem>>, vector<16xf32>,
      %swap3A_2687 = arith.constant 12 : i32
      %swap3A_2688 = arith.index_cast %swap3A_2687 : i32 to index
      %swap3A_2689 = arith.constant 80 : index
      %swap3A_2690 = tpu.vector_load %arg12[%swap3A_2688, %swap3A_2689] {strides = array<i32>} : memref<32x104xf32, #tpu.memory_space<vmem>>, vector<16xf32>,
      tpu.vector_store %arg12[%swap3A_2688, %swap3A_2689], %get3A_2686 {strides = array<i32>} : memref<32x104xf32, #tpu.memory_space<vmem>>, vector<16xf32>,
      %get3A_2691 = arith.constant 12 : i32
      %get3A_2692 = arith.index_cast %get3A_2691 : i32 to index
      %get3A_2693 = arith.constant 984 : index
      %get3A_2694 = tpu.vector_load %arg10[%get3A_2692, %get3A_2693] {strides = array<i32>} : memref<32x1024xf32, #tpu.memory_space<vmem>>, vector<16xf32>,
      %swap3A_2695 = arith.constant 12 : i32
      %swap3A_2696 = arith.index_cast %swap3A_2695 : i32 to index
      %swap3A_2697 = arith.constant 88 : index
      %swap3A_2698 = tpu.vector_load %arg12[%swap3A_2696, %swap3A_2697] {strides = array<i32>} : memref<32x104xf32, #tpu.memory_space<vmem>>, vector<16xf32>,
      tpu.vector_store %arg12[%swap3A_2696, %swap3A_2697], %get3A_2694 {strides = array<i32>} : memref<32x104xf32, #tpu.memory_space<vmem>>, vector<16xf32>,
      %get3A_2699 = arith.constant 13 : i32
      %get3A_2700 = arith.index_cast %get3A_2699 : i32 to index
      %get3A_2701 = arith.constant 896 : index
      %get3A_2702 = tpu.vector_load %arg10[%get3A_2700, %get3A_2701] {strides = array<i32>} : memref<32x1024xf32, #tpu.memory_space<vmem>>, vector<16xf32>,
      %swap3A_2703 = arith.constant 13 : i32
      %swap3A_2704 = arith.index_cast %swap3A_2703 : i32 to index
      %swap3A_2705 = arith.constant 0 : index
      %swap3A_2706 = tpu.vector_load %arg12[%swap3A_2704, %swap3A_2705] {strides = array<i32>} : memref<32x104xf32, #tpu.memory_space<vmem>>, vector<16xf32>,
      tpu.vector_store %arg12[%swap3A_2704, %swap3A_2705], %get3A_2702 {strides = array<i32>} : memref<32x104xf32, #tpu.memory_space<vmem>>, vector<16xf32>,
      %get3A_2707 = arith.constant 13 : i32
      %get3A_2708 = arith.index_cast %get3A_2707 : i32 to index
      %get3A_2709 = arith.constant 912 : index
      %get3A_2710 = tpu.vector_load %arg10[%get3A_2708, %get3A_2709] {strides = array<i32>} : memref<32x1024xf32, #tpu.memory_space<vmem>>, vector<16xf32>,
      %swap3A_2711 = arith.constant 13 : i32
      %swap3A_2712 = arith.index_cast %swap3A_2711 : i32 to index
      %swap3A_2713 = arith.constant 16 : index
      %swap3A_2714 = tpu.vector_load %arg12[%swap3A_2712, %swap3A_2713] {strides = array<i32>} : memref<32x104xf32, #tpu.memory_space<vmem>>, vector<16xf32>,
      tpu.vector_store %arg12[%swap3A_2712, %swap3A_2713], %get3A_2710 {strides = array<i32>} : memref<32x104xf32, #tpu.memory_space<vmem>>, vector<16xf32>,
      %get3A_2715 = arith.constant 13 : i32
      %get3A_2716 = arith.index_cast %get3A_2715 : i32 to index
      %get3A_2717 = arith.constant 928 : index
      %get3A_2718 = tpu.vector_load %arg10[%get3A_2716, %get3A_2717] {strides = array<i32>} : memref<32x1024xf32, #tpu.memory_space<vmem>>, vector<16xf32>,
      %swap3A_2719 = arith.constant 13 : i32
      %swap3A_2720 = arith.index_cast %swap3A_2719 : i32 to index
      %swap3A_2721 = arith.constant 32 : index
      %swap3A_2722 = tpu.vector_load %arg12[%swap3A_2720, %swap3A_2721] {strides = array<i32>} : memref<32x104xf32, #tpu.memory_space<vmem>>, vector<16xf32>,
      tpu.vector_store %arg12[%swap3A_2720, %swap3A_2721], %get3A_2718 {strides = array<i32>} : memref<32x104xf32, #tpu.memory_space<vmem>>, vector<16xf32>,
      %get3A_2723 = arith.constant 13 : i32
      %get3A_2724 = arith.index_cast %get3A_2723 : i32 to index
      %get3A_2725 = arith.constant 944 : index
      %get3A_2726 = tpu.vector_load %arg10[%get3A_2724, %get3A_2725] {strides = array<i32>} : memref<32x1024xf32, #tpu.memory_space<vmem>>, vector<16xf32>,
      %swap3A_2727 = arith.constant 13 : i32
      %swap3A_2728 = arith.index_cast %swap3A_2727 : i32 to index
      %swap3A_2729 = arith.constant 48 : index
      %swap3A_2730 = tpu.vector_load %arg12[%swap3A_2728, %swap3A_2729] {strides = array<i32>} : memref<32x104xf32, #tpu.memory_space<vmem>>, vector<16xf32>,
      tpu.vector_store %arg12[%swap3A_2728, %swap3A_2729], %get3A_2726 {strides = array<i32>} : memref<32x104xf32, #tpu.memory_space<vmem>>, vector<16xf32>,
      %get3A_2731 = arith.constant 13 : i32
      %get3A_2732 = arith.index_cast %get3A_2731 : i32 to index
      %get3A_2733 = arith.constant 960 : index
      %get3A_2734 = tpu.vector_load %arg10[%get3A_2732, %get3A_2733] {strides = array<i32>} : memref<32x1024xf32, #tpu.memory_space<vmem>>, vector<16xf32>,
      %swap3A_2735 = arith.constant 13 : i32
      %swap3A_2736 = arith.index_cast %swap3A_2735 : i32 to index
      %swap3A_2737 = arith.constant 64 : index
      %swap3A_2738 = tpu.vector_load %arg12[%swap3A_2736, %swap3A_2737] {strides = array<i32>} : memref<32x104xf32, #tpu.memory_space<vmem>>, vector<16xf32>,
      tpu.vector_store %arg12[%swap3A_2736, %swap3A_2737], %get3A_2734 {strides = array<i32>} : memref<32x104xf32, #tpu.memory_space<vmem>>, vector<16xf32>,
      %get3A_2739 = arith.constant 13 : i32
      %get3A_2740 = arith.index_cast %get3A_2739 : i32 to index
      %get3A_2741 = arith.constant 976 : index
      %get3A_2742 = tpu.vector_load %arg10[%get3A_2740, %get3A_2741] {strides = array<i32>} : memref<32x1024xf32, #tpu.memory_space<vmem>>, vector<16xf32>,
      %swap3A_2743 = arith.constant 13 : i32
      %swap3A_2744 = arith.index_cast %swap3A_2743 : i32 to index
      %swap3A_2745 = arith.constant 80 : index
      %swap3A_2746 = tpu.vector_load %arg12[%swap3A_2744, %swap3A_2745] {strides = array<i32>} : memref<32x104xf32, #tpu.memory_space<vmem>>, vector<16xf32>,
      tpu.vector_store %arg12[%swap3A_2744, %swap3A_2745], %get3A_2742 {strides = array<i32>} : memref<32x104xf32, #tpu.memory_space<vmem>>, vector<16xf32>,
      %get3A_2747 = arith.constant 13 : i32
      %get3A_2748 = arith.index_cast %get3A_2747 : i32 to index
      %get3A_2749 = arith.constant 984 : index
      %get3A_2750 = tpu.vector_load %arg10[%get3A_2748, %get3A_2749] {strides = array<i32>} : memref<32x1024xf32, #tpu.memory_space<vmem>>, vector<16xf32>,
      %swap3A_2751 = arith.constant 13 : i32
      %swap3A_2752 = arith.index_cast %swap3A_2751 : i32 to index
      %swap3A_2753 = arith.constant 88 : index
      %swap3A_2754 = tpu.vector_load %arg12[%swap3A_2752, %swap3A_2753] {strides = array<i32>} : memref<32x104xf32, #tpu.memory_space<vmem>>, vector<16xf32>,
      tpu.vector_store %arg12[%swap3A_2752, %swap3A_2753], %get3A_2750 {strides = array<i32>} : memref<32x104xf32, #tpu.memory_space<vmem>>, vector<16xf32>,
      %get3A_2755 = arith.constant 14 : i32
      %get3A_2756 = arith.index_cast %get3A_2755 : i32 to index
      %get3A_2757 = arith.constant 896 : index
      %get3A_2758 = tpu.vector_load %arg10[%get3A_2756, %get3A_2757] {strides = array<i32>} : memref<32x1024xf32, #tpu.memory_space<vmem>>, vector<16xf32>,
      %swap3A_2759 = arith.constant 14 : i32
      %swap3A_2760 = arith.index_cast %swap3A_2759 : i32 to index
      %swap3A_2761 = arith.constant 0 : index
      %swap3A_2762 = tpu.vector_load %arg12[%swap3A_2760, %swap3A_2761] {strides = array<i32>} : memref<32x104xf32, #tpu.memory_space<vmem>>, vector<16xf32>,
      tpu.vector_store %arg12[%swap3A_2760, %swap3A_2761], %get3A_2758 {strides = array<i32>} : memref<32x104xf32, #tpu.memory_space<vmem>>, vector<16xf32>,
      %get3A_2763 = arith.constant 14 : i32
      %get3A_2764 = arith.index_cast %get3A_2763 : i32 to index
      %get3A_2765 = arith.constant 912 : index
      %get3A_2766 = tpu.vector_load %arg10[%get3A_2764, %get3A_2765] {strides = array<i32>} : memref<32x1024xf32, #tpu.memory_space<vmem>>, vector<16xf32>,
      %swap3A_2767 = arith.constant 14 : i32
      %swap3A_2768 = arith.index_cast %swap3A_2767 : i32 to index
      %swap3A_2769 = arith.constant 16 : index
      %swap3A_2770 = tpu.vector_load %arg12[%swap3A_2768, %swap3A_2769] {strides = array<i32>} : memref<32x104xf32, #tpu.memory_space<vmem>>, vector<16xf32>,
      tpu.vector_store %arg12[%swap3A_2768, %swap3A_2769], %get3A_2766 {strides = array<i32>} : memref<32x104xf32, #tpu.memory_space<vmem>>, vector<16xf32>,
      %get3A_2771 = arith.constant 14 : i32
      %get3A_2772 = arith.index_cast %get3A_2771 : i32 to index
      %get3A_2773 = arith.constant 928 : index
      %get3A_2774 = tpu.vector_load %arg10[%get3A_2772, %get3A_2773] {strides = array<i32>} : memref<32x1024xf32, #tpu.memory_space<vmem>>, vector<16xf32>,
      %swap3A_2775 = arith.constant 14 : i32
      %swap3A_2776 = arith.index_cast %swap3A_2775 : i32 to index
      %swap3A_2777 = arith.constant 32 : index
      %swap3A_2778 = tpu.vector_load %arg12[%swap3A_2776, %swap3A_2777] {strides = array<i32>} : memref<32x104xf32, #tpu.memory_space<vmem>>, vector<16xf32>,
      tpu.vector_store %arg12[%swap3A_2776, %swap3A_2777], %get3A_2774 {strides = array<i32>} : memref<32x104xf32, #tpu.memory_space<vmem>>, vector<16xf32>,
      %get3A_2779 = arith.constant 14 : i32
      %get3A_2780 = arith.index_cast %get3A_2779 : i32 to index
      %get3A_2781 = arith.constant 944 : index
      %get3A_2782 = tpu.vector_load %arg10[%get3A_2780, %get3A_2781] {strides = array<i32>} : memref<32x1024xf32, #tpu.memory_space<vmem>>, vector<16xf32>,
      %swap3A_2783 = arith.constant 14 : i32
      %swap3A_2784 = arith.index_cast %swap3A_2783 : i32 to index
      %swap3A_2785 = arith.constant 48 : index
      %swap3A_2786 = tpu.vector_load %arg12[%swap3A_2784, %swap3A_2785] {strides = array<i32>} : memref<32x104xf32, #tpu.memory_space<vmem>>, vector<16xf32>,
      tpu.vector_store %arg12[%swap3A_2784, %swap3A_2785], %get3A_2782 {strides = array<i32>} : memref<32x104xf32, #tpu.memory_space<vmem>>, vector<16xf32>,
      %get3A_2787 = arith.constant 14 : i32
      %get3A_2788 = arith.index_cast %get3A_2787 : i32 to index
      %get3A_2789 = arith.constant 960 : index
      %get3A_2790 = tpu.vector_load %arg10[%get3A_2788, %get3A_2789] {strides = array<i32>} : memref<32x1024xf32, #tpu.memory_space<vmem>>, vector<16xf32>,
      %swap3A_2791 = arith.constant 14 : i32
      %swap3A_2792 = arith.index_cast %swap3A_2791 : i32 to index
      %swap3A_2793 = arith.constant 64 : index
      %swap3A_2794 = tpu.vector_load %arg12[%swap3A_2792, %swap3A_2793] {strides = array<i32>} : memref<32x104xf32, #tpu.memory_space<vmem>>, vector<16xf32>,
      tpu.vector_store %arg12[%swap3A_2792, %swap3A_2793], %get3A_2790 {strides = array<i32>} : memref<32x104xf32, #tpu.memory_space<vmem>>, vector<16xf32>,
      %get3A_2795 = arith.constant 14 : i32
      %get3A_2796 = arith.index_cast %get3A_2795 : i32 to index
      %get3A_2797 = arith.constant 976 : index
      %get3A_2798 = tpu.vector_load %arg10[%get3A_2796, %get3A_2797] {strides = array<i32>} : memref<32x1024xf32, #tpu.memory_space<vmem>>, vector<16xf32>,
      %swap3A_2799 = arith.constant 14 : i32
      %swap3A_2800 = arith.index_cast %swap3A_2799 : i32 to index
      %swap3A_2801 = arith.constant 80 : index
      %swap3A_2802 = tpu.vector_load %arg12[%swap3A_2800, %swap3A_2801] {strides = array<i32>} : memref<32x104xf32, #tpu.memory_space<vmem>>, vector<16xf32>,
      tpu.vector_store %arg12[%swap3A_2800, %swap3A_2801], %get3A_2798 {strides = array<i32>} : memref<32x104xf32, #tpu.memory_space<vmem>>, vector<16xf32>,
      %get3A_2803 = arith.constant 14 : i32
      %get3A_2804 = arith.index_cast %get3A_2803 : i32 to index
      %get3A_2805 = arith.constant 984 : index
      %get3A_2806 = tpu.vector_load %arg10[%get3A_2804, %get3A_2805] {strides = array<i32>} : memref<32x1024xf32, #tpu.memory_space<vmem>>, vector<16xf32>,
      %swap3A_2807 = arith.constant 14 : i32
      %swap3A_2808 = arith.index_cast %swap3A_2807 : i32 to index
      %swap3A_2809 = arith.constant 88 : index
      %swap3A_2810 = tpu.vector_load %arg12[%swap3A_2808, %swap3A_2809] {strides = array<i32>} : memref<32x104xf32, #tpu.memory_space<vmem>>, vector<16xf32>,
      tpu.vector_store %arg12[%swap3A_2808, %swap3A_2809], %get3A_2806 {strides = array<i32>} : memref<32x104xf32, #tpu.memory_space<vmem>>, vector<16xf32>,
      %get3A_2811 = arith.constant 15 : i32
      %get3A_2812 = arith.index_cast %get3A_2811 : i32 to index
      %get3A_2813 = arith.constant 896 : index
      %get3A_2814 = tpu.vector_load %arg10[%get3A_2812, %get3A_2813] {strides = array<i32>} : memref<32x1024xf32, #tpu.memory_space<vmem>>, vector<16xf32>,
      %swap3A_2815 = arith.constant 15 : i32
      %swap3A_2816 = arith.index_cast %swap3A_2815 : i32 to index
      %swap3A_2817 = arith.constant 0 : index
      %swap3A_2818 = tpu.vector_load %arg12[%swap3A_2816, %swap3A_2817] {strides = array<i32>} : memref<32x104xf32, #tpu.memory_space<vmem>>, vector<16xf32>,
      tpu.vector_store %arg12[%swap3A_2816, %swap3A_2817], %get3A_2814 {strides = array<i32>} : memref<32x104xf32, #tpu.memory_space<vmem>>, vector<16xf32>,
      %get3A_2819 = arith.constant 15 : i32
      %get3A_2820 = arith.index_cast %get3A_2819 : i32 to index
      %get3A_2821 = arith.constant 912 : index
      %get3A_2822 = tpu.vector_load %arg10[%get3A_2820, %get3A_2821] {strides = array<i32>} : memref<32x1024xf32, #tpu.memory_space<vmem>>, vector<16xf32>,
      %swap3A_2823 = arith.constant 15 : i32
      %swap3A_2824 = arith.index_cast %swap3A_2823 : i32 to index
      %swap3A_2825 = arith.constant 16 : index
      %swap3A_2826 = tpu.vector_load %arg12[%swap3A_2824, %swap3A_2825] {strides = array<i32>} : memref<32x104xf32, #tpu.memory_space<vmem>>, vector<16xf32>,
      tpu.vector_store %arg12[%swap3A_2824, %swap3A_2825], %get3A_2822 {strides = array<i32>} : memref<32x104xf32, #tpu.memory_space<vmem>>, vector<16xf32>,
      %get3A_2827 = arith.constant 15 : i32
      %get3A_2828 = arith.index_cast %get3A_2827 : i32 to index
      %get3A_2829 = arith.constant 928 : index
      %get3A_2830 = tpu.vector_load %arg10[%get3A_2828, %get3A_2829] {strides = array<i32>} : memref<32x1024xf32, #tpu.memory_space<vmem>>, vector<16xf32>,
      %swap3A_2831 = arith.constant 15 : i32
      %swap3A_2832 = arith.index_cast %swap3A_2831 : i32 to index
      %swap3A_2833 = arith.constant 32 : index
      %swap3A_2834 = tpu.vector_load %arg12[%swap3A_2832, %swap3A_2833] {strides = array<i32>} : memref<32x104xf32, #tpu.memory_space<vmem>>, vector<16xf32>,
      tpu.vector_store %arg12[%swap3A_2832, %swap3A_2833], %get3A_2830 {strides = array<i32>} : memref<32x104xf32, #tpu.memory_space<vmem>>, vector<16xf32>,
      %get3A_2835 = arith.constant 15 : i32
      %get3A_2836 = arith.index_cast %get3A_2835 : i32 to index
      %get3A_2837 = arith.constant 944 : index
      %get3A_2838 = tpu.vector_load %arg10[%get3A_2836, %get3A_2837] {strides = array<i32>} : memref<32x1024xf32, #tpu.memory_space<vmem>>, vector<16xf32>,
      %swap3A_2839 = arith.constant 15 : i32
      %swap3A_2840 = arith.index_cast %swap3A_2839 : i32 to index
      %swap3A_2841 = arith.constant 48 : index
      %swap3A_2842 = tpu.vector_load %arg12[%swap3A_2840, %swap3A_2841] {strides = array<i32>} : memref<32x104xf32, #tpu.memory_space<vmem>>, vector<16xf32>,
      tpu.vector_store %arg12[%swap3A_2840, %swap3A_2841], %get3A_2838 {strides = array<i32>} : memref<32x104xf32, #tpu.memory_space<vmem>>, vector<16xf32>,
      %get3A_2843 = arith.constant 15 : i32
      %get3A_2844 = arith.index_cast %get3A_2843 : i32 to index
      %get3A_2845 = arith.constant 960 : index
      %get3A_2846 = tpu.vector_load %arg10[%get3A_2844, %get3A_2845] {strides = array<i32>} : memref<32x1024xf32, #tpu.memory_space<vmem>>, vector<16xf32>,
      %swap3A_2847 = arith.constant 15 : i32
      %swap3A_2848 = arith.index_cast %swap3A_2847 : i32 to index
      %swap3A_2849 = arith.constant 64 : index
      %swap3A_2850 = tpu.vector_load %arg12[%swap3A_2848, %swap3A_2849] {strides = array<i32>} : memref<32x104xf32, #tpu.memory_space<vmem>>, vector<16xf32>,
      tpu.vector_store %arg12[%swap3A_2848, %swap3A_2849], %get3A_2846 {strides = array<i32>} : memref<32x104xf32, #tpu.memory_space<vmem>>, vector<16xf32>,
      %get3A_2851 = arith.constant 15 : i32
      %get3A_2852 = arith.index_cast %get3A_2851 : i32 to index
      %get3A_2853 = arith.constant 976 : index
      %get3A_2854 = tpu.vector_load %arg10[%get3A_2852, %get3A_2853] {strides = array<i32>} : memref<32x1024xf32, #tpu.memory_space<vmem>>, vector<16xf32>,
      %swap3A_2855 = arith.constant 15 : i32
      %swap3A_2856 = arith.index_cast %swap3A_2855 : i32 to index
      %swap3A_2857 = arith.constant 80 : index
      %swap3A_2858 = tpu.vector_load %arg12[%swap3A_2856, %swap3A_2857] {strides = array<i32>} : memref<32x104xf32, #tpu.memory_space<vmem>>, vector<16xf32>,
      tpu.vector_store %arg12[%swap3A_2856, %swap3A_2857], %get3A_2854 {strides = array<i32>} : memref<32x104xf32, #tpu.memory_space<vmem>>, vector<16xf32>,
      %get3A_2859 = arith.constant 15 : i32
      %get3A_2860 = arith.index_cast %get3A_2859 : i32 to index
      %get3A_2861 = arith.constant 984 : index
      %get3A_2862 = tpu.vector_load %arg10[%get3A_2860, %get3A_2861] {strides = array<i32>} : memref<32x1024xf32, #tpu.memory_space<vmem>>, vector<16xf32>,
      %swap3A_2863 = arith.constant 15 : i32
      %swap3A_2864 = arith.index_cast %swap3A_2863 : i32 to index
      %swap3A_2865 = arith.constant 88 : index
      %swap3A_2866 = tpu.vector_load %arg12[%swap3A_2864, %swap3A_2865] {strides = array<i32>} : memref<32x104xf32, #tpu.memory_space<vmem>>, vector<16xf32>,
      tpu.vector_store %arg12[%swap3A_2864, %swap3A_2865], %get3A_2862 {strides = array<i32>} : memref<32x104xf32, #tpu.memory_space<vmem>>, vector<16xf32>,
      %get3A_2867 = arith.constant 16 : i32
      %get3A_2868 = arith.index_cast %get3A_2867 : i32 to index
      %get3A_2869 = arith.constant 896 : index
      %get3A_2870 = tpu.vector_load %arg10[%get3A_2868, %get3A_2869] {strides = array<i32>} : memref<32x1024xf32, #tpu.memory_space<vmem>>, vector<16xf32>,
      %swap3A_2871 = arith.constant 16 : i32
      %swap3A_2872 = arith.index_cast %swap3A_2871 : i32 to index
      %swap3A_2873 = arith.constant 0 : index
      %swap3A_2874 = tpu.vector_load %arg12[%swap3A_2872, %swap3A_2873] {strides = array<i32>} : memref<32x104xf32, #tpu.memory_space<vmem>>, vector<16xf32>,
      tpu.vector_store %arg12[%swap3A_2872, %swap3A_2873], %get3A_2870 {strides = array<i32>} : memref<32x104xf32, #tpu.memory_space<vmem>>, vector<16xf32>,
      %get3A_2875 = arith.constant 16 : i32
      %get3A_2876 = arith.index_cast %get3A_2875 : i32 to index
      %get3A_2877 = arith.constant 912 : index
      %get3A_2878 = tpu.vector_load %arg10[%get3A_2876, %get3A_2877] {strides = array<i32>} : memref<32x1024xf32, #tpu.memory_space<vmem>>, vector<16xf32>,
      %swap3A_2879 = arith.constant 16 : i32
      %swap3A_2880 = arith.index_cast %swap3A_2879 : i32 to index
      %swap3A_2881 = arith.constant 16 : index
      %swap3A_2882 = tpu.vector_load %arg12[%swap3A_2880, %swap3A_2881] {strides = array<i32>} : memref<32x104xf32, #tpu.memory_space<vmem>>, vector<16xf32>,
      tpu.vector_store %arg12[%swap3A_2880, %swap3A_2881], %get3A_2878 {strides = array<i32>} : memref<32x104xf32, #tpu.memory_space<vmem>>, vector<16xf32>,
      %get3A_2883 = arith.constant 16 : i32
      %get3A_2884 = arith.index_cast %get3A_2883 : i32 to index
      %get3A_2885 = arith.constant 928 : index
      %get3A_2886 = tpu.vector_load %arg10[%get3A_2884, %get3A_2885] {strides = array<i32>} : memref<32x1024xf32, #tpu.memory_space<vmem>>, vector<16xf32>,
      %swap3A_2887 = arith.constant 16 : i32
      %swap3A_2888 = arith.index_cast %swap3A_2887 : i32 to index
      %swap3A_2889 = arith.constant 32 : index
      %swap3A_2890 = tpu.vector_load %arg12[%swap3A_2888, %swap3A_2889] {strides = array<i32>} : memref<32x104xf32, #tpu.memory_space<vmem>>, vector<16xf32>,
      tpu.vector_store %arg12[%swap3A_2888, %swap3A_2889], %get3A_2886 {strides = array<i32>} : memref<32x104xf32, #tpu.memory_space<vmem>>, vector<16xf32>,
      %get3A_2891 = arith.constant 16 : i32
      %get3A_2892 = arith.index_cast %get3A_2891 : i32 to index
      %get3A_2893 = arith.constant 944 : index
      %get3A_2894 = tpu.vector_load %arg10[%get3A_2892, %get3A_2893] {strides = array<i32>} : memref<32x1024xf32, #tpu.memory_space<vmem>>, vector<16xf32>,
      %swap3A_2895 = arith.constant 16 : i32
      %swap3A_2896 = arith.index_cast %swap3A_2895 : i32 to index
      %swap3A_2897 = arith.constant 48 : index
      %swap3A_2898 = tpu.vector_load %arg12[%swap3A_2896, %swap3A_2897] {strides = array<i32>} : memref<32x104xf32, #tpu.memory_space<vmem>>, vector<16xf32>,
      tpu.vector_store %arg12[%swap3A_2896, %swap3A_2897], %get3A_2894 {strides = array<i32>} : memref<32x104xf32, #tpu.memory_space<vmem>>, vector<16xf32>,
      %get3A_2899 = arith.constant 16 : i32
      %get3A_2900 = arith.index_cast %get3A_2899 : i32 to index
      %get3A_2901 = arith.constant 960 : index
      %get3A_2902 = tpu.vector_load %arg10[%get3A_2900, %get3A_2901] {strides = array<i32>} : memref<32x1024xf32, #tpu.memory_space<vmem>>, vector<16xf32>,
      %swap3A_2903 = arith.constant 16 : i32
      %swap3A_2904 = arith.index_cast %swap3A_2903 : i32 to index
      %swap3A_2905 = arith.constant 64 : index
      %swap3A_2906 = tpu.vector_load %arg12[%swap3A_2904, %swap3A_2905] {strides = array<i32>} : memref<32x104xf32, #tpu.memory_space<vmem>>, vector<16xf32>,
      tpu.vector_store %arg12[%swap3A_2904, %swap3A_2905], %get3A_2902 {strides = array<i32>} : memref<32x104xf32, #tpu.memory_space<vmem>>, vector<16xf32>,
      %get3A_2907 = arith.constant 16 : i32
      %get3A_2908 = arith.index_cast %get3A_2907 : i32 to index
      %get3A_2909 = arith.constant 976 : index
      %get3A_2910 = tpu.vector_load %arg10[%get3A_2908, %get3A_2909] {strides = array<i32>} : memref<32x1024xf32, #tpu.memory_space<vmem>>, vector<16xf32>,
      %swap3A_2911 = arith.constant 16 : i32
      %swap3A_2912 = arith.index_cast %swap3A_2911 : i32 to index
      %swap3A_2913 = arith.constant 80 : index
      %swap3A_2914 = tpu.vector_load %arg12[%swap3A_2912, %swap3A_2913] {strides = array<i32>} : memref<32x104xf32, #tpu.memory_space<vmem>>, vector<16xf32>,
      tpu.vector_store %arg12[%swap3A_2912, %swap3A_2913], %get3A_2910 {strides = array<i32>} : memref<32x104xf32, #tpu.memory_space<vmem>>, vector<16xf32>,
      %get3A_2915 = arith.constant 16 : i32
      %get3A_2916 = arith.index_cast %get3A_2915 : i32 to index
      %get3A_2917 = arith.constant 984 : index
      %get3A_2918 = tpu.vector_load %arg10[%get3A_2916, %get3A_2917] {strides = array<i32>} : memref<32x1024xf32, #tpu.memory_space<vmem>>, vector<16xf32>,
      %swap3A_2919 = arith.constant 16 : i32
      %swap3A_2920 = arith.index_cast %swap3A_2919 : i32 to index
      %swap3A_2921 = arith.constant 88 : index
      %swap3A_2922 = tpu.vector_load %arg12[%swap3A_2920, %swap3A_2921] {strides = array<i32>} : memref<32x104xf32, #tpu.memory_space<vmem>>, vector<16xf32>,
      tpu.vector_store %arg12[%swap3A_2920, %swap3A_2921], %get3A_2918 {strides = array<i32>} : memref<32x104xf32, #tpu.memory_space<vmem>>, vector<16xf32>,
      %get3A_2923 = arith.constant 17 : i32
      %get3A_2924 = arith.index_cast %get3A_2923 : i32 to index
      %get3A_2925 = arith.constant 896 : index
      %get3A_2926 = tpu.vector_load %arg10[%get3A_2924, %get3A_2925] {strides = array<i32>} : memref<32x1024xf32, #tpu.memory_space<vmem>>, vector<16xf32>,
      %swap3A_2927 = arith.constant 17 : i32
      %swap3A_2928 = arith.index_cast %swap3A_2927 : i32 to index
      %swap3A_2929 = arith.constant 0 : index
      %swap3A_2930 = tpu.vector_load %arg12[%swap3A_2928, %swap3A_2929] {strides = array<i32>} : memref<32x104xf32, #tpu.memory_space<vmem>>, vector<16xf32>,
      tpu.vector_store %arg12[%swap3A_2928, %swap3A_2929], %get3A_2926 {strides = array<i32>} : memref<32x104xf32, #tpu.memory_space<vmem>>, vector<16xf32>,
      %get3A_2931 = arith.constant 17 : i32
      %get3A_2932 = arith.index_cast %get3A_2931 : i32 to index
      %get3A_2933 = arith.constant 912 : index
      %get3A_2934 = tpu.vector_load %arg10[%get3A_2932, %get3A_2933] {strides = array<i32>} : memref<32x1024xf32, #tpu.memory_space<vmem>>, vector<16xf32>,
      %swap3A_2935 = arith.constant 17 : i32
      %swap3A_2936 = arith.index_cast %swap3A_2935 : i32 to index
      %swap3A_2937 = arith.constant 16 : index
      %swap3A_2938 = tpu.vector_load %arg12[%swap3A_2936, %swap3A_2937] {strides = array<i32>} : memref<32x104xf32, #tpu.memory_space<vmem>>, vector<16xf32>,
      tpu.vector_store %arg12[%swap3A_2936, %swap3A_2937], %get3A_2934 {strides = array<i32>} : memref<32x104xf32, #tpu.memory_space<vmem>>, vector<16xf32>,
      %get3A_2939 = arith.constant 17 : i32
      %get3A_2940 = arith.index_cast %get3A_2939 : i32 to index
      %get3A_2941 = arith.constant 928 : index
      %get3A_2942 = tpu.vector_load %arg10[%get3A_2940, %get3A_2941] {strides = array<i32>} : memref<32x1024xf32, #tpu.memory_space<vmem>>, vector<16xf32>,
      %swap3A_2943 = arith.constant 17 : i32
      %swap3A_2944 = arith.index_cast %swap3A_2943 : i32 to index
      %swap3A_2945 = arith.constant 32 : index
      %swap3A_2946 = tpu.vector_load %arg12[%swap3A_2944, %swap3A_2945] {strides = array<i32>} : memref<32x104xf32, #tpu.memory_space<vmem>>, vector<16xf32>,
      tpu.vector_store %arg12[%swap3A_2944, %swap3A_2945], %get3A_2942 {strides = array<i32>} : memref<32x104xf32, #tpu.memory_space<vmem>>, vector<16xf32>,
      %get3A_2947 = arith.constant 17 : i32
      %get3A_2948 = arith.index_cast %get3A_2947 : i32 to index
      %get3A_2949 = arith.constant 944 : index
      %get3A_2950 = tpu.vector_load %arg10[%get3A_2948, %get3A_2949] {strides = array<i32>} : memref<32x1024xf32, #tpu.memory_space<vmem>>, vector<16xf32>,
      %swap3A_2951 = arith.constant 17 : i32
      %swap3A_2952 = arith.index_cast %swap3A_2951 : i32 to index
      %swap3A_2953 = arith.constant 48 : index
      %swap3A_2954 = tpu.vector_load %arg12[%swap3A_2952, %swap3A_2953] {strides = array<i32>} : memref<32x104xf32, #tpu.memory_space<vmem>>, vector<16xf32>,
      tpu.vector_store %arg12[%swap3A_2952, %swap3A_2953], %get3A_2950 {strides = array<i32>} : memref<32x104xf32, #tpu.memory_space<vmem>>, vector<16xf32>,
      %get3A_2955 = arith.constant 17 : i32
      %get3A_2956 = arith.index_cast %get3A_2955 : i32 to index
      %get3A_2957 = arith.constant 960 : index
      %get3A_2958 = tpu.vector_load %arg10[%get3A_2956, %get3A_2957] {strides = array<i32>} : memref<32x1024xf32, #tpu.memory_space<vmem>>, vector<16xf32>,
      %swap3A_2959 = arith.constant 17 : i32
      %swap3A_2960 = arith.index_cast %swap3A_2959 : i32 to index
      %swap3A_2961 = arith.constant 64 : index
      %swap3A_2962 = tpu.vector_load %arg12[%swap3A_2960, %swap3A_2961] {strides = array<i32>} : memref<32x104xf32, #tpu.memory_space<vmem>>, vector<16xf32>,
      tpu.vector_store %arg12[%swap3A_2960, %swap3A_2961], %get3A_2958 {strides = array<i32>} : memref<32x104xf32, #tpu.memory_space<vmem>>, vector<16xf32>,
      %get3A_2963 = arith.constant 17 : i32
      %get3A_2964 = arith.index_cast %get3A_2963 : i32 to index
      %get3A_2965 = arith.constant 976 : index
      %get3A_2966 = tpu.vector_load %arg10[%get3A_2964, %get3A_2965] {strides = array<i32>} : memref<32x1024xf32, #tpu.memory_space<vmem>>, vector<16xf32>,
      %swap3A_2967 = arith.constant 17 : i32
      %swap3A_2968 = arith.index_cast %swap3A_2967 : i32 to index
      %swap3A_2969 = arith.constant 80 : index
      %swap3A_2970 = tpu.vector_load %arg12[%swap3A_2968, %swap3A_2969] {strides = array<i32>} : memref<32x104xf32, #tpu.memory_space<vmem>>, vector<16xf32>,
      tpu.vector_store %arg12[%swap3A_2968, %swap3A_2969], %get3A_2966 {strides = array<i32>} : memref<32x104xf32, #tpu.memory_space<vmem>>, vector<16xf32>,
      %get3A_2971 = arith.constant 17 : i32
      %get3A_2972 = arith.index_cast %get3A_2971 : i32 to index
      %get3A_2973 = arith.constant 984 : index
      %get3A_2974 = tpu.vector_load %arg10[%get3A_2972, %get3A_2973] {strides = array<i32>} : memref<32x1024xf32, #tpu.memory_space<vmem>>, vector<16xf32>,
      %swap3A_2975 = arith.constant 17 : i32
      %swap3A_2976 = arith.index_cast %swap3A_2975 : i32 to index
      %swap3A_2977 = arith.constant 88 : index
      %swap3A_2978 = tpu.vector_load %arg12[%swap3A_2976, %swap3A_2977] {strides = array<i32>} : memref<32x104xf32, #tpu.memory_space<vmem>>, vector<16xf32>,
      tpu.vector_store %arg12[%swap3A_2976, %swap3A_2977], %get3A_2974 {strides = array<i32>} : memref<32x104xf32, #tpu.memory_space<vmem>>, vector<16xf32>,
      %get3A_2979 = arith.constant 18 : i32
      %get3A_2980 = arith.index_cast %get3A_2979 : i32 to index
      %get3A_2981 = arith.constant 896 : index
      %get3A_2982 = tpu.vector_load %arg10[%get3A_2980, %get3A_2981] {strides = array<i32>} : memref<32x1024xf32, #tpu.memory_space<vmem>>, vector<16xf32>,
      %swap3A_2983 = arith.constant 18 : i32
      %swap3A_2984 = arith.index_cast %swap3A_2983 : i32 to index
      %swap3A_2985 = arith.constant 0 : index
      %swap3A_2986 = tpu.vector_load %arg12[%swap3A_2984, %swap3A_2985] {strides = array<i32>} : memref<32x104xf32, #tpu.memory_space<vmem>>, vector<16xf32>,
      tpu.vector_store %arg12[%swap3A_2984, %swap3A_2985], %get3A_2982 {strides = array<i32>} : memref<32x104xf32, #tpu.memory_space<vmem>>, vector<16xf32>,
      %get3A_2987 = arith.constant 18 : i32
      %get3A_2988 = arith.index_cast %get3A_2987 : i32 to index
      %get3A_2989 = arith.constant 912 : index
      %get3A_2990 = tpu.vector_load %arg10[%get3A_2988, %get3A_2989] {strides = array<i32>} : memref<32x1024xf32, #tpu.memory_space<vmem>>, vector<16xf32>,
      %swap3A_2991 = arith.constant 18 : i32
      %swap3A_2992 = arith.index_cast %swap3A_2991 : i32 to index
      %swap3A_2993 = arith.constant 16 : index
      %swap3A_2994 = tpu.vector_load %arg12[%swap3A_2992, %swap3A_2993] {strides = array<i32>} : memref<32x104xf32, #tpu.memory_space<vmem>>, vector<16xf32>,
      tpu.vector_store %arg12[%swap3A_2992, %swap3A_2993], %get3A_2990 {strides = array<i32>} : memref<32x104xf32, #tpu.memory_space<vmem>>, vector<16xf32>,
      %get3A_2995 = arith.constant 18 : i32
      %get3A_2996 = arith.index_cast %get3A_2995 : i32 to index
      %get3A_2997 = arith.constant 928 : index
      %get3A_2998 = tpu.vector_load %arg10[%get3A_2996, %get3A_2997] {strides = array<i32>} : memref<32x1024xf32, #tpu.memory_space<vmem>>, vector<16xf32>,
      %swap3A_2999 = arith.constant 18 : i32
      %swap3A_3000 = arith.index_cast %swap3A_2999 : i32 to index
      %swap3A_3001 = arith.constant 32 : index
      %swap3A_3002 = tpu.vector_load %arg12[%swap3A_3000, %swap3A_3001] {strides = array<i32>} : memref<32x104xf32, #tpu.memory_space<vmem>>, vector<16xf32>,
      tpu.vector_store %arg12[%swap3A_3000, %swap3A_3001], %get3A_2998 {strides = array<i32>} : memref<32x104xf32, #tpu.memory_space<vmem>>, vector<16xf32>,
      %get3A_3003 = arith.constant 18 : i32
      %get3A_3004 = arith.index_cast %get3A_3003 : i32 to index
      %get3A_3005 = arith.constant 944 : index
      %get3A_3006 = tpu.vector_load %arg10[%get3A_3004, %get3A_3005] {strides = array<i32>} : memref<32x1024xf32, #tpu.memory_space<vmem>>, vector<16xf32>,
      %swap3A_3007 = arith.constant 18 : i32
      %swap3A_3008 = arith.index_cast %swap3A_3007 : i32 to index
      %swap3A_3009 = arith.constant 48 : index
      %swap3A_3010 = tpu.vector_load %arg12[%swap3A_3008, %swap3A_3009] {strides = array<i32>} : memref<32x104xf32, #tpu.memory_space<vmem>>, vector<16xf32>,
      tpu.vector_store %arg12[%swap3A_3008, %swap3A_3009], %get3A_3006 {strides = array<i32>} : memref<32x104xf32, #tpu.memory_space<vmem>>, vector<16xf32>,
      %get3A_3011 = arith.constant 18 : i32
      %get3A_3012 = arith.index_cast %get3A_3011 : i32 to index
      %get3A_3013 = arith.constant 960 : index
      %get3A_3014 = tpu.vector_load %arg10[%get3A_3012, %get3A_3013] {strides = array<i32>} : memref<32x1024xf32, #tpu.memory_space<vmem>>, vector<16xf32>,
      %swap3A_3015 = arith.constant 18 : i32
      %swap3A_3016 = arith.index_cast %swap3A_3015 : i32 to index
      %swap3A_3017 = arith.constant 64 : index
      %swap3A_3018 = tpu.vector_load %arg12[%swap3A_3016, %swap3A_3017] {strides = array<i32>} : memref<32x104xf32, #tpu.memory_space<vmem>>, vector<16xf32>,
      tpu.vector_store %arg12[%swap3A_3016, %swap3A_3017], %get3A_3014 {strides = array<i32>} : memref<32x104xf32, #tpu.memory_space<vmem>>, vector<16xf32>,
      %get3A_3019 = arith.constant 18 : i32
      %get3A_3020 = arith.index_cast %get3A_3019 : i32 to index
      %get3A_3021 = arith.constant 976 : index
      %get3A_3022 = tpu.vector_load %arg10[%get3A_3020, %get3A_3021] {strides = array<i32>} : memref<32x1024xf32, #tpu.memory_space<vmem>>, vector<16xf32>,
      %swap3A_3023 = arith.constant 18 : i32
      %swap3A_3024 = arith.index_cast %swap3A_3023 : i32 to index
      %swap3A_3025 = arith.constant 80 : index
      %swap3A_3026 = tpu.vector_load %arg12[%swap3A_3024, %swap3A_3025] {strides = array<i32>} : memref<32x104xf32, #tpu.memory_space<vmem>>, vector<16xf32>,
      tpu.vector_store %arg12[%swap3A_3024, %swap3A_3025], %get3A_3022 {strides = array<i32>} : memref<32x104xf32, #tpu.memory_space<vmem>>, vector<16xf32>,
      %get3A_3027 = arith.constant 18 : i32
      %get3A_3028 = arith.index_cast %get3A_3027 : i32 to index
      %get3A_3029 = arith.constant 984 : index
      %get3A_3030 = tpu.vector_load %arg10[%get3A_3028, %get3A_3029] {strides = array<i32>} : memref<32x1024xf32, #tpu.memory_space<vmem>>, vector<16xf32>,
      %swap3A_3031 = arith.constant 18 : i32
      %swap3A_3032 = arith.index_cast %swap3A_3031 : i32 to index
      %swap3A_3033 = arith.constant 88 : index
      %swap3A_3034 = tpu.vector_load %arg12[%swap3A_3032, %swap3A_3033] {strides = array<i32>} : memref<32x104xf32, #tpu.memory_space<vmem>>, vector<16xf32>,
      tpu.vector_store %arg12[%swap3A_3032, %swap3A_3033], %get3A_3030 {strides = array<i32>} : memref<32x104xf32, #tpu.memory_space<vmem>>, vector<16xf32>,
      %get3A_3035 = arith.constant 19 : i32
      %get3A_3036 = arith.index_cast %get3A_3035 : i32 to index
      %get3A_3037 = arith.constant 896 : index
      %get3A_3038 = tpu.vector_load %arg10[%get3A_3036, %get3A_3037] {strides = array<i32>} : memref<32x1024xf32, #tpu.memory_space<vmem>>, vector<16xf32>,
      %swap3A_3039 = arith.constant 19 : i32
      %swap3A_3040 = arith.index_cast %swap3A_3039 : i32 to index
      %swap3A_3041 = arith.constant 0 : index
      %swap3A_3042 = tpu.vector_load %arg12[%swap3A_3040, %swap3A_3041] {strides = array<i32>} : memref<32x104xf32, #tpu.memory_space<vmem>>, vector<16xf32>,
      tpu.vector_store %arg12[%swap3A_3040, %swap3A_3041], %get3A_3038 {strides = array<i32>} : memref<32x104xf32, #tpu.memory_space<vmem>>, vector<16xf32>,
      %get3A_3043 = arith.constant 19 : i32
      %get3A_3044 = arith.index_cast %get3A_3043 : i32 to index
      %get3A_3045 = arith.constant 912 : index
      %get3A_3046 = tpu.vector_load %arg10[%get3A_3044, %get3A_3045] {strides = array<i32>} : memref<32x1024xf32, #tpu.memory_space<vmem>>, vector<16xf32>,
      %swap3A_3047 = arith.constant 19 : i32
      %swap3A_3048 = arith.index_cast %swap3A_3047 : i32 to index
      %swap3A_3049 = arith.constant 16 : index
      %swap3A_3050 = tpu.vector_load %arg12[%swap3A_3048, %swap3A_3049] {strides = array<i32>} : memref<32x104xf32, #tpu.memory_space<vmem>>, vector<16xf32>,
      tpu.vector_store %arg12[%swap3A_3048, %swap3A_3049], %get3A_3046 {strides = array<i32>} : memref<32x104xf32, #tpu.memory_space<vmem>>, vector<16xf32>,
      %get3A_3051 = arith.constant 19 : i32
      %get3A_3052 = arith.index_cast %get3A_3051 : i32 to index
      %get3A_3053 = arith.constant 928 : index
      %get3A_3054 = tpu.vector_load %arg10[%get3A_3052, %get3A_3053] {strides = array<i32>} : memref<32x1024xf32, #tpu.memory_space<vmem>>, vector<16xf32>,
      %swap3A_3055 = arith.constant 19 : i32
      %swap3A_3056 = arith.index_cast %swap3A_3055 : i32 to index
      %swap3A_3057 = arith.constant 32 : index
      %swap3A_3058 = tpu.vector_load %arg12[%swap3A_3056, %swap3A_3057] {strides = array<i32>} : memref<32x104xf32, #tpu.memory_space<vmem>>, vector<16xf32>,
      tpu.vector_store %arg12[%swap3A_3056, %swap3A_3057], %get3A_3054 {strides = array<i32>} : memref<32x104xf32, #tpu.memory_space<vmem>>, vector<16xf32>,
      %get3A_3059 = arith.constant 19 : i32
      %get3A_3060 = arith.index_cast %get3A_3059 : i32 to index
      %get3A_3061 = arith.constant 944 : index
      %get3A_3062 = tpu.vector_load %arg10[%get3A_3060, %get3A_3061] {strides = array<i32>} : memref<32x1024xf32, #tpu.memory_space<vmem>>, vector<16xf32>,
      %swap3A_3063 = arith.constant 19 : i32
      %swap3A_3064 = arith.index_cast %swap3A_3063 : i32 to index
      %swap3A_3065 = arith.constant 48 : index
      %swap3A_3066 = tpu.vector_load %arg12[%swap3A_3064, %swap3A_3065] {strides = array<i32>} : memref<32x104xf32, #tpu.memory_space<vmem>>, vector<16xf32>,
      tpu.vector_store %arg12[%swap3A_3064, %swap3A_3065], %get3A_3062 {strides = array<i32>} : memref<32x104xf32, #tpu.memory_space<vmem>>, vector<16xf32>,
      %get3A_3067 = arith.constant 19 : i32
      %get3A_3068 = arith.index_cast %get3A_3067 : i32 to index
      %get3A_3069 = arith.constant 960 : index
      %get3A_3070 = tpu.vector_load %arg10[%get3A_3068, %get3A_3069] {strides = array<i32>} : memref<32x1024xf32, #tpu.memory_space<vmem>>, vector<16xf32>,
      %swap3A_3071 = arith.constant 19 : i32
      %swap3A_3072 = arith.index_cast %swap3A_3071 : i32 to index
      %swap3A_3073 = arith.constant 64 : index
      %swap3A_3074 = tpu.vector_load %arg12[%swap3A_3072, %swap3A_3073] {strides = array<i32>} : memref<32x104xf32, #tpu.memory_space<vmem>>, vector<16xf32>,
      tpu.vector_store %arg12[%swap3A_3072, %swap3A_3073], %get3A_3070 {strides = array<i32>} : memref<32x104xf32, #tpu.memory_space<vmem>>, vector<16xf32>,
      %get3A_3075 = arith.constant 19 : i32
      %get3A_3076 = arith.index_cast %get3A_3075 : i32 to index
      %get3A_3077 = arith.constant 976 : index
      %get3A_3078 = tpu.vector_load %arg10[%get3A_3076, %get3A_3077] {strides = array<i32>} : memref<32x1024xf32, #tpu.memory_space<vmem>>, vector<16xf32>,
      %swap3A_3079 = arith.constant 19 : i32
      %swap3A_3080 = arith.index_cast %swap3A_3079 : i32 to index
      %swap3A_3081 = arith.constant 80 : index
      %swap3A_3082 = tpu.vector_load %arg12[%swap3A_3080, %swap3A_3081] {strides = array<i32>} : memref<32x104xf32, #tpu.memory_space<vmem>>, vector<16xf32>,
      tpu.vector_store %arg12[%swap3A_3080, %swap3A_3081], %get3A_3078 {strides = array<i32>} : memref<32x104xf32, #tpu.memory_space<vmem>>, vector<16xf32>,
      %get3A_3083 = arith.constant 19 : i32
      %get3A_3084 = arith.index_cast %get3A_3083 : i32 to index
      %get3A_3085 = arith.constant 984 : index
      %get3A_3086 = tpu.vector_load %arg10[%get3A_3084, %get3A_3085] {strides = array<i32>} : memref<32x1024xf32, #tpu.memory_space<vmem>>, vector<16xf32>,
      %swap3A_3087 = arith.constant 19 : i32
      %swap3A_3088 = arith.index_cast %swap3A_3087 : i32 to index
      %swap3A_3089 = arith.constant 88 : index
      %swap3A_3090 = tpu.vector_load %arg12[%swap3A_3088, %swap3A_3089] {strides = array<i32>} : memref<32x104xf32, #tpu.memory_space<vmem>>, vector<16xf32>,
      tpu.vector_store %arg12[%swap3A_3088, %swap3A_3089], %get3A_3086 {strides = array<i32>} : memref<32x104xf32, #tpu.memory_space<vmem>>, vector<16xf32>,
      %get3A_3091 = arith.constant 20 : i32
      %get3A_3092 = arith.index_cast %get3A_3091 : i32 to index
      %get3A_3093 = arith.constant 896 : index
      %get3A_3094 = tpu.vector_load %arg10[%get3A_3092, %get3A_3093] {strides = array<i32>} : memref<32x1024xf32, #tpu.memory_space<vmem>>, vector<16xf32>,
      %swap3A_3095 = arith.constant 20 : i32
      %swap3A_3096 = arith.index_cast %swap3A_3095 : i32 to index
      %swap3A_3097 = arith.constant 0 : index
      %swap3A_3098 = tpu.vector_load %arg12[%swap3A_3096, %swap3A_3097] {strides = array<i32>} : memref<32x104xf32, #tpu.memory_space<vmem>>, vector<16xf32>,
      tpu.vector_store %arg12[%swap3A_3096, %swap3A_3097], %get3A_3094 {strides = array<i32>} : memref<32x104xf32, #tpu.memory_space<vmem>>, vector<16xf32>,
      %get3A_3099 = arith.constant 20 : i32
      %get3A_3100 = arith.index_cast %get3A_3099 : i32 to index
      %get3A_3101 = arith.constant 912 : index
      %get3A_3102 = tpu.vector_load %arg10[%get3A_3100, %get3A_3101] {strides = array<i32>} : memref<32x1024xf32, #tpu.memory_space<vmem>>, vector<16xf32>,
      %swap3A_3103 = arith.constant 20 : i32
      %swap3A_3104 = arith.index_cast %swap3A_3103 : i32 to index
      %swap3A_3105 = arith.constant 16 : index
      %swap3A_3106 = tpu.vector_load %arg12[%swap3A_3104, %swap3A_3105] {strides = array<i32>} : memref<32x104xf32, #tpu.memory_space<vmem>>, vector<16xf32>,
      tpu.vector_store %arg12[%swap3A_3104, %swap3A_3105], %get3A_3102 {strides = array<i32>} : memref<32x104xf32, #tpu.memory_space<vmem>>, vector<16xf32>,
      %get3A_3107 = arith.constant 20 : i32
      %get3A_3108 = arith.index_cast %get3A_3107 : i32 to index
      %get3A_3109 = arith.constant 928 : index
      %get3A_3110 = tpu.vector_load %arg10[%get3A_3108, %get3A_3109] {strides = array<i32>} : memref<32x1024xf32, #tpu.memory_space<vmem>>, vector<16xf32>,
      %swap3A_3111 = arith.constant 20 : i32
      %swap3A_3112 = arith.index_cast %swap3A_3111 : i32 to index
      %swap3A_3113 = arith.constant 32 : index
      %swap3A_3114 = tpu.vector_load %arg12[%swap3A_3112, %swap3A_3113] {strides = array<i32>} : memref<32x104xf32, #tpu.memory_space<vmem>>, vector<16xf32>,
      tpu.vector_store %arg12[%swap3A_3112, %swap3A_3113], %get3A_3110 {strides = array<i32>} : memref<32x104xf32, #tpu.memory_space<vmem>>, vector<16xf32>,
      %get3A_3115 = arith.constant 20 : i32
      %get3A_3116 = arith.index_cast %get3A_3115 : i32 to index
      %get3A_3117 = arith.constant 944 : index
      %get3A_3118 = tpu.vector_load %arg10[%get3A_3116, %get3A_3117] {strides = array<i32>} : memref<32x1024xf32, #tpu.memory_space<vmem>>, vector<16xf32>,
      %swap3A_3119 = arith.constant 20 : i32
      %swap3A_3120 = arith.index_cast %swap3A_3119 : i32 to index
      %swap3A_3121 = arith.constant 48 : index
      %swap3A_3122 = tpu.vector_load %arg12[%swap3A_3120, %swap3A_3121] {strides = array<i32>} : memref<32x104xf32, #tpu.memory_space<vmem>>, vector<16xf32>,
      tpu.vector_store %arg12[%swap3A_3120, %swap3A_3121], %get3A_3118 {strides = array<i32>} : memref<32x104xf32, #tpu.memory_space<vmem>>, vector<16xf32>,
      %get3A_3123 = arith.constant 20 : i32
      %get3A_3124 = arith.index_cast %get3A_3123 : i32 to index
      %get3A_3125 = arith.constant 960 : index
      %get3A_3126 = tpu.vector_load %arg10[%get3A_3124, %get3A_3125] {strides = array<i32>} : memref<32x1024xf32, #tpu.memory_space<vmem>>, vector<16xf32>,
      %swap3A_3127 = arith.constant 20 : i32
      %swap3A_3128 = arith.index_cast %swap3A_3127 : i32 to index
      %swap3A_3129 = arith.constant 64 : index
      %swap3A_3130 = tpu.vector_load %arg12[%swap3A_3128, %swap3A_3129] {strides = array<i32>} : memref<32x104xf32, #tpu.memory_space<vmem>>, vector<16xf32>,
      tpu.vector_store %arg12[%swap3A_3128, %swap3A_3129], %get3A_3126 {strides = array<i32>} : memref<32x104xf32, #tpu.memory_space<vmem>>, vector<16xf32>,
      %get3A_3131 = arith.constant 20 : i32
      %get3A_3132 = arith.index_cast %get3A_3131 : i32 to index
      %get3A_3133 = arith.constant 976 : index
      %get3A_3134 = tpu.vector_load %arg10[%get3A_3132, %get3A_3133] {strides = array<i32>} : memref<32x1024xf32, #tpu.memory_space<vmem>>, vector<16xf32>,
      %swap3A_3135 = arith.constant 20 : i32
      %swap3A_3136 = arith.index_cast %swap3A_3135 : i32 to index
      %swap3A_3137 = arith.constant 80 : index
      %swap3A_3138 = tpu.vector_load %arg12[%swap3A_3136, %swap3A_3137] {strides = array<i32>} : memref<32x104xf32, #tpu.memory_space<vmem>>, vector<16xf32>,
      tpu.vector_store %arg12[%swap3A_3136, %swap3A_3137], %get3A_3134 {strides = array<i32>} : memref<32x104xf32, #tpu.memory_space<vmem>>, vector<16xf32>,
      %get3A_3139 = arith.constant 20 : i32
      %get3A_3140 = arith.index_cast %get3A_3139 : i32 to index
      %get3A_3141 = arith.constant 984 : index
      %get3A_3142 = tpu.vector_load %arg10[%get3A_3140, %get3A_3141] {strides = array<i32>} : memref<32x1024xf32, #tpu.memory_space<vmem>>, vector<16xf32>,
      %swap3A_3143 = arith.constant 20 : i32
      %swap3A_3144 = arith.index_cast %swap3A_3143 : i32 to index
      %swap3A_3145 = arith.constant 88 : index
      %swap3A_3146 = tpu.vector_load %arg12[%swap3A_3144, %swap3A_3145] {strides = array<i32>} : memref<32x104xf32, #tpu.memory_space<vmem>>, vector<16xf32>,
      tpu.vector_store %arg12[%swap3A_3144, %swap3A_3145], %get3A_3142 {strides = array<i32>} : memref<32x104xf32, #tpu.memory_space<vmem>>, vector<16xf32>,
      %get3A_3147 = arith.constant 21 : i32
      %get3A_3148 = arith.index_cast %get3A_3147 : i32 to index
      %get3A_3149 = arith.constant 896 : index
      %get3A_3150 = tpu.vector_load %arg10[%get3A_3148, %get3A_3149] {strides = array<i32>} : memref<32x1024xf32, #tpu.memory_space<vmem>>, vector<16xf32>,
      %swap3A_3151 = arith.constant 21 : i32
      %swap3A_3152 = arith.index_cast %swap3A_3151 : i32 to index
      %swap3A_3153 = arith.constant 0 : index
      %swap3A_3154 = tpu.vector_load %arg12[%swap3A_3152, %swap3A_3153] {strides = array<i32>} : memref<32x104xf32, #tpu.memory_space<vmem>>, vector<16xf32>,
      tpu.vector_store %arg12[%swap3A_3152, %swap3A_3153], %get3A_3150 {strides = array<i32>} : memref<32x104xf32, #tpu.memory_space<vmem>>, vector<16xf32>,
      %get3A_3155 = arith.constant 21 : i32
      %get3A_3156 = arith.index_cast %get3A_3155 : i32 to index
      %get3A_3157 = arith.constant 912 : index
      %get3A_3158 = tpu.vector_load %arg10[%get3A_3156, %get3A_3157] {strides = array<i32>} : memref<32x1024xf32, #tpu.memory_space<vmem>>, vector<16xf32>,
      %swap3A_3159 = arith.constant 21 : i32
      %swap3A_3160 = arith.index_cast %swap3A_3159 : i32 to index
      %swap3A_3161 = arith.constant 16 : index
      %swap3A_3162 = tpu.vector_load %arg12[%swap3A_3160, %swap3A_3161] {strides = array<i32>} : memref<32x104xf32, #tpu.memory_space<vmem>>, vector<16xf32>,
      tpu.vector_store %arg12[%swap3A_3160, %swap3A_3161], %get3A_3158 {strides = array<i32>} : memref<32x104xf32, #tpu.memory_space<vmem>>, vector<16xf32>,
      %get3A_3163 = arith.constant 21 : i32
      %get3A_3164 = arith.index_cast %get3A_3163 : i32 to index
      %get3A_3165 = arith.constant 928 : index
      %get3A_3166 = tpu.vector_load %arg10[%get3A_3164, %get3A_3165] {strides = array<i32>} : memref<32x1024xf32, #tpu.memory_space<vmem>>, vector<16xf32>,
      %swap3A_3167 = arith.constant 21 : i32
      %swap3A_3168 = arith.index_cast %swap3A_3167 : i32 to index
      %swap3A_3169 = arith.constant 32 : index
      %swap3A_3170 = tpu.vector_load %arg12[%swap3A_3168, %swap3A_3169] {strides = array<i32>} : memref<32x104xf32, #tpu.memory_space<vmem>>, vector<16xf32>,
      tpu.vector_store %arg12[%swap3A_3168, %swap3A_3169], %get3A_3166 {strides = array<i32>} : memref<32x104xf32, #tpu.memory_space<vmem>>, vector<16xf32>,
      %get3A_3171 = arith.constant 21 : i32
      %get3A_3172 = arith.index_cast %get3A_3171 : i32 to index
      %get3A_3173 = arith.constant 944 : index
      %get3A_3174 = tpu.vector_load %arg10[%get3A_3172, %get3A_3173] {strides = array<i32>} : memref<32x1024xf32, #tpu.memory_space<vmem>>, vector<16xf32>,
      %swap3A_3175 = arith.constant 21 : i32
      %swap3A_3176 = arith.index_cast %swap3A_3175 : i32 to index
      %swap3A_3177 = arith.constant 48 : index
      %swap3A_3178 = tpu.vector_load %arg12[%swap3A_3176, %swap3A_3177] {strides = array<i32>} : memref<32x104xf32, #tpu.memory_space<vmem>>, vector<16xf32>,
      tpu.vector_store %arg12[%swap3A_3176, %swap3A_3177], %get3A_3174 {strides = array<i32>} : memref<32x104xf32, #tpu.memory_space<vmem>>, vector<16xf32>,
      %get3A_3179 = arith.constant 21 : i32
      %get3A_3180 = arith.index_cast %get3A_3179 : i32 to index
      %get3A_3181 = arith.constant 960 : index
      %get3A_3182 = tpu.vector_load %arg10[%get3A_3180, %get3A_3181] {strides = array<i32>} : memref<32x1024xf32, #tpu.memory_space<vmem>>, vector<16xf32>,
      %swap3A_3183 = arith.constant 21 : i32
      %swap3A_3184 = arith.index_cast %swap3A_3183 : i32 to index
      %swap3A_3185 = arith.constant 64 : index
      %swap3A_3186 = tpu.vector_load %arg12[%swap3A_3184, %swap3A_3185] {strides = array<i32>} : memref<32x104xf32, #tpu.memory_space<vmem>>, vector<16xf32>,
      tpu.vector_store %arg12[%swap3A_3184, %swap3A_3185], %get3A_3182 {strides = array<i32>} : memref<32x104xf32, #tpu.memory_space<vmem>>, vector<16xf32>,
      %get3A_3187 = arith.constant 21 : i32
      %get3A_3188 = arith.index_cast %get3A_3187 : i32 to index
      %get3A_3189 = arith.constant 976 : index
      %get3A_3190 = tpu.vector_load %arg10[%get3A_3188, %get3A_3189] {strides = array<i32>} : memref<32x1024xf32, #tpu.memory_space<vmem>>, vector<16xf32>,
      %swap3A_3191 = arith.constant 21 : i32
      %swap3A_3192 = arith.index_cast %swap3A_3191 : i32 to index
      %swap3A_3193 = arith.constant 80 : index
      %swap3A_3194 = tpu.vector_load %arg12[%swap3A_3192, %swap3A_3193] {strides = array<i32>} : memref<32x104xf32, #tpu.memory_space<vmem>>, vector<16xf32>,
      tpu.vector_store %arg12[%swap3A_3192, %swap3A_3193], %get3A_3190 {strides = array<i32>} : memref<32x104xf32, #tpu.memory_space<vmem>>, vector<16xf32>,
      %get3A_3195 = arith.constant 21 : i32
      %get3A_3196 = arith.index_cast %get3A_3195 : i32 to index
      %get3A_3197 = arith.constant 984 : index
      %get3A_3198 = tpu.vector_load %arg10[%get3A_3196, %get3A_3197] {strides = array<i32>} : memref<32x1024xf32, #tpu.memory_space<vmem>>, vector<16xf32>,
      %swap3A_3199 = arith.constant 21 : i32
      %swap3A_3200 = arith.index_cast %swap3A_3199 : i32 to index
      %swap3A_3201 = arith.constant 88 : index
      %swap3A_3202 = tpu.vector_load %arg12[%swap3A_3200, %swap3A_3201] {strides = array<i32>} : memref<32x104xf32, #tpu.memory_space<vmem>>, vector<16xf32>,
      tpu.vector_store %arg12[%swap3A_3200, %swap3A_3201], %get3A_3198 {strides = array<i32>} : memref<32x104xf32, #tpu.memory_space<vmem>>, vector<16xf32>,
      %get3A_3203 = arith.constant 22 : i32
      %get3A_3204 = arith.index_cast %get3A_3203 : i32 to index
      %get3A_3205 = arith.constant 896 : index
      %get3A_3206 = tpu.vector_load %arg10[%get3A_3204, %get3A_3205] {strides = array<i32>} : memref<32x1024xf32, #tpu.memory_space<vmem>>, vector<16xf32>,
      %swap3A_3207 = arith.constant 22 : i32
      %swap3A_3208 = arith.index_cast %swap3A_3207 : i32 to index
      %swap3A_3209 = arith.constant 0 : index
      %swap3A_3210 = tpu.vector_load %arg12[%swap3A_3208, %swap3A_3209] {strides = array<i32>} : memref<32x104xf32, #tpu.memory_space<vmem>>, vector<16xf32>,
      tpu.vector_store %arg12[%swap3A_3208, %swap3A_3209], %get3A_3206 {strides = array<i32>} : memref<32x104xf32, #tpu.memory_space<vmem>>, vector<16xf32>,
      %get3A_3211 = arith.constant 22 : i32
      %get3A_3212 = arith.index_cast %get3A_3211 : i32 to index
      %get3A_3213 = arith.constant 912 : index
      %get3A_3214 = tpu.vector_load %arg10[%get3A_3212, %get3A_3213] {strides = array<i32>} : memref<32x1024xf32, #tpu.memory_space<vmem>>, vector<16xf32>,
      %swap3A_3215 = arith.constant 22 : i32
      %swap3A_3216 = arith.index_cast %swap3A_3215 : i32 to index
      %swap3A_3217 = arith.constant 16 : index
      %swap3A_3218 = tpu.vector_load %arg12[%swap3A_3216, %swap3A_3217] {strides = array<i32>} : memref<32x104xf32, #tpu.memory_space<vmem>>, vector<16xf32>,
      tpu.vector_store %arg12[%swap3A_3216, %swap3A_3217], %get3A_3214 {strides = array<i32>} : memref<32x104xf32, #tpu.memory_space<vmem>>, vector<16xf32>,
      %get3A_3219 = arith.constant 22 : i32
      %get3A_3220 = arith.index_cast %get3A_3219 : i32 to index
      %get3A_3221 = arith.constant 928 : index
      %get3A_3222 = tpu.vector_load %arg10[%get3A_3220, %get3A_3221] {strides = array<i32>} : memref<32x1024xf32, #tpu.memory_space<vmem>>, vector<16xf32>,
      %swap3A_3223 = arith.constant 22 : i32
      %swap3A_3224 = arith.index_cast %swap3A_3223 : i32 to index
      %swap3A_3225 = arith.constant 32 : index
      %swap3A_3226 = tpu.vector_load %arg12[%swap3A_3224, %swap3A_3225] {strides = array<i32>} : memref<32x104xf32, #tpu.memory_space<vmem>>, vector<16xf32>,
      tpu.vector_store %arg12[%swap3A_3224, %swap3A_3225], %get3A_3222 {strides = array<i32>} : memref<32x104xf32, #tpu.memory_space<vmem>>, vector<16xf32>,
      %get3A_3227 = arith.constant 22 : i32
      %get3A_3228 = arith.index_cast %get3A_3227 : i32 to index
      %get3A_3229 = arith.constant 944 : index
      %get3A_3230 = tpu.vector_load %arg10[%get3A_3228, %get3A_3229] {strides = array<i32>} : memref<32x1024xf32, #tpu.memory_space<vmem>>, vector<16xf32>,
      %swap3A_3231 = arith.constant 22 : i32
      %swap3A_3232 = arith.index_cast %swap3A_3231 : i32 to index
      %swap3A_3233 = arith.constant 48 : index
      %swap3A_3234 = tpu.vector_load %arg12[%swap3A_3232, %swap3A_3233] {strides = array<i32>} : memref<32x104xf32, #tpu.memory_space<vmem>>, vector<16xf32>,
      tpu.vector_store %arg12[%swap3A_3232, %swap3A_3233], %get3A_3230 {strides = array<i32>} : memref<32x104xf32, #tpu.memory_space<vmem>>, vector<16xf32>,
      %get3A_3235 = arith.constant 22 : i32
      %get3A_3236 = arith.index_cast %get3A_3235 : i32 to index
      %get3A_3237 = arith.constant 960 : index
      %get3A_3238 = tpu.vector_load %arg10[%get3A_3236, %get3A_3237] {strides = array<i32>} : memref<32x1024xf32, #tpu.memory_space<vmem>>, vector<16xf32>,
      %swap3A_3239 = arith.constant 22 : i32
      %swap3A_3240 = arith.index_cast %swap3A_3239 : i32 to index
      %swap3A_3241 = arith.constant 64 : index
      %swap3A_3242 = tpu.vector_load %arg12[%swap3A_3240, %swap3A_3241] {strides = array<i32>} : memref<32x104xf32, #tpu.memory_space<vmem>>, vector<16xf32>,
      tpu.vector_store %arg12[%swap3A_3240, %swap3A_3241], %get3A_3238 {strides = array<i32>} : memref<32x104xf32, #tpu.memory_space<vmem>>, vector<16xf32>,
      %get3A_3243 = arith.constant 22 : i32
      %get3A_3244 = arith.index_cast %get3A_3243 : i32 to index
      %get3A_3245 = arith.constant 976 : index
      %get3A_3246 = tpu.vector_load %arg10[%get3A_3244, %get3A_3245] {strides = array<i32>} : memref<32x1024xf32, #tpu.memory_space<vmem>>, vector<16xf32>,
      %swap3A_3247 = arith.constant 22 : i32
      %swap3A_3248 = arith.index_cast %swap3A_3247 : i32 to index
      %swap3A_3249 = arith.constant 80 : index
      %swap3A_3250 = tpu.vector_load %arg12[%swap3A_3248, %swap3A_3249] {strides = array<i32>} : memref<32x104xf32, #tpu.memory_space<vmem>>, vector<16xf32>,
      tpu.vector_store %arg12[%swap3A_3248, %swap3A_3249], %get3A_3246 {strides = array<i32>} : memref<32x104xf32, #tpu.memory_space<vmem>>, vector<16xf32>,
      %get3A_3251 = arith.constant 22 : i32
      %get3A_3252 = arith.index_cast %get3A_3251 : i32 to index
      %get3A_3253 = arith.constant 984 : index
      %get3A_3254 = tpu.vector_load %arg10[%get3A_3252, %get3A_3253] {strides = array<i32>} : memref<32x1024xf32, #tpu.memory_space<vmem>>, vector<16xf32>,
      %swap3A_3255 = arith.constant 22 : i32
      %swap3A_3256 = arith.index_cast %swap3A_3255 : i32 to index
      %swap3A_3257 = arith.constant 88 : index
      %swap3A_3258 = tpu.vector_load %arg12[%swap3A_3256, %swap3A_3257] {strides = array<i32>} : memref<32x104xf32, #tpu.memory_space<vmem>>, vector<16xf32>,
      tpu.vector_store %arg12[%swap3A_3256, %swap3A_3257], %get3A_3254 {strides = array<i32>} : memref<32x104xf32, #tpu.memory_space<vmem>>, vector<16xf32>,
      %get3A_3259 = arith.constant 23 : i32
      %get3A_3260 = arith.index_cast %get3A_3259 : i32 to index
      %get3A_3261 = arith.constant 896 : index
      %get3A_3262 = tpu.vector_load %arg10[%get3A_3260, %get3A_3261] {strides = array<i32>} : memref<32x1024xf32, #tpu.memory_space<vmem>>, vector<16xf32>,
      %swap3A_3263 = arith.constant 23 : i32
      %swap3A_3264 = arith.index_cast %swap3A_3263 : i32 to index
      %swap3A_3265 = arith.constant 0 : index
      %swap3A_3266 = tpu.vector_load %arg12[%swap3A_3264, %swap3A_3265] {strides = array<i32>} : memref<32x104xf32, #tpu.memory_space<vmem>>, vector<16xf32>,
      tpu.vector_store %arg12[%swap3A_3264, %swap3A_3265], %get3A_3262 {strides = array<i32>} : memref<32x104xf32, #tpu.memory_space<vmem>>, vector<16xf32>,
      %get3A_3267 = arith.constant 23 : i32
      %get3A_3268 = arith.index_cast %get3A_3267 : i32 to index
      %get3A_3269 = arith.constant 912 : index
      %get3A_3270 = tpu.vector_load %arg10[%get3A_3268, %get3A_3269] {strides = array<i32>} : memref<32x1024xf32, #tpu.memory_space<vmem>>, vector<16xf32>,
      %swap3A_3271 = arith.constant 23 : i32
      %swap3A_3272 = arith.index_cast %swap3A_3271 : i32 to index
      %swap3A_3273 = arith.constant 16 : index
      %swap3A_3274 = tpu.vector_load %arg12[%swap3A_3272, %swap3A_3273] {strides = array<i32>} : memref<32x104xf32, #tpu.memory_space<vmem>>, vector<16xf32>,
      tpu.vector_store %arg12[%swap3A_3272, %swap3A_3273], %get3A_3270 {strides = array<i32>} : memref<32x104xf32, #tpu.memory_space<vmem>>, vector<16xf32>,
      %get3A_3275 = arith.constant 23 : i32
      %get3A_3276 = arith.index_cast %get3A_3275 : i32 to index
      %get3A_3277 = arith.constant 928 : index
      %get3A_3278 = tpu.vector_load %arg10[%get3A_3276, %get3A_3277] {strides = array<i32>} : memref<32x1024xf32, #tpu.memory_space<vmem>>, vector<16xf32>,
      %swap3A_3279 = arith.constant 23 : i32
      %swap3A_3280 = arith.index_cast %swap3A_3279 : i32 to index
      %swap3A_3281 = arith.constant 32 : index
      %swap3A_3282 = tpu.vector_load %arg12[%swap3A_3280, %swap3A_3281] {strides = array<i32>} : memref<32x104xf32, #tpu.memory_space<vmem>>, vector<16xf32>,
      tpu.vector_store %arg12[%swap3A_3280, %swap3A_3281], %get3A_3278 {strides = array<i32>} : memref<32x104xf32, #tpu.memory_space<vmem>>, vector<16xf32>,
      %get3A_3283 = arith.constant 23 : i32
      %get3A_3284 = arith.index_cast %get3A_3283 : i32 to index
      %get3A_3285 = arith.constant 944 : index
      %get3A_3286 = tpu.vector_load %arg10[%get3A_3284, %get3A_3285] {strides = array<i32>} : memref<32x1024xf32, #tpu.memory_space<vmem>>, vector<16xf32>,
      %swap3A_3287 = arith.constant 23 : i32
      %swap3A_3288 = arith.index_cast %swap3A_3287 : i32 to index
      %swap3A_3289 = arith.constant 48 : index
      %swap3A_3290 = tpu.vector_load %arg12[%swap3A_3288, %swap3A_3289] {strides = array<i32>} : memref<32x104xf32, #tpu.memory_space<vmem>>, vector<16xf32>,
      tpu.vector_store %arg12[%swap3A_3288, %swap3A_3289], %get3A_3286 {strides = array<i32>} : memref<32x104xf32, #tpu.memory_space<vmem>>, vector<16xf32>,
      %get3A_3291 = arith.constant 23 : i32
      %get3A_3292 = arith.index_cast %get3A_3291 : i32 to index
      %get3A_3293 = arith.constant 960 : index
      %get3A_3294 = tpu.vector_load %arg10[%get3A_3292, %get3A_3293] {strides = array<i32>} : memref<32x1024xf32, #tpu.memory_space<vmem>>, vector<16xf32>,
      %swap3A_3295 = arith.constant 23 : i32
      %swap3A_3296 = arith.index_cast %swap3A_3295 : i32 to index
      %swap3A_3297 = arith.constant 64 : index
      %swap3A_3298 = tpu.vector_load %arg12[%swap3A_3296, %swap3A_3297] {strides = array<i32>} : memref<32x104xf32, #tpu.memory_space<vmem>>, vector<16xf32>,
      tpu.vector_store %arg12[%swap3A_3296, %swap3A_3297], %get3A_3294 {strides = array<i32>} : memref<32x104xf32, #tpu.memory_space<vmem>>, vector<16xf32>,
      %get3A_3299 = arith.constant 23 : i32
      %get3A_3300 = arith.index_cast %get3A_3299 : i32 to index
      %get3A_3301 = arith.constant 976 : index
      %get3A_3302 = tpu.vector_load %arg10[%get3A_3300, %get3A_3301] {strides = array<i32>} : memref<32x1024xf32, #tpu.memory_space<vmem>>, vector<16xf32>,
      %swap3A_3303 = arith.constant 23 : i32
      %swap3A_3304 = arith.index_cast %swap3A_3303 : i32 to index
      %swap3A_3305 = arith.constant 80 : index
      %swap3A_3306 = tpu.vector_load %arg12[%swap3A_3304, %swap3A_3305] {strides = array<i32>} : memref<32x104xf32, #tpu.memory_space<vmem>>, vector<16xf32>,
      tpu.vector_store %arg12[%swap3A_3304, %swap3A_3305], %get3A_3302 {strides = array<i32>} : memref<32x104xf32, #tpu.memory_space<vmem>>, vector<16xf32>,
      %get3A_3307 = arith.constant 23 : i32
      %get3A_3308 = arith.index_cast %get3A_3307 : i32 to index
      %get3A_3309 = arith.constant 984 : index
      %get3A_3310 = tpu.vector_load %arg10[%get3A_3308, %get3A_3309] {strides = array<i32>} : memref<32x1024xf32, #tpu.memory_space<vmem>>, vector<16xf32>,
      %swap3A_3311 = arith.constant 23 : i32
      %swap3A_3312 = arith.index_cast %swap3A_3311 : i32 to index
      %swap3A_3313 = arith.constant 88 : index
      %swap3A_3314 = tpu.vector_load %arg12[%swap3A_3312, %swap3A_3313] {strides = array<i32>} : memref<32x104xf32, #tpu.memory_space<vmem>>, vector<16xf32>,
      tpu.vector_store %arg12[%swap3A_3312, %swap3A_3313], %get3A_3310 {strides = array<i32>} : memref<32x104xf32, #tpu.memory_space<vmem>>, vector<16xf32>,
      %get3A_3315 = arith.constant 24 : i32
      %get3A_3316 = arith.index_cast %get3A_3315 : i32 to index
      %get3A_3317 = arith.constant 896 : index
      %get3A_3318 = tpu.vector_load %arg10[%get3A_3316, %get3A_3317] {strides = array<i32>} : memref<32x1024xf32, #tpu.memory_space<vmem>>, vector<16xf32>,
      %swap3A_3319 = arith.constant 24 : i32
      %swap3A_3320 = arith.index_cast %swap3A_3319 : i32 to index
      %swap3A_3321 = arith.constant 0 : index
      %swap3A_3322 = tpu.vector_load %arg12[%swap3A_3320, %swap3A_3321] {strides = array<i32>} : memref<32x104xf32, #tpu.memory_space<vmem>>, vector<16xf32>,
      tpu.vector_store %arg12[%swap3A_3320, %swap3A_3321], %get3A_3318 {strides = array<i32>} : memref<32x104xf32, #tpu.memory_space<vmem>>, vector<16xf32>,
      %get3A_3323 = arith.constant 24 : i32
      %get3A_3324 = arith.index_cast %get3A_3323 : i32 to index
      %get3A_3325 = arith.constant 912 : index
      %get3A_3326 = tpu.vector_load %arg10[%get3A_3324, %get3A_3325] {strides = array<i32>} : memref<32x1024xf32, #tpu.memory_space<vmem>>, vector<16xf32>,
      %swap3A_3327 = arith.constant 24 : i32
      %swap3A_3328 = arith.index_cast %swap3A_3327 : i32 to index
      %swap3A_3329 = arith.constant 16 : index
      %swap3A_3330 = tpu.vector_load %arg12[%swap3A_3328, %swap3A_3329] {strides = array<i32>} : memref<32x104xf32, #tpu.memory_space<vmem>>, vector<16xf32>,
      tpu.vector_store %arg12[%swap3A_3328, %swap3A_3329], %get3A_3326 {strides = array<i32>} : memref<32x104xf32, #tpu.memory_space<vmem>>, vector<16xf32>,
      %get3A_3331 = arith.constant 24 : i32
      %get3A_3332 = arith.index_cast %get3A_3331 : i32 to index
      %get3A_3333 = arith.constant 928 : index
      %get3A_3334 = tpu.vector_load %arg10[%get3A_3332, %get3A_3333] {strides = array<i32>} : memref<32x1024xf32, #tpu.memory_space<vmem>>, vector<16xf32>,
      %swap3A_3335 = arith.constant 24 : i32
      %swap3A_3336 = arith.index_cast %swap3A_3335 : i32 to index
      %swap3A_3337 = arith.constant 32 : index
      %swap3A_3338 = tpu.vector_load %arg12[%swap3A_3336, %swap3A_3337] {strides = array<i32>} : memref<32x104xf32, #tpu.memory_space<vmem>>, vector<16xf32>,
      tpu.vector_store %arg12[%swap3A_3336, %swap3A_3337], %get3A_3334 {strides = array<i32>} : memref<32x104xf32, #tpu.memory_space<vmem>>, vector<16xf32>,
      %get3A_3339 = arith.constant 24 : i32
      %get3A_3340 = arith.index_cast %get3A_3339 : i32 to index
      %get3A_3341 = arith.constant 944 : index
      %get3A_3342 = tpu.vector_load %arg10[%get3A_3340, %get3A_3341] {strides = array<i32>} : memref<32x1024xf32, #tpu.memory_space<vmem>>, vector<16xf32>,
      %swap3A_3343 = arith.constant 24 : i32
      %swap3A_3344 = arith.index_cast %swap3A_3343 : i32 to index
      %swap3A_3345 = arith.constant 48 : index
      %swap3A_3346 = tpu.vector_load %arg12[%swap3A_3344, %swap3A_3345] {strides = array<i32>} : memref<32x104xf32, #tpu.memory_space<vmem>>, vector<16xf32>,
      tpu.vector_store %arg12[%swap3A_3344, %swap3A_3345], %get3A_3342 {strides = array<i32>} : memref<32x104xf32, #tpu.memory_space<vmem>>, vector<16xf32>,
      %get3A_3347 = arith.constant 24 : i32
      %get3A_3348 = arith.index_cast %get3A_3347 : i32 to index
      %get3A_3349 = arith.constant 960 : index
      %get3A_3350 = tpu.vector_load %arg10[%get3A_3348, %get3A_3349] {strides = array<i32>} : memref<32x1024xf32, #tpu.memory_space<vmem>>, vector<16xf32>,
      %swap3A_3351 = arith.constant 24 : i32
      %swap3A_3352 = arith.index_cast %swap3A_3351 : i32 to index
      %swap3A_3353 = arith.constant 64 : index
      %swap3A_3354 = tpu.vector_load %arg12[%swap3A_3352, %swap3A_3353] {strides = array<i32>} : memref<32x104xf32, #tpu.memory_space<vmem>>, vector<16xf32>,
      tpu.vector_store %arg12[%swap3A_3352, %swap3A_3353], %get3A_3350 {strides = array<i32>} : memref<32x104xf32, #tpu.memory_space<vmem>>, vector<16xf32>,
      %get3A_3355 = arith.constant 24 : i32
      %get3A_3356 = arith.index_cast %get3A_3355 : i32 to index
      %get3A_3357 = arith.constant 976 : index
      %get3A_3358 = tpu.vector_load %arg10[%get3A_3356, %get3A_3357] {strides = array<i32>} : memref<32x1024xf32, #tpu.memory_space<vmem>>, vector<16xf32>,
      %swap3A_3359 = arith.constant 24 : i32
      %swap3A_3360 = arith.index_cast %swap3A_3359 : i32 to index
      %swap3A_3361 = arith.constant 80 : index
      %swap3A_3362 = tpu.vector_load %arg12[%swap3A_3360, %swap3A_3361] {strides = array<i32>} : memref<32x104xf32, #tpu.memory_space<vmem>>, vector<16xf32>,
      tpu.vector_store %arg12[%swap3A_3360, %swap3A_3361], %get3A_3358 {strides = array<i32>} : memref<32x104xf32, #tpu.memory_space<vmem>>, vector<16xf32>,
      %get3A_3363 = arith.constant 24 : i32
      %get3A_3364 = arith.index_cast %get3A_3363 : i32 to index
      %get3A_3365 = arith.constant 984 : index
      %get3A_3366 = tpu.vector_load %arg10[%get3A_3364, %get3A_3365] {strides = array<i32>} : memref<32x1024xf32, #tpu.memory_space<vmem>>, vector<16xf32>,
      %swap3A_3367 = arith.constant 24 : i32
      %swap3A_3368 = arith.index_cast %swap3A_3367 : i32 to index
      %swap3A_3369 = arith.constant 88 : index
      %swap3A_3370 = tpu.vector_load %arg12[%swap3A_3368, %swap3A_3369] {strides = array<i32>} : memref<32x104xf32, #tpu.memory_space<vmem>>, vector<16xf32>,
      tpu.vector_store %arg12[%swap3A_3368, %swap3A_3369], %get3A_3366 {strides = array<i32>} : memref<32x104xf32, #tpu.memory_space<vmem>>, vector<16xf32>,
      %get3A_3371 = arith.constant 25 : i32
      %get3A_3372 = arith.index_cast %get3A_3371 : i32 to index
      %get3A_3373 = arith.constant 896 : index
      %get3A_3374 = tpu.vector_load %arg10[%get3A_3372, %get3A_3373] {strides = array<i32>} : memref<32x1024xf32, #tpu.memory_space<vmem>>, vector<16xf32>,
      %swap3A_3375 = arith.constant 25 : i32
      %swap3A_3376 = arith.index_cast %swap3A_3375 : i32 to index
      %swap3A_3377 = arith.constant 0 : index
      %swap3A_3378 = tpu.vector_load %arg12[%swap3A_3376, %swap3A_3377] {strides = array<i32>} : memref<32x104xf32, #tpu.memory_space<vmem>>, vector<16xf32>,
      tpu.vector_store %arg12[%swap3A_3376, %swap3A_3377], %get3A_3374 {strides = array<i32>} : memref<32x104xf32, #tpu.memory_space<vmem>>, vector<16xf32>,
      %get3A_3379 = arith.constant 25 : i32
      %get3A_3380 = arith.index_cast %get3A_3379 : i32 to index
      %get3A_3381 = arith.constant 912 : index
      %get3A_3382 = tpu.vector_load %arg10[%get3A_3380, %get3A_3381] {strides = array<i32>} : memref<32x1024xf32, #tpu.memory_space<vmem>>, vector<16xf32>,
      %swap3A_3383 = arith.constant 25 : i32
      %swap3A_3384 = arith.index_cast %swap3A_3383 : i32 to index
      %swap3A_3385 = arith.constant 16 : index
      %swap3A_3386 = tpu.vector_load %arg12[%swap3A_3384, %swap3A_3385] {strides = array<i32>} : memref<32x104xf32, #tpu.memory_space<vmem>>, vector<16xf32>,
      tpu.vector_store %arg12[%swap3A_3384, %swap3A_3385], %get3A_3382 {strides = array<i32>} : memref<32x104xf32, #tpu.memory_space<vmem>>, vector<16xf32>,
      %get3A_3387 = arith.constant 25 : i32
      %get3A_3388 = arith.index_cast %get3A_3387 : i32 to index
      %get3A_3389 = arith.constant 928 : index
      %get3A_3390 = tpu.vector_load %arg10[%get3A_3388, %get3A_3389] {strides = array<i32>} : memref<32x1024xf32, #tpu.memory_space<vmem>>, vector<16xf32>,
      %swap3A_3391 = arith.constant 25 : i32
      %swap3A_3392 = arith.index_cast %swap3A_3391 : i32 to index
      %swap3A_3393 = arith.constant 32 : index
      %swap3A_3394 = tpu.vector_load %arg12[%swap3A_3392, %swap3A_3393] {strides = array<i32>} : memref<32x104xf32, #tpu.memory_space<vmem>>, vector<16xf32>,
      tpu.vector_store %arg12[%swap3A_3392, %swap3A_3393], %get3A_3390 {strides = array<i32>} : memref<32x104xf32, #tpu.memory_space<vmem>>, vector<16xf32>,
      %get3A_3395 = arith.constant 25 : i32
      %get3A_3396 = arith.index_cast %get3A_3395 : i32 to index
      %get3A_3397 = arith.constant 944 : index
      %get3A_3398 = tpu.vector_load %arg10[%get3A_3396, %get3A_3397] {strides = array<i32>} : memref<32x1024xf32, #tpu.memory_space<vmem>>, vector<16xf32>,
      %swap3A_3399 = arith.constant 25 : i32
      %swap3A_3400 = arith.index_cast %swap3A_3399 : i32 to index
      %swap3A_3401 = arith.constant 48 : index
      %swap3A_3402 = tpu.vector_load %arg12[%swap3A_3400, %swap3A_3401] {strides = array<i32>} : memref<32x104xf32, #tpu.memory_space<vmem>>, vector<16xf32>,
      tpu.vector_store %arg12[%swap3A_3400, %swap3A_3401], %get3A_3398 {strides = array<i32>} : memref<32x104xf32, #tpu.memory_space<vmem>>, vector<16xf32>,
      %get3A_3403 = arith.constant 25 : i32
      %get3A_3404 = arith.index_cast %get3A_3403 : i32 to index
      %get3A_3405 = arith.constant 960 : index
      %get3A_3406 = tpu.vector_load %arg10[%get3A_3404, %get3A_3405] {strides = array<i32>} : memref<32x1024xf32, #tpu.memory_space<vmem>>, vector<16xf32>,
      %swap3A_3407 = arith.constant 25 : i32
      %swap3A_3408 = arith.index_cast %swap3A_3407 : i32 to index
      %swap3A_3409 = arith.constant 64 : index
      %swap3A_3410 = tpu.vector_load %arg12[%swap3A_3408, %swap3A_3409] {strides = array<i32>} : memref<32x104xf32, #tpu.memory_space<vmem>>, vector<16xf32>,
      tpu.vector_store %arg12[%swap3A_3408, %swap3A_3409], %get3A_3406 {strides = array<i32>} : memref<32x104xf32, #tpu.memory_space<vmem>>, vector<16xf32>,
      %get3A_3411 = arith.constant 25 : i32
      %get3A_3412 = arith.index_cast %get3A_3411 : i32 to index
      %get3A_3413 = arith.constant 976 : index
      %get3A_3414 = tpu.vector_load %arg10[%get3A_3412, %get3A_3413] {strides = array<i32>} : memref<32x1024xf32, #tpu.memory_space<vmem>>, vector<16xf32>,
      %swap3A_3415 = arith.constant 25 : i32
      %swap3A_3416 = arith.index_cast %swap3A_3415 : i32 to index
      %swap3A_3417 = arith.constant 80 : index
      %swap3A_3418 = tpu.vector_load %arg12[%swap3A_3416, %swap3A_3417] {strides = array<i32>} : memref<32x104xf32, #tpu.memory_space<vmem>>, vector<16xf32>,
      tpu.vector_store %arg12[%swap3A_3416, %swap3A_3417], %get3A_3414 {strides = array<i32>} : memref<32x104xf32, #tpu.memory_space<vmem>>, vector<16xf32>,
      %get3A_3419 = arith.constant 25 : i32
      %get3A_3420 = arith.index_cast %get3A_3419 : i32 to index
      %get3A_3421 = arith.constant 984 : index
      %get3A_3422 = tpu.vector_load %arg10[%get3A_3420, %get3A_3421] {strides = array<i32>} : memref<32x1024xf32, #tpu.memory_space<vmem>>, vector<16xf32>,
      %swap3A_3423 = arith.constant 25 : i32
      %swap3A_3424 = arith.index_cast %swap3A_3423 : i32 to index
      %swap3A_3425 = arith.constant 88 : index
      %swap3A_3426 = tpu.vector_load %arg12[%swap3A_3424, %swap3A_3425] {strides = array<i32>} : memref<32x104xf32, #tpu.memory_space<vmem>>, vector<16xf32>,
      tpu.vector_store %arg12[%swap3A_3424, %swap3A_3425], %get3A_3422 {strides = array<i32>} : memref<32x104xf32, #tpu.memory_space<vmem>>, vector<16xf32>,
      %get3A_3427 = arith.constant 26 : i32
      %get3A_3428 = arith.index_cast %get3A_3427 : i32 to index
      %get3A_3429 = arith.constant 896 : index
      %get3A_3430 = tpu.vector_load %arg10[%get3A_3428, %get3A_3429] {strides = array<i32>} : memref<32x1024xf32, #tpu.memory_space<vmem>>, vector<16xf32>,
      %swap3A_3431 = arith.constant 26 : i32
      %swap3A_3432 = arith.index_cast %swap3A_3431 : i32 to index
      %swap3A_3433 = arith.constant 0 : index
      %swap3A_3434 = tpu.vector_load %arg12[%swap3A_3432, %swap3A_3433] {strides = array<i32>} : memref<32x104xf32, #tpu.memory_space<vmem>>, vector<16xf32>,
      tpu.vector_store %arg12[%swap3A_3432, %swap3A_3433], %get3A_3430 {strides = array<i32>} : memref<32x104xf32, #tpu.memory_space<vmem>>, vector<16xf32>,
      %get3A_3435 = arith.constant 26 : i32
      %get3A_3436 = arith.index_cast %get3A_3435 : i32 to index
      %get3A_3437 = arith.constant 912 : index
      %get3A_3438 = tpu.vector_load %arg10[%get3A_3436, %get3A_3437] {strides = array<i32>} : memref<32x1024xf32, #tpu.memory_space<vmem>>, vector<16xf32>,
      %swap3A_3439 = arith.constant 26 : i32
      %swap3A_3440 = arith.index_cast %swap3A_3439 : i32 to index
      %swap3A_3441 = arith.constant 16 : index
      %swap3A_3442 = tpu.vector_load %arg12[%swap3A_3440, %swap3A_3441] {strides = array<i32>} : memref<32x104xf32, #tpu.memory_space<vmem>>, vector<16xf32>,
      tpu.vector_store %arg12[%swap3A_3440, %swap3A_3441], %get3A_3438 {strides = array<i32>} : memref<32x104xf32, #tpu.memory_space<vmem>>, vector<16xf32>,
      %get3A_3443 = arith.constant 26 : i32
      %get3A_3444 = arith.index_cast %get3A_3443 : i32 to index
      %get3A_3445 = arith.constant 928 : index
      %get3A_3446 = tpu.vector_load %arg10[%get3A_3444, %get3A_3445] {strides = array<i32>} : memref<32x1024xf32, #tpu.memory_space<vmem>>, vector<16xf32>,
      %swap3A_3447 = arith.constant 26 : i32
      %swap3A_3448 = arith.index_cast %swap3A_3447 : i32 to index
      %swap3A_3449 = arith.constant 32 : index
      %swap3A_3450 = tpu.vector_load %arg12[%swap3A_3448, %swap3A_3449] {strides = array<i32>} : memref<32x104xf32, #tpu.memory_space<vmem>>, vector<16xf32>,
      tpu.vector_store %arg12[%swap3A_3448, %swap3A_3449], %get3A_3446 {strides = array<i32>} : memref<32x104xf32, #tpu.memory_space<vmem>>, vector<16xf32>,
      %get3A_3451 = arith.constant 26 : i32
      %get3A_3452 = arith.index_cast %get3A_3451 : i32 to index
      %get3A_3453 = arith.constant 944 : index
      %get3A_3454 = tpu.vector_load %arg10[%get3A_3452, %get3A_3453] {strides = array<i32>} : memref<32x1024xf32, #tpu.memory_space<vmem>>, vector<16xf32>,
      %swap3A_3455 = arith.constant 26 : i32
      %swap3A_3456 = arith.index_cast %swap3A_3455 : i32 to index
      %swap3A_3457 = arith.constant 48 : index
      %swap3A_3458 = tpu.vector_load %arg12[%swap3A_3456, %swap3A_3457] {strides = array<i32>} : memref<32x104xf32, #tpu.memory_space<vmem>>, vector<16xf32>,
      tpu.vector_store %arg12[%swap3A_3456, %swap3A_3457], %get3A_3454 {strides = array<i32>} : memref<32x104xf32, #tpu.memory_space<vmem>>, vector<16xf32>,
      %get3A_3459 = arith.constant 26 : i32
      %get3A_3460 = arith.index_cast %get3A_3459 : i32 to index
      %get3A_3461 = arith.constant 960 : index
      %get3A_3462 = tpu.vector_load %arg10[%get3A_3460, %get3A_3461] {strides = array<i32>} : memref<32x1024xf32, #tpu.memory_space<vmem>>, vector<16xf32>,
      %swap3A_3463 = arith.constant 26 : i32
      %swap3A_3464 = arith.index_cast %swap3A_3463 : i32 to index
      %swap3A_3465 = arith.constant 64 : index
      %swap3A_3466 = tpu.vector_load %arg12[%swap3A_3464, %swap3A_3465] {strides = array<i32>} : memref<32x104xf32, #tpu.memory_space<vmem>>, vector<16xf32>,
      tpu.vector_store %arg12[%swap3A_3464, %swap3A_3465], %get3A_3462 {strides = array<i32>} : memref<32x104xf32, #tpu.memory_space<vmem>>, vector<16xf32>,
      %get3A_3467 = arith.constant 26 : i32
      %get3A_3468 = arith.index_cast %get3A_3467 : i32 to index
      %get3A_3469 = arith.constant 976 : index
      %get3A_3470 = tpu.vector_load %arg10[%get3A_3468, %get3A_3469] {strides = array<i32>} : memref<32x1024xf32, #tpu.memory_space<vmem>>, vector<16xf32>,
      %swap3A_3471 = arith.constant 26 : i32
      %swap3A_3472 = arith.index_cast %swap3A_3471 : i32 to index
      %swap3A_3473 = arith.constant 80 : index
      %swap3A_3474 = tpu.vector_load %arg12[%swap3A_3472, %swap3A_3473] {strides = array<i32>} : memref<32x104xf32, #tpu.memory_space<vmem>>, vector<16xf32>,
      tpu.vector_store %arg12[%swap3A_3472, %swap3A_3473], %get3A_3470 {strides = array<i32>} : memref<32x104xf32, #tpu.memory_space<vmem>>, vector<16xf32>,
      %get3A_3475 = arith.constant 26 : i32
      %get3A_3476 = arith.index_cast %get3A_3475 : i32 to index
      %get3A_3477 = arith.constant 984 : index
      %get3A_3478 = tpu.vector_load %arg10[%get3A_3476, %get3A_3477] {strides = array<i32>} : memref<32x1024xf32, #tpu.memory_space<vmem>>, vector<16xf32>,
      %swap3A_3479 = arith.constant 26 : i32
      %swap3A_3480 = arith.index_cast %swap3A_3479 : i32 to index
      %swap3A_3481 = arith.constant 88 : index
      %swap3A_3482 = tpu.vector_load %arg12[%swap3A_3480, %swap3A_3481] {strides = array<i32>} : memref<32x104xf32, #tpu.memory_space<vmem>>, vector<16xf32>,
      tpu.vector_store %arg12[%swap3A_3480, %swap3A_3481], %get3A_3478 {strides = array<i32>} : memref<32x104xf32, #tpu.memory_space<vmem>>, vector<16xf32>,
      %get3A_3483 = arith.constant 27 : i32
      %get3A_3484 = arith.index_cast %get3A_3483 : i32 to index
      %get3A_3485 = arith.constant 896 : index
      %get3A_3486 = tpu.vector_load %arg10[%get3A_3484, %get3A_3485] {strides = array<i32>} : memref<32x1024xf32, #tpu.memory_space<vmem>>, vector<16xf32>,
      %swap3A_3487 = arith.constant 27 : i32
      %swap3A_3488 = arith.index_cast %swap3A_3487 : i32 to index
      %swap3A_3489 = arith.constant 0 : index
      %swap3A_3490 = tpu.vector_load %arg12[%swap3A_3488, %swap3A_3489] {strides = array<i32>} : memref<32x104xf32, #tpu.memory_space<vmem>>, vector<16xf32>,
      tpu.vector_store %arg12[%swap3A_3488, %swap3A_3489], %get3A_3486 {strides = array<i32>} : memref<32x104xf32, #tpu.memory_space<vmem>>, vector<16xf32>,
      %get3A_3491 = arith.constant 27 : i32
      %get3A_3492 = arith.index_cast %get3A_3491 : i32 to index
      %get3A_3493 = arith.constant 912 : index
      %get3A_3494 = tpu.vector_load %arg10[%get3A_3492, %get3A_3493] {strides = array<i32>} : memref<32x1024xf32, #tpu.memory_space<vmem>>, vector<16xf32>,
      %swap3A_3495 = arith.constant 27 : i32
      %swap3A_3496 = arith.index_cast %swap3A_3495 : i32 to index
      %swap3A_3497 = arith.constant 16 : index
      %swap3A_3498 = tpu.vector_load %arg12[%swap3A_3496, %swap3A_3497] {strides = array<i32>} : memref<32x104xf32, #tpu.memory_space<vmem>>, vector<16xf32>,
      tpu.vector_store %arg12[%swap3A_3496, %swap3A_3497], %get3A_3494 {strides = array<i32>} : memref<32x104xf32, #tpu.memory_space<vmem>>, vector<16xf32>,
      %get3A_3499 = arith.constant 27 : i32
      %get3A_3500 = arith.index_cast %get3A_3499 : i32 to index
      %get3A_3501 = arith.constant 928 : index
      %get3A_3502 = tpu.vector_load %arg10[%get3A_3500, %get3A_3501] {strides = array<i32>} : memref<32x1024xf32, #tpu.memory_space<vmem>>, vector<16xf32>,
      %swap3A_3503 = arith.constant 27 : i32
      %swap3A_3504 = arith.index_cast %swap3A_3503 : i32 to index
      %swap3A_3505 = arith.constant 32 : index
      %swap3A_3506 = tpu.vector_load %arg12[%swap3A_3504, %swap3A_3505] {strides = array<i32>} : memref<32x104xf32, #tpu.memory_space<vmem>>, vector<16xf32>,
      tpu.vector_store %arg12[%swap3A_3504, %swap3A_3505], %get3A_3502 {strides = array<i32>} : memref<32x104xf32, #tpu.memory_space<vmem>>, vector<16xf32>,
      %get3A_3507 = arith.constant 27 : i32
      %get3A_3508 = arith.index_cast %get3A_3507 : i32 to index
      %get3A_3509 = arith.constant 944 : index
      %get3A_3510 = tpu.vector_load %arg10[%get3A_3508, %get3A_3509] {strides = array<i32>} : memref<32x1024xf32, #tpu.memory_space<vmem>>, vector<16xf32>,
      %swap3A_3511 = arith.constant 27 : i32
      %swap3A_3512 = arith.index_cast %swap3A_3511 : i32 to index
      %swap3A_3513 = arith.constant 48 : index
      %swap3A_3514 = tpu.vector_load %arg12[%swap3A_3512, %swap3A_3513] {strides = array<i32>} : memref<32x104xf32, #tpu.memory_space<vmem>>, vector<16xf32>,
      tpu.vector_store %arg12[%swap3A_3512, %swap3A_3513], %get3A_3510 {strides = array<i32>} : memref<32x104xf32, #tpu.memory_space<vmem>>, vector<16xf32>,
      %get3A_3515 = arith.constant 27 : i32
      %get3A_3516 = arith.index_cast %get3A_3515 : i32 to index
      %get3A_3517 = arith.constant 960 : index
      %get3A_3518 = tpu.vector_load %arg10[%get3A_3516, %get3A_3517] {strides = array<i32>} : memref<32x1024xf32, #tpu.memory_space<vmem>>, vector<16xf32>,
      %swap3A_3519 = arith.constant 27 : i32
      %swap3A_3520 = arith.index_cast %swap3A_3519 : i32 to index
      %swap3A_3521 = arith.constant 64 : index
      %swap3A_3522 = tpu.vector_load %arg12[%swap3A_3520, %swap3A_3521] {strides = array<i32>} : memref<32x104xf32, #tpu.memory_space<vmem>>, vector<16xf32>,
      tpu.vector_store %arg12[%swap3A_3520, %swap3A_3521], %get3A_3518 {strides = array<i32>} : memref<32x104xf32, #tpu.memory_space<vmem>>, vector<16xf32>,
      %get3A_3523 = arith.constant 27 : i32
      %get3A_3524 = arith.index_cast %get3A_3523 : i32 to index
      %get3A_3525 = arith.constant 976 : index
      %get3A_3526 = tpu.vector_load %arg10[%get3A_3524, %get3A_3525] {strides = array<i32>} : memref<32x1024xf32, #tpu.memory_space<vmem>>, vector<16xf32>,
      %swap3A_3527 = arith.constant 27 : i32
      %swap3A_3528 = arith.index_cast %swap3A_3527 : i32 to index
      %swap3A_3529 = arith.constant 80 : index
      %swap3A_3530 = tpu.vector_load %arg12[%swap3A_3528, %swap3A_3529] {strides = array<i32>} : memref<32x104xf32, #tpu.memory_space<vmem>>, vector<16xf32>,
      tpu.vector_store %arg12[%swap3A_3528, %swap3A_3529], %get3A_3526 {strides = array<i32>} : memref<32x104xf32, #tpu.memory_space<vmem>>, vector<16xf32>,
      %get3A_3531 = arith.constant 27 : i32
      %get3A_3532 = arith.index_cast %get3A_3531 : i32 to index
      %get3A_3533 = arith.constant 984 : index
      %get3A_3534 = tpu.vector_load %arg10[%get3A_3532, %get3A_3533] {strides = array<i32>} : memref<32x1024xf32, #tpu.memory_space<vmem>>, vector<16xf32>,
      %swap3A_3535 = arith.constant 27 : i32
      %swap3A_3536 = arith.index_cast %swap3A_3535 : i32 to index
      %swap3A_3537 = arith.constant 88 : index
      %swap3A_3538 = tpu.vector_load %arg12[%swap3A_3536, %swap3A_3537] {strides = array<i32>} : memref<32x104xf32, #tpu.memory_space<vmem>>, vector<16xf32>,
      tpu.vector_store %arg12[%swap3A_3536, %swap3A_3537], %get3A_3534 {strides = array<i32>} : memref<32x104xf32, #tpu.memory_space<vmem>>, vector<16xf32>,
      %get3A_3539 = arith.constant 28 : i32
      %get3A_3540 = arith.index_cast %get3A_3539 : i32 to index
      %get3A_3541 = arith.constant 896 : index
      %get3A_3542 = tpu.vector_load %arg10[%get3A_3540, %get3A_3541] {strides = array<i32>} : memref<32x1024xf32, #tpu.memory_space<vmem>>, vector<16xf32>,
      %swap3A_3543 = arith.constant 28 : i32
      %swap3A_3544 = arith.index_cast %swap3A_3543 : i32 to index
      %swap3A_3545 = arith.constant 0 : index
      %swap3A_3546 = tpu.vector_load %arg12[%swap3A_3544, %swap3A_3545] {strides = array<i32>} : memref<32x104xf32, #tpu.memory_space<vmem>>, vector<16xf32>,
      tpu.vector_store %arg12[%swap3A_3544, %swap3A_3545], %get3A_3542 {strides = array<i32>} : memref<32x104xf32, #tpu.memory_space<vmem>>, vector<16xf32>,
      %get3A_3547 = arith.constant 28 : i32
      %get3A_3548 = arith.index_cast %get3A_3547 : i32 to index
      %get3A_3549 = arith.constant 912 : index
      %get3A_3550 = tpu.vector_load %arg10[%get3A_3548, %get3A_3549] {strides = array<i32>} : memref<32x1024xf32, #tpu.memory_space<vmem>>, vector<16xf32>,
      %swap3A_3551 = arith.constant 28 : i32
      %swap3A_3552 = arith.index_cast %swap3A_3551 : i32 to index
      %swap3A_3553 = arith.constant 16 : index
      %swap3A_3554 = tpu.vector_load %arg12[%swap3A_3552, %swap3A_3553] {strides = array<i32>} : memref<32x104xf32, #tpu.memory_space<vmem>>, vector<16xf32>,
      tpu.vector_store %arg12[%swap3A_3552, %swap3A_3553], %get3A_3550 {strides = array<i32>} : memref<32x104xf32, #tpu.memory_space<vmem>>, vector<16xf32>,
      %get3A_3555 = arith.constant 28 : i32
      %get3A_3556 = arith.index_cast %get3A_3555 : i32 to index
      %get3A_3557 = arith.constant 928 : index
      %get3A_3558 = tpu.vector_load %arg10[%get3A_3556, %get3A_3557] {strides = array<i32>} : memref<32x1024xf32, #tpu.memory_space<vmem>>, vector<16xf32>,
      %swap3A_3559 = arith.constant 28 : i32
      %swap3A_3560 = arith.index_cast %swap3A_3559 : i32 to index
      %swap3A_3561 = arith.constant 32 : index
      %swap3A_3562 = tpu.vector_load %arg12[%swap3A_3560, %swap3A_3561] {strides = array<i32>} : memref<32x104xf32, #tpu.memory_space<vmem>>, vector<16xf32>,
      tpu.vector_store %arg12[%swap3A_3560, %swap3A_3561], %get3A_3558 {strides = array<i32>} : memref<32x104xf32, #tpu.memory_space<vmem>>, vector<16xf32>,
      %get3A_3563 = arith.constant 28 : i32
      %get3A_3564 = arith.index_cast %get3A_3563 : i32 to index
      %get3A_3565 = arith.constant 944 : index
      %get3A_3566 = tpu.vector_load %arg10[%get3A_3564, %get3A_3565] {strides = array<i32>} : memref<32x1024xf32, #tpu.memory_space<vmem>>, vector<16xf32>,
      %swap3A_3567 = arith.constant 28 : i32
      %swap3A_3568 = arith.index_cast %swap3A_3567 : i32 to index
      %swap3A_3569 = arith.constant 48 : index
      %swap3A_3570 = tpu.vector_load %arg12[%swap3A_3568, %swap3A_3569] {strides = array<i32>} : memref<32x104xf32, #tpu.memory_space<vmem>>, vector<16xf32>,
      tpu.vector_store %arg12[%swap3A_3568, %swap3A_3569], %get3A_3566 {strides = array<i32>} : memref<32x104xf32, #tpu.memory_space<vmem>>, vector<16xf32>,
      %get3A_3571 = arith.constant 28 : i32
      %get3A_3572 = arith.index_cast %get3A_3571 : i32 to index
      %get3A_3573 = arith.constant 960 : index
      %get3A_3574 = tpu.vector_load %arg10[%get3A_3572, %get3A_3573] {strides = array<i32>} : memref<32x1024xf32, #tpu.memory_space<vmem>>, vector<16xf32>,
      %swap3A_3575 = arith.constant 28 : i32
      %swap3A_3576 = arith.index_cast %swap3A_3575 : i32 to index
      %swap3A_3577 = arith.constant 64 : index
      %swap3A_3578 = tpu.vector_load %arg12[%swap3A_3576, %swap3A_3577] {strides = array<i32>} : memref<32x104xf32, #tpu.memory_space<vmem>>, vector<16xf32>,
      tpu.vector_store %arg12[%swap3A_3576, %swap3A_3577], %get3A_3574 {strides = array<i32>} : memref<32x104xf32, #tpu.memory_space<vmem>>, vector<16xf32>,
      %get3A_3579 = arith.constant 28 : i32
      %get3A_3580 = arith.index_cast %get3A_3579 : i32 to index
      %get3A_3581 = arith.constant 976 : index
      %get3A_3582 = tpu.vector_load %arg10[%get3A_3580, %get3A_3581] {strides = array<i32>} : memref<32x1024xf32, #tpu.memory_space<vmem>>, vector<16xf32>,
      %swap3A_3583 = arith.constant 28 : i32
      %swap3A_3584 = arith.index_cast %swap3A_3583 : i32 to index
      %swap3A_3585 = arith.constant 80 : index
      %swap3A_3586 = tpu.vector_load %arg12[%swap3A_3584, %swap3A_3585] {strides = array<i32>} : memref<32x104xf32, #tpu.memory_space<vmem>>, vector<16xf32>,
      tpu.vector_store %arg12[%swap3A_3584, %swap3A_3585], %get3A_3582 {strides = array<i32>} : memref<32x104xf32, #tpu.memory_space<vmem>>, vector<16xf32>,
      %get3A_3587 = arith.constant 28 : i32
      %get3A_3588 = arith.index_cast %get3A_3587 : i32 to index
      %get3A_3589 = arith.constant 984 : index
      %get3A_3590 = tpu.vector_load %arg10[%get3A_3588, %get3A_3589] {strides = array<i32>} : memref<32x1024xf32, #tpu.memory_space<vmem>>, vector<16xf32>,
      %swap3A_3591 = arith.constant 28 : i32
      %swap3A_3592 = arith.index_cast %swap3A_3591 : i32 to index
      %swap3A_3593 = arith.constant 88 : index
      %swap3A_3594 = tpu.vector_load %arg12[%swap3A_3592, %swap3A_3593] {strides = array<i32>} : memref<32x104xf32, #tpu.memory_space<vmem>>, vector<16xf32>,
      tpu.vector_store %arg12[%swap3A_3592, %swap3A_3593], %get3A_3590 {strides = array<i32>} : memref<32x104xf32, #tpu.memory_space<vmem>>, vector<16xf32>,
      %get3A_3595 = arith.constant 29 : i32
      %get3A_3596 = arith.index_cast %get3A_3595 : i32 to index
      %get3A_3597 = arith.constant 896 : index
      %get3A_3598 = tpu.vector_load %arg10[%get3A_3596, %get3A_3597] {strides = array<i32>} : memref<32x1024xf32, #tpu.memory_space<vmem>>, vector<16xf32>,
      %swap3A_3599 = arith.constant 29 : i32
      %swap3A_3600 = arith.index_cast %swap3A_3599 : i32 to index
      %swap3A_3601 = arith.constant 0 : index
      %swap3A_3602 = tpu.vector_load %arg12[%swap3A_3600, %swap3A_3601] {strides = array<i32>} : memref<32x104xf32, #tpu.memory_space<vmem>>, vector<16xf32>,
      tpu.vector_store %arg12[%swap3A_3600, %swap3A_3601], %get3A_3598 {strides = array<i32>} : memref<32x104xf32, #tpu.memory_space<vmem>>, vector<16xf32>,
      %get3A_3603 = arith.constant 29 : i32
      %get3A_3604 = arith.index_cast %get3A_3603 : i32 to index
      %get3A_3605 = arith.constant 912 : index
      %get3A_3606 = tpu.vector_load %arg10[%get3A_3604, %get3A_3605] {strides = array<i32>} : memref<32x1024xf32, #tpu.memory_space<vmem>>, vector<16xf32>,
      %swap3A_3607 = arith.constant 29 : i32
      %swap3A_3608 = arith.index_cast %swap3A_3607 : i32 to index
      %swap3A_3609 = arith.constant 16 : index
      %swap3A_3610 = tpu.vector_load %arg12[%swap3A_3608, %swap3A_3609] {strides = array<i32>} : memref<32x104xf32, #tpu.memory_space<vmem>>, vector<16xf32>,
      tpu.vector_store %arg12[%swap3A_3608, %swap3A_3609], %get3A_3606 {strides = array<i32>} : memref<32x104xf32, #tpu.memory_space<vmem>>, vector<16xf32>,
      %get3A_3611 = arith.constant 29 : i32
      %get3A_3612 = arith.index_cast %get3A_3611 : i32 to index
      %get3A_3613 = arith.constant 928 : index
      %get3A_3614 = tpu.vector_load %arg10[%get3A_3612, %get3A_3613] {strides = array<i32>} : memref<32x1024xf32, #tpu.memory_space<vmem>>, vector<16xf32>,
      %swap3A_3615 = arith.constant 29 : i32
      %swap3A_3616 = arith.index_cast %swap3A_3615 : i32 to index
      %swap3A_3617 = arith.constant 32 : index
      %swap3A_3618 = tpu.vector_load %arg12[%swap3A_3616, %swap3A_3617] {strides = array<i32>} : memref<32x104xf32, #tpu.memory_space<vmem>>, vector<16xf32>,
      tpu.vector_store %arg12[%swap3A_3616, %swap3A_3617], %get3A_3614 {strides = array<i32>} : memref<32x104xf32, #tpu.memory_space<vmem>>, vector<16xf32>,
      %get3A_3619 = arith.constant 29 : i32
      %get3A_3620 = arith.index_cast %get3A_3619 : i32 to index
      %get3A_3621 = arith.constant 944 : index
      %get3A_3622 = tpu.vector_load %arg10[%get3A_3620, %get3A_3621] {strides = array<i32>} : memref<32x1024xf32, #tpu.memory_space<vmem>>, vector<16xf32>,
      %swap3A_3623 = arith.constant 29 : i32
      %swap3A_3624 = arith.index_cast %swap3A_3623 : i32 to index
      %swap3A_3625 = arith.constant 48 : index
      %swap3A_3626 = tpu.vector_load %arg12[%swap3A_3624, %swap3A_3625] {strides = array<i32>} : memref<32x104xf32, #tpu.memory_space<vmem>>, vector<16xf32>,
      tpu.vector_store %arg12[%swap3A_3624, %swap3A_3625], %get3A_3622 {strides = array<i32>} : memref<32x104xf32, #tpu.memory_space<vmem>>, vector<16xf32>,
      %get3A_3627 = arith.constant 29 : i32
      %get3A_3628 = arith.index_cast %get3A_3627 : i32 to index
      %get3A_3629 = arith.constant 960 : index
      %get3A_3630 = tpu.vector_load %arg10[%get3A_3628, %get3A_3629] {strides = array<i32>} : memref<32x1024xf32, #tpu.memory_space<vmem>>, vector<16xf32>,
      %swap3A_3631 = arith.constant 29 : i32
      %swap3A_3632 = arith.index_cast %swap3A_3631 : i32 to index
      %swap3A_3633 = arith.constant 64 : index
      %swap3A_3634 = tpu.vector_load %arg12[%swap3A_3632, %swap3A_3633] {strides = array<i32>} : memref<32x104xf32, #tpu.memory_space<vmem>>, vector<16xf32>,
      tpu.vector_store %arg12[%swap3A_3632, %swap3A_3633], %get3A_3630 {strides = array<i32>} : memref<32x104xf32, #tpu.memory_space<vmem>>, vector<16xf32>,
      %get3A_3635 = arith.constant 29 : i32
      %get3A_3636 = arith.index_cast %get3A_3635 : i32 to index
      %get3A_3637 = arith.constant 976 : index
      %get3A_3638 = tpu.vector_load %arg10[%get3A_3636, %get3A_3637] {strides = array<i32>} : memref<32x1024xf32, #tpu.memory_space<vmem>>, vector<16xf32>,
      %swap3A_3639 = arith.constant 29 : i32
      %swap3A_3640 = arith.index_cast %swap3A_3639 : i32 to index
      %swap3A_3641 = arith.constant 80 : index
      %swap3A_3642 = tpu.vector_load %arg12[%swap3A_3640, %swap3A_3641] {strides = array<i32>} : memref<32x104xf32, #tpu.memory_space<vmem>>, vector<16xf32>,
      tpu.vector_store %arg12[%swap3A_3640, %swap3A_3641], %get3A_3638 {strides = array<i32>} : memref<32x104xf32, #tpu.memory_space<vmem>>, vector<16xf32>,
      %get3A_3643 = arith.constant 29 : i32
      %get3A_3644 = arith.index_cast %get3A_3643 : i32 to index
      %get3A_3645 = arith.constant 984 : index
      %get3A_3646 = tpu.vector_load %arg10[%get3A_3644, %get3A_3645] {strides = array<i32>} : memref<32x1024xf32, #tpu.memory_space<vmem>>, vector<16xf32>,
      %swap3A_3647 = arith.constant 29 : i32
      %swap3A_3648 = arith.index_cast %swap3A_3647 : i32 to index
      %swap3A_3649 = arith.constant 88 : index
      %swap3A_3650 = tpu.vector_load %arg12[%swap3A_3648, %swap3A_3649] {strides = array<i32>} : memref<32x104xf32, #tpu.memory_space<vmem>>, vector<16xf32>,
      tpu.vector_store %arg12[%swap3A_3648, %swap3A_3649], %get3A_3646 {strides = array<i32>} : memref<32x104xf32, #tpu.memory_space<vmem>>, vector<16xf32>,
      %get3A_3651 = arith.constant 30 : i32
      %get3A_3652 = arith.index_cast %get3A_3651 : i32 to index
      %get3A_3653 = arith.constant 896 : index
      %get3A_3654 = tpu.vector_load %arg10[%get3A_3652, %get3A_3653] {strides = array<i32>} : memref<32x1024xf32, #tpu.memory_space<vmem>>, vector<16xf32>,
      %swap3A_3655 = arith.constant 30 : i32
      %swap3A_3656 = arith.index_cast %swap3A_3655 : i32 to index
      %swap3A_3657 = arith.constant 0 : index
      %swap3A_3658 = tpu.vector_load %arg12[%swap3A_3656, %swap3A_3657] {strides = array<i32>} : memref<32x104xf32, #tpu.memory_space<vmem>>, vector<16xf32>,
      tpu.vector_store %arg12[%swap3A_3656, %swap3A_3657], %get3A_3654 {strides = array<i32>} : memref<32x104xf32, #tpu.memory_space<vmem>>, vector<16xf32>,
      %get3A_3659 = arith.constant 30 : i32
      %get3A_3660 = arith.index_cast %get3A_3659 : i32 to index
      %get3A_3661 = arith.constant 912 : index
      %get3A_3662 = tpu.vector_load %arg10[%get3A_3660, %get3A_3661] {strides = array<i32>} : memref<32x1024xf32, #tpu.memory_space<vmem>>, vector<16xf32>,
      %swap3A_3663 = arith.constant 30 : i32
      %swap3A_3664 = arith.index_cast %swap3A_3663 : i32 to index
      %swap3A_3665 = arith.constant 16 : index
      %swap3A_3666 = tpu.vector_load %arg12[%swap3A_3664, %swap3A_3665] {strides = array<i32>} : memref<32x104xf32, #tpu.memory_space<vmem>>, vector<16xf32>,
      tpu.vector_store %arg12[%swap3A_3664, %swap3A_3665], %get3A_3662 {strides = array<i32>} : memref<32x104xf32, #tpu.memory_space<vmem>>, vector<16xf32>,
      %get3A_3667 = arith.constant 30 : i32
      %get3A_3668 = arith.index_cast %get3A_3667 : i32 to index
      %get3A_3669 = arith.constant 928 : index
      %get3A_3670 = tpu.vector_load %arg10[%get3A_3668, %get3A_3669] {strides = array<i32>} : memref<32x1024xf32, #tpu.memory_space<vmem>>, vector<16xf32>,
      %swap3A_3671 = arith.constant 30 : i32
      %swap3A_3672 = arith.index_cast %swap3A_3671 : i32 to index
      %swap3A_3673 = arith.constant 32 : index
      %swap3A_3674 = tpu.vector_load %arg12[%swap3A_3672, %swap3A_3673] {strides = array<i32>} : memref<32x104xf32, #tpu.memory_space<vmem>>, vector<16xf32>,
      tpu.vector_store %arg12[%swap3A_3672, %swap3A_3673], %get3A_3670 {strides = array<i32>} : memref<32x104xf32, #tpu.memory_space<vmem>>, vector<16xf32>,
      %get3A_3675 = arith.constant 30 : i32
      %get3A_3676 = arith.index_cast %get3A_3675 : i32 to index
      %get3A_3677 = arith.constant 944 : index
      %get3A_3678 = tpu.vector_load %arg10[%get3A_3676, %get3A_3677] {strides = array<i32>} : memref<32x1024xf32, #tpu.memory_space<vmem>>, vector<16xf32>,
      %swap3A_3679 = arith.constant 30 : i32
      %swap3A_3680 = arith.index_cast %swap3A_3679 : i32 to index
      %swap3A_3681 = arith.constant 48 : index
      %swap3A_3682 = tpu.vector_load %arg12[%swap3A_3680, %swap3A_3681] {strides = array<i32>} : memref<32x104xf32, #tpu.memory_space<vmem>>, vector<16xf32>,
      tpu.vector_store %arg12[%swap3A_3680, %swap3A_3681], %get3A_3678 {strides = array<i32>} : memref<32x104xf32, #tpu.memory_space<vmem>>, vector<16xf32>,
      %get3A_3683 = arith.constant 30 : i32
      %get3A_3684 = arith.index_cast %get3A_3683 : i32 to index
      %get3A_3685 = arith.constant 960 : index
      %get3A_3686 = tpu.vector_load %arg10[%get3A_3684, %get3A_3685] {strides = array<i32>} : memref<32x1024xf32, #tpu.memory_space<vmem>>, vector<16xf32>,
      %swap3A_3687 = arith.constant 30 : i32
      %swap3A_3688 = arith.index_cast %swap3A_3687 : i32 to index
      %swap3A_3689 = arith.constant 64 : index
      %swap3A_3690 = tpu.vector_load %arg12[%swap3A_3688, %swap3A_3689] {strides = array<i32>} : memref<32x104xf32, #tpu.memory_space<vmem>>, vector<16xf32>,
      tpu.vector_store %arg12[%swap3A_3688, %swap3A_3689], %get3A_3686 {strides = array<i32>} : memref<32x104xf32, #tpu.memory_space<vmem>>, vector<16xf32>,
      %get3A_3691 = arith.constant 30 : i32
      %get3A_3692 = arith.index_cast %get3A_3691 : i32 to index
      %get3A_3693 = arith.constant 976 : index
      %get3A_3694 = tpu.vector_load %arg10[%get3A_3692, %get3A_3693] {strides = array<i32>} : memref<32x1024xf32, #tpu.memory_space<vmem>>, vector<16xf32>,
      %swap3A_3695 = arith.constant 30 : i32
      %swap3A_3696 = arith.index_cast %swap3A_3695 : i32 to index
      %swap3A_3697 = arith.constant 80 : index
      %swap3A_3698 = tpu.vector_load %arg12[%swap3A_3696, %swap3A_3697] {strides = array<i32>} : memref<32x104xf32, #tpu.memory_space<vmem>>, vector<16xf32>,
      tpu.vector_store %arg12[%swap3A_3696, %swap3A_3697], %get3A_3694 {strides = array<i32>} : memref<32x104xf32, #tpu.memory_space<vmem>>, vector<16xf32>,
      %get3A_3699 = arith.constant 30 : i32
      %get3A_3700 = arith.index_cast %get3A_3699 : i32 to index
      %get3A_3701 = arith.constant 984 : index
      %get3A_3702 = tpu.vector_load %arg10[%get3A_3700, %get3A_3701] {strides = array<i32>} : memref<32x1024xf32, #tpu.memory_space<vmem>>, vector<16xf32>,
      %swap3A_3703 = arith.constant 30 : i32
      %swap3A_3704 = arith.index_cast %swap3A_3703 : i32 to index
      %swap3A_3705 = arith.constant 88 : index
      %swap3A_3706 = tpu.vector_load %arg12[%swap3A_3704, %swap3A_3705] {strides = array<i32>} : memref<32x104xf32, #tpu.memory_space<vmem>>, vector<16xf32>,
      tpu.vector_store %arg12[%swap3A_3704, %swap3A_3705], %get3A_3702 {strides = array<i32>} : memref<32x104xf32, #tpu.memory_space<vmem>>, vector<16xf32>,
      %get3A_3707 = arith.constant 31 : i32
      %get3A_3708 = arith.index_cast %get3A_3707 : i32 to index
      %get3A_3709 = arith.constant 896 : index
      %get3A_3710 = tpu.vector_load %arg10[%get3A_3708, %get3A_3709] {strides = array<i32>} : memref<32x1024xf32, #tpu.memory_space<vmem>>, vector<16xf32>,
      %swap3A_3711 = arith.constant 31 : i32
      %swap3A_3712 = arith.index_cast %swap3A_3711 : i32 to index
      %swap3A_3713 = arith.constant 0 : index
      %swap3A_3714 = tpu.vector_load %arg12[%swap3A_3712, %swap3A_3713] {strides = array<i32>} : memref<32x104xf32, #tpu.memory_space<vmem>>, vector<16xf32>,
      tpu.vector_store %arg12[%swap3A_3712, %swap3A_3713], %get3A_3710 {strides = array<i32>} : memref<32x104xf32, #tpu.memory_space<vmem>>, vector<16xf32>,
      %get3A_3715 = arith.constant 31 : i32
      %get3A_3716 = arith.index_cast %get3A_3715 : i32 to index
      %get3A_3717 = arith.constant 912 : index
      %get3A_3718 = tpu.vector_load %arg10[%get3A_3716, %get3A_3717] {strides = array<i32>} : memref<32x1024xf32, #tpu.memory_space<vmem>>, vector<16xf32>,
      %swap3A_3719 = arith.constant 31 : i32
      %swap3A_3720 = arith.index_cast %swap3A_3719 : i32 to index
      %swap3A_3721 = arith.constant 16 : index
      %swap3A_3722 = tpu.vector_load %arg12[%swap3A_3720, %swap3A_3721] {strides = array<i32>} : memref<32x104xf32, #tpu.memory_space<vmem>>, vector<16xf32>,
      tpu.vector_store %arg12[%swap3A_3720, %swap3A_3721], %get3A_3718 {strides = array<i32>} : memref<32x104xf32, #tpu.memory_space<vmem>>, vector<16xf32>,
      %get3A_3723 = arith.constant 31 : i32
      %get3A_3724 = arith.index_cast %get3A_3723 : i32 to index
      %get3A_3725 = arith.constant 928 : index
      %get3A_3726 = tpu.vector_load %arg10[%get3A_3724, %get3A_3725] {strides = array<i32>} : memref<32x1024xf32, #tpu.memory_space<vmem>>, vector<16xf32>,
      %swap3A_3727 = arith.constant 31 : i32
      %swap3A_3728 = arith.index_cast %swap3A_3727 : i32 to index
      %swap3A_3729 = arith.constant 32 : index
      %swap3A_3730 = tpu.vector_load %arg12[%swap3A_3728, %swap3A_3729] {strides = array<i32>} : memref<32x104xf32, #tpu.memory_space<vmem>>, vector<16xf32>,
      tpu.vector_store %arg12[%swap3A_3728, %swap3A_3729], %get3A_3726 {strides = array<i32>} : memref<32x104xf32, #tpu.memory_space<vmem>>, vector<16xf32>,
      %get3A_3731 = arith.constant 31 : i32
      %get3A_3732 = arith.index_cast %get3A_3731 : i32 to index
      %get3A_3733 = arith.constant 944 : index
      %get3A_3734 = tpu.vector_load %arg10[%get3A_3732, %get3A_3733] {strides = array<i32>} : memref<32x1024xf32, #tpu.memory_space<vmem>>, vector<16xf32>,
      %swap3A_3735 = arith.constant 31 : i32
      %swap3A_3736 = arith.index_cast %swap3A_3735 : i32 to index
      %swap3A_3737 = arith.constant 48 : index
      %swap3A_3738 = tpu.vector_load %arg12[%swap3A_3736, %swap3A_3737] {strides = array<i32>} : memref<32x104xf32, #tpu.memory_space<vmem>>, vector<16xf32>,
      tpu.vector_store %arg12[%swap3A_3736, %swap3A_3737], %get3A_3734 {strides = array<i32>} : memref<32x104xf32, #tpu.memory_space<vmem>>, vector<16xf32>,
      %get3A_3739 = arith.constant 31 : i32
      %get3A_3740 = arith.index_cast %get3A_3739 : i32 to index
      %get3A_3741 = arith.constant 960 : index
      %get3A_3742 = tpu.vector_load %arg10[%get3A_3740, %get3A_3741] {strides = array<i32>} : memref<32x1024xf32, #tpu.memory_space<vmem>>, vector<16xf32>,
      %swap3A_3743 = arith.constant 31 : i32
      %swap3A_3744 = arith.index_cast %swap3A_3743 : i32 to index
      %swap3A_3745 = arith.constant 64 : index
      %swap3A_3746 = tpu.vector_load %arg12[%swap3A_3744, %swap3A_3745] {strides = array<i32>} : memref<32x104xf32, #tpu.memory_space<vmem>>, vector<16xf32>,
      tpu.vector_store %arg12[%swap3A_3744, %swap3A_3745], %get3A_3742 {strides = array<i32>} : memref<32x104xf32, #tpu.memory_space<vmem>>, vector<16xf32>,
      %get3A_3747 = arith.constant 31 : i32
      %get3A_3748 = arith.index_cast %get3A_3747 : i32 to index
      %get3A_3749 = arith.constant 976 : index
      %get3A_3750 = tpu.vector_load %arg10[%get3A_3748, %get3A_3749] {strides = array<i32>} : memref<32x1024xf32, #tpu.memory_space<vmem>>, vector<16xf32>,
      %swap3A_3751 = arith.constant 31 : i32
      %swap3A_3752 = arith.index_cast %swap3A_3751 : i32 to index
      %swap3A_3753 = arith.constant 80 : index
      %swap3A_3754 = tpu.vector_load %arg12[%swap3A_3752, %swap3A_3753] {strides = array<i32>} : memref<32x104xf32, #tpu.memory_space<vmem>>, vector<16xf32>,
      tpu.vector_store %arg12[%swap3A_3752, %swap3A_3753], %get3A_3750 {strides = array<i32>} : memref<32x104xf32, #tpu.memory_space<vmem>>, vector<16xf32>,
      %get3A_3755 = arith.constant 31 : i32
      %get3A_3756 = arith.index_cast %get3A_3755 : i32 to index
      %get3A_3757 = arith.constant 984 : index
      %get3A_3758 = tpu.vector_load %arg10[%get3A_3756, %get3A_3757] {strides = array<i32>} : memref<32x1024xf32, #tpu.memory_space<vmem>>, vector<16xf32>,
      %swap3A_3759 = arith.constant 31 : i32
      %swap3A_3760 = arith.index_cast %swap3A_3759 : i32 to index
      %swap3A_3761 = arith.constant 88 : index
      %swap3A_3762 = tpu.vector_load %arg12[%swap3A_3760, %swap3A_3761] {strides = array<i32>} : memref<32x104xf32, #tpu.memory_space<vmem>>, vector<16xf32>,
      tpu.vector_store %arg12[%swap3A_3760, %swap3A_3761], %get3A_3758 {strides = array<i32>} : memref<32x104xf32, #tpu.memory_space<vmem>>, vector<16xf32>,
      %mul3A_3763 = arith.constant 32 : i32
      %mul3A_3764 = arith.muli %add3A_1919, %mul3A_3763 : i32
      %add3A_3765 = arith.addi %mul3A_2, %mul3A_3764 : i32
      %dma_start3A_3766 = arith.constant 896 : i32
      %dma_start3A_3767 = tpu.memref_slice %arg5[%add3A_3765, %dma_start3A_3766] : memref<65536x1000xf32, #tpu.memory_space<hbm>> -> memref<32x104xf32, #tpu.memory_space<hbm>>
      %dma_start3A_3768 = arith.constant 896 : i32
      %dma_start3A_3769 = tpu.memref_slice %arg5[%add3A_3765, %dma_start3A_3768] : memref<65536x1000xf32, #tpu.memory_space<hbm>> -> memref<32x104xf32, #tpu.memory_space<hbm>>
      tpu.enqueue_dma source(%arg12 : memref<32x104xf32, #tpu.memory_space<vmem>>) target(%dma_start3A_3769 : memref<32x104xf32, #tpu.memory_space<hbm>>) target_semaphore(%arg17 : memref<!tpu.dma_semaphore, #tpu.memory_space<semaphore_mem>>)
      %add3A_3770 = arith.constant 2 : i32
      %add3A_3771 = arith.addi %add3A_57, %add3A_3770 : i32
      %lt3A = arith.constant 64 : i32
      %lt3A_3772 = arith.cmpi slt, %add3A_3771, %lt3A : i32
      %convert_element_type3A = arith.extui %lt3A_3772 : i1 to i32
      %cond3A = arith.constant 0 : i32
      %cond3A_3773 = arith.cmpi ne, %convert_element_type3A, %cond3A : i32
      scf.if %cond3A_3773 {
        %mul3A_3774 = arith.constant 32 : i32
        %mul3A_3775 = arith.muli %add3A_57, %mul3A_3774 : i32
        %add3A_3776 = arith.addi %mul3A_2, %mul3A_3775 : i32
        %dma_wait3A_3777 = arith.constant 0 : i32
        %dma_wait3A_3778 = arith.constant 0 : i32
        %dma_wait3A_3779 = tpu.memref_slice %arg9[%dma_wait3A_3777, %dma_wait3A_3778] : memref<32x1024xf32, #tpu.memory_space<vmem>> -> memref<32x896xf32, #tpu.memory_space<vmem>>
        %dma_wait3A_3780 = arith.constant 0 : i32
        %dma_wait3A_3781 = tpu.memref_slice %arg5[%add3A_3776, %dma_wait3A_3780] : memref<65536x1000xf32, #tpu.memory_space<hbm>> -> memref<32x896xf32, #tpu.memory_space<hbm>>
        %dma_wait3A_3782 = arith.constant 0 : i32
        %dma_wait3A_3783 = tpu.memref_slice %arg5[%add3A_3776, %dma_wait3A_3782] : memref<65536x1000xf32, #tpu.memory_space<hbm>> -> memref<32x896xf32, #tpu.memory_space<hbm>>
        %dma_wait3A_3784 = arith.constant 0 : i32
        %dma_wait3A_3785 = arith.constant 0 : i32
        %dma_wait3A_3786 = tpu.memref_slice %arg9[%dma_wait3A_3784, %dma_wait3A_3785] : memref<32x1024xf32, #tpu.memory_space<vmem>> -> memref<32x896xf32, #tpu.memory_space<vmem>>
        tpu.wait_dma2 semaphore(%arg16 : memref<!tpu.dma_semaphore, #tpu.memory_space<semaphore_mem>>) src(%dma_wait3A_3786 : memref<32x896xf32, #tpu.memory_space<vmem>>) dst(%dma_wait3A_3783 : memref<32x896xf32, #tpu.memory_space<hbm>>)
        %mul3A_3787 = arith.constant 32 : i32
        %mul3A_3788 = arith.muli %add3A_57, %mul3A_3787 : i32
        %add3A_3789 = arith.addi %mul3A_2, %mul3A_3788 : i32
        %dma_wait3A_3790 = arith.constant 896 : i32
        %dma_wait3A_3791 = tpu.memref_slice %arg5[%add3A_3789, %dma_wait3A_3790] : memref<65536x1000xf32, #tpu.memory_space<hbm>> -> memref<32x104xf32, #tpu.memory_space<hbm>>
        %dma_wait3A_3792 = arith.constant 896 : i32
        %dma_wait3A_3793 = tpu.memref_slice %arg5[%add3A_3789, %dma_wait3A_3792] : memref<65536x1000xf32, #tpu.memory_space<hbm>> -> memref<32x104xf32, #tpu.memory_space<hbm>>
        tpu.wait_dma2 semaphore(%arg16 : memref<!tpu.dma_semaphore, #tpu.memory_space<semaphore_mem>>) src(%arg11 : memref<32x104xf32, #tpu.memory_space<vmem>>) dst(%dma_wait3A_3793 : memref<32x104xf32, #tpu.memory_space<hbm>>)
        %add3A_3794 = arith.constant 2 : i32
        %add3A_3795 = arith.addi %add3A_57, %add3A_3794 : i32
        %mul3A_3796 = arith.constant 32 : i32
        %mul3A_3797 = arith.muli %add3A_3795, %mul3A_3796 : i32
        %dma_start3A_3798 = tpu.memref_slice %arg7[%mul3A_3797] : memref<2048xi32, #tpu.memory_space<vmem>> -> memref<32xi32, #tpu.memory_space<vmem>>
        %dma_start3A_3799 = arith.constant 0 : i32
        %dma_start3A_3800 = arith.constant 0 : i32
        %dma_start3A_3801 = tpu.memref_slice %arg2[%dma_start3A_3799, %dma_start3A_3800] : memref<1000x1024xf32, #tpu.memory_space<hbm>> -> memref<1000x1024xf32, #tpu.memory_space<hbm>>
        tpu.enqueue_indirect_dma source(%dma_start3A_3801 : memref<1000x1024xf32, #tpu.memory_space<hbm>>) target(%arg9 : memref<32x1024xf32, #tpu.memory_space<vmem>>) offsets(%dma_start3A_3798 : memref<32xi32, #tpu.memory_space<vmem>>) semaphore(%arg14 : memref<!tpu.dma_semaphore, #tpu.memory_space<semaphore_mem>>)
        %add3A_3802 = arith.constant 1 : i32
        %add3A_3803 = arith.addi %add3A_57, %add3A_3802 : i32
        %mul3A_3804 = arith.constant 32 : i32
        %mul3A_3805 = arith.muli %add3A_3803, %mul3A_3804 : i32
        %add3A_3806 = arith.addi %mul3A_2, %mul3A_3805 : i32
        %dma_wait3A_3807 = arith.constant 0 : i32
        %dma_wait3A_3808 = arith.constant 0 : i32
        %dma_wait3A_3809 = tpu.memref_slice %arg10[%dma_wait3A_3807, %dma_wait3A_3808] : memref<32x1024xf32, #tpu.memory_space<vmem>> -> memref<32x896xf32, #tpu.memory_space<vmem>>
        %dma_wait3A_3810 = arith.constant 0 : i32
        %dma_wait3A_3811 = tpu.memref_slice %arg5[%add3A_3806, %dma_wait3A_3810] : memref<65536x1000xf32, #tpu.memory_space<hbm>> -> memref<32x896xf32, #tpu.memory_space<hbm>>
        %dma_wait3A_3812 = arith.constant 0 : i32
        %dma_wait3A_3813 = tpu.memref_slice %arg5[%add3A_3806, %dma_wait3A_3812] : memref<65536x1000xf32, #tpu.memory_space<hbm>> -> memref<32x896xf32, #tpu.memory_space<hbm>>
        %dma_wait3A_3814 = arith.constant 0 : i32
        %dma_wait3A_3815 = arith.constant 0 : i32
        %dma_wait3A_3816 = tpu.memref_slice %arg10[%dma_wait3A_3814, %dma_wait3A_3815] : memref<32x1024xf32, #tpu.memory_space<vmem>> -> memref<32x896xf32, #tpu.memory_space<vmem>>
        tpu.wait_dma2 semaphore(%arg17 : memref<!tpu.dma_semaphore, #tpu.memory_space<semaphore_mem>>) src(%dma_wait3A_3816 : memref<32x896xf32, #tpu.memory_space<vmem>>) dst(%dma_wait3A_3813 : memref<32x896xf32, #tpu.memory_space<hbm>>)
        %mul3A_3817 = arith.constant 32 : i32
        %mul3A_3818 = arith.muli %add3A_3803, %mul3A_3817 : i32
        %add3A_3819 = arith.addi %mul3A_2, %mul3A_3818 : i32
        %dma_wait3A_3820 = arith.constant 896 : i32
        %dma_wait3A_3821 = tpu.memref_slice %arg5[%add3A_3819, %dma_wait3A_3820] : memref<65536x1000xf32, #tpu.memory_space<hbm>> -> memref<32x104xf32, #tpu.memory_space<hbm>>
        %dma_wait3A_3822 = arith.constant 896 : i32
        %dma_wait3A_3823 = tpu.memref_slice %arg5[%add3A_3819, %dma_wait3A_3822] : memref<65536x1000xf32, #tpu.memory_space<hbm>> -> memref<32x104xf32, #tpu.memory_space<hbm>>
        tpu.wait_dma2 semaphore(%arg17 : memref<!tpu.dma_semaphore, #tpu.memory_space<semaphore_mem>>) src(%arg12 : memref<32x104xf32, #tpu.memory_space<vmem>>) dst(%dma_wait3A_3823 : memref<32x104xf32, #tpu.memory_space<hbm>>)
        %add3A_3824 = arith.constant 3 : i32
        %add3A_3825 = arith.addi %add3A_57, %add3A_3824 : i32
        %mul3A_3826 = arith.constant 32 : i32
        %mul3A_3827 = arith.muli %add3A_3825, %mul3A_3826 : i32
        %dma_start3A_3828 = tpu.memref_slice %arg7[%mul3A_3827] : memref<2048xi32, #tpu.memory_space<vmem>> -> memref<32xi32, #tpu.memory_space<vmem>>
        %dma_start3A_3829 = arith.constant 0 : i32
        %dma_start3A_3830 = arith.constant 0 : i32
        %dma_start3A_3831 = tpu.memref_slice %arg2[%dma_start3A_3829, %dma_start3A_3830] : memref<1000x1024xf32, #tpu.memory_space<hbm>> -> memref<1000x1024xf32, #tpu.memory_space<hbm>>
        tpu.enqueue_indirect_dma source(%dma_start3A_3831 : memref<1000x1024xf32, #tpu.memory_space<hbm>>) target(%arg10 : memref<32x1024xf32, #tpu.memory_space<vmem>>) offsets(%dma_start3A_3828 : memref<32xi32, #tpu.memory_space<vmem>>) semaphore(%arg15 : memref<!tpu.dma_semaphore, #tpu.memory_space<semaphore_mem>>)
      } else {
      }
    }
    %scan3A_17 = arith.constant 32 : i32
    %add3A_18 = arith.constant 1984 : i32
    %add3A_19 = arith.addi %mul3A_2, %add3A_18 : i32
    %dma_wait3A = arith.constant 0 : i32
    %dma_wait3A_20 = arith.constant 0 : i32
    %dma_wait3A_21 = tpu.memref_slice %arg9[%dma_wait3A, %dma_wait3A_20] : memref<32x1024xf32, #tpu.memory_space<vmem>> -> memref<32x896xf32, #tpu.memory_space<vmem>>
    %dma_wait3A_22 = arith.constant 0 : i32
    %dma_wait3A_23 = tpu.memref_slice %arg5[%add3A_19, %dma_wait3A_22] : memref<65536x1000xf32, #tpu.memory_space<hbm>> -> memref<32x896xf32, #tpu.memory_space<hbm>>
    %dma_wait3A_24 = arith.constant 0 : i32
    %dma_wait3A_25 = tpu.memref_slice %arg5[%add3A_19, %dma_wait3A_24] : memref<65536x1000xf32, #tpu.memory_space<hbm>> -> memref<32x896xf32, #tpu.memory_space<hbm>>
    %dma_wait3A_26 = arith.constant 0 : i32
    %dma_wait3A_27 = arith.constant 0 : i32
    %dma_wait3A_28 = tpu.memref_slice %arg9[%dma_wait3A_26, %dma_wait3A_27] : memref<32x1024xf32, #tpu.memory_space<vmem>> -> memref<32x896xf32, #tpu.memory_space<vmem>>
    tpu.wait_dma2 semaphore(%arg16 : memref<!tpu.dma_semaphore, #tpu.memory_space<semaphore_mem>>) src(%dma_wait3A_28 : memref<32x896xf32, #tpu.memory_space<vmem>>) dst(%dma_wait3A_25 : memref<32x896xf32, #tpu.memory_space<hbm>>)
    %add3A_29 = arith.constant 1984 : i32
    %add3A_30 = arith.addi %mul3A_2, %add3A_29 : i32
    %dma_wait3A_31 = arith.constant 896 : i32
    %dma_wait3A_32 = tpu.memref_slice %arg5[%add3A_30, %dma_wait3A_31] : memref<65536x1000xf32, #tpu.memory_space<hbm>> -> memref<32x104xf32, #tpu.memory_space<hbm>>
    %dma_wait3A_33 = arith.constant 896 : i32
    %dma_wait3A_34 = tpu.memref_slice %arg5[%add3A_30, %dma_wait3A_33] : memref<65536x1000xf32, #tpu.memory_space<hbm>> -> memref<32x104xf32, #tpu.memory_space<hbm>>
    tpu.wait_dma2 semaphore(%arg16 : memref<!tpu.dma_semaphore, #tpu.memory_space<semaphore_mem>>) src(%arg11 : memref<32x104xf32, #tpu.memory_space<vmem>>) dst(%dma_wait3A_34 : memref<32x104xf32, #tpu.memory_space<hbm>>)
    %add3A_35 = arith.constant 2016 : i32
    %add3A_36 = arith.addi %mul3A_2, %add3A_35 : i32
    %dma_wait3A_37 = arith.constant 0 : i32
    %dma_wait3A_38 = arith.constant 0 : i32
    %dma_wait3A_39 = tpu.memref_slice %arg10[%dma_wait3A_37, %dma_wait3A_38] : memref<32x1024xf32, #tpu.memory_space<vmem>> -> memref<32x896xf32, #tpu.memory_space<vmem>>
    %dma_wait3A_40 = arith.constant 0 : i32
    %dma_wait3A_41 = tpu.memref_slice %arg5[%add3A_36, %dma_wait3A_40] : memref<65536x1000xf32, #tpu.memory_space<hbm>> -> memref<32x896xf32, #tpu.memory_space<hbm>>
    %dma_wait3A_42 = arith.constant 0 : i32
    %dma_wait3A_43 = tpu.memref_slice %arg5[%add3A_36, %dma_wait3A_42] : memref<65536x1000xf32, #tpu.memory_space<hbm>> -> memref<32x896xf32, #tpu.memory_space<hbm>>
    %dma_wait3A_44 = arith.constant 0 : i32
    %dma_wait3A_45 = arith.constant 0 : i32
    %dma_wait3A_46 = tpu.memref_slice %arg10[%dma_wait3A_44, %dma_wait3A_45] : memref<32x1024xf32, #tpu.memory_space<vmem>> -> memref<32x896xf32, #tpu.memory_space<vmem>>
    tpu.wait_dma2 semaphore(%arg17 : memref<!tpu.dma_semaphore, #tpu.memory_space<semaphore_mem>>) src(%dma_wait3A_46 : memref<32x896xf32, #tpu.memory_space<vmem>>) dst(%dma_wait3A_43 : memref<32x896xf32, #tpu.memory_space<hbm>>)
    %add3A_47 = arith.constant 2016 : i32
    %add3A_48 = arith.addi %mul3A_2, %add3A_47 : i32
    %dma_wait3A_49 = arith.constant 896 : i32
    %dma_wait3A_50 = tpu.memref_slice %arg5[%add3A_48, %dma_wait3A_49] : memref<65536x1000xf32, #tpu.memory_space<hbm>> -> memref<32x104xf32, #tpu.memory_space<hbm>>
    %dma_wait3A_51 = arith.constant 896 : i32
    %dma_wait3A_52 = tpu.memref_slice %arg5[%add3A_48, %dma_wait3A_51] : memref<65536x1000xf32, #tpu.memory_space<hbm>> -> memref<32x104xf32, #tpu.memory_space<hbm>>
    tpu.wait_dma2 semaphore(%arg17 : memref<!tpu.dma_semaphore, #tpu.memory_space<semaphore_mem>>) src(%arg12 : memref<32x104xf32, #tpu.memory_space<vmem>>) dst(%dma_wait3A_52 : memref<32x104xf32, #tpu.memory_space<hbm>>)
    "tpu.region"() ({
      %run_scoped3A = tpu.sem_alloc : memref<!tpu.dma_semaphore, #tpu.memory_space<semaphore_mem>>
      %dma_start3A_53 = arith.constant 0 : i32
      %dma_start3A_54 = tpu.memref_slice %arg6[%add3A, %dma_start3A_53] : memref<32x16xf32, #tpu.memory_space<hbm>> -> memref<1x16xf32, #tpu.memory_space<hbm>>
      %dma_start3A_55 = tpu.memref_squeeze %dma_start3A_54 : memref<1x16xf32, #tpu.memory_space<hbm>> -> memref<16xf32, #tpu.memory_space<hbm>>
      %dma_start3A_56 = arith.constant 0 : i32
      %dma_start3A_57 = tpu.memref_slice %arg6[%add3A, %dma_start3A_56] : memref<32x16xf32, #tpu.memory_space<hbm>> -> memref<1x16xf32, #tpu.memory_space<hbm>>
      %dma_start3A_58 = tpu.memref_squeeze %dma_start3A_57 : memref<1x16xf32, #tpu.memory_space<hbm>> -> memref<16xf32, #tpu.memory_space<hbm>>
      tpu.enqueue_dma source(%arg13 : memref<16xf32, #tpu.memory_space<vmem>>) target(%dma_start3A_58 : memref<16xf32, #tpu.memory_space<hbm>>) target_semaphore(%run_scoped3A : memref<!tpu.dma_semaphore, #tpu.memory_space<semaphore_mem>>)
      %dma_wait3A_59 = arith.constant 0 : i32
      %dma_wait3A_60 = tpu.memref_slice %arg6[%add3A, %dma_wait3A_59] : memref<32x16xf32, #tpu.memory_space<hbm>> -> memref<1x16xf32, #tpu.memory_space<hbm>>
      %dma_wait3A_61 = tpu.memref_squeeze %dma_wait3A_60 : memref<1x16xf32, #tpu.memory_space<hbm>> -> memref<16xf32, #tpu.memory_space<hbm>>
      %dma_wait3A_62 = arith.constant 0 : i32
      %dma_wait3A_63 = tpu.memref_slice %arg6[%add3A, %dma_wait3A_62] : memref<32x16xf32, #tpu.memory_space<hbm>> -> memref<1x16xf32, #tpu.memory_space<hbm>>
      %dma_wait3A_64 = tpu.memref_squeeze %dma_wait3A_63 : memref<1x16xf32, #tpu.memory_space<hbm>> -> memref<16xf32, #tpu.memory_space<hbm>>
      tpu.wait_dma2 semaphore(%run_scoped3A : memref<!tpu.dma_semaphore, #tpu.memory_space<semaphore_mem>>) src(%arg13 : memref<16xf32, #tpu.memory_space<vmem>>) dst(%dma_wait3A_64 : memref<16xf32, #tpu.memory_space<hbm>>)
      tpu.yield
    }) : () -> ()
    return
  }
}

module attributes {stable_mosaic.version = 14 : i64} {
  func.func @_loss_body(%arg0: memref<32x16xf32, #tpu.memory_space<vmem>>, %arg1: memref<1x1xf32, #tpu.memory_space<vmem>>) attributes {dimension_semantics = [], scalar_prefetch = 0 : i64, scratch_operands = 0 : i64, tpu.core_type = #tpu.core_type<tc>} {
    %get3A = arith.constant 0 : index
    %get3A_0 = arith.constant 0 : index
    %get3A_1 = vector.load %arg0[%get3A, %get3A_0] : memref<32x16xf32, #tpu.memory_space<vmem>>, vector<32x16xf32>
    %reduce_sum3A = vector.shape_cast %get3A_1 : vector<32x16xf32> to vector<1x32x16xf32>
    %reduce_sum3A_2 = arith.constant dense<0.000000e+00> : vector<1xf32>
    %reduce_sum3A_3 = vector.multi_reduction <add>, %reduce_sum3A, %reduce_sum3A_2 [1, 2] : vector<1x32x16xf32> to vector<1xf32>
    %reduce_sum3A_4 = vector.shape_cast %reduce_sum3A_3 : vector<1xf32> to vector<1x1x1xf32>
    %reduce_sum3A_5 = vector.extract %reduce_sum3A_4[0, 0, 0] : f32 from vector<1x1x1xf32>
    %broadcast_in_dim3A = vector.broadcast %reduce_sum3A_5 : f32 to vector<1x1xf32>
    %mul3A = arith.constant 1.52587891E-5 : f32
    %mul3A_6 = vector.broadcast %mul3A : f32 to vector<1x1xf32>
    %mul3A_7 = arith.mulf %broadcast_in_dim3A, %mul3A_6 : vector<1x1xf32>
    %swap3A = arith.constant 0 : index
    %swap3A_8 = arith.constant 0 : index
    %swap3A_9 = vector.load %arg1[%swap3A, %swap3A_8] : memref<1x1xf32, #tpu.memory_space<vmem>>, vector<1x1xf32>
    tpu.vector_store %arg1[%swap3A, %swap3A_8], %mul3A_7 {strides = array<i32>} : memref<1x1xf32, #tpu.memory_space<vmem>>, vector<1x1xf32>,
    return
  }
}

module attributes {stable_mosaic.version = 14 : i64} {
  func.func @_table_body(%arg0: i32, %arg1: memref<40x128xf32, #tpu.memory_space<vmem>>, %arg2: memref<128x1000xf32, #tpu.memory_space<vmem>>, %arg3: memref<1x1000xf32, #tpu.memory_space<vmem>>, %arg4: memref<40x1024xf32, #tpu.memory_space<vmem>>) attributes {dimension_semantics = [#tpu.dimension_semantics<arbitrary>], iteration_bounds = array<i64: 25>, scalar_prefetch = 0 : i64, scratch_operands = 0 : i64, tpu.core_type = #tpu.core_type<tc>, window_params = [{transform_indices = @transform_0, window_bounds = array<i64: 40, 128>}, {pipeline_mode = #tpu.pipeline_mode<synchronous>, transform_indices = @transform_1, window_bounds = array<i64: 128, 1000>}, {pipeline_mode = #tpu.pipeline_mode<synchronous>, transform_indices = @transform_2, window_bounds = array<i64: 1, 1000>}, {transform_indices = @transform_3, window_bounds = array<i64: 40, 1024>}]} {
    %get3A = arith.constant 0 : index
    %get3A_0 = arith.constant 0 : index
    %get3A_1 = vector.load %arg1[%get3A, %get3A_0] : memref<40x128xf32, #tpu.memory_space<vmem>>, vector<40x128xf32>
    %get3A_2 = arith.constant 0 : index
    %get3A_3 = arith.constant 0 : index
    %get3A_4 = vector.load %arg2[%get3A_2, %get3A_3] : memref<128x1000xf32, #tpu.memory_space<vmem>>, vector<128x1000xf32>
    %dot_general3A = arith.constant dense<0.000000e+00> : vector<40x1000xf32>
    %dot_general3A_5 = tpu.matmul %get3A_1, %get3A_4, %dot_general3A {dimension_numbers = #tpu.dot_dimension_numbers<[1], [0], [0], [1], [0, 0, 1, 1], [], []>, transpose_lhs_hint = false} : vector<40x128xf32>, vector<128x1000xf32>, vector<40x1000xf32> -> vector<40x1000xf32>
    %get3A_6 = arith.constant 0 : index
    %get3A_7 = arith.constant 0 : index
    %get3A_8 = vector.load %arg3[%get3A_6, %get3A_7] : memref<1x1000xf32, #tpu.memory_space<vmem>>, vector<1x1000xf32>
    %add3A = vector.broadcast %get3A_8 : vector<1x1000xf32> to vector<40x1000xf32>
    %add3A_9 = arith.addf %dot_general3A_5, %add3A : vector<40x1000xf32>
    %reduce_max3A = arith.constant dense<0xFF800000> : vector<40xf32>
    %reduce_max3A_10 = vector.multi_reduction <maximumf>, %add3A_9, %reduce_max3A [1] : vector<40x1000xf32> to vector<40xf32>
    %broadcast_in_dim3A = vector.shape_cast %reduce_max3A_10 : vector<40xf32> to vector<40x1xf32>
    %sub3A = vector.broadcast %broadcast_in_dim3A : vector<40x1xf32> to vector<40x1000xf32>
    %sub3A_11 = arith.subf %add3A_9, %sub3A : vector<40x1000xf32>
    %exp3A = math.exp %sub3A_11 : vector<40x1000xf32>
    %reduce_sum3A = arith.constant dense<0.000000e+00> : vector<40xf32>
    %reduce_sum3A_12 = vector.multi_reduction <add>, %exp3A, %reduce_sum3A [1] : vector<40x1000xf32> to vector<40xf32>
    %broadcast_in_dim3A_13 = vector.shape_cast %reduce_sum3A_12 : vector<40xf32> to vector<40x1xf32>
    %log3A = math.log %broadcast_in_dim3A_13 : vector<40x1xf32>
    %add3A_14 = arith.addf %broadcast_in_dim3A, %log3A : vector<40x1xf32>
    %broadcast_in_dim3A_15 = arith.constant 0.000000e+00 : f32
    %broadcast_in_dim3A_16 = vector.broadcast %broadcast_in_dim3A_15 : f32 to vector<40x23xf32>
    %concatenate3A = tpu.concatenate %add3A_9, %add3A_14, %broadcast_in_dim3A_16 in 1 : vector<40x1000xf32>, vector<40x1xf32>, vector<40x23xf32> -> vector<40x1024xf32>
    %swap3A = arith.constant 0 : index
    %swap3A_17 = arith.constant 0 : index
    %swap3A_18 = vector.load %arg4[%swap3A, %swap3A_17] : memref<40x1024xf32, #tpu.memory_space<vmem>>, vector<40x1024xf32>
    tpu.vector_store %arg4[%swap3A, %swap3A_17], %concatenate3A {strides = array<i32>} : memref<40x1024xf32, #tpu.memory_space<vmem>>, vector<40x1024xf32>,
    return
  }
  func.func @transform_0(%arg0: i32) -> (i32, i32) {
    %c0_i32 = arith.constant 0 : i32
    %c0_i32_0 = arith.constant 0 : i32
    return %arg0, %c0_i32 : i32, i32
  }
  func.func @transform_1(%arg0: i32) -> (i32, i32) {
    %c0_i32 = arith.constant 0 : i32
    %c0_i32_0 = arith.constant 0 : i32
    %c0_i32_1 = arith.constant 0 : i32
    return %c0_i32, %c0_i32_0 : i32, i32
  }
  func.func @transform_2(%arg0: i32) -> (i32, i32) {
    %c0_i32 = arith.constant 0 : i32
    %c0_i32_0 = arith.constant 0 : i32
    %c0_i32_1 = arith.constant 0 : i32
    return %c0_i32, %c0_i32_0 : i32, i32
  }
  func.func @transform_3(%arg0: i32) -> (i32, i32) {
    %c0_i32 = arith.constant 0 : i32
    %c0_i32_0 = arith.constant 0 : i32
    return %arg0, %c0_i32 : i32, i32
  }
}

</mosaic_0001>

<sc_bundles>
// kernel: kernel.5.cloned.1.call-start
scs
__scs_entry_jumppad:
0x0: {  	(pc) =	sbr.rel $0x88, $3  }
0x1: {  	(tag) =	ssettag $0x0;
	lr =	simm.s32 $0x1  }
0x2: {  	[smem:$0x3F9C] =	sst lr;
	_ =	strace $0xD0000000  }
0x3: {  	_ = 	snop  }
0x4: {  	_ = 	snop  }
0x5: {  	_ = 	snop  }
0x6: {  	_ = 	snop  }
0x7: {  	_ = 	snop  }
__scs_overlays_trampoline_lowered:
0x8: {  	[smem:$0x3FAB] =	sst s0  }
0x9: {  	[smem:$0x3FAC] =	sst s1  }
0xa: {  	[smem:$0x3FAD] =	sst s2  }
0xb: {  	[smem:$0x3FAE] =	sst s3  }
0xc: {  	[smem:$0x3FAF] =	sst s4  }
0xd: {  	[smem:$0x3FB0] =	sst s5  }
0xe: {  	[smem:$0x3FB1] =	sst s6  }
0xf: {  	[smem:$0x3FB2] =	sst s7  }
0x10: {  	[smem:$0x3FB3] =	sst s8  }
0x11: {  	[smem:$0x3FB4] =	sst s9;
	s0 =	simm.s32 @!p0 $0x0  }
0x12: {  	s1 =	sld [smem:$0x3F9A];
	s0 =	simm.s32 @p0 $0x1  }
0x13: {  	[smem:$0x3FB5] =	sst s0;
	s0 =	simm.s32 @!p1 $0x0  }
0x14: {  	s2 =	sld [smem:$0x3F99];
	s0 =	simm.s32 @p1 $0x1  }
0x15: {  	[smem:$0x3FB6] =	sst s0;
	s0 =	simm.s32 @!p2 $0x0  }
0x16: {  	s3 =	sld [smem:$0x3FDB];
	s0 =	simm.s32 @p2 $0x1  }
0x17: {  	s4 =	simm.s32 $0x1BF5;
	[smem:$0x3FB8] =	sst s0  }
0x18: {  	s0 =	sld [smem:$0x3F9B];
	_ =	swait.ge [sflag:s4], $0x0  }
0x19: {  	s7 =	sld [smem:$0x3F9C]  }
0x1a: {  	s8 =	sadd.s32 $0xFFFFE003, lr  }
0x1b: {  	s9 =	sadd.s32 $0xFFFFFEF7, lr;
	s5 =	simm.s32 $0xFFFFFFFF;
	p2 =	slt.u32 s8, $0xFFFFF086  }
0x1c: {  	p1 =	slt.u32 s9, $0xF7A;
	s5 =	simm.s32 @!p2 $0x0  }
0x1d: {  	s5 =	simm.s32 @p1 $0x1;
	p0 =	seq.s32 s7, s2  }
0x1e: {  	s7 =	smul.u32 @!p0 $0xF7A, s2;
	p2 =	seq.s32 @!p0 s5, $0x0  }
0x1f: {  	s9 =	smul.u32 $0xF7A, s1;
	s8 =	simm.s32 @!p0 $0x1BF5;
	p2 =	por !p2, p0  }
0x20: {  	[sflag:s8] =	ssyncset.s32 @!p0 $0xFFFFF086;
	s6 =	sadd.s32 @!p0 s3, s7;
	s7 =	simm.s32 @!p0 $0x108  }
0x21: {  	s3 =	sadd.s32 s3, s9;
	s6 =	sadd.s32 @!p0 $0x88, s6;
	s7 =	simm.s32 @p2 $0x1082  }
0x22: {  	[simem:s7], [sflag:s8] =	dma.local @!p0 [hbm:s6], $0xF7A  }
0x23: {  	s9 =	sor.u32 $0xD0000000, s2;
	s6 =	simm.s32 $0x108;
	_ =	swait.ge @!p0 [sflag:s8], $0x0  }
0x24: {  	s3 =	sadd.s32 $0x88, s3;
	s6 =	simm.s32 @!p1 $0x1082;
	[sflag:s4] =	ssyncset.s32 $0xFFFFF086  }
0x25: {  	[simem:s6], [sflag:s4] =	dma.local [hbm:s3], $0xF7A  }
0x26: {  	[smem:$0x3F9C] =	sst s1;
	(tag) =	ssettag s2;
	_ =	strace s9  }
0x27: {  	s1 =	sld [smem:$0x3FAC]  }
0x28: {  	s2 =	sld [smem:$0x3FAD]  }
0x29: {  	s4 =	sld [smem:$0x3FAF]  }
0x2a: {  	p0 =	seq.s32 s5, $0x0;
	s5 =	sld [smem:$0x3FB0]  }
0x2b: {  	s6 =	sld [smem:$0x3FB1]  }
0x2c: {  	s7 =	sld [smem:$0x3FB2]  }
0x2d: {  	s3 =	simm.s32 $0x108;
	s8 =	sld [smem:$0x3FB3]  }
0x2e: {  	s3 =	simm.s32 @!p0 $0x1082;
	s9 =	sld [smem:$0x3FB4]  }
0x2f: {  	lr =	sadd.s32 s0, s3;
	s0 =	sld [smem:$0x3FAB]  }
0x30: {  	s3 =	sld [smem:$0x3FAE]  }
0x31: {  	[smem:$0x3FB7] =	sst s10  }
0x32: {  	s10 =	sld [smem:$0x3FB5];
	_ =	sdelay $0x3  }
0x33: {  	p0 =	seq.s32 s10, $0x1;
	s10 =	sld [smem:$0x3FB7];
	_ =	sdelay $0x3  }
0x34: {  	[smem:$0x3FB7] =	sst s10  }
0x35: {  	s10 =	sld [smem:$0x3FB6];
	_ =	sdelay $0x3  }
0x36: {  	p1 =	seq.s32 s10, $0x1;
	s10 =	sld [smem:$0x3FB7];
	_ =	sdelay $0x3  }
0x37: {  	[smem:$0x3FB7] =	sst s10  }
0x38: {  	s10 =	sld [smem:$0x3FB8]  }
0x39: {  	_ = 	snop;
	(pc) =	sbr.ind lr, $3  }
0x3a: {  	_ = 	snop  }
0x3b: {  	_ = 	snop  }
0x3c: {  	p2 =	seq.s32 s10, $0x1;
	s10 =	sld [smem:$0x3FB7]  }
0x3d: {  	_ =	shalt  }
0x3e: {  	_ =	shalt  }
0x3f: {  	_ =	shalt  }
0x40: {  	_ =	shalt  }
0x41: {  	_ =	shalt  }
0x42: {  	_ =	shalt  }
0x43: {  	_ =	shalt  }
0x44: {  	_ =	shalt  }
0x45: {  	_ =	shalt  }
0x46: {  	_ =	shalt  }
0x47: {  	_ =	shalt  }
0x48: {  	_ =	shalt  }
0x49: {  	_ =	shalt  }
0x4a: {  	_ =	shalt  }
0x4b: {  	_ =	shalt  }
0x4c: {  	_ =	shalt  }
0x4d: {  	_ =	shalt  }
0x4e: {  	_ =	shalt  }
0x4f: {  	_ =	shalt  }
0x50: {  	_ =	shalt  }
0x51: {  	_ =	shalt  }
0x52: {  	_ =	shalt  }
0x53: {  	_ =	shalt  }
0x54: {  	_ =	shalt  }
0x55: {  	_ =	shalt  }
0x56: {  	_ =	shalt  }
0x57: {  	_ =	shalt  }
0x58: {  	_ =	shalt  }
0x59: {  	_ =	shalt  }
0x5a: {  	_ =	shalt  }
0x5b: {  	_ =	shalt  }
0x5c: {  	_ =	shalt  }
0x5d: {  	_ =	shalt  }
0x5e: {  	_ =	shalt  }
0x5f: {  	_ =	shalt  }
0x60: {  	_ =	shalt  }
0x61: {  	_ =	shalt  }
0x62: {  	_ =	shalt  }
0x63: {  	_ =	shalt  }
0x64: {  	_ =	shalt  }
0x65: {  	_ =	shalt  }
0x66: {  	_ =	shalt  }
0x67: {  	_ =	shalt  }
0x68: {  	_ =	shalt  }
0x69: {  	_ =	shalt  }
0x6a: {  	_ =	shalt  }
0x6b: {  	_ =	shalt  }
0x6c: {  	_ =	shalt  }
0x6d: {  	_ =	shalt  }
0x6e: {  	_ =	shalt  }
0x6f: {  	_ =	shalt  }
0x70: {  	_ =	shalt  }
0x71: {  	_ =	shalt  }
0x72: {  	_ =	shalt  }
0x73: {  	_ =	shalt  }
0x74: {  	_ =	shalt  }
0x75: {  	_ =	shalt  }
0x76: {  	_ =	shalt  }
0x77: {  	_ =	shalt  }
0x78: {  	_ =	shalt  }
0x79: {  	_ =	shalt  }
0x7a: {  	_ =	shalt  }
0x7b: {  	_ =	shalt  }
0x7c: {  	_ =	shalt  }
0x7d: {  	_ =	shalt  }
0x7e: {  	_ =	shalt  }
0x7f: {  	_ =	shalt  }
0x80: {  	_ =	shalt  }
0x81: {  	_ =	shalt  }
0x82: {  	_ =	shalt  }
0x83: {  	_ =	shalt  }
0x84: {  	_ =	shalt  }
0x85: {  	_ =	shalt  }
0x86: {  	_ =	shalt  }
0x87: {  	_ =	shalt  }
.Lfunc_end0:
.L_simem_size_0:
called_computation_lowered:
.L_overlay_start_0:
0x88: {  	s2 =	sld [smem:$0x3FD9]  }
0x89: {  	s3 =	sld [smem:$0x3FFE];
	_ =	sdelay $0x1  }
0x8a: {  	s1 =	srdreg.scid  }
0x8b: {  	s0 =	sand.u32 $0x1, s1  }
0x8c: {  	s14 =	sshll.u32 s0, $0xA;
	s2 =	sadd.s32 s3, s2  }
0x8d: {  	s2 =	sadd.s32 s2, s14  }
0x8e: {  	[smem:$0x3FC3] =	sst s2  }
0x8f: {  	_ = 	snop  }
0x90: {  	s2 =	sld [smem:$0x3FD0];
	_ =	sdelay $0x2  }
0x91: {  	s15 =	simm.s32 $0xA;
	s4 =	simm.s32 $0x10  }
0x92: {  	[smem:s4], [sflag:s15] =	dma.local [hbm:s2], $0x1  }
0x93: {  	_ =	swait.eq [sflag:s15], $0x1  }
0x94: {  	[sflag:s15] =	ssyncset.done $0x0  }
0x95: {  	[sflag:s15] =	ssyncadd.s32 $0xFFFFFFFF  }
0x96: {  	s16 =	sld [smem:$0x10];
	(tm) =	ssettm $0x1  }
0x97: {  	s17 =	sld [smem:$0x3FFB];
	_ =	sdelay $0x3  }
0x98: {  	_ =	strace s17  }
0x99: {  	s3 =	sld [smem:$0x3FFC];
	_ =	sdelay $0x3  }
0x9a: {  	_ =	strace s3  }
0x9b: {  	s3 =	sld [smem:$0x3FFD];
	_ =	sdelay $0x3  }
0x9c: {  	_ =	strace s3  }
0x9d: {  	_ =	strace $0x8FFFFFFF  }
0x9e: {  	s18 =	sld [smem:$0x3FDB];
	_ =	sdelay $0x1  }
0x9f: {  	s19 =	simm.s32 $_scs_section_size  }
0xa0: {  	s5 =	simm.s32 $_size__tile_overlayer_lowered;
	s6 =	simm.s32 $_tile_overlayer_lowered  }
0xa1: {  	s22 =	simm.s32 $0x1BFF;
	s21 =	sshll.u32 s6, $0x1;
	s3 =	sadd.s32 s19, s18  }
0xa2: {  	s7 =	simm.s32 $0x0;
	s20 =	sshll.u32 s5, $0x1;
	s5 =	sadd.s32 s21, s3  }
0xa3: {  	[timem:s7], [sflag:s22] =	dma.local [hbm:s5], s20  }
0xa4: {  	_ =	swait.ge [sflag:s22], s20  }
0xa5: {  	s4 =	ssub.s32 $0x0, s20;
	[sflag:s22] =	ssyncset.done $0x0  }
0xa6: {  	[sflag:s22] =	ssyncadd.s32 s4;
	_ =	sdelay $0x1  }
0xa7: {  	s23 =	simm.s32 $0x1B8B  }
0xa8: {  	_ =	swait.ge [sflag:s23], $0x1  }
0xa9: {  	[sflag:s23] =	ssyncset.done $0x0  }
0xaa: {  	s25 =	simm.s32 $0x1B8E;
	s24 =	sld [smem:$0x3FFE];
	[sflag:s23] =	ssyncadd.s32 $0xFFFFFFFF  }
0xab: {  	s26 =	simm.s32 $execute0_lowered;
	[smem:$0x3FD2] =	sst s25  }
0xac: {  	s5 =	sshll.u32 s26, $0x1;
	_ =	strace $0x80000046;
	[dreg:$0x1] =	wrdreg $0xFFFFFFFF  }
0xad: {  	s28 =	simm.s32 $_size_execute0_lowered;
	s3 =	sadd.s32 s3, s5;
	[dreg:$0x0] =	wrdreg $0x0  }
0xae: {  	s5 =	sshll.u32 s28, $0x1;
	[dreg:$0x2] =	wrdreg s3  }
0xaf: {  	[dreg:$0x3] =	wrdreg s5  }
0xb0: {  	[dreg:$0x4] =	wrdreg $0xC0  }
0xb1: {  	_ =	task [dreg:s7], $0x5FFFF  }
0xb2: {  	[dreg:$0x1] =	wrdreg $0xFFFFFFFF  }
0xb3: {  	[dreg:$0x0] =	wrdreg $0x60  }
0xb4: {  	[dreg:$0x2] =	wrdreg s16  }
0xb5: {  	[dreg:$0x3] =	wrdreg s24  }
0xb6: {  	[dreg:$0x4] =	wrdreg $0x9  }
0xb7: {  	_ =	task.clear_ibuf [dreg:s7], $0x5FFFF;
	_ =	strace $0x90000046  }
0xb8: {  	s29 =	simm.s32 $0x9;
	_ =	strace $0x80000048  }
0xb9: {  	_ =	swait.ge [sflag:s29], $0x1  }
0xba: {  	[sflag:s29] =	ssyncadd.s32 $0xFFFFFFFF  }
0xbb: {  	_ =	strace $0x90000048  }
0xbc: {  	_ =	sfence  }
0xbd: {  	s30 =	sld [smem:$0x0];
	_ =	sdelay $0x2  }
0xbe: {  	s31 =	sshll.u32 s1, $0xD;
	s1 =	sshrl.u32 s1, $0x2  }
0xbf: {  	s3 =	sand.u32 $0x4000, s31;
	s1 =	sadd.s32 s1, s30  }
0xc0: {  	s0 =	sor.u32 s3, s0;
	s1 =	sshll.u32 s1, $0x11  }
0xc1: {  	s0 =	sor.u32 s1, s0  }
0xc2: {  	s0 =	sadd.s32 $0x8F2B, s0  }
0xc3: {  	[sflag:s0] =	ssyncadd.remote.s32 $0x1  }
0xc4: {  	_ =	sfence.sel $0xFFFF  }
0xc5: {  	[dreg:$0x0] =	wrdreg $0xFFFFFFFF;
	(pc) =	sbr.abs _section_cstart, $3  }
0xc6: {  	[dreg:$0x1] =	wrdreg $0xFFFFFFFF  }
0xc7: {  	_ =	task.clear_ibuf [dreg:s7], $0x2FFFF;
	_ =	strace $0x9FFFFFFF  }
0xc8: {  	(tm) =	ssettm $0x7FFFFFFF  }
0xc9: {  	_ =	shalt  }
tec
execute0_lowered:
.L_overlay_start_1:
0x0: {  	(tag) =	ssettag $0x1  }
0x1: {  	v0 =	vimm.s32 $0x3FE8;
	vm15 =	vcmask $0x300  }
0x2: {  	vm14 =	vcmask $0x704;
	v0 =	vsel vm15, $0x1C68, v0  }
0x3: {  	vm13 =	vcmask $0xB08;
	v0 =	vsel vm14, $0x1CE8, v0  }
0x4: {  	vm12 =	vcmask $0xF0C;
	v0 =	vsel vm13, $0x1D68, v0  }
0x5: {  	vm11 =	vcmask $0x1310;
	vm10 =	vcmask $0x1714;
	v0 =	vsel vm12, $0x1DE8, v0  }
0x6: {  	vm9 =	vcmask $0x1B18;
	vm8 =	vcmask $0x1F1C;
	v0 =	vsel vm11, $0x1E68, v0  }
0x7: {  	vm7 =	vcmask $0x2320;
	vm6 =	vcmask $0x2724;
	v0 =	vsel vm10, $0x1EE8, v0  }
0x8: {  	vm5 =	vcmask $0x2B28;
	v3 =	vlaneseq.u32;
	v0 =	vsel vm9, $0x1F68, v0  }
0x9: {  	vm1 =	vcmask $0x2F2C;
	vm2 =	vcmask $0x3330;
	v0 =	vsel vm8, $0x1FE8, v0  }
0xa: {  	vm3 =	vcmask $0x3734;
	vm4 =	vcmask $0x3B38;
	v1 =	vsel vm7, $0x3C68, v0  }
0xb: {  	vm0 =	vmmov $0xffff;
	v6 =	vimm.s32 $0x7FE8;
	v1 =	vsel vm6, $0x3CE8, v1  }
0xc: {  	s1 =	rddreg [dreg:$0x0];
	s0 =	srdreg.scid;
	v7 =	vimm.s32 $0x6380;
	v4 =	vshrl.u32 v3, $0x3;
	v2 =	vsel vm5, $0x3D68, v1  }
0xd: {  	s6 =	stileid.u32;
	s2 =	rddreg [dreg:$0x1];
	s3 =	simm.s32 $0x0;
	v6 =	vsel vm15, $0x5C68, v6;
	v7 =	vsel vm15, $0x4000, v7;
	v2 =	vsel vm1, $0x3DE8, v2  }
0xe: {  	s14 =	simm.s32 $0x1000;
	s16 =	simm.s32 $0x2000;
	s18 =	simm.s32 $0x3000;
	v6 =	vsel vm14, $0x5CE8, v6;
	v7 =	vsel vm14, $0x4080, v7;
	v5 =	vsel vm2, $0x3E68, v2  }
0xf: {  	s22 =	simm.s32 $0x5000;
	s31 =	simm.s32 $0x9000;
	s12 =	simm.s32 $0xD000;
	v2 =	vmul.u32 $0x8, v4;
	v4 =	vsel vm3, $0x3EE8, v5;
	v5 =	vimm.s32 $0x2380  }
0x10: {  	s19 =	simm.s32 $0xE800;
	s20 =	simm.s32 $0xF000;
	s21 =	simm.s32 $0xF800;
	v6 =	vsel vm13, $0x5D68, v6;
	v7 =	vsel vm13, $0x4100, v7;
	v5 =	vsel vm15, $0x0, v5  }
0x11: {  	s23 =	simm.s32 $0x10000;
	s28 =	simm.s32 $0x400;
	s29 =	simm.s32 $0x11000;
	v6 =	vsel vm12, $0x5DE8, v6;
	v7 =	vsel vm12, $0x4180, v7;
	v5 =	vsel vm14, $0x80, v5  }
0x12: {  	s30 =	simm.s32 $0x2;
	s13 =	simm.s32 $0x4;
	s10 =	simm.s32 $0x0;
	v6 =	vsel vm11, $0x5E68, v6;
	v7 =	vsel vm11, $0x4200, v7;
	v5 =	vsel vm13, $0x100, v5  }
0x13: {  	s0 =	sand.u32 $0x1, s0;
	s4 =	sshll.u32 s6, $0x1;
	[smem:$0x7FF] =	sst s3;
	v6 =	vsel vm10, $0x5EE8, v6;
	v7 =	vsel vm10, $0x4280, v7;
	v5 =	vsel vm12, $0x180, v5  }
0x14: {  	s6 =	sshll.u32 s6, $0x13;
	s8 =	sadd.s32 $0x300, s1;
	s4 =	sor.u32 s0, s4;
	v6 =	vsel vm9, $0x5F68, v6;
	v7 =	vsel vm9, $0x4300, v7;
	v5 =	vsel vm11, $0x200, v5  }
0x15: {  	_ =	strace $0x80000047;
	s7 =	ssub.s32 $0x2, s0;
	s9 =	sadd.s32 s6, s2;
	v6 =	vsel vm8, $0x5FE8, v6;
	v7 =	vsel vm8, $0x4380, v7;
	v5 =	vsel vm10, $0x280, v5  }
0x16: {  	s6 =	sadd.s32 $0x100, s1;
	s0 =	sshll.u32 s0, $0x12;
	s5 =	sshll.u32 s4, $0x8;
	v0 =	vimm.f32 $0.0e+00;
	v6 =	vsel vm7, $0x7C68, v6;
	v5 =	vsel vm9, $0x300, v5  }
0x17: {  	s4 =	sshll.u32 s4, $0x4;
	s24 =	sshrl.u32 s7, $0x1;
	s0 =	sadd.s32 s0, s9;
	v7 =	vsel vm7, $0x6000, v7;
	v6 =	vsel vm6, $0x7CE8, v6;
	v5 =	vsel vm8, $0x380, v5  }
0x18: {  	s9 =	simm.s32 $0x5;
	s5 =	sadd.s32 s5, s2;
	s2 =	sadd.s32 s4, s2;
	v7 =	vsel vm6, $0x6080, v7;
	v1 =	vand.u32 $0x7, v3;
	v5 =	vsel vm7, $0x2000, v5  }
0x19: {  	s4 =	ssub.s32 s7, s24;
	s7 =	sadd.s32 $0x200, s1;
	s25 =	sadd.s32 $0x1000, s5;
	v3 =	vor.u32 $0x8, v3;
	v6 =	vsel vm5, $0x7D68, v6;
	v5 =	vsel vm6, $0x2080, v5  }
.Ltmp0:
0x1a: {  	s5 =	sadd.s32 $0x3000, s5;
	[dreg:$0x3] =	wrdreg s25;
	v7 =	vsel vm5, $0x6100, v7;
	v6 =	vsel vm1, $0x7DE8, v6;
	v5 =	vsel vm5, $0x2100, v5;
	(pc) =	sbr.rel .LBB2_1-.Ltmp0, $4  }
0x1b: {  	s11 =	sadd.s32 $0x5200, s0;
	s2 =	sadd.s32 $0x5000, s2;
	[dreg:$0x4] =	wrdreg s5;
	v7 =	vsel vm1, $0x6180, v7;
	v6 =	vsel vm2, $0x7E68, v6;
	v5 =	vsel vm1, $0x2180, v5  }
0x1c: {  	s24 =	simm.s32 $0x10800;
	s26 =	smax.u32 s4, $0x1;
	[dreg:$0x5] =	wrdreg s2;
	v7 =	vsel vm2, $0x6200, v7;
	v6 =	vsel vm3, $0x7EE8, v6;
	v5 =	vsel vm2, $0x2200, v5  }
0x1d: {  	s0 =	simm.s32 $0x3;
	s4 =	simm.s32 $0xB000;
	[dreg:$0x6] =	wrdreg s26;
	v7 =	vsel vm3, $0x6280, v7;
	v4 =	vsel vm4, $0x3F68, v4;
	v5 =	vsel vm3, $0x2280, v5  }
0x1e: {  	s26 =	simm.s32 $0x7000;
	s25 =	simm.s32 $0x1;
	s2 =	simm.s32 $0x12000;
	v6 =	vsel vm4, $0x7F68, v6;
	v7 =	vsel vm4, $0x6300, v7;
	v5 =	vsel vm4, $0x2300, v5  }
.LBB2_4:
0x1f: {  	_ =	swait.ge [sflag:s0], $0x7000  }
0x20: {  	[sflag:s0] =	ssyncset.done $0x0  }
0x21: {  	[sflag:s0] =	ssyncadd.s32 $0xFFFF9000  }
0x22: {  	_ =	swait.ge [sflag:s0], $0x1000  }
0x23: {  	[sflag:s0] =	ssyncset.done $0x0  }
0x24: {  	[sflag:s0] =	ssyncadd.s32 $0xFFFFF000  }
0x25: {  	_ =	swait.ge [sflag:s13], $0x7000  }
0x26: {  	[sflag:s13] =	ssyncset.done $0x0  }
0x27: {  	[sflag:s13] =	ssyncadd.s32 $0xFFFF9000  }
0x28: {  	_ =	swait.ge [sflag:s13], $0x1000  }
0x29: {  	[sflag:s13] =	ssyncset.done $0x0  }
0x2a: {  	s9 =	simm.s32 $0x13000;
	s5 =	rddreg [dreg:$0x5];
	[sflag:s13] =	ssyncadd.s32 $0xFFFFF000  }
0x2b: {  	[hbm4b:s5+s3] =	stream.linear.scatter [tilespmem:s9], [sflag:$0x5], $0x80, $0x38;
	[tilespmem:$0x13080] =	vst v63  }
0x2c: {  	s9 =	simm.s32 $0x5  }
0x2d: {  	_ =	swait.ge [sflag:s9], $0x80  }
0x2e: {  	s10 =	rddreg [dreg:$0x7]  }
0x2f: {  	s17 =	rddreg [dreg:$0x6];
	s10 =	sadd.s32 $0x1, s10  }
0x30: {  	p0 =	sne.s32 s10, s17  }
.Ltmp1:
0x31: {  	_ = 	snop;
	(pc) =	sbr.rel @!p0 .LBB2_5-.Ltmp1, $3  }
0x32: {  	_ =	sdelay $0x1  }
0x33: {  	[sflag:s9] =	ssyncset.done $0x0  }
0x34: {  	[sflag:s9] =	ssyncadd.s32 $0xFFFFFF80  }
.LBB2_1:
0x35: {  	[dreg:$0x7] =	wrdreg s10  }
0x36: {  	s5 =	rddreg [dreg:$0x3]  }
0x37: {  	[tilespmem:s3], [sflag:$0x5] =	stream.linear.gather [hbm4b:s5+s3], $0x800, $0x38;
	[tilespmem:$0x13080] =	vst v63  }
0x38: {  	_ =	swait.ge [sflag:s9], $0x800  }
0x39: {  	[sflag:s9] =	ssyncset.done $0x0  }
0x3a: {  	s17 =	simm.s32 $0x800;
	s15 =	rddreg [dreg:$0x4];
	[sflag:s9] =	ssyncadd.s32 $0xFFFFF800  }
0x3b: {  	[tilespmem:s17], [sflag:$0x5] =	stream.linear.gather [hbm4b:s15+s3], $0x800, $0x38;
	[tilespmem:$0x13080] =	vst v63  }
0x3c: {  	_ =	swait.ge [sflag:s9], $0x800  }
0x3d: {  	[sflag:s9] =	ssyncset.done $0x0  }
0x3e: {  	[sflag:s9] =	ssyncadd.s32 $0xFFFFF800  }
0x3f: {  	v8 =	vld [tilespmem:$0x0];
	_ =	sdelay $0x4  }
0x40: {  	v9 =	vshll.u32 v8, $0x3  }
0x41: {  	v8 =	vand.u32 $0x7, v8;
	v9 =	vand.u32 $0xFFFFFFC0, v9  }
0x42: {  	v8 =	vor.u32 v8, v9  }
0x43: {  	v9 =	vperm.xlane v8, v1;
	_ =	sdelay $0x1  }
0x44: {  	v9 =	vadd.s32 v2, v9;
	_ =	sdelay $0x3  }
0x45: {  	[tilespmem:$0x13000] =	vst v0  }
0x46: {  	[tilespmem:s14], [sflag:$0x1] =	stream.indirect_vreg.gather [hbm4b:s1+s3], $0x80, v9, vm0, $0xb8;
	[tilespmem:$0x13080] =	vst v63  }
0x47: {  	s10 =	simm.s32 $0x1800;
	v8 =	vperm.xlane v8, v3  }
0x48: {  	[tilespmem:s10], [sflag:$0x1] =	stream.indirect_vreg.gather [hbm4b:s6+s3], $0x80, v9, vm0, $0xb8;
	[tilespmem:$0x13080] =	vst v63  }
0x49: {  	v8 =	vadd.s32 v2, v8  }
0x4a: {  	[tilespmem:s16], [sflag:$0x1] =	stream.indirect_vreg.gather [hbm4b:s7+s3], $0x80, v9, vm0, $0xb8;
	[tilespmem:$0x13080] =	vst v63  }
0x4b: {  	s15 =	simm.s32 $0x2800  }
0x4c: {  	[tilespmem:s15], [sflag:$0x1] =	stream.indirect_vreg.gather [hbm4b:s8+s3], $0x80, v9, vm0, $0xb8;
	[tilespmem:$0x13080] =	vst v63  }
0x4d: {  	_ = 	snop  }
0x4e: {  	[tilespmem:s18], [sflag:$0x1] =	stream.indirect_vreg.gather [hbm4b:s1+s3], $0x80, v8, vm0, $0xb8;
	[tilespmem:$0x13080] =	vst v63  }
0x4f: {  	s17 =	simm.s32 $0x3800  }
0x50: {  	[tilespmem:s17], [sflag:$0x1] =	stream.indirect_vreg.gather [hbm4b:s6+s3], $0x80, v8, vm0, $0xb8;
	[tilespmem:$0x13080] =	vst v63  }
0x51: {  	s9 =	simm.s32 $0x4000  }
0x52: {  	[tilespmem:s9], [sflag:$0x1] =	stream.indirect_vreg.gather [hbm4b:s7+s3], $0x80, v8, vm0, $0xb8;
	[tilespmem:$0x13080] =	vst v63  }
0x53: {  	s10 =	simm.s32 $0x4800  }
0x54: {  	[tilespmem:s10], [sflag:$0x1] =	stream.indirect_vreg.gather [hbm4b:s8+s3], $0x80, v8, vm0, $0xb8;
	[tilespmem:$0x13080] =	vst v63  }
0x55: {  	v8 =	vld [tilespmem:$0x10];
	_ =	sdelay $0x4  }
0x56: {  	v61 =	vshll.u32 v8, $0x3  }
0x57: {  	v8 =	vand.u32 $0x7, v8;
	v9 =	vand.u32 $0xFFFFFFC0, v61  }
0x58: {  	v8 =	vor.u32 v8, v9  }
0x59: {  	v9 =	vperm.xlane v8, v1;
	_ =	sdelay $0x1  }
0x5a: {  	v9 =	vadd.s32 v2, v9;
	_ =	sdelay $0x4  }
0x5b: {  	[tilespmem:s22], [sflag:$0x1] =	stream.indirect_vreg.gather [hbm4b:s1+s3], $0x80, v9, vm0, $0xb8;
	[tilespmem:$0x13080] =	vst v63  }
0x5c: {  	s15 =	simm.s32 $0x5800;
	v8 =	vperm.xlane v8, v3  }
0x5d: {  	[tilespmem:s15], [sflag:$0x1] =	stream.indirect_vreg.gather [hbm4b:s6+s3], $0x80, v9, vm0, $0xb8;
	[tilespmem:$0x13080] =	vst v63  }
0x5e: {  	s17 =	simm.s32 $0x6000;
	v8 =	vadd.s32 v2, v8  }
0x5f: {  	[tilespmem:s17], [sflag:$0x1] =	stream.indirect_vreg.gather [hbm4b:s7+s3], $0x80, v9, vm0, $0xb8;
	[tilespmem:$0x13080] =	vst v63  }
0x60: {  	s9 =	simm.s32 $0x6800  }
0x61: {  	[tilespmem:s9], [sflag:$0x1] =	stream.indirect_vreg.gather [hbm4b:s8+s3], $0x80, v9, vm0, $0xb8;
	[tilespmem:$0x13080] =	vst v63  }
0x62: {  	_ = 	snop  }
0x63: {  	[tilespmem:s26], [sflag:$0x1] =	stream.indirect_vreg.gather [hbm4b:s1+s3], $0x80, v8, vm0, $0xb8;
	[tilespmem:$0x13080] =	vst v63  }
0x64: {  	s10 =	simm.s32 $0x7800  }
0x65: {  	[tilespmem:s10], [sflag:$0x1] =	stream.indirect_vreg.gather [hbm4b:s6+s3], $0x80, v8, vm0, $0xb8;
	[tilespmem:$0x13080] =	vst v63  }
0x66: {  	s15 =	simm.s32 $0x8000  }
0x67: {  	[tilespmem:s15], [sflag:$0x1] =	stream.indirect_vreg.gather [hbm4b:s7+s3], $0x80, v8, vm0, $0xb8;
	[tilespmem:$0x13080] =	vst v63  }
0x68: {  	s17 =	simm.s32 $0x8800  }
0x69: {  	[tilespmem:s17], [sflag:$0x1] =	stream.indirect_vreg.gather [hbm4b:s8+s3], $0x80, v8, vm0, $0xb8;
	[tilespmem:$0x13080] =	vst v63  }
0x6a: {  	v8 =	vld [tilespmem:$0x20];
	_ =	sdelay $0x4  }
0x6b: {  	v62 =	vshll.u32 v8, $0x3  }
0x6c: {  	v8 =	vand.u32 $0x7, v8;
	v9 =	vand.u32 $0xFFFFFFC0, v62  }
0x6d: {  	v8 =	vor.u32 v8, v9  }
0x6e: {  	v9 =	vperm.xlane v8, v1;
	_ =	sdelay $0x1  }
0x6f: {  	v9 =	vadd.s32 v2, v9;
	_ =	sdelay $0x4  }
0x70: {  	[tilespmem:s31], [sflag:$0x2] =	stream.indirect_vreg.gather [hbm4b:s1+s3], $0x80, v9, vm0, $0xb8;
	[tilespmem:$0x13080] =	vst v63  }
0x71: {  	s9 =	simm.s32 $0x9800;
	v8 =	vperm.xlane v8, v3  }
0x72: {  	[tilespmem:s9], [sflag:$0x2] =	stream.indirect_vreg.gather [hbm4b:s6+s3], $0x80, v9, vm0, $0xb8;
	[tilespmem:$0x13080] =	vst v63  }
0x73: {  	s10 =	simm.s32 $0xA000;
	v8 =	vadd.s32 v2, v8  }
0x74: {  	[tilespmem:s10], [sflag:$0x2] =	stream.indirect_vreg.gather [hbm4b:s7+s3], $0x80, v9, vm0, $0xb8;
	[tilespmem:$0x13080] =	vst v63  }
0x75: {  	s15 =	simm.s32 $0xA800  }
0x76: {  	[tilespmem:s15], [sflag:$0x2] =	stream.indirect_vreg.gather [hbm4b:s8+s3], $0x80, v9, vm0, $0xb8;
	[tilespmem:$0x13080] =	vst v63  }
0x77: {  	_ = 	snop  }
0x78: {  	[tilespmem:s4], [sflag:$0x2] =	stream.indirect_vreg.gather [hbm4b:s1+s3], $0x80, v8, vm0, $0xb8;
	[tilespmem:$0x13080] =	vst v63  }
0x79: {  	s17 =	simm.s32 $0xB800  }
0x7a: {  	[tilespmem:s17], [sflag:$0x2] =	stream.indirect_vreg.gather [hbm4b:s6+s3], $0x80, v8, vm0, $0xb8;
	[tilespmem:$0x13080] =	vst v63  }
0x7b: {  	s9 =	simm.s32 $0xC000  }
0x7c: {  	[tilespmem:s9], [sflag:$0x2] =	stream.indirect_vreg.gather [hbm4b:s7+s3], $0x80, v8, vm0, $0xb8;
	[tilespmem:$0x13080] =	vst v63  }
0x7d: {  	s10 =	simm.s32 $0xC800  }
0x7e: {  	[tilespmem:s10], [sflag:$0x2] =	stream.indirect_vreg.gather [hbm4b:s8+s3], $0x80, v8, vm0, $0xb8;
	[tilespmem:$0x13080] =	vst v63  }
0x7f: {  	v8 =	vld [tilespmem:$0x30];
	_ =	sdelay $0x4  }
0x80: {  	v63 =	vshll.u32 v8, $0x3  }
0x81: {  	v8 =	vand.u32 $0x7, v8;
	v9 =	vand.u32 $0xFFFFFFC0, v63  }
0x82: {  	v8 =	vor.u32 v8, v9  }
0x83: {  	v9 =	vperm.xlane v8, v1;
	_ =	sdelay $0x1  }
0x84: {  	v9 =	vadd.s32 v2, v9;
	_ =	sdelay $0x4  }
0x85: {  	[tilespmem:s12], [sflag:$0x2] =	stream.indirect_vreg.gather [hbm4b:s1+s3], $0x80, v9, vm0, $0xb8;
	[tilespmem:$0x13080] =	vst v63  }
0x86: {  	s15 =	simm.s32 $0xD800;
	v8 =	vperm.xlane v8, v3  }
0x87: {  	[tilespmem:s15], [sflag:$0x2] =	stream.indirect_vreg.gather [hbm4b:s6+s3], $0x80, v9, vm0, $0xb8;
	[tilespmem:$0x13080] =	vst v63  }
0x88: {  	s17 =	simm.s32 $0xE000;
	v8 =	vadd.s32 v2, v8  }
0x89: {  	[tilespmem:s17], [sflag:$0x2] =	stream.indirect_vreg.gather [hbm4b:s7+s3], $0x80, v9, vm0, $0xb8;
	[tilespmem:$0x13080] =	vst v63  }
0x8a: {  	_ = 	snop  }
0x8b: {  	[tilespmem:s19], [sflag:$0x2] =	stream.indirect_vreg.gather [hbm4b:s8+s3], $0x80, v9, vm0, $0xb8;
	[tilespmem:$0x13080] =	vst v63  }
0x8c: {  	_ = 	snop  }
0x8d: {  	[tilespmem:s20], [sflag:$0x2] =	stream.indirect_vreg.gather [hbm4b:s1+s3], $0x80, v8, vm0, $0xb8;
	[tilespmem:$0x13080] =	vst v63  }
0x8e: {  	_ = 	snop  }
0x8f: {  	[tilespmem:s21], [sflag:$0x2] =	stream.indirect_vreg.gather [hbm4b:s6+s3], $0x80, v8, vm0, $0xb8;
	[tilespmem:$0x13080] =	vst v63  }
0x90: {  	_ = 	snop  }
0x91: {  	[tilespmem:s23], [sflag:$0x2] =	stream.indirect_vreg.gather [hbm4b:s7+s3], $0x80, v8, vm0, $0xb8;
	[tilespmem:$0x13080] =	vst v63  }
0x92: {  	s5 =	simm.s32 $0x70;
	s9 =	simm.s32 $0x820;
	s10 =	simm.s32 $0x0  }
0x93: {  	[tilespmem:s24], [sflag:$0x2] =	stream.indirect_vreg.gather [hbm4b:s8+s3], $0x80, v8, vm0, $0xb8;
	[tilespmem:$0x13080] =	vst v63  }
.LBB2_2:
0x94: {  	_ =	swait.ge [sflag:s25], $0x8000  }
0x95: {  	[sflag:s25] =	ssyncset.done $0x0  }
0x96: {  	s15 =	sadd.s32 s10, s11;
	[sflag:s25] =	ssyncadd.s32 $0xFFFF8000  }
0x97: {  	[hbm4b:s15+s3] =	stream.linear.scatter [tilespmem:s14], [sflag:$0x3], $0x1C00, $0x38;
	[tilespmem:$0x13080] =	vst v63  }
0x98: {  	s17 =	sadd.s32 $0x400, s15  }
0x99: {  	[hbm4b:s17+s3] =	stream.linear.scatter [tilespmem:s18], [sflag:$0x3], $0x1C00, $0x38;
	[tilespmem:$0x13080] =	vst v63  }
0x9a: {  	s17 =	sadd.s32 $0x800, s15  }
0x9b: {  	[hbm4b:s17+s3] =	stream.linear.scatter [tilespmem:s22], [sflag:$0x3], $0x1C00, $0x38;
	[tilespmem:$0x13080] =	vst v63  }
0x9c: {  	s17 =	sadd.s32 $0xC00, s15  }
0x9d: {  	[hbm4b:s17+s3] =	stream.linear.scatter [tilespmem:s26], [sflag:$0x3], $0x1C00, $0x38;
	[tilespmem:$0x13080] =	vst v63  }
0x9e: {  	v8 =	vld [tilespmem:s9+$0xFFFFFFE0];
	_ =	sdelay $0x4  }
0x9f: {  	v9 =	vshll.u32 v8, $0x3  }
0xa0: {  	v8 =	vand.u32 $0x7F, v8;
	v9 =	vand.u32 $0xFFFFFC00, v9  }
0xa1: {  	v8 =	vor.u32 v8, v9  }
0xa2: {  	v8 =	vadd.s32 v5, v8;
	_ =	sdelay $0x3  }
0xa3: {  	v34 =	vld.idx.msk [tilespmem:v4+s14+$0x0], $0xffff  }
0xa4: {  	v8 =	vld.idx.msk [tilespmem:v8+s14+$0x0], $0xffff;
	_ =	sdelay $0x1  }
0xa5: {  	v10 =	vld [tilespmem:$0x13000];
	_ =	sdelay $0x2  }
0xa6: {  	v8 =	vsub.f32 v34, v8;
	_ =	sdelay $0x1  }
0xa7: {  	v8 =	vadd.f32 v8, v10;
	_ =	sdelay $0x1  }
0xa8: {  	[tilespmem:$0x13000] =	vst v8  }
0xa9: {  	v35 =	vld [tilespmem:s9+$0xFFFFFFF0];
	_ =	sdelay $0x4  }
0xaa: {  	v36 =	vshll.u32 v35, $0x3  }
0xab: {  	v9 =	vand.u32 $0x7F, v35;
	v10 =	vand.u32 $0xFFFFFC00, v36  }
0xac: {  	v9 =	vor.u32 v9, v10  }
0xad: {  	v9 =	vadd.s32 v7, v9;
	_ =	sdelay $0x3  }
0xae: {  	v37 =	vld.idx.msk [tilespmem:v6+s14+$0x0], $0xffff  }
0xaf: {  	v9 =	vld.idx.msk [tilespmem:v9+s14+$0x0], $0xffff;
	_ =	sdelay $0x2  }
0xb0: {  	v38 =	vld [tilespmem:$0x2C00];
	_ =	sdelay $0x1  }
0xb1: {  	v11 =	vld [tilespmem:$0x2C10];
	v9 =	vsub.f32 v37, v9  }
0xb2: {  	v39 =	vld [tilespmem:$0x2C20]  }
0xb3: {  	v12 =	vld [tilespmem:$0x2C30];
	v8 =	vadd.f32 v9, v8  }
0xb4: {  	v40 =	vld [tilespmem:$0x2C50];
	[tilespmem:$0x11000] =	vst v38  }
0xb5: {  	[tilespmem:$0x13000] =	vst v8;
	v8 =	vld [tilespmem:$0x2C40]  }
0xb6: {  	v42 =	vld [tilespmem:$0x2C80];
	[tilespmem:$0x11010] =	vst v11  }
0xb7: {  	v43 =	vld [tilespmem:$0x2C90];
	[tilespmem:$0x11020] =	vst v39  }
0xb8: {  	v44 =	vld [tilespmem:$0x2CB0];
	[tilespmem:$0x11030] =	vst v12  }
0xb9: {  	v45 =	vld [tilespmem:$0x2CC0];
	[tilespmem:$0x11050] =	vst v40  }
0xba: {  	[tilespmem:$0x11040] =	vst v8;
	v8 =	vld [tilespmem:$0x2CA0]  }
0xbb: {  	v46 =	vld [tilespmem:$0x2CD0];
	[tilespmem:$0x11080] =	vst v42  }
0xbc: {  	v48 =	vld [tilespmem:$0x2D10];
	[tilespmem:$0x11090] =	vst v43  }
0xbd: {  	v49 =	vld [tilespmem:$0x2D20];
	[tilespmem:$0x110B0] =	vst v44  }
0xbe: {  	v50 =	vld [tilespmem:$0x2D30];
	[tilespmem:$0x110C0] =	vst v45  }
0xbf: {  	[tilespmem:$0x110A0] =	vst v8;
	v8 =	vld [tilespmem:$0x2D00]  }
0xc0: {  	v51 =	vld [tilespmem:$0x2D40];
	[tilespmem:$0x110D0] =	vst v46  }
0xc1: {  	v53 =	vld [tilespmem:$0x2D80];
	[tilespmem:$0x11110] =	vst v48  }
0xc2: {  	v54 =	vld [tilespmem:$0x2D90];
	[tilespmem:$0x11120] =	vst v49  }
0xc3: {  	v55 =	vld [tilespmem:$0x2DA0];
	[tilespmem:$0x11130] =	vst v50  }
0xc4: {  	[tilespmem:$0x11100] =	vst v8;
	v8 =	vld [tilespmem:$0x2D50]  }
0xc5: {  	v56 =	vld [tilespmem:$0x2DC0];
	[tilespmem:$0x11140] =	vst v51  }
0xc6: {  	v57 =	vld [tilespmem:$0x2DD0];
	[tilespmem:$0x11180] =	vst v53  }
0xc7: {  	v59 =	vld [tilespmem:$0x2E00];
	[tilespmem:$0x11190] =	vst v54  }
0xc8: {  	v60 =	vld [tilespmem:$0x2E20];
	[tilespmem:$0x111A0] =	vst v55  }
0xc9: {  	[tilespmem:$0x11150] =	vst v8;
	v8 =	vld [tilespmem:$0x2DB0]  }
0xca: {  	v61 =	vld [tilespmem:$0x2E30];
	[tilespmem:$0x111C0] =	vst v56  }
0xcb: {  	v62 =	vld [tilespmem:$0x2E40];
	[tilespmem:$0x111D0] =	vst v57  }
0xcc: {  	v63 =	vld [tilespmem:$0x2E50];
	[tilespmem:$0x11200] =	vst v59  }
0xcd: {  	v16 =	vld [tilespmem:$0x2E80];
	[tilespmem:$0x11220] =	vst v60  }
0xce: {  	[tilespmem:$0x111B0] =	vst v8;
	v8 =	vld [tilespmem:$0x2E10]  }
0xcf: {  	v17 =	vld [tilespmem:$0x2E90];
	[tilespmem:$0x11230] =	vst v61  }
0xd0: {  	v18 =	vld [tilespmem:$0x2EA0];
	[tilespmem:$0x11240] =	vst v62  }
0xd1: {  	v19 =	vld [tilespmem:$0x2EB0];
	[tilespmem:$0x11250] =	vst v63  }
0xd2: {  	v20 =	vld [tilespmem:$0x2ED0];
	[tilespmem:$0x11280] =	vst v16  }
0xd3: {  	[tilespmem:$0x11210] =	vst v8;
	v8 =	vld [tilespmem:$0x2E58]  }
0xd4: {  	v22 =	vld [tilespmem:$0x2F00];
	[tilespmem:$0x11290] =	vst v17  }
0xd5: {  	v23 =	vld [tilespmem:$0x2F10];
	[tilespmem:$0x112A0] =	vst v18  }
0xd6: {  	v24 =	vld [tilespmem:$0x2F30];
	[tilespmem:$0x112B0] =	vst v19  }
0xd7: {  	v25 =	vld [tilespmem:$0x2F40];
	[tilespmem:$0x112D0] =	vst v20  }
0xd8: {  	[tilespmem:$0x11258] =	vst v8;
	v8 =	vld [tilespmem:$0x2EC0]  }
0xd9: {  	v26 =	vld [tilespmem:$0x2F50];
	[tilespmem:$0x11300] =	vst v22  }
0xda: {  	v28 =	vld [tilespmem:$0x2F90];
	[tilespmem:$0x11310] =	vst v23  }
0xdb: {  	v29 =	vld [tilespmem:$0x2FA0];
	[tilespmem:$0x11330] =	vst v24  }
0xdc: {  	v30 =	vld [tilespmem:$0x2FB0];
	[tilespmem:$0x11340] =	vst v25  }
0xdd: {  	[tilespmem:$0x112C0] =	vst v8;
	v8 =	vld [tilespmem:$0x2F20]  }
0xde: {  	v31 =	vld [tilespmem:$0x2FC0];
	[tilespmem:$0x11350] =	vst v26  }
0xdf: {  	v33 =	vld [tilespmem:$0x4C00];
	[tilespmem:$0x11390] =	vst v28  }
0xe0: {  	v34 =	vld [tilespmem:$0x4C10];
	[tilespmem:$0x113A0] =	vst v29  }
0xe1: {  	v35 =	vld [tilespmem:$0x4C20];
	[tilespmem:$0x113B0] =	vst v30  }
0xe2: {  	[tilespmem:$0x11320] =	vst v8;
	v8 =	vld [tilespmem:$0x2F80]  }
0xe3: {  	v36 =	vld [tilespmem:$0x4C40];
	[tilespmem:$0x113C0] =	vst v31  }
0xe4: {  	v41 =	vld [tilespmem:$0x2C58];
	[tilespmem:$0x11400] =	vst v33  }
0xe5: {  	v47 =	vld [tilespmem:$0x2CD8];
	[tilespmem:$0x11410] =	vst v34  }
0xe6: {  	v58 =	vld [tilespmem:$0x2DD8];
	[tilespmem:$0x11420] =	vst v35  }
0xe7: {  	[tilespmem:$0x11380] =	vst v8;
	v8 =	vld [tilespmem:$0x2FD0]  }
0xe8: {  	v21 =	vld [tilespmem:$0x2ED8];
	[tilespmem:$0x11440] =	vst v36  }
0xe9: {  	v27 =	vld [tilespmem:$0x2F58];
	[tilespmem:$0x11058] =	vst v41  }
0xea: {  	v39 =	vld [tilespmem:$0x4C80];
	[tilespmem:$0x110D8] =	vst v47  }
0xeb: {  	v40 =	vld [tilespmem:$0x4CA0];
	[tilespmem:$0x111D8] =	vst v58  }
0xec: {  	[tilespmem:$0x113D0] =	vst v8;
	v8 =	vld [tilespmem:$0x4C30]  }
0xed: {  	v42 =	vld [tilespmem:$0x4CC0];
	[tilespmem:$0x112D8] =	vst v21  }
0xee: {  	v43 =	vld [tilespmem:$0x4CD0];
	[tilespmem:$0x11358] =	vst v27  }
0xef: {  	v44 =	vld [tilespmem:$0x4D00];
	[tilespmem:$0x11480] =	vst v39  }
0xf0: {  	v45 =	vld [tilespmem:$0x4D10];
	[tilespmem:$0x114A0] =	vst v40  }
0xf1: {  	[tilespmem:$0x11430] =	vst v8;
	v8 =	vld [tilespmem:$0x4C90]  }
0xf2: {  	v46 =	vld [tilespmem:$0x4D20];
	[tilespmem:$0x114C0] =	vst v42  }
0xf3: {  	v48 =	vld [tilespmem:$0x4D50];
	[tilespmem:$0x114D0] =	vst v43  }
0xf4: {  	v50 =	vld [tilespmem:$0x4D80];
	[tilespmem:$0x11500] =	vst v44  }
0xf5: {  	v51 =	vld [tilespmem:$0x4D90];
	[tilespmem:$0x11510] =	vst v45  }
0xf6: {  	[tilespmem:$0x11490] =	vst v8;
	v8 =	vld [tilespmem:$0x4CD8]  }
0xf7: {  	v53 =	vld [tilespmem:$0x4DC0];
	[tilespmem:$0x11520] =	vst v46  }
0xf8: {  	v54 =	vld [tilespmem:$0x4DD0];
	[tilespmem:$0x11550] =	vst v48  }
0xf9: {  	v56 =	vld [tilespmem:$0x4E10];
	[tilespmem:$0x11580] =	vst v50  }
0xfa: {  	v57 =	vld [tilespmem:$0x4E20];
	[tilespmem:$0x11590] =	vst v51  }
0xfb: {  	[tilespmem:$0x114D8] =	vst v8;
	v8 =	vld [tilespmem:$0x4D40]  }
0xfc: {  	v59 =	vld [tilespmem:$0x4E40];
	[tilespmem:$0x115C0] =	vst v53  }
0xfd: {  	v61 =	vld [tilespmem:$0x4E80];
	[tilespmem:$0x115D0] =	vst v54  }
0xfe: {  	v62 =	vld [tilespmem:$0x4E90];
	[tilespmem:$0x11610] =	vst v56  }
0xff: {  	v63 =	vld [tilespmem:$0x4EA0];
	[tilespmem:$0x11620] =	vst v57  }
0x100: {  	[tilespmem:$0x11540] =	vst v8;
	v8 =	vld [tilespmem:$0x4DA0]  }
0x101: {  	v16 =	vld [tilespmem:$0x4EC0];
	[tilespmem:$0x11640] =	vst v59  }
0x102: {  	v17 =	vld [tilespmem:$0x4ED0];
	[tilespmem:$0x11680] =	vst v61  }
0x103: {  	v19 =	vld [tilespmem:$0x4F00];
	[tilespmem:$0x11690] =	vst v62  }
0x104: {  	v20 =	vld [tilespmem:$0x4F20];
	[tilespmem:$0x116A0] =	vst v63  }
0x105: {  	[tilespmem:$0x115A0] =	vst v8;
	v8 =	vld [tilespmem:$0x4E00]  }
0x106: {  	v22 =	vld [tilespmem:$0x4F40];
	[tilespmem:$0x116C0] =	vst v16  }
0x107: {  	v23 =	vld [tilespmem:$0x4F50];
	[tilespmem:$0x116D0] =	vst v17  }
0x108: {  	v24 =	vld [tilespmem:$0x4F80];
	[tilespmem:$0x11700] =	vst v19  }
0x109: {  	v25 =	vld [tilespmem:$0x4F90];
	[tilespmem:$0x11720] =	vst v20  }
0x10a: {  	[tilespmem:$0x11600] =	vst v8;
	v8 =	vld [tilespmem:$0x4E50]  }
0x10b: {  	v26 =	vld [tilespmem:$0x4FA0];
	[tilespmem:$0x11740] =	vst v22  }
0x10c: {  	v28 =	vld [tilespmem:$0x4FD0];
	[tilespmem:$0x11750] =	vst v23  }
0x10d: {  	v30 =	vld [tilespmem:$0x6C00];
	[tilespmem:$0x11780] =	vst v24  }
0x10e: {  	v31 =	vld [tilespmem:$0x6C10];
	[tilespmem:$0x11790] =	vst v25  }
0x10f: {  	[tilespmem:$0x11650] =	vst v8;
	v8 =	vld [tilespmem:$0x4EB0]  }
0x110: {  	v33 =	vld [tilespmem:$0x6C40];
	[tilespmem:$0x117A0] =	vst v26  }
0x111: {  	v34 =	vld [tilespmem:$0x6C50];
	[tilespmem:$0x117D0] =	vst v28  }
0x112: {  	v36 =	vld [tilespmem:$0x6C90];
	[tilespmem:$0x11800] =	vst v30  }
0x113: {  	v41 =	vld [tilespmem:$0x4CB0];
	[tilespmem:$0x11810] =	vst v31  }
0x114: {  	[tilespmem:$0x116B0] =	vst v8;
	v8 =	vld [tilespmem:$0x4F10]  }
0x115: {  	v47 =	vld [tilespmem:$0x4D30];
	[tilespmem:$0x11840] =	vst v33  }
0x116: {  	v49 =	vld [tilespmem:$0x4D58];
	[tilespmem:$0x11850] =	vst v34  }
0x117: {  	v55 =	vld [tilespmem:$0x4DD8];
	[tilespmem:$0x11890] =	vst v36  }
0x118: {  	v58 =	vld [tilespmem:$0x4E30];
	[tilespmem:$0x114B0] =	vst v41  }
0x119: {  	[tilespmem:$0x11710] =	vst v8;
	v8 =	vld [tilespmem:$0x4F58]  }
0x11a: {  	v18 =	vld [tilespmem:$0x4ED8];
	[tilespmem:$0x11530] =	vst v47  }
0x11b: {  	v21 =	vld [tilespmem:$0x4F30];
	[tilespmem:$0x11558] =	vst v49  }
0x11c: {  	v27 =	vld [tilespmem:$0x4FB0];
	[tilespmem:$0x115D8] =	vst v55  }
0x11d: {  	v29 =	vld [tilespmem:$0x4FD8];
	[tilespmem:$0x11630] =	vst v58  }
0x11e: {  	[tilespmem:$0x11758] =	vst v8;
	v8 =	vld [tilespmem:$0x4FC0]  }
0x11f: {  	v35 =	vld [tilespmem:$0x6C58];
	[tilespmem:$0x116D8] =	vst v18  }
0x120: {  	v37 =	vld [tilespmem:$0x4C50];
	[tilespmem:$0x11730] =	vst v21  }
0x121: {  	v39 =	vld [tilespmem:$0x6CC0];
	[tilespmem:$0x117B0] =	vst v27  }
0x122: {  	v42 =	vld [tilespmem:$0x6D10];
	[tilespmem:$0x117D8] =	vst v29  }
0x123: {  	[tilespmem:$0x117C0] =	vst v8;
	v8 =	vld [tilespmem:$0x6C20]  }
0x124: {  	v43 =	vld [tilespmem:$0x6D20];
	[tilespmem:$0x11858] =	vst v35  }
0x125: {  	v44 =	vld [tilespmem:$0x6D40];
	[tilespmem:$0x11450] =	vst v37  }
0x126: {  	v45 =	vld [tilespmem:$0x6D50];
	[tilespmem:$0x118C0] =	vst v39  }
0x127: {  	v48 =	vld [tilespmem:$0x6DA0];
	[tilespmem:$0x11910] =	vst v42  }
0x128: {  	[tilespmem:$0x11820] =	vst v8;
	v8 =	vld [tilespmem:$0x6C80]  }
0x129: {  	v50 =	vld [tilespmem:$0x6DC0];
	[tilespmem:$0x11920] =	vst v43  }
0x12a: {  	v51 =	vld [tilespmem:$0x6DD0];
	[tilespmem:$0x11940] =	vst v44  }
0x12b: {  	v53 =	vld [tilespmem:$0x6E10];
	[tilespmem:$0x11950] =	vst v45  }
0x12c: {  	v54 =	vld [tilespmem:$0x6E20];
	[tilespmem:$0x119A0] =	vst v48  }
0x12d: {  	[tilespmem:$0x11880] =	vst v8;
	v8 =	vld [tilespmem:$0x6CD0]  }
0x12e: {  	v56 =	vld [tilespmem:$0x6E50];
	[tilespmem:$0x119C0] =	vst v50  }
0x12f: {  	v59 =	vld [tilespmem:$0x6E90];
	[tilespmem:$0x119D0] =	vst v51  }
0x130: {  	v61 =	vld [tilespmem:$0x6EC0];
	[tilespmem:$0x11A10] =	vst v53  }
0x131: {  	v62 =	vld [tilespmem:$0x6ED0];
	[tilespmem:$0x11A20] =	vst v54  }
0x132: {  	[tilespmem:$0x118D0] =	vst v8;
	v8 =	vld [tilespmem:$0x6D30]  }
0x133: {  	v16 =	vld [tilespmem:$0x6F10];
	[tilespmem:$0x11A50] =	vst v56  }
0x134: {  	v17 =	vld [tilespmem:$0x6F20];
	[tilespmem:$0x11A90] =	vst v59  }
0x135: {  	v19 =	vld [tilespmem:$0x6F40];
	[tilespmem:$0x11AC0] =	vst v61  }
0x136: {  	v22 =	vld [tilespmem:$0x6F90];
	[tilespmem:$0x11AD0] =	vst v62  }
0x137: {  	[tilespmem:$0x11930] =	vst v8;
	v8 =	vld [tilespmem:$0x6D90]  }
0x138: {  	v23 =	vld [tilespmem:$0x6FA0];
	[tilespmem:$0x11B10] =	vst v16  }
0x139: {  	v24 =	vld [tilespmem:$0x6FC0];
	[tilespmem:$0x11B20] =	vst v17  }
0x13a: {  	v25 =	vld [tilespmem:$0x6FD0];
	[tilespmem:$0x11B40] =	vst v19  }
0x13b: {  	v28 =	vld [tilespmem:$0x8C20];
	[tilespmem:$0x11B90] =	vst v22  }
0x13c: {  	[tilespmem:$0x11990] =	vst v8;
	v8 =	vld [tilespmem:$0x6DD8]  }
0x13d: {  	v30 =	vld [tilespmem:$0x8C40];
	[tilespmem:$0x11BA0] =	vst v23  }
0x13e: {  	v31 =	vld [tilespmem:$0x8C50];
	[tilespmem:$0x11BC0] =	vst v24  }
0x13f: {  	v33 =	vld [tilespmem:$0x8C90];
	[tilespmem:$0x11BD0] =	vst v25  }
0x140: {  	v34 =	vld [tilespmem:$0x8CA0];
	[tilespmem:$0x11C20] =	vst v28  }
0x141: {  	[tilespmem:$0x119D8] =	vst v8;
	v8 =	vld [tilespmem:$0x6E40]  }
0x142: {  	v36 =	vld [tilespmem:$0x8CD0];
	[tilespmem:$0x11C40] =	vst v30  }
0x143: {  	v38 =	vld [tilespmem:$0x4C58];
	[tilespmem:$0x11C50] =	vst v31  }
0x144: {  	v41 =	vld [tilespmem:$0x6D00];
	[tilespmem:$0x11C90] =	vst v33  }
0x145: {  	v46 =	vld [tilespmem:$0x6D58];
	[tilespmem:$0x11CA0] =	vst v34  }
0x146: {  	[tilespmem:$0x11A40] =	vst v8;
	v8 =	vld [tilespmem:$0x6EA0]  }
0x147: {  	v47 =	vld [tilespmem:$0x6D80];
	[tilespmem:$0x11CD0] =	vst v36  }
0x148: {  	v49 =	vld [tilespmem:$0x6DB0];
	[tilespmem:$0x11458] =	vst v38  }
0x149: {  	v55 =	vld [tilespmem:$0x6E30];
	[tilespmem:$0x11900] =	vst v41  }
0x14a: {  	v57 =	vld [tilespmem:$0x6E58];
	[tilespmem:$0x11958] =	vst v46  }
0x14b: {  	[tilespmem:$0x11AA0] =	vst v8;
	v8 =	vld [tilespmem:$0x6F00]  }
0x14c: {  	v58 =	vld [tilespmem:$0x6E80];
	[tilespmem:$0x11980] =	vst v47  }
0x14d: {  	v63 =	vld [tilespmem:$0x6ED8];
	[tilespmem:$0x119B0] =	vst v49  }
0x14e: {  	v18 =	vld [tilespmem:$0x6F30];
	[tilespmem:$0x11A30] =	vst v55  }
0x14f: {  	v21 =	vld [tilespmem:$0x6F80];
	[tilespmem:$0x11A58] =	vst v57  }
0x150: {  	[tilespmem:$0x11B00] =	vst v8;
	v8 =	vld [tilespmem:$0x6F50]  }
0x151: {  	v26 =	vld [tilespmem:$0x6FD8];
	[tilespmem:$0x11A80] =	vst v58  }
0x152: {  	v27 =	vld [tilespmem:$0x8C00];
	[tilespmem:$0x11AD8] =	vst v63  }
0x153: {  	v29 =	vld [tilespmem:$0x8C30];
	[tilespmem:$0x11B30] =	vst v18  }
0x154: {  	v35 =	vld [tilespmem:$0x8CB0];
	[tilespmem:$0x11B80] =	vst v21  }
0x155: {  	[tilespmem:$0x11B50] =	vst v8;
	v8 =	vld [tilespmem:$0x6FB0]  }
0x156: {  	v37 =	vld [tilespmem:$0x6CA0];
	[tilespmem:$0x11BD8] =	vst v26  }
0x157: {  	v39 =	vld [tilespmem:$0x8D10];
	[tilespmem:$0x11C00] =	vst v27  }
0x158: {  	v42 =	vld [tilespmem:$0x8D50];
	[tilespmem:$0x11C30] =	vst v29  }
0x159: {  	v44 =	vld [tilespmem:$0x8D90];
	[tilespmem:$0x11CB0] =	vst v35  }
0x15a: {  	[tilespmem:$0x11BB0] =	vst v8;
	v8 =	vld [tilespmem:$0x8C10]  }
0x15b: {  	v45 =	vld [tilespmem:$0x8DA0];
	[tilespmem:$0x118A0] =	vst v37  }
0x15c: {  	v50 =	vld [tilespmem:$0x8E10];
	[tilespmem:$0x11D10] =	vst v39  }
0x15d: {  	v51 =	vld [tilespmem:$0x8E20];
	[tilespmem:$0x11D50] =	vst v42  }
0x15e: {  	v53 =	vld [tilespmem:$0x8E50];
	[tilespmem:$0x11D90] =	vst v44  }
0x15f: {  	[tilespmem:$0x11C10] =	vst v8;
	v8 =	vld [tilespmem:$0x8C58]  }
0x160: {  	v56 =	vld [tilespmem:$0x8EA0];
	[tilespmem:$0x11DA0] =	vst v45  }
0x161: {  	v38 =	vld [tilespmem:$0x6CB0];
	[tilespmem:$0x11E10] =	vst v50  }
0x162: {  	v41 =	vld [tilespmem:$0x8D40];
	[tilespmem:$0x11E20] =	vst v51  }
0x163: {  	v43 =	vld [tilespmem:$0x8D58];
	[tilespmem:$0x11E50] =	vst v53  }
0x164: {  	[tilespmem:$0x11C58] =	vst v8;
	v8 =	vld [tilespmem:$0x8CC0]  }
0x165: {  	v46 =	vld [tilespmem:$0x8DB0];
	[tilespmem:$0x11EA0] =	vst v56  }
0x166: {  	v47 =	vld [tilespmem:$0x8DC0];
	[tilespmem:$0x118B0] =	vst v38  }
0x167: {  	v52 =	vld [tilespmem:$0x2D58];
	[tilespmem:$0x11D40] =	vst v41  }
0x168: {  	v49 =	vld [tilespmem:$0x8E00];
	[tilespmem:$0x11D58] =	vst v43  }
0x169: {  	[tilespmem:$0x11CC0] =	vst v8;
	v8 =	vld [tilespmem:$0x8D20]  }
0x16a: {  	v54 =	vld [tilespmem:$0x8E58];
	[tilespmem:$0x11DB0] =	vst v46  }
0x16b: {  	v55 =	vld [tilespmem:$0x8E80];
	[tilespmem:$0x11DC0] =	vst v47  }
0x16c: {  	[tilespmem:$0x11158] =	vst v52;
	v52 =	vld [tilespmem:$0x4DB0]  }
0x16d: {  	v32 =	vld [tilespmem:$0x2FD8];
	[tilespmem:$0x11E00] =	vst v49  }
0x16e: {  	[tilespmem:$0x11D20] =	vst v8;
	v8 =	vld [tilespmem:$0x8D80]  }
0x16f: {  	v37 =	vld [tilespmem:$0x8CD8];
	[tilespmem:$0x11E58] =	vst v54  }
0x170: {  	v38 =	vld [tilespmem:$0x8D00];
	[tilespmem:$0x11E80] =	vst v55  }
0x171: {  	[tilespmem:$0x115B0] =	vst v52;
	v52 =	vld [tilespmem:$0x6E00]  }
0x172: {  	[tilespmem:$0x113D8] =	vst v32;
	v32 =	vld [tilespmem:$0x6C30]  }
0x173: {  	[tilespmem:$0x11D80] =	vst v8;
	v8 =	vld [tilespmem:$0x8DD0]  }
0x174: {  	v60 =	vld [tilespmem:$0x4E58];
	[tilespmem:$0x11CD8] =	vst v37  }
0x175: {  	v40 =	vld [tilespmem:$0x6CD8];
	[tilespmem:$0x11D00] =	vst v38  }
0x176: {  	[tilespmem:$0x11A00] =	vst v52;
	v52 =	vld [tilespmem:$0x8E40]  }
0x177: {  	[tilespmem:$0x11830] =	vst v32;
	v32 =	vld [tilespmem:$0x8C80]  }
0x178: {  	[tilespmem:$0x11DD0] =	vst v8;
	v8 =	vld [tilespmem:$0x8E30]  }
0x179: {  	[tilespmem:$0x11658] =	vst v60;
	v60 =	vld [tilespmem:$0x6EB0]  }
0x17a: {  	[tilespmem:$0x118D8] =	vst v40;
	v40 =	vld [tilespmem:$0x8D30]  }
0x17b: {  	v20 =	vld [tilespmem:$0x6F58];
	[tilespmem:$0x11E40] =	vst v52  }
0x17c: {  	v48 =	vld [tilespmem:$0x8DD8];
	[tilespmem:$0x11C80] =	vst v32  }
0x17d: {  	[tilespmem:$0x11E30] =	vst v8;
	v8 =	vld [tilespmem:$0x8E90]  }
0x17e: {  	v57 =	vld [tilespmem:$0x8EB0];
	[tilespmem:$0x11AB0] =	vst v60  }
0x17f: {  	[tilespmem:$0x11D30] =	vst v40  }
0x180: {  	[tilespmem:$0x11B58] =	vst v20  }
0x181: {  	[tilespmem:$0x11DD8] =	vst v48  }
0x182: {  	[tilespmem:$0x11E90] =	vst v8  }
0x183: {  	[tilespmem:$0x11EB0] =	vst v57  }
0x184: {  	v8 =	vld [tilespmem:$0x8EC0]  }
0x185: {  	v58 =	vld [tilespmem:$0x8ED0]  }
0x186: {  	v11 =	vld [tilespmem:$0x8F00]  }
0x187: {  	v60 =	vld [tilespmem:$0x8F10]  }
0x188: {  	v61 =	vld [tilespmem:$0x8F30]  }
0x189: {  	[tilespmem:$0x11EC0] =	vst v8;
	v8 =	vld [tilespmem:$0x8F20]  }
0x18a: {  	v62 =	vld [tilespmem:$0x8F40];
	[tilespmem:$0x11ED0] =	vst v58  }
0x18b: {  	v63 =	vld [tilespmem:$0x8F50];
	[tilespmem:$0x11F00] =	vst v11  }
0x18c: {  	v17 =	vld [tilespmem:$0x8F90];
	[tilespmem:$0x11F10] =	vst v60  }
0x18d: {  	v18 =	vld [tilespmem:$0x8FA0];
	[tilespmem:$0x11F30] =	vst v61  }
0x18e: {  	[tilespmem:$0x11F20] =	vst v8;
	v8 =	vld [tilespmem:$0x8F80]  }
0x18f: {  	v19 =	vld [tilespmem:$0x8FB0];
	[tilespmem:$0x11F40] =	vst v62  }
0x190: {  	v20 =	vld [tilespmem:$0x8FC0];
	[tilespmem:$0x11F50] =	vst v63  }
0x191: {  	v59 =	vld [tilespmem:$0x8ED8];
	[tilespmem:$0x11F90] =	vst v17  }
0x192: {  	v16 =	vld [tilespmem:$0x8F58];
	[tilespmem:$0x11FA0] =	vst v18  }
0x193: {  	[tilespmem:$0x11F80] =	vst v8;
	v8 =	vld [tilespmem:$0x8FD0]  }
0x194: {  	v21 =	vld [tilespmem:$0x8FD8];
	[tilespmem:$0x11FB0] =	vst v19  }
0x195: {  	[tilespmem:$0x11FC0] =	vst v20  }
0x196: {  	[tilespmem:$0x11ED8] =	vst v59  }
0x197: {  	[tilespmem:$0x11F58] =	vst v16  }
0x198: {  	[tilespmem:$0x11FD0] =	vst v8  }
0x199: {  	s17 =	sadd.s32 $0x380, s15;
	[tilespmem:$0x11FD8] =	vst v21  }
0x19a: {  	[hbm4b:s17+s28] =	stream.strided.scatter [tilespmem:s29], [sflag:$0x3], $0x1000, s16, s28, $0x38;
	[tilespmem:$0x13080] =	vst v63  }
0x19b: {  	_ =	swait.ge [sflag:s30], $0x8000  }
0x19c: {  	[sflag:s30] =	ssyncset.done $0x0  }
0x19d: {  	s17 =	sadd.s32 $0x1000, s15;
	[sflag:s30] =	ssyncadd.s32 $0xFFFF8000  }
0x19e: {  	[hbm4b:s17+s3] =	stream.linear.scatter [tilespmem:s31], [sflag:$0x4], $0x1C00, $0x38;
	[tilespmem:$0x13080] =	vst v63  }
0x19f: {  	s17 =	sadd.s32 $0x1400, s15  }
0x1a0: {  	[hbm4b:s17+s3] =	stream.linear.scatter [tilespmem:s4], [sflag:$0x4], $0x1C00, $0x38;
	[tilespmem:$0x13080] =	vst v63  }
0x1a1: {  	s17 =	sadd.s32 $0x1800, s15  }
0x1a2: {  	[hbm4b:s17+s3] =	stream.linear.scatter [tilespmem:s12], [sflag:$0x4], $0x1C00, $0x38;
	[tilespmem:$0x13080] =	vst v63  }
0x1a3: {  	s17 =	sadd.s32 $0x1C00, s15  }
0x1a4: {  	[hbm4b:s17+s3] =	stream.linear.scatter [tilespmem:s20], [sflag:$0x4], $0x1C00, $0x38;
	[tilespmem:$0x13080] =	vst v63  }
0x1a5: {  	v8 =	vld [tilespmem:s9+$0x0];
	_ =	sdelay $0x4  }
0x1a6: {  	v22 =	vshll.u32 v8, $0x3  }
0x1a7: {  	v8 =	vand.u32 $0x7F, v8;
	v9 =	vand.u32 $0xFFFFFC00, v22  }
0x1a8: {  	v8 =	vor.u32 v8, v9  }
0x1a9: {  	v8 =	vadd.s32 v5, v8;
	_ =	sdelay $0x3  }
0x1aa: {  	v23 =	vld.idx.msk [tilespmem:v4+s31+$0x0], $0xffff  }
0x1ab: {  	v8 =	vld.idx.msk [tilespmem:v8+s31+$0x0], $0xffff;
	_ =	sdelay $0x1  }
0x1ac: {  	v24 =	vld [tilespmem:$0x13000];
	_ =	sdelay $0x2  }
0x1ad: {  	v8 =	vsub.f32 v23, v8;
	_ =	sdelay $0x1  }
0x1ae: {  	v8 =	vadd.f32 v8, v24;
	_ =	sdelay $0x1  }
0x1af: {  	[tilespmem:$0x13000] =	vst v8  }
0x1b0: {  	v25 =	vld [tilespmem:s9+$0x10];
	_ =	sdelay $0x4  }
0x1b1: {  	v26 =	vshll.u32 v25, $0x3  }
0x1b2: {  	v9 =	vand.u32 $0x7F, v25;
	v10 =	vand.u32 $0xFFFFFC00, v26  }
0x1b3: {  	v9 =	vor.u32 v9, v10  }
0x1b4: {  	v9 =	vadd.s32 v7, v9;
	_ =	sdelay $0x2  }
0x1b5: {  	v28 =	vld [tilespmem:$0xAC00]  }
0x1b6: {  	v27 =	vld.idx.msk [tilespmem:v6+s31+$0x0], $0xffff  }
0x1b7: {  	v9 =	vld.idx.msk [tilespmem:v9+s31+$0x0], $0xffff  }
0x1b8: {  	v29 =	vld [tilespmem:$0xAC10]  }
0x1b9: {  	v30 =	vld [tilespmem:$0xAC20]  }
0x1ba: {  	v31 =	vld [tilespmem:$0xAC30];
	_ =	sdelay $0x1  }
0x1bb: {  	v32 =	vld [tilespmem:$0xAC50];
	[tilespmem:$0x12000] =	vst v28;
	v9 =	vsub.f32 v27, v9  }
0x1bc: {  	v34 =	vld [tilespmem:$0xAC80];
	[tilespmem:$0x12010] =	vst v29  }
0x1bd: {  	v35 =	vld [tilespmem:$0xAC90];
	[tilespmem:$0x12020] =	vst v30;
	v8 =	vadd.f32 v9, v8  }
0x1be: {  	v36 =	vld [tilespmem:$0xACB0];
	[tilespmem:$0x12030] =	vst v31  }
0x1bf: {  	[tilespmem:$0x13000] =	vst v8;
	v8 =	vld [tilespmem:$0xAC40]  }
0x1c0: {  	v37 =	vld [tilespmem:$0xACC0];
	[tilespmem:$0x12050] =	vst v32  }
0x1c1: {  	v38 =	vld [tilespmem:$0xACD0];
	[tilespmem:$0x12080] =	vst v34  }
0x1c2: {  	v40 =	vld [tilespmem:$0xAD10];
	[tilespmem:$0x12090] =	vst v35  }
0x1c3: {  	v41 =	vld [tilespmem:$0xAD20];
	[tilespmem:$0x120B0] =	vst v36  }
0x1c4: {  	[tilespmem:$0x12040] =	vst v8;
	v8 =	vld [tilespmem:$0xACA0]  }
0x1c5: {  	v42 =	vld [tilespmem:$0xAD30];
	[tilespmem:$0x120C0] =	vst v37  }
0x1c6: {  	v43 =	vld [tilespmem:$0xAD40];
	[tilespmem:$0x120D0] =	vst v38  }
0x1c7: {  	v45 =	vld [tilespmem:$0xAD80];
	[tilespmem:$0x12110] =	vst v40  }
0x1c8: {  	v46 =	vld [tilespmem:$0xAD90];
	[tilespmem:$0x12120] =	vst v41  }
0x1c9: {  	[tilespmem:$0x120A0] =	vst v8;
	v8 =	vld [tilespmem:$0xAD00]  }
0x1ca: {  	v47 =	vld [tilespmem:$0xADA0];
	[tilespmem:$0x12130] =	vst v42  }
0x1cb: {  	v48 =	vld [tilespmem:$0xADC0];
	[tilespmem:$0x12140] =	vst v43  }
0x1cc: {  	v49 =	vld [tilespmem:$0xADD0];
	[tilespmem:$0x12180] =	vst v45  }
0x1cd: {  	v51 =	vld [tilespmem:$0xAE00];
	[tilespmem:$0x12190] =	vst v46  }
0x1ce: {  	[tilespmem:$0x12100] =	vst v8;
	v8 =	vld [tilespmem:$0xAD50]  }
0x1cf: {  	v52 =	vld [tilespmem:$0xAE20];
	[tilespmem:$0x121A0] =	vst v47  }
0x1d0: {  	v53 =	vld [tilespmem:$0xAE30];
	[tilespmem:$0x121C0] =	vst v48  }
0x1d1: {  	v54 =	vld [tilespmem:$0xAE40];
	[tilespmem:$0x121D0] =	vst v49  }
0x1d2: {  	v55 =	vld [tilespmem:$0xAE50];
	[tilespmem:$0x12200] =	vst v51  }
0x1d3: {  	[tilespmem:$0x12150] =	vst v8;
	v8 =	vld [tilespmem:$0xADB0]  }
0x1d4: {  	v56 =	vld [tilespmem:$0xAE80];
	[tilespmem:$0x12220] =	vst v52  }
0x1d5: {  	v57 =	vld [tilespmem:$0xAE90];
	[tilespmem:$0x12230] =	vst v53  }
0x1d6: {  	v58 =	vld [tilespmem:$0xAEA0];
	[tilespmem:$0x12240] =	vst v54  }
0x1d7: {  	v59 =	vld [tilespmem:$0xAEB0];
	[tilespmem:$0x12250] =	vst v55  }
0x1d8: {  	[tilespmem:$0x121B0] =	vst v8;
	v8 =	vld [tilespmem:$0xAE10]  }
0x1d9: {  	v60 =	vld [tilespmem:$0xAED0];
	[tilespmem:$0x12280] =	vst v56  }
0x1da: {  	v62 =	vld [tilespmem:$0xAF00];
	[tilespmem:$0x12290] =	vst v57  }
0x1db: {  	v63 =	vld [tilespmem:$0xAF10];
	[tilespmem:$0x122A0] =	vst v58  }
0x1dc: {  	v16 =	vld [tilespmem:$0xAF30];
	[tilespmem:$0x122B0] =	vst v59  }
0x1dd: {  	[tilespmem:$0x12210] =	vst v8;
	v8 =	vld [tilespmem:$0xAE58]  }
0x1de: {  	v17 =	vld [tilespmem:$0xAF40];
	[tilespmem:$0x122D0] =	vst v60  }
0x1df: {  	v18 =	vld [tilespmem:$0xAF50];
	[tilespmem:$0x12300] =	vst v62  }
0x1e0: {  	v20 =	vld [tilespmem:$0xAF90];
	[tilespmem:$0x12310] =	vst v63  }
0x1e1: {  	v21 =	vld [tilespmem:$0xAFA0];
	[tilespmem:$0x12330] =	vst v16  }
0x1e2: {  	[tilespmem:$0x12258] =	vst v8;
	v8 =	vld [tilespmem:$0xAEC0]  }
0x1e3: {  	v22 =	vld [tilespmem:$0xAFB0];
	[tilespmem:$0x12340] =	vst v17  }
0x1e4: {  	v23 =	vld [tilespmem:$0xAFC0];
	[tilespmem:$0x12350] =	vst v18  }
0x1e5: {  	v25 =	vld [tilespmem:$0xCC00];
	[tilespmem:$0x12390] =	vst v20  }
0x1e6: {  	v26 =	vld [tilespmem:$0xCC10];
	[tilespmem:$0x123A0] =	vst v21  }
0x1e7: {  	[tilespmem:$0x122C0] =	vst v8;
	v8 =	vld [tilespmem:$0xAF20]  }
0x1e8: {  	v33 =	vld [tilespmem:$0xAC58];
	[tilespmem:$0x123B0] =	vst v22  }
0x1e9: {  	v39 =	vld [tilespmem:$0xACD8];
	[tilespmem:$0x123C0] =	vst v23  }
0x1ea: {  	v50 =	vld [tilespmem:$0xADD8];
	[tilespmem:$0x12400] =	vst v25  }
0x1eb: {  	v61 =	vld [tilespmem:$0xAED8];
	[tilespmem:$0x12410] =	vst v26  }
0x1ec: {  	[tilespmem:$0x12320] =	vst v8;
	v8 =	vld [tilespmem:$0xAF80]  }
0x1ed: {  	v19 =	vld [tilespmem:$0xAF58];
	[tilespmem:$0x12058] =	vst v33  }
0x1ee: {  	v28 =	vld [tilespmem:$0xCC40];
	[tilespmem:$0x120D8] =	vst v39  }
0x1ef: {  	v29 =	vld [tilespmem:$0xCC50];
	[tilespmem:$0x121D8] =	vst v50  }
0x1f0: {  	v31 =	vld [tilespmem:$0xCC80];
	[tilespmem:$0x122D8] =	vst v61  }
0x1f1: {  	[tilespmem:$0x12380] =	vst v8;
	v8 =	vld [tilespmem:$0xAFD0]  }
0x1f2: {  	v32 =	vld [tilespmem:$0xCCA0];
	[tilespmem:$0x12358] =	vst v19  }
0x1f3: {  	v34 =	vld [tilespmem:$0xCCC0];
	[tilespmem:$0x12440] =	vst v28  }
0x1f4: {  	v35 =	vld [tilespmem:$0xCCD0];
	[tilespmem:$0x12450] =	vst v29  }
0x1f5: {  	v36 =	vld [tilespmem:$0xCD00];
	[tilespmem:$0x12480] =	vst v31  }
0x1f6: {  	[tilespmem:$0x123D0] =	vst v8;
	v8 =	vld [tilespmem:$0xCC30]  }
0x1f7: {  	v37 =	vld [tilespmem:$0xCD10];
	[tilespmem:$0x124A0] =	vst v32  }
0x1f8: {  	v38 =	vld [tilespmem:$0xCD20];
	[tilespmem:$0x124C0] =	vst v34  }
0x1f9: {  	v40 =	vld [tilespmem:$0xCD50];
	[tilespmem:$0x124D0] =	vst v35  }
0x1fa: {  	v42 =	vld [tilespmem:$0xCD80];
	[tilespmem:$0x12500] =	vst v36  }
0x1fb: {  	[tilespmem:$0x12430] =	vst v8;
	v8 =	vld [tilespmem:$0xCC90]  }
0x1fc: {  	v43 =	vld [tilespmem:$0xCD90];
	[tilespmem:$0x12510] =	vst v37  }
0x1fd: {  	v45 =	vld [tilespmem:$0xCDC0];
	[tilespmem:$0x12520] =	vst v38  }
0x1fe: {  	v46 =	vld [tilespmem:$0xCDD0];
	[tilespmem:$0x12550] =	vst v40  }
0x1ff: {  	v48 =	vld [tilespmem:$0xCE10];
	[tilespmem:$0x12580] =	vst v42  }
0x200: {  	[tilespmem:$0x12490] =	vst v8;
	v8 =	vld [tilespmem:$0xCCD8]  }
0x201: {  	v49 =	vld [tilespmem:$0xCE20];
	[tilespmem:$0x12590] =	vst v43  }
0x202: {  	v51 =	vld [tilespmem:$0xCE40];
	[tilespmem:$0x125C0] =	vst v45  }
0x203: {  	v53 =	vld [tilespmem:$0xCE80];
	[tilespmem:$0x125D0] =	vst v46  }
0x204: {  	v54 =	vld [tilespmem:$0xCE90];
	[tilespmem:$0x12610] =	vst v48  }
0x205: {  	[tilespmem:$0x124D8] =	vst v8;
	v8 =	vld [tilespmem:$0xCD40]  }
0x206: {  	v55 =	vld [tilespmem:$0xCEA0];
	[tilespmem:$0x12620] =	vst v49  }
0x207: {  	v56 =	vld [tilespmem:$0xCEC0];
	[tilespmem:$0x12640] =	vst v51  }
0x208: {  	v57 =	vld [tilespmem:$0xCED0];
	[tilespmem:$0x12680] =	vst v53  }
0x209: {  	v59 =	vld [tilespmem:$0xCF00];
	[tilespmem:$0x12690] =	vst v54  }
0x20a: {  	[tilespmem:$0x12540] =	vst v8;
	v8 =	vld [tilespmem:$0xCDA0]  }
0x20b: {  	v60 =	vld [tilespmem:$0xCF20];
	[tilespmem:$0x126A0] =	vst v55  }
0x20c: {  	v62 =	vld [tilespmem:$0xCF40];
	[tilespmem:$0x126C0] =	vst v56  }
0x20d: {  	v63 =	vld [tilespmem:$0xCF50];
	[tilespmem:$0x126D0] =	vst v57  }
0x20e: {  	v16 =	vld [tilespmem:$0xCF80];
	[tilespmem:$0x12700] =	vst v59  }
0x20f: {  	[tilespmem:$0x125A0] =	vst v8;
	v8 =	vld [tilespmem:$0xCE00]  }
0x210: {  	v17 =	vld [tilespmem:$0xCF90];
	[tilespmem:$0x12720] =	vst v60  }
0x211: {  	v18 =	vld [tilespmem:$0xCFA0];
	[tilespmem:$0x12740] =	vst v62  }
0x212: {  	v20 =	vld [tilespmem:$0xCFD0];
	[tilespmem:$0x12750] =	vst v63  }
0x213: {  	v22 =	vld [tilespmem:$0xEC00];
	[tilespmem:$0x12780] =	vst v16  }
0x214: {  	[tilespmem:$0x12600] =	vst v8;
	v8 =	vld [tilespmem:$0xCE50]  }
0x215: {  	v23 =	vld [tilespmem:$0xEC10];
	[tilespmem:$0x12790] =	vst v17  }
0x216: {  	v25 =	vld [tilespmem:$0xEC40];
	[tilespmem:$0x127A0] =	vst v18  }
0x217: {  	v26 =	vld [tilespmem:$0xEC50];
	[tilespmem:$0x127D0] =	vst v20  }
0x218: {  	v30 =	vld [tilespmem:$0xCC58];
	[tilespmem:$0x12800] =	vst v22  }
0x219: {  	[tilespmem:$0x12650] =	vst v8;
	v8 =	vld [tilespmem:$0xCEB0]  }
0x21a: {  	v33 =	vld [tilespmem:$0xCCB0];
	[tilespmem:$0x12810] =	vst v23  }
0x21b: {  	v39 =	vld [tilespmem:$0xCD30];
	[tilespmem:$0x12840] =	vst v25  }
0x21c: {  	v41 =	vld [tilespmem:$0xCD58];
	[tilespmem:$0x12850] =	vst v26  }
0x21d: {  	v47 =	vld [tilespmem:$0xCDD8];
	[tilespmem:$0x12458] =	vst v30  }
0x21e: {  	[tilespmem:$0x126B0] =	vst v8;
	v8 =	vld [tilespmem:$0xCF10]  }
0x21f: {  	v50 =	vld [tilespmem:$0xCE30];
	[tilespmem:$0x124B0] =	vst v33  }
0x220: {  	v58 =	vld [tilespmem:$0xCED8];
	[tilespmem:$0x12530] =	vst v39  }
0x221: {  	v61 =	vld [tilespmem:$0xCF30];
	[tilespmem:$0x12558] =	vst v41  }
0x222: {  	v19 =	vld [tilespmem:$0xCFB0];
	[tilespmem:$0x125D8] =	vst v47  }
0x223: {  	[tilespmem:$0x12710] =	vst v8;
	v8 =	vld [tilespmem:$0xCF58]  }
0x224: {  	v21 =	vld [tilespmem:$0xCFD8];
	[tilespmem:$0x12630] =	vst v50  }
0x225: {  	v27 =	vld [tilespmem:$0xCC20];
	[tilespmem:$0x126D8] =	vst v58  }
0x226: {  	v28 =	vld [tilespmem:$0xEC90];
	[tilespmem:$0x12730] =	vst v61  }
0x227: {  	v29 =	vld [tilespmem:$0xECA0];
	[tilespmem:$0x127B0] =	vst v19  }
0x228: {  	[tilespmem:$0x12758] =	vst v8;
	v8 =	vld [tilespmem:$0xCFC0]  }
0x229: {  	v31 =	vld [tilespmem:$0xECC0];
	[tilespmem:$0x127D8] =	vst v21  }
0x22a: {  	v34 =	vld [tilespmem:$0xED10];
	[tilespmem:$0x12420] =	vst v27  }
0x22b: {  	v35 =	vld [tilespmem:$0xED20];
	[tilespmem:$0x12890] =	vst v28  }
0x22c: {  	v36 =	vld [tilespmem:$0xED40];
	[tilespmem:$0x128A0] =	vst v29  }
0x22d: {  	[tilespmem:$0x127C0] =	vst v8;
	v8 =	vld [tilespmem:$0xEC20]  }
0x22e: {  	v37 =	vld [tilespmem:$0xED50];
	[tilespmem:$0x128C0] =	vst v31  }
0x22f: {  	v40 =	vld [tilespmem:$0xEDA0];
	[tilespmem:$0x12910] =	vst v34  }
0x230: {  	v42 =	vld [tilespmem:$0xEDC0];
	[tilespmem:$0x12920] =	vst v35  }
0x231: {  	v43 =	vld [tilespmem:$0xEDD0];
	[tilespmem:$0x12940] =	vst v36  }
0x232: {  	[tilespmem:$0x12820] =	vst v8;
	v8 =	vld [tilespmem:$0xEC80]  }
0x233: {  	v45 =	vld [tilespmem:$0xEE10];
	[tilespmem:$0x12950] =	vst v37  }
0x234: {  	v46 =	vld [tilespmem:$0xEE20];
	[tilespmem:$0x129A0] =	vst v40  }
0x235: {  	v48 =	vld [tilespmem:$0xEE50];
	[tilespmem:$0x129C0] =	vst v42  }
0x236: {  	v51 =	vld [tilespmem:$0xEE90];
	[tilespmem:$0x129D0] =	vst v43  }
0x237: {  	[tilespmem:$0x12880] =	vst v8;
	v8 =	vld [tilespmem:$0xECD0]  }
0x238: {  	v53 =	vld [tilespmem:$0xEEC0];
	[tilespmem:$0x12A10] =	vst v45  }
0x239: {  	v54 =	vld [tilespmem:$0xEED0];
	[tilespmem:$0x12A20] =	vst v46  }
0x23a: {  	v56 =	vld [tilespmem:$0xEF10];
	[tilespmem:$0x12A50] =	vst v48  }
0x23b: {  	v57 =	vld [tilespmem:$0xEF20];
	[tilespmem:$0x12A90] =	vst v51  }
0x23c: {  	[tilespmem:$0x128D0] =	vst v8;
	v8 =	vld [tilespmem:$0xED30]  }
0x23d: {  	v59 =	vld [tilespmem:$0xEF40];
	[tilespmem:$0x12AC0] =	vst v53  }
0x23e: {  	v62 =	vld [tilespmem:$0xEF90];
	[tilespmem:$0x12AD0] =	vst v54  }
0x23f: {  	v63 =	vld [tilespmem:$0xEFA0];
	[tilespmem:$0x12B10] =	vst v56  }
0x240: {  	v16 =	vld [tilespmem:$0xEFC0];
	[tilespmem:$0x12B20] =	vst v57  }
0x241: {  	[tilespmem:$0x12930] =	vst v8;
	v8 =	vld [tilespmem:$0xED90]  }
0x242: {  	v17 =	vld [tilespmem:$0xEFD0];
	[tilespmem:$0x12B40] =	vst v59  }
0x243: {  	v20 =	vld [tilespmem:$0x10C20];
	[tilespmem:$0x12B90] =	vst v62  }
0x244: {  	v22 =	vld [tilespmem:$0x10C40];
	[tilespmem:$0x12BA0] =	vst v63  }
0x245: {  	v23 =	vld [tilespmem:$0x10C50];
	[tilespmem:$0x12BC0] =	vst v16  }
0x246: {  	[tilespmem:$0x12990] =	vst v8;
	v8 =	vld [tilespmem:$0xEDD8]  }
0x247: {  	v25 =	vld [tilespmem:$0x10C90];
	[tilespmem:$0x12BD0] =	vst v17  }
0x248: {  	v26 =	vld [tilespmem:$0x10CA0];
	[tilespmem:$0x12C20] =	vst v20  }
0x249: {  	v30 =	vld [tilespmem:$0xECB0];
	[tilespmem:$0x12C40] =	vst v22  }
0x24a: {  	v33 =	vld [tilespmem:$0xED00];
	[tilespmem:$0x12C50] =	vst v23  }
0x24b: {  	[tilespmem:$0x129D8] =	vst v8;
	v8 =	vld [tilespmem:$0xEE40]  }
0x24c: {  	v38 =	vld [tilespmem:$0xED58];
	[tilespmem:$0x12C90] =	vst v25  }
0x24d: {  	v39 =	vld [tilespmem:$0xED80];
	[tilespmem:$0x12CA0] =	vst v26  }
0x24e: {  	v41 =	vld [tilespmem:$0xEDB0];
	[tilespmem:$0x128B0] =	vst v30  }
0x24f: {  	v47 =	vld [tilespmem:$0xEE30];
	[tilespmem:$0x12900] =	vst v33  }
0x250: {  	[tilespmem:$0x12A40] =	vst v8;
	v8 =	vld [tilespmem:$0xEEA0]  }
0x251: {  	v49 =	vld [tilespmem:$0xEE58];
	[tilespmem:$0x12958] =	vst v38  }
0x252: {  	v50 =	vld [tilespmem:$0xEE80];
	[tilespmem:$0x12980] =	vst v39  }
0x253: {  	v55 =	vld [tilespmem:$0xEED8];
	[tilespmem:$0x129B0] =	vst v41  }
0x254: {  	v58 =	vld [tilespmem:$0xEF30];
	[tilespmem:$0x12A30] =	vst v47  }
0x255: {  	[tilespmem:$0x12AA0] =	vst v8;
	v8 =	vld [tilespmem:$0xEF00]  }
0x256: {  	v61 =	vld [tilespmem:$0xEF80];
	[tilespmem:$0x12A58] =	vst v49  }
0x257: {  	v18 =	vld [tilespmem:$0xEFD8];
	[tilespmem:$0x12A80] =	vst v50  }
0x258: {  	v19 =	vld [tilespmem:$0x10C00];
	[tilespmem:$0x12AD8] =	vst v55  }
0x259: {  	v21 =	vld [tilespmem:$0x10C30];
	[tilespmem:$0x12B30] =	vst v58  }
0x25a: {  	[tilespmem:$0x12B00] =	vst v8;
	v8 =	vld [tilespmem:$0xEF50]  }
0x25b: {  	v27 =	vld [tilespmem:$0xEC58];
	[tilespmem:$0x12B80] =	vst v61  }
0x25c: {  	v28 =	vld [tilespmem:$0x10CD0];
	[tilespmem:$0x12BD8] =	vst v18  }
0x25d: {  	v31 =	vld [tilespmem:$0x10D10];
	[tilespmem:$0x12C00] =	vst v19  }
0x25e: {  	v34 =	vld [tilespmem:$0x10D50];
	[tilespmem:$0x12C30] =	vst v21  }
0x25f: {  	[tilespmem:$0x12B50] =	vst v8;
	v8 =	vld [tilespmem:$0xEFB0]  }
0x260: {  	v36 =	vld [tilespmem:$0x10D90];
	[tilespmem:$0x12858] =	vst v27  }
0x261: {  	v37 =	vld [tilespmem:$0x10DA0];
	[tilespmem:$0x12CD0] =	vst v28  }
0x262: {  	v42 =	vld [tilespmem:$0x10E10];
	[tilespmem:$0x12D10] =	vst v31  }
0x263: {  	v43 =	vld [tilespmem:$0x10E20];
	[tilespmem:$0x12D50] =	vst v34  }
0x264: {  	[tilespmem:$0x12BB0] =	vst v8;
	v8 =	vld [tilespmem:$0x10C10]  }
0x265: {  	v45 =	vld [tilespmem:$0x10E50];
	[tilespmem:$0x12D90] =	vst v36  }
0x266: {  	v48 =	vld [tilespmem:$0x10EA0];
	[tilespmem:$0x12DA0] =	vst v37  }
0x267: {  	v51 =	vld [tilespmem:$0x10ED0];
	[tilespmem:$0x12E10] =	vst v42  }
0x268: {  	v53 =	vld [tilespmem:$0x10F10];
	[tilespmem:$0x12E20] =	vst v43  }
0x269: {  	[tilespmem:$0x12C10] =	vst v8;
	v8 =	vld [tilespmem:$0x10C58]  }
0x26a: {  	v54 =	vld [tilespmem:$0x10F20];
	[tilespmem:$0x12E50] =	vst v45  }
0x26b: {  	v56 =	vld [tilespmem:$0x10F50];
	[tilespmem:$0x12EA0] =	vst v48  }
0x26c: {  	v59 =	vld [tilespmem:$0x10F90];
	[tilespmem:$0x12ED0] =	vst v51  }
0x26d: {  	v62 =	vld [tilespmem:$0x10FD0];
	[tilespmem:$0x12F10] =	vst v53  }
0x26e: {  	[tilespmem:$0x12C58] =	vst v8;
	v8 =	vld [tilespmem:$0x10CC0]  }
0x26f: {  	v29 =	vld [tilespmem:$0x10CD8];
	[tilespmem:$0x12F20] =	vst v54  }
0x270: {  	v30 =	vld [tilespmem:$0x10D00];
	[tilespmem:$0x12F50] =	vst v56  }
0x271: {  	v33 =	vld [tilespmem:$0x10D40];
	[tilespmem:$0x12F90] =	vst v59  }
0x272: {  	v35 =	vld [tilespmem:$0x10D58];
	[tilespmem:$0x12FD0] =	vst v62  }
0x273: {  	[tilespmem:$0x12CC0] =	vst v8;
	v8 =	vld [tilespmem:$0x10D20]  }
0x274: {  	v38 =	vld [tilespmem:$0x10DB0];
	[tilespmem:$0x12CD8] =	vst v29  }
0x275: {  	v39 =	vld [tilespmem:$0x10DC0];
	[tilespmem:$0x12D00] =	vst v30  }
0x276: {  	v41 =	vld [tilespmem:$0x10E00];
	[tilespmem:$0x12D40] =	vst v33  }
0x277: {  	v46 =	vld [tilespmem:$0x10E58];
	[tilespmem:$0x12D58] =	vst v35  }
0x278: {  	[tilespmem:$0x12D20] =	vst v8;
	v8 =	vld [tilespmem:$0x10D80]  }
0x279: {  	v47 =	vld [tilespmem:$0x10E80];
	[tilespmem:$0x12DB0] =	vst v38  }
0x27a: {  	v49 =	vld [tilespmem:$0x10EB0];
	[tilespmem:$0x12DC0] =	vst v39  }
0x27b: {  	v44 =	vld [tilespmem:$0xAD58];
	[tilespmem:$0x12E00] =	vst v41  }
0x27c: {  	v50 =	vld [tilespmem:$0x10EC0];
	[tilespmem:$0x12E58] =	vst v46  }
0x27d: {  	[tilespmem:$0x12D80] =	vst v8;
	v8 =	vld [tilespmem:$0x10DD0]  }
0x27e: {  	v55 =	vld [tilespmem:$0x10F30];
	[tilespmem:$0x12E80] =	vst v47  }
0x27f: {  	v57 =	vld [tilespmem:$0x10F58];
	[tilespmem:$0x12EB0] =	vst v49  }
0x280: {  	[tilespmem:$0x12158] =	vst v44;
	v44 =	vld [tilespmem:$0xCDB0]  }
0x281: {  	v58 =	vld [tilespmem:$0x10F80];
	[tilespmem:$0x12EC0] =	vst v50  }
0x282: {  	[tilespmem:$0x12DD0] =	vst v8;
	v8 =	vld [tilespmem:$0x10E30]  }
0x283: {  	v61 =	vld [tilespmem:$0x10FC0];
	[tilespmem:$0x12F30] =	vst v55  }
0x284: {  	v63 =	vld [tilespmem:$0x10FD8];
	[tilespmem:$0x12F58] =	vst v57  }
0x285: {  	[tilespmem:$0x125B0] =	vst v44;
	v44 =	vld [tilespmem:$0xEE00]  }
0x286: {  	v24 =	vld [tilespmem:$0xAFD8];
	[tilespmem:$0x12F80] =	vst v58  }
0x287: {  	[tilespmem:$0x12E30] =	vst v8;
	v8 =	vld [tilespmem:$0x10E90]  }
0x288: {  	v52 =	vld [tilespmem:$0xCE58];
	[tilespmem:$0x12FC0] =	vst v61  }
0x289: {  	v27 =	vld [tilespmem:$0x10CB0];
	[tilespmem:$0x12FD8] =	vst v63  }
0x28a: {  	[tilespmem:$0x12A00] =	vst v44;
	v44 =	vld [tilespmem:$0x10E40]  }
0x28b: {  	[tilespmem:$0x123D8] =	vst v24;
	v24 =	vld [tilespmem:$0xEC30]  }
0x28c: {  	[tilespmem:$0x12E90] =	vst v8;
	v8 =	vld [tilespmem:$0x10ED8]  }
0x28d: {  	[tilespmem:$0x12658] =	vst v52;
	v52 =	vld [tilespmem:$0xEEB0]  }
0x28e: {  	v32 =	vld [tilespmem:$0xECD8];
	[tilespmem:$0x12CB0] =	vst v27  }
0x28f: {  	v60 =	vld [tilespmem:$0xEF58];
	[tilespmem:$0x12E40] =	vst v44  }
0x290: {  	[tilespmem:$0x12830] =	vst v24;
	v24 =	vld [tilespmem:$0x10C80]  }
0x291: {  	[tilespmem:$0x12ED8] =	vst v8;
	v8 =	vld [tilespmem:$0x10F40]  }
0x292: {  	[tilespmem:$0x12AB0] =	vst v52;
	v52 =	vld [tilespmem:$0x10F00]  }
0x293: {  	[tilespmem:$0x128D8] =	vst v32;
	v32 =	vld [tilespmem:$0x10D30]  }
0x294: {  	[tilespmem:$0x12B58] =	vst v60;
	v60 =	vld [tilespmem:$0x10FB0]  }
0x295: {  	v40 =	vld [tilespmem:$0x10DD8];
	[tilespmem:$0x12C80] =	vst v24  }
0x296: {  	[tilespmem:$0x12F40] =	vst v8;
	v8 =	vld [tilespmem:$0x10FA0]  }
0x297: {  	p0 =	seq.s32 s10, $0x3E000;
	[tilespmem:$0x12F00] =	vst v52  }
.Ltmp2:
0x298: {  	[tilespmem:$0x12D30] =	vst v32;
	(pc) =	sbr.rel @p0 .LBB2_4-.Ltmp2, $4  }
0x299: {  	[tilespmem:$0x12FB0] =	vst v60  }
0x29a: {  	[tilespmem:$0x12DD8] =	vst v40  }
0x29b: {  	s15 =	sadd.s32 $0x1380, s15;
	[tilespmem:$0x12FA0] =	vst v8  }
0x29c: {  	[hbm4b:s15+s28] =	stream.strided.scatter [tilespmem:s2], [sflag:$0x4], $0x1000, s16, s28, $0x38;
	[tilespmem:$0x13080] =	vst v63  }
0x29d: {  	_ =	swait.ge [sflag:s0], $0x7000  }
0x29e: {  	[sflag:s0] =	ssyncset.done $0x0  }
0x29f: {  	[sflag:s0] =	ssyncadd.s32 $0xFFFF9000  }
0x2a0: {  	_ =	swait.ge [sflag:s0], $0x1000  }
0x2a1: {  	[sflag:s0] =	ssyncset.done $0x0  }
0x2a2: {  	[sflag:s0] =	ssyncadd.s32 $0xFFFFF000  }
0x2a3: {  	v8 =	vld [tilespmem:s5+$0xFFFFFFD0];
	_ =	sdelay $0x4  }
0x2a4: {  	v9 =	vshll.u32 v8, $0x3  }
0x2a5: {  	v8 =	vand.u32 $0x7, v8;
	v9 =	vand.u32 $0xFFFFFFC0, v9  }
0x2a6: {  	v8 =	vor.u32 v8, v9  }
0x2a7: {  	v9 =	vperm.xlane v8, v1;
	_ =	sdelay $0x1  }
0x2a8: {  	v9 =	vadd.s32 v2, v9;
	_ =	sdelay $0x4  }
0x2a9: {  	[tilespmem:s14], [sflag:$0x1] =	stream.indirect_vreg.gather [hbm4b:s1+s3], $0x80, v9, vm0, $0xb8;
	[tilespmem:$0x13080] =	vst v63  }
0x2aa: {  	s15 =	simm.s32 $0x1800;
	v8 =	vperm.xlane v8, v3  }
0x2ab: {  	[tilespmem:s15], [sflag:$0x1] =	stream.indirect_vreg.gather [hbm4b:s6+s3], $0x80, v9, vm0, $0xb8;
	[tilespmem:$0x13080] =	vst v63  }
0x2ac: {  	v8 =	vadd.s32 v2, v8  }
0x2ad: {  	[tilespmem:s16], [sflag:$0x1] =	stream.indirect_vreg.gather [hbm4b:s7+s3], $0x80, v9, vm0, $0xb8;
	[tilespmem:$0x13080] =	vst v63  }
0x2ae: {  	s17 =	simm.s32 $0x2800  }
0x2af: {  	[tilespmem:s17], [sflag:$0x1] =	stream.indirect_vreg.gather [hbm4b:s8+s3], $0x80, v9, vm0, $0xb8;
	[tilespmem:$0x13080] =	vst v63  }
0x2b0: {  	_ = 	snop  }
0x2b1: {  	[tilespmem:s18], [sflag:$0x1] =	stream.indirect_vreg.gather [hbm4b:s1+s3], $0x80, v8, vm0, $0xb8;
	[tilespmem:$0x13080] =	vst v63  }
0x2b2: {  	s17 =	simm.s32 $0x3800  }
0x2b3: {  	[tilespmem:s17], [sflag:$0x1] =	stream.indirect_vreg.gather [hbm4b:s6+s3], $0x80, v8, vm0, $0xb8;
	[tilespmem:$0x13080] =	vst v63  }
0x2b4: {  	s17 =	simm.s32 $0x4000  }
0x2b5: {  	[tilespmem:s17], [sflag:$0x1] =	stream.indirect_vreg.gather [hbm4b:s7+s3], $0x80, v8, vm0, $0xb8;
	[tilespmem:$0x13080] =	vst v63  }
0x2b6: {  	s17 =	simm.s32 $0x4800  }
0x2b7: {  	[tilespmem:s17], [sflag:$0x1] =	stream.indirect_vreg.gather [hbm4b:s8+s3], $0x80, v8, vm0, $0xb8;
	[tilespmem:$0x13080] =	vst v63  }
0x2b8: {  	v8 =	vld [tilespmem:s5+$0xFFFFFFE0];
	_ =	sdelay $0x4  }
0x2b9: {  	v61 =	vshll.u32 v8, $0x3  }
0x2ba: {  	v8 =	vand.u32 $0x7, v8;
	v9 =	vand.u32 $0xFFFFFFC0, v61  }
0x2bb: {  	v8 =	vor.u32 v8, v9  }
0x2bc: {  	v9 =	vperm.xlane v8, v1;
	_ =	sdelay $0x1  }
0x2bd: {  	v9 =	vadd.s32 v2, v9;
	_ =	sdelay $0x4  }
0x2be: {  	[tilespmem:s22], [sflag:$0x1] =	stream.indirect_vreg.gather [hbm4b:s1+s3], $0x80, v9, vm0, $0xb8;
	[tilespmem:$0x13080] =	vst v63  }
0x2bf: {  	s17 =	simm.s32 $0x5800;
	v8 =	vperm.xlane v8, v3  }
0x2c0: {  	[tilespmem:s17], [sflag:$0x1] =	stream.indirect_vreg.gather [hbm4b:s6+s3], $0x80, v9, vm0, $0xb8;
	[tilespmem:$0x13080] =	vst v63  }
0x2c1: {  	v8 =	vadd.s32 v2, v8;
	s17 =	simm.s32 $0x6000  }
0x2c2: {  	[tilespmem:s17], [sflag:$0x1] =	stream.indirect_vreg.gather [hbm4b:s7+s3], $0x80, v9, vm0, $0xb8;
	[tilespmem:$0x13080] =	vst v63  }
0x2c3: {  	s17 =	simm.s32 $0x6800  }
0x2c4: {  	[tilespmem:s17], [sflag:$0x1] =	stream.indirect_vreg.gather [hbm4b:s8+s3], $0x80, v9, vm0, $0xb8;
	[tilespmem:$0x13080] =	vst v63  }
0x2c5: {  	_ = 	snop  }
0x2c6: {  	[tilespmem:s26], [sflag:$0x1] =	stream.indirect_vreg.gather [hbm4b:s1+s3], $0x80, v8, vm0, $0xb8;
	[tilespmem:$0x13080] =	vst v63  }
0x2c7: {  	s17 =	simm.s32 $0x7800  }
0x2c8: {  	[tilespmem:s17], [sflag:$0x1] =	stream.indirect_vreg.gather [hbm4b:s6+s3], $0x80, v8, vm0, $0xb8;
	[tilespmem:$0x13080] =	vst v63  }
0x2c9: {  	s17 =	simm.s32 $0x8000  }
0x2ca: {  	[tilespmem:s17], [sflag:$0x1] =	stream.indirect_vreg.gather [hbm4b:s7+s3], $0x80, v8, vm0, $0xb8;
	[tilespmem:$0x13080] =	vst v63  }
0x2cb: {  	s17 =	simm.s32 $0x8800  }
0x2cc: {  	[tilespmem:s17], [sflag:$0x1] =	stream.indirect_vreg.gather [hbm4b:s8+s3], $0x80, v8, vm0, $0xb8;
	[tilespmem:$0x13080] =	vst v63  }
0x2cd: {  	_ =	swait.ge [sflag:s13], $0x7000  }
0x2ce: {  	[sflag:s13] =	ssyncset.done $0x0  }
0x2cf: {  	[sflag:s13] =	ssyncadd.s32 $0xFFFF9000  }
0x2d0: {  	_ =	swait.ge [sflag:s13], $0x1000  }
0x2d1: {  	[sflag:s13] =	ssyncset.done $0x0  }
0x2d2: {  	[sflag:s13] =	ssyncadd.s32 $0xFFFFF000  }
0x2d3: {  	v8 =	vld [tilespmem:s5+$0xFFFFFFF0];
	_ =	sdelay $0x4  }
0x2d4: {  	v62 =	vshll.u32 v8, $0x3  }
0x2d5: {  	v8 =	vand.u32 $0x7, v8;
	v9 =	vand.u32 $0xFFFFFFC0, v62  }
0x2d6: {  	v8 =	vor.u32 v8, v9  }
0x2d7: {  	v9 =	vperm.xlane v8, v1;
	_ =	sdelay $0x1  }
0x2d8: {  	v9 =	vadd.s32 v2, v9;
	_ =	sdelay $0x4  }
0x2d9: {  	[tilespmem:s31], [sflag:$0x2] =	stream.indirect_vreg.gather [hbm4b:s1+s3], $0x80, v9, vm0, $0xb8;
	[tilespmem:$0x13080] =	vst v63  }
0x2da: {  	s17 =	simm.s32 $0x9800;
	v8 =	vperm.xlane v8, v3  }
0x2db: {  	[tilespmem:s17], [sflag:$0x2] =	stream.indirect_vreg.gather [hbm4b:s6+s3], $0x80, v9, vm0, $0xb8;
	[tilespmem:$0x13080] =	vst v63  }
0x2dc: {  	v8 =	vadd.s32 v2, v8;
	s17 =	simm.s32 $0xA000  }
0x2dd: {  	[tilespmem:s17], [sflag:$0x2] =	stream.indirect_vreg.gather [hbm4b:s7+s3], $0x80, v9, vm0, $0xb8;
	[tilespmem:$0x13080] =	vst v63  }
0x2de: {  	s17 =	simm.s32 $0xA800  }
0x2df: {  	[tilespmem:s17], [sflag:$0x2] =	stream.indirect_vreg.gather [hbm4b:s8+s3], $0x80, v9, vm0, $0xb8;
	[tilespmem:$0x13080] =	vst v63  }
0x2e0: {  	_ = 	snop  }
0x2e1: {  	[tilespmem:s4], [sflag:$0x2] =	stream.indirect_vreg.gather [hbm4b:s1+s3], $0x80, v8, vm0, $0xb8;
	[tilespmem:$0x13080] =	vst v63  }
0x2e2: {  	s17 =	simm.s32 $0xB800  }
0x2e3: {  	[tilespmem:s17], [sflag:$0x2] =	stream.indirect_vreg.gather [hbm4b:s6+s3], $0x80, v8, vm0, $0xb8;
	[tilespmem:$0x13080] =	vst v63  }
0x2e4: {  	s17 =	simm.s32 $0xC000  }
0x2e5: {  	[tilespmem:s17], [sflag:$0x2] =	stream.indirect_vreg.gather [hbm4b:s7+s3], $0x80, v8, vm0, $0xb8;
	[tilespmem:$0x13080] =	vst v63  }
0x2e6: {  	s17 =	simm.s32 $0xC800  }
0x2e7: {  	[tilespmem:s17], [sflag:$0x2] =	stream.indirect_vreg.gather [hbm4b:s8+s3], $0x80, v8, vm0, $0xb8;
	[tilespmem:$0x13080] =	vst v63  }
0x2e8: {  	v8 =	vld [tilespmem:s5+$0x0];
	_ =	sdelay $0x4  }
0x2e9: {  	v63 =	vshll.u32 v8, $0x3  }
0x2ea: {  	v8 =	vand.u32 $0x7, v8;
	v9 =	vand.u32 $0xFFFFFFC0, v63  }
0x2eb: {  	v8 =	vor.u32 v8, v9  }
0x2ec: {  	v9 =	vperm.xlane v8, v1;
	_ =	sdelay $0x1  }
0x2ed: {  	v9 =	vadd.s32 v2, v9;
	_ =	sdelay $0x4  }
0x2ee: {  	[tilespmem:s12], [sflag:$0x2] =	stream.indirect_vreg.gather [hbm4b:s1+s3], $0x80, v9, vm0, $0xb8;
	[tilespmem:$0x13080] =	vst v63  }
0x2ef: {  	s17 =	simm.s32 $0xD800;
	v8 =	vperm.xlane v8, v3  }
0x2f0: {  	[tilespmem:s17], [sflag:$0x2] =	stream.indirect_vreg.gather [hbm4b:s6+s3], $0x80, v9, vm0, $0xb8;
	[tilespmem:$0x13080] =	vst v63  }
0x2f1: {  	v8 =	vadd.s32 v2, v8;
	s17 =	simm.s32 $0xE000  }
0x2f2: {  	[tilespmem:s17], [sflag:$0x2] =	stream.indirect_vreg.gather [hbm4b:s7+s3], $0x80, v9, vm0, $0xb8;
	[tilespmem:$0x13080] =	vst v63  }
0x2f3: {  	_ = 	snop  }
0x2f4: {  	[tilespmem:s19], [sflag:$0x2] =	stream.indirect_vreg.gather [hbm4b:s8+s3], $0x80, v9, vm0, $0xb8;
	[tilespmem:$0x13080] =	vst v63  }
0x2f5: {  	_ = 	snop  }
0x2f6: {  	[tilespmem:s20], [sflag:$0x2] =	stream.indirect_vreg.gather [hbm4b:s1+s3], $0x80, v8, vm0, $0xb8;
	[tilespmem:$0x13080] =	vst v63  }
0x2f7: {  	_ = 	snop  }
0x2f8: {  	[tilespmem:s21], [sflag:$0x2] =	stream.indirect_vreg.gather [hbm4b:s6+s3], $0x80, v8, vm0, $0xb8;
	[tilespmem:$0x13080] =	vst v63  }
.Ltmp3:
0x2f9: {  	_ = 	snop;
	(pc) =	sbr.rel .LBB2_2-.Ltmp3, $4  }
0x2fa: {  	_ = 	snop  }
0x2fb: {  	[tilespmem:s23], [sflag:$0x2] =	stream.indirect_vreg.gather [hbm4b:s7+s3], $0x80, v8, vm0, $0xb8;
	[tilespmem:$0x13080] =	vst v63  }
0x2fc: {  	s10 =	sadd.s32 $0x2000, s10;
	s9 =	sadd.s32 $0x40, s9;
	s5 =	sadd.s32 $0x40, s5  }
0x2fd: {  	[tilespmem:s24], [sflag:$0x2] =	stream.indirect_vreg.gather [hbm4b:s8+s3], $0x80, v8, vm0, $0xb8;
	[tilespmem:$0x13080] =	vst v63  }
.LBB2_5:
0x2fe: {  	_ =	sfence.sel $0x180000  }
0x2ff: {  	[bflag:$0x0] =	sbarrier.arrive $0xFFFF  }
0x300: {  	_ =	strace $0x90000047  }
0x301: {  	s0 =	stileid.u32;
	[bflag:$0x2] =	sbarrier.arrive $0xFFFF  }
0x302: {  	p0 =	sne.s32 s0, $0x0;
	s0 =	rddreg [dreg:$0x2]  }
0x303: {  	s0 =	sadd.s32 @!p0 $0x100000, s0  }
0x304: {  	[sflag:s0] =	ssyncadd.tile.s32 @!p0 $0x1;
	_ =	shalt  }
.Lfunc_end2:
_tile_overlayer_lowered:
.L_overlay_start_2:
0x305: {  	(tag) =	ssettag $0x2  }
0x306: {  	s0 =	rddreg [dreg:$0x0];
	s2 =	stileid.u32  }
0x307: {  	s1 =	rddreg [dreg:$0x1];
	p0 =	sne.s32 s2, $0x0  }
0x308: {  	s3 =	rddreg [dreg:$0x2];
	[bflag:$0x3] =	sbarrier.arrive $0xFFFF;
	s2 =	simm.s32 @!p0 $0x1C05  }
0x309: {  	[timem:s3], [sflag:s2] =	dma.local @!p0 [hbm:s0], s1  }
0x30a: {  	s0 =	simm.s32 @!p0 $0x5  }
0x30b: {  	_ =	swait.ge @!p0 [sflag:s0], s1  }
0x30c: {  	s1 =	ssub.s32 @!p0 $0x0, s1;
	[sflag:s0] =	ssyncset.done @!p0 $0x0  }
0x30d: {  	[sflag:s0] =	ssyncadd.s32 @!p0 s1  }
0x30e: {  	[bflag:$0x3] =	sbarrier.arrive $0xFFFF  }
0x30f: {  	_ =	shalt  }

</sc_bundles>
